<compile_context>
chip_gen: v7x
topology: tpu7x:2x2x1
jax: 0.10.2.dev20260603
libtpu: 0.0.44.dev20260713+nightly
codegen_flags: <defaults>
</compile_context>

<pallas_src>
import jax
import jax.numpy as jnp
from jax import lax
from jax.experimental import pallas as pl
from jax.experimental.pallas import tpu as pltpu
from jax.experimental.pallas import tpu_sc as plsc

TF = 1600
DEC = 12800
GENES = 18000
B = 1024

BLK = 32
NBLK = B // BLK
NSC = 2
NTEC = 16
TILE = 128
RING = 2

NT1 = 14
NT2 = 26
NT3 = 72

GENES_PAD = 18048
H2_OFF = 0
H1_OFF = DEC
OS_OFF = DEC
SPM_ROWS = DEC + GENES_PAD

H_CH = DEC // NTEC
O_CH = GENES_PAD // NTEC


def _pad_edges(rows, cols, w, n_pad):
    n = rows.shape[0]
    pad = n_pad - n
    rows = jnp.concatenate([rows.astype(jnp.int32), jnp.zeros((pad,), jnp.int32)])
    cols = jnp.concatenate([cols.astype(jnp.int32), jnp.zeros((pad,), jnp.int32)])
    w = jnp.concatenate([w, jnp.zeros((pad,), w.dtype)])
    return rows, cols, w


def _sc_body(x_ref, c1_ref, r1_ref, w1_ref, b1_ref,
             c2_ref, r2_ref, w2_ref, b2_ref,
             c3_ref, r3_ref, w3_ref, b3_ref,
             out_ref,
             spm, xs, colsv1, rowsv1, colsv2, rowsv2,
             colsv3, rowsv3, gbuf, cbuf, wbuf,
             gsem, wsem, ssem, isem):
    c = lax.axis_index("c")
    t = lax.axis_index("s")

    pltpu.sync_copy(c1_ref.at[t], colsv1)
    pltpu.sync_copy(r1_ref.at[t], rowsv1)
    pltpu.sync_copy(c2_ref.at[t], colsv2)
    pltpu.sync_copy(r2_ref.at[t], rowsv2)
    pltpu.sync_copy(c3_ref.at[t], colsv3)
    pltpu.sync_copy(r3_ref.at[t], rowsv3)

    def run_layer(src, colsv, rowsv, w_hbm, nt, relu):
        def g_start(tile, s):
            pltpu.async_copy(src.at[colsv.at[tile]], gbuf.at[s], gsem.at[s])
            pltpu.async_copy(w_hbm.at[t, tile], wbuf.at[s], wsem.at[s])

        def g_wait(tile, s):
            pltpu.make_async_copy(src.at[colsv.at[tile]], gbuf.at[s],
                                  gsem.at[s]).wait()
            pltpu.make_async_copy(w_hbm.at[t, tile], wbuf.at[s],
                                  wsem.at[s]).wait()

        def s_start(tile, sc):
            pltpu.async_copy(cbuf.at[sc], spm.at[rowsv.at[tile]], ssem.at[sc],
                             add=True)

        def s_wait(tile, sc):
            pltpu.make_async_copy(cbuf.at[sc], spm.at[rowsv.at[tile]],
                                  ssem.at[sc]).wait()

        def compute(s, sc):
            gb = gbuf.at[s]
            wb = wbuf.at[s]
            cb = cbuf.at[sc]

            @plsc.parallel_loop(0, TILE, unroll=4)
            def _(e):
                wspl = wb[e, :]
                for v in range(BLK // 16):
                    x = gb[e, pl.ds(16 * v, 16)]
                    if relu:
                        x = jnp.maximum(x, x * 0.01)
                    cb[e, pl.ds(16 * v, 16)] = x * wspl

        for s in range(RING):
            g_start(s, s)

        @pl.loop(0, nt // RING)
        def _(it):
            tt = RING * it
            for s in range(RING):
                sc = s % 2
                g_wait(tt + s, s)

                @pl.when(tt + s >= 2)
                def _():
                    s_wait(tt + s - 2, sc)

                compute(s, sc)
                s_start(tt + s, sc)

                @pl.when(tt + s + RING < nt)
                def _():
                    g_start(tt + s + RING, s)

        s_wait(nt - 2, 0)
        s_wait(nt - 1, 1)

    bps = NBLK // NSC

    @pl.loop(c * bps, (c + 1) * bps)
    def _(j):
        i1 = pltpu.async_copy(b1_ref.at[pl.ds(t * H_CH, H_CH)],
                              spm.at[pl.ds(H1_OFF + t * H_CH, H_CH)],
                              isem.at[0])
        i2 = pltpu.async_copy(b2_ref.at[pl.ds(t * H_CH, H_CH)],
                              spm.at[pl.ds(H2_OFF + t * H_CH, H_CH)],
                              isem.at[1])

        pltpu.sync_copy(x_ref.at[pl.ds(j * TF + t * (TF // NTEC), TF // NTEC)],
                        xs.at[pl.ds(t * (TF // NTEC), TF // NTEC)])

        i1.wait()
        i2.wait()
        plsc.subcore_barrier()

        run_layer(xs, colsv1, rowsv1, w1_ref, NT1, relu=False)
        plsc.subcore_barrier()

        run_layer(spm, colsv2, rowsv2, w2_ref, NT2, relu=True)
        plsc.subcore_barrier()

        pltpu.sync_copy(b3_ref.at[pl.ds(t * O_CH, O_CH)],
                        spm.at[pl.ds(OS_OFF + t * O_CH, O_CH)])
        plsc.subcore_barrier()

        run_layer(spm, colsv3, rowsv3, w3_ref, NT3, relu=True)
        plsc.subcore_barrier()

        pltpu.sync_copy(spm.at[pl.ds(OS_OFF + t * O_CH, O_CH)],
                        out_ref.at[j, pl.ds(t * O_CH, O_CH)])
        plsc.subcore_barrier()


@jax.jit
def _decoder(features, rows1, cols1, w1, b1, rows2, cols2, w2, b2,
             rows3, cols3, w3, b3):
    f32 = jnp.float32

    one = (w1[0] * 0.0 + 1.0).astype(f32)

    x_b = (features * one).reshape(NBLK, BLK, TF).transpose(0, 2, 1).reshape(NBLK * TF, BLK)

    r1, c1, ww1 = _pad_edges(rows1, cols1, w1, NT1 * TILE * NTEC)
    r2, c2, ww2 = _pad_edges(rows2, cols2, w2, NT2 * TILE * NTEC)
    r3, c3, ww3 = _pad_edges(rows3, cols3, w3, NT3 * TILE * NTEC)

    c1_b = c1.reshape(NTEC, NT1, TILE)
    r1_b = (r1 + H1_OFF).reshape(NTEC, NT1, TILE)
    w1_b = jnp.broadcast_to((ww1 * one)[:, None], (NT1 * TILE * NTEC, 16)).reshape(NTEC, NT1, TILE, 16)
    c2_b = (c2 + H1_OFF).reshape(NTEC, NT2, TILE)
    r2_b = (r2 + H2_OFF).reshape(NTEC, NT2, TILE)
    w2_b = jnp.broadcast_to((ww2 * one)[:, None], (NT2 * TILE * NTEC, 16)).reshape(NTEC, NT2, TILE, 16)
    c3_b = (c3 + H2_OFF).reshape(NTEC, NT3, TILE)
    r3_b = (r3 + OS_OFF).reshape(NTEC, NT3, TILE)
    w3_b = jnp.broadcast_to((ww3 * one)[:, None], (NT3 * TILE * NTEC, 16)).reshape(NTEC, NT3, TILE, 16)

    b1_bc = jnp.broadcast_to(b1[:, None], (DEC, BLK)).astype(f32)
    b2_bc = jnp.broadcast_to(b2[:, None], (DEC, BLK)).astype(f32)
    b3_bc = jnp.broadcast_to(b3[:, None], (GENES, BLK)).astype(f32)
    b3_bc = jnp.concatenate([b3_bc, jnp.zeros((GENES_PAD - GENES, BLK), f32)])

    sc_call = pl.kernel(
        _sc_body,
        out_type=jax.ShapeDtypeStruct((NBLK, GENES_PAD, BLK), f32),
        mesh=plsc.VectorSubcoreMesh(core_axis_name="c", subcore_axis_name="s"),
        compiler_params=pltpu.CompilerParams(use_tc_tiling_on_sc=False),
        scratch_types=[
            pltpu.VMEM_SHARED((SPM_ROWS, BLK), f32),
            pltpu.VMEM_SHARED((TF, BLK), f32),
            pltpu.VMEM((NT1, TILE), jnp.int32),
            pltpu.VMEM((NT1, TILE), jnp.int32),
            pltpu.VMEM((NT2, TILE), jnp.int32),
            pltpu.VMEM((NT2, TILE), jnp.int32),
            pltpu.VMEM((NT3, TILE), jnp.int32),
            pltpu.VMEM((NT3, TILE), jnp.int32),
            pltpu.VMEM((RING, TILE, BLK), f32),
            pltpu.VMEM((2, TILE, BLK), f32),
            pltpu.VMEM((RING, TILE, 16), f32),
            pltpu.SemaphoreType.DMA((RING,)),
            pltpu.SemaphoreType.DMA((RING,)),
            pltpu.SemaphoreType.DMA((2,)),
            pltpu.SemaphoreType.DMA((2,)),
        ],
    )
    out_b = sc_call(x_b, c1_b, r1_b, w1_b, b1_bc,
                    c2_b, r2_b, w2_b, b2_bc,
                    c3_b, r3_b, w3_b, b3_bc)
    return (out_b.transpose(0, 2, 1).reshape(B, GENES_PAD)[:, :GENES]) * one


def kernel(features, rows1, cols1, w1, b1, rows2, cols2, w2, b2,
           rows3, cols3, w3, b3):
    return _decoder(features, rows1, cols1, w1, b1, rows2, cols2, w2, b2,
                    rows3, cols3, w3, b3)

# --- scband reference (transcript-rebuilt; emitter-appended) ---
"""Pipeline reference for scband-aedecoder-66340064854754 (READ-ONLY COPY).

The authoritative reference and input builder live on the scoring server;
editing this copy changes nothing except your own understanding.
"""

import jax, jax.numpy as jnp
import numpy as np

# Single-cell transcriptomics autoencoder decoder: 1600 TFs -> 12800 hidden (width_multiplier=8) -> 18000 genes
TF = 1600
DEC = 12800
GENES = 18000
B = 1024
NNZ1 = 25600   # tf -> hidden connectivity edges
NNZ2 = 51200   # hidden -> hidden connectivity edges
NNZ3 = 144000  # hidden -> gene connectivity edges (~8 per gene)


def _sparse_linear(x, rows, cols, w, b, out_dim):
    # SparseLinear: out[:, rows[k]] += x[:, cols[k]] * w[k]; then add bias
    contrib = x[:, cols] * w  # (B, nnz) gather + elementwise
    y = jnp.zeros((x.shape[0], out_dim), dtype=x.dtype).at[:, rows].add(contrib)
    return y + b


def setup_inputs(seed: int = 0):
    key = jax.random.key(seed)
    ks = jax.random.split(key, 12)
    features = jax.random.normal(ks[0], (B, TF), dtype=jnp.float32)
    rows1 = jax.random.randint(ks[1], (NNZ1,), 0, DEC)
    cols1 = jax.random.randint(ks[2], (NNZ1,), 0, TF)
    w1 = jax.random.normal(ks[3], (NNZ1,), dtype=jnp.float32) * 0.1
    b1 = jnp.zeros((DEC,), dtype=jnp.float32)
    rows2 = jax.random.randint(ks[4], (NNZ2,), 0, DEC)
    cols2 = jax.random.randint(ks[5], (NNZ2,), 0, DEC)
    w2 = jax.random.normal(ks[6], (NNZ2,), dtype=jnp.float32) * 0.1
    b2 = jnp.zeros((DEC,), dtype=jnp.float32)
    rows3 = jax.random.randint(ks[7], (NNZ3,), 0, GENES)
    cols3 = jax.random.randint(ks[8], (NNZ3,), 0, DEC)
    w3 = jax.random.normal(ks[9], (NNZ3,), dtype=jnp.float32) * 0.1
    b3 = jnp.zeros((GENES,), dtype=jnp.float32)
    return {"features": features,
            "rows1": rows1, "cols1": cols1, "w1": w1, "b1": b1,
            "rows2": rows2, "cols2": cols2, "w2": w2, "b2": b2,
            "rows3": rows3, "cols3": cols3, "w3": w3, "b3": b3}


def reference(features, rows1, cols1, w1, b1, rows2, cols2, w2, b2, rows3, cols3, w3, b3):
    h = _sparse_linear(features, rows1, cols1, w1, b1, DEC)
    h = jax.nn.leaky_relu(h, negative_slope=0.01)
    h = _sparse_linear(h, rows2, cols2, w2, b2, DEC)
    h = jax.nn.leaky_relu(h, negative_slope=0.01)
    out = _sparse_linear(h, rows3, cols3, w3, b3, GENES)
    return out

if __name__ == "__main__":
    import jax
    _d = setup_inputs()
    print(jax.jit(kernel)(*tuple(_d.values())))

</pallas_src>

<mosaic_0001>
#map = affine_map<(d0, d1) -> (0, 0)>
#map1 = affine_map<(d0, d1) -> (0, 0, 0)>
#map2 = affine_map<(d0, d1) -> (0, 0, 0, 0)>
module attributes {stable_mosaic.version = 14 : i64} {
  func.func @_sc_body(%arg0: i32, %arg1: i32, %arg2: memref<51200x32xf32, #tpu.memory_space<hbm>>, %arg3: memref<16x14x128xi32, #tpu.memory_space<hbm>>, %arg4: memref<16x14x128xi32, #tpu.memory_space<hbm>>, %arg5: memref<16x14x128x16xf32, #tpu.memory_space<hbm>>, %arg6: memref<12800x32xf32, #tpu.memory_space<hbm>>, %arg7: memref<16x26x128xi32, #tpu.memory_space<hbm>>, %arg8: memref<16x26x128xi32, #tpu.memory_space<hbm>>, %arg9: memref<16x26x128x16xf32, #tpu.memory_space<hbm>>, %arg10: memref<12800x32xf32, #tpu.memory_space<hbm>>, %arg11: memref<16x72x128xi32, #tpu.memory_space<hbm>>, %arg12: memref<16x72x128xi32, #tpu.memory_space<hbm>>, %arg13: memref<16x72x128x16xf32, #tpu.memory_space<hbm>>, %arg14: memref<18048x32xf32, #tpu.memory_space<hbm>>, %arg15: memref<32x18048x32xf32, #tpu.memory_space<hbm>>, %arg16: memref<30848x32xf32, #tpu.memory_space<vmem_shared>>, %arg17: memref<1600x32xf32, #tpu.memory_space<vmem_shared>>, %arg18: memref<14x128xi32, #tpu.memory_space<vmem>>, %arg19: memref<14x128xi32, #tpu.memory_space<vmem>>, %arg20: memref<26x128xi32, #tpu.memory_space<vmem>>, %arg21: memref<26x128xi32, #tpu.memory_space<vmem>>, %arg22: memref<72x128xi32, #tpu.memory_space<vmem>>, %arg23: memref<72x128xi32, #tpu.memory_space<vmem>>, %arg24: memref<2x128x32xf32, #tpu.memory_space<vmem>>, %arg25: memref<2x128x32xf32, #tpu.memory_space<vmem>>, %arg26: memref<2x128x16xf32, #tpu.memory_space<vmem>>, %arg27: memref<2x!tpu.dma_semaphore, #tpu.memory_space<semaphore_mem>>, %arg28: memref<2x!tpu.dma_semaphore, #tpu.memory_space<semaphore_mem>>, %arg29: memref<2x!tpu.dma_semaphore, #tpu.memory_space<semaphore_mem>>, %arg30: memref<2x!tpu.dma_semaphore, #tpu.memory_space<semaphore_mem>>) attributes {dimension_semantics = [#tpu.dimension_semantics<core_parallel>, #tpu.dimension_semantics<subcore_parallel>], iteration_bounds = array<i64: 2, 16>, scalar_prefetch = 0 : i64, scratch_operands = 15 : i64, tpu.core_type = #tpu.core_type<sc_vector_subcore>, window_params = [{transform_indices = #map}, {transform_indices = #map1}, {transform_indices = #map1}, {transform_indices = #map2}, {transform_indices = #map}, {transform_indices = #map1}, {transform_indices = #map1}, {transform_indices = #map2}, {transform_indices = #map}, {transform_indices = #map1}, {transform_indices = #map1}, {transform_indices = #map2}, {transform_indices = #map}, {transform_indices = #map1}]} {
    "tpu.region"() ({
      %run_scoped3A = tpu.sem_alloc : memref<!tpu.dma_semaphore, #tpu.memory_space<semaphore_mem>>
      %dma_start3A = arith.constant 0 : i32
      %dma_start3A_18 = arith.constant 0 : i32
      %dma_start3A_19 = tpu.memref_slice %arg3[%arg1, %dma_start3A, %dma_start3A_18] : memref<16x14x128xi32, #tpu.memory_space<hbm>> -> memref<1x14x128xi32, #tpu.memory_space<hbm>>
      %dma_start3A_20 = tpu.memref_squeeze %dma_start3A_19 : memref<1x14x128xi32, #tpu.memory_space<hbm>> -> memref<14x128xi32, #tpu.memory_space<hbm>>
      %dma_start3A_21 = arith.constant 0 : i32
      %dma_start3A_22 = arith.constant 0 : i32
      %dma_start3A_23 = tpu.memref_slice %arg3[%arg1, %dma_start3A_21, %dma_start3A_22] : memref<16x14x128xi32, #tpu.memory_space<hbm>> -> memref<1x14x128xi32, #tpu.memory_space<hbm>>
      %dma_start3A_24 = tpu.memref_squeeze %dma_start3A_23 : memref<1x14x128xi32, #tpu.memory_space<hbm>> -> memref<14x128xi32, #tpu.memory_space<hbm>>
      tpu.enqueue_dma source(%dma_start3A_24 : memref<14x128xi32, #tpu.memory_space<hbm>>) target(%arg18 : memref<14x128xi32, #tpu.memory_space<vmem>>) target_semaphore(%run_scoped3A : memref<!tpu.dma_semaphore, #tpu.memory_space<semaphore_mem>>)
      %dma_wait3A = arith.constant 0 : i32
      %dma_wait3A_25 = arith.constant 0 : i32
      %dma_wait3A_26 = tpu.memref_slice %arg3[%arg1, %dma_wait3A, %dma_wait3A_25] : memref<16x14x128xi32, #tpu.memory_space<hbm>> -> memref<1x14x128xi32, #tpu.memory_space<hbm>>
      %dma_wait3A_27 = tpu.memref_squeeze %dma_wait3A_26 : memref<1x14x128xi32, #tpu.memory_space<hbm>> -> memref<14x128xi32, #tpu.memory_space<hbm>>
      %dma_wait3A_28 = arith.constant 0 : i32
      %dma_wait3A_29 = arith.constant 0 : i32
      %dma_wait3A_30 = tpu.memref_slice %arg3[%arg1, %dma_wait3A_28, %dma_wait3A_29] : memref<16x14x128xi32, #tpu.memory_space<hbm>> -> memref<1x14x128xi32, #tpu.memory_space<hbm>>
      %dma_wait3A_31 = tpu.memref_squeeze %dma_wait3A_30 : memref<1x14x128xi32, #tpu.memory_space<hbm>> -> memref<14x128xi32, #tpu.memory_space<hbm>>
      tpu.wait_dma2 semaphore(%run_scoped3A : memref<!tpu.dma_semaphore, #tpu.memory_space<semaphore_mem>>) src(%dma_wait3A_31 : memref<14x128xi32, #tpu.memory_space<hbm>>) dst(%arg18 : memref<14x128xi32, #tpu.memory_space<vmem>>)
      tpu.yield
    }) : () -> ()
    "tpu.region"() ({
      %run_scoped3A = tpu.sem_alloc : memref<!tpu.dma_semaphore, #tpu.memory_space<semaphore_mem>>
      %dma_start3A = arith.constant 0 : i32
      %dma_start3A_18 = arith.constant 0 : i32
      %dma_start3A_19 = tpu.memref_slice %arg4[%arg1, %dma_start3A, %dma_start3A_18] : memref<16x14x128xi32, #tpu.memory_space<hbm>> -> memref<1x14x128xi32, #tpu.memory_space<hbm>>
      %dma_start3A_20 = tpu.memref_squeeze %dma_start3A_19 : memref<1x14x128xi32, #tpu.memory_space<hbm>> -> memref<14x128xi32, #tpu.memory_space<hbm>>
      %dma_start3A_21 = arith.constant 0 : i32
      %dma_start3A_22 = arith.constant 0 : i32
      %dma_start3A_23 = tpu.memref_slice %arg4[%arg1, %dma_start3A_21, %dma_start3A_22] : memref<16x14x128xi32, #tpu.memory_space<hbm>> -> memref<1x14x128xi32, #tpu.memory_space<hbm>>
      %dma_start3A_24 = tpu.memref_squeeze %dma_start3A_23 : memref<1x14x128xi32, #tpu.memory_space<hbm>> -> memref<14x128xi32, #tpu.memory_space<hbm>>
      tpu.enqueue_dma source(%dma_start3A_24 : memref<14x128xi32, #tpu.memory_space<hbm>>) target(%arg19 : memref<14x128xi32, #tpu.memory_space<vmem>>) target_semaphore(%run_scoped3A : memref<!tpu.dma_semaphore, #tpu.memory_space<semaphore_mem>>)
      %dma_wait3A = arith.constant 0 : i32
      %dma_wait3A_25 = arith.constant 0 : i32
      %dma_wait3A_26 = tpu.memref_slice %arg4[%arg1, %dma_wait3A, %dma_wait3A_25] : memref<16x14x128xi32, #tpu.memory_space<hbm>> -> memref<1x14x128xi32, #tpu.memory_space<hbm>>
      %dma_wait3A_27 = tpu.memref_squeeze %dma_wait3A_26 : memref<1x14x128xi32, #tpu.memory_space<hbm>> -> memref<14x128xi32, #tpu.memory_space<hbm>>
      %dma_wait3A_28 = arith.constant 0 : i32
      %dma_wait3A_29 = arith.constant 0 : i32
      %dma_wait3A_30 = tpu.memref_slice %arg4[%arg1, %dma_wait3A_28, %dma_wait3A_29] : memref<16x14x128xi32, #tpu.memory_space<hbm>> -> memref<1x14x128xi32, #tpu.memory_space<hbm>>
      %dma_wait3A_31 = tpu.memref_squeeze %dma_wait3A_30 : memref<1x14x128xi32, #tpu.memory_space<hbm>> -> memref<14x128xi32, #tpu.memory_space<hbm>>
      tpu.wait_dma2 semaphore(%run_scoped3A : memref<!tpu.dma_semaphore, #tpu.memory_space<semaphore_mem>>) src(%dma_wait3A_31 : memref<14x128xi32, #tpu.memory_space<hbm>>) dst(%arg19 : memref<14x128xi32, #tpu.memory_space<vmem>>)
      tpu.yield
    }) : () -> ()
    "tpu.region"() ({
      %run_scoped3A = tpu.sem_alloc : memref<!tpu.dma_semaphore, #tpu.memory_space<semaphore_mem>>
      %dma_start3A = arith.constant 0 : i32
      %dma_start3A_18 = arith.constant 0 : i32
      %dma_start3A_19 = tpu.memref_slice %arg7[%arg1, %dma_start3A, %dma_start3A_18] : memref<16x26x128xi32, #tpu.memory_space<hbm>> -> memref<1x26x128xi32, #tpu.memory_space<hbm>>
      %dma_start3A_20 = tpu.memref_squeeze %dma_start3A_19 : memref<1x26x128xi32, #tpu.memory_space<hbm>> -> memref<26x128xi32, #tpu.memory_space<hbm>>
      %dma_start3A_21 = arith.constant 0 : i32
      %dma_start3A_22 = arith.constant 0 : i32
      %dma_start3A_23 = tpu.memref_slice %arg7[%arg1, %dma_start3A_21, %dma_start3A_22] : memref<16x26x128xi32, #tpu.memory_space<hbm>> -> memref<1x26x128xi32, #tpu.memory_space<hbm>>
      %dma_start3A_24 = tpu.memref_squeeze %dma_start3A_23 : memref<1x26x128xi32, #tpu.memory_space<hbm>> -> memref<26x128xi32, #tpu.memory_space<hbm>>
      tpu.enqueue_dma source(%dma_start3A_24 : memref<26x128xi32, #tpu.memory_space<hbm>>) target(%arg20 : memref<26x128xi32, #tpu.memory_space<vmem>>) target_semaphore(%run_scoped3A : memref<!tpu.dma_semaphore, #tpu.memory_space<semaphore_mem>>)
      %dma_wait3A = arith.constant 0 : i32
      %dma_wait3A_25 = arith.constant 0 : i32
      %dma_wait3A_26 = tpu.memref_slice %arg7[%arg1, %dma_wait3A, %dma_wait3A_25] : memref<16x26x128xi32, #tpu.memory_space<hbm>> -> memref<1x26x128xi32, #tpu.memory_space<hbm>>
      %dma_wait3A_27 = tpu.memref_squeeze %dma_wait3A_26 : memref<1x26x128xi32, #tpu.memory_space<hbm>> -> memref<26x128xi32, #tpu.memory_space<hbm>>
      %dma_wait3A_28 = arith.constant 0 : i32
      %dma_wait3A_29 = arith.constant 0 : i32
      %dma_wait3A_30 = tpu.memref_slice %arg7[%arg1, %dma_wait3A_28, %dma_wait3A_29] : memref<16x26x128xi32, #tpu.memory_space<hbm>> -> memref<1x26x128xi32, #tpu.memory_space<hbm>>
      %dma_wait3A_31 = tpu.memref_squeeze %dma_wait3A_30 : memref<1x26x128xi32, #tpu.memory_space<hbm>> -> memref<26x128xi32, #tpu.memory_space<hbm>>
      tpu.wait_dma2 semaphore(%run_scoped3A : memref<!tpu.dma_semaphore, #tpu.memory_space<semaphore_mem>>) src(%dma_wait3A_31 : memref<26x128xi32, #tpu.memory_space<hbm>>) dst(%arg20 : memref<26x128xi32, #tpu.memory_space<vmem>>)
      tpu.yield
    }) : () -> ()
    "tpu.region"() ({
      %run_scoped3A = tpu.sem_alloc : memref<!tpu.dma_semaphore, #tpu.memory_space<semaphore_mem>>
      %dma_start3A = arith.constant 0 : i32
      %dma_start3A_18 = arith.constant 0 : i32
      %dma_start3A_19 = tpu.memref_slice %arg8[%arg1, %dma_start3A, %dma_start3A_18] : memref<16x26x128xi32, #tpu.memory_space<hbm>> -> memref<1x26x128xi32, #tpu.memory_space<hbm>>
      %dma_start3A_20 = tpu.memref_squeeze %dma_start3A_19 : memref<1x26x128xi32, #tpu.memory_space<hbm>> -> memref<26x128xi32, #tpu.memory_space<hbm>>
      %dma_start3A_21 = arith.constant 0 : i32
      %dma_start3A_22 = arith.constant 0 : i32
      %dma_start3A_23 = tpu.memref_slice %arg8[%arg1, %dma_start3A_21, %dma_start3A_22] : memref<16x26x128xi32, #tpu.memory_space<hbm>> -> memref<1x26x128xi32, #tpu.memory_space<hbm>>
      %dma_start3A_24 = tpu.memref_squeeze %dma_start3A_23 : memref<1x26x128xi32, #tpu.memory_space<hbm>> -> memref<26x128xi32, #tpu.memory_space<hbm>>
      tpu.enqueue_dma source(%dma_start3A_24 : memref<26x128xi32, #tpu.memory_space<hbm>>) target(%arg21 : memref<26x128xi32, #tpu.memory_space<vmem>>) target_semaphore(%run_scoped3A : memref<!tpu.dma_semaphore, #tpu.memory_space<semaphore_mem>>)
      %dma_wait3A = arith.constant 0 : i32
      %dma_wait3A_25 = arith.constant 0 : i32
      %dma_wait3A_26 = tpu.memref_slice %arg8[%arg1, %dma_wait3A, %dma_wait3A_25] : memref<16x26x128xi32, #tpu.memory_space<hbm>> -> memref<1x26x128xi32, #tpu.memory_space<hbm>>
      %dma_wait3A_27 = tpu.memref_squeeze %dma_wait3A_26 : memref<1x26x128xi32, #tpu.memory_space<hbm>> -> memref<26x128xi32, #tpu.memory_space<hbm>>
      %dma_wait3A_28 = arith.constant 0 : i32
      %dma_wait3A_29 = arith.constant 0 : i32
      %dma_wait3A_30 = tpu.memref_slice %arg8[%arg1, %dma_wait3A_28, %dma_wait3A_29] : memref<16x26x128xi32, #tpu.memory_space<hbm>> -> memref<1x26x128xi32, #tpu.memory_space<hbm>>
      %dma_wait3A_31 = tpu.memref_squeeze %dma_wait3A_30 : memref<1x26x128xi32, #tpu.memory_space<hbm>> -> memref<26x128xi32, #tpu.memory_space<hbm>>
      tpu.wait_dma2 semaphore(%run_scoped3A : memref<!tpu.dma_semaphore, #tpu.memory_space<semaphore_mem>>) src(%dma_wait3A_31 : memref<26x128xi32, #tpu.memory_space<hbm>>) dst(%arg21 : memref<26x128xi32, #tpu.memory_space<vmem>>)
      tpu.yield
    }) : () -> ()
    "tpu.region"() ({
      %run_scoped3A = tpu.sem_alloc : memref<!tpu.dma_semaphore, #tpu.memory_space<semaphore_mem>>
      %dma_start3A = arith.constant 0 : i32
      %dma_start3A_18 = arith.constant 0 : i32
      %dma_start3A_19 = tpu.memref_slice %arg11[%arg1, %dma_start3A, %dma_start3A_18] : memref<16x72x128xi32, #tpu.memory_space<hbm>> -> memref<1x72x128xi32, #tpu.memory_space<hbm>>
      %dma_start3A_20 = tpu.memref_squeeze %dma_start3A_19 : memref<1x72x128xi32, #tpu.memory_space<hbm>> -> memref<72x128xi32, #tpu.memory_space<hbm>>
      %dma_start3A_21 = arith.constant 0 : i32
      %dma_start3A_22 = arith.constant 0 : i32
      %dma_start3A_23 = tpu.memref_slice %arg11[%arg1, %dma_start3A_21, %dma_start3A_22] : memref<16x72x128xi32, #tpu.memory_space<hbm>> -> memref<1x72x128xi32, #tpu.memory_space<hbm>>
      %dma_start3A_24 = tpu.memref_squeeze %dma_start3A_23 : memref<1x72x128xi32, #tpu.memory_space<hbm>> -> memref<72x128xi32, #tpu.memory_space<hbm>>
      tpu.enqueue_dma source(%dma_start3A_24 : memref<72x128xi32, #tpu.memory_space<hbm>>) target(%arg22 : memref<72x128xi32, #tpu.memory_space<vmem>>) target_semaphore(%run_scoped3A : memref<!tpu.dma_semaphore, #tpu.memory_space<semaphore_mem>>)
      %dma_wait3A = arith.constant 0 : i32
      %dma_wait3A_25 = arith.constant 0 : i32
      %dma_wait3A_26 = tpu.memref_slice %arg11[%arg1, %dma_wait3A, %dma_wait3A_25] : memref<16x72x128xi32, #tpu.memory_space<hbm>> -> memref<1x72x128xi32, #tpu.memory_space<hbm>>
      %dma_wait3A_27 = tpu.memref_squeeze %dma_wait3A_26 : memref<1x72x128xi32, #tpu.memory_space<hbm>> -> memref<72x128xi32, #tpu.memory_space<hbm>>
      %dma_wait3A_28 = arith.constant 0 : i32
      %dma_wait3A_29 = arith.constant 0 : i32
      %dma_wait3A_30 = tpu.memref_slice %arg11[%arg1, %dma_wait3A_28, %dma_wait3A_29] : memref<16x72x128xi32, #tpu.memory_space<hbm>> -> memref<1x72x128xi32, #tpu.memory_space<hbm>>
      %dma_wait3A_31 = tpu.memref_squeeze %dma_wait3A_30 : memref<1x72x128xi32, #tpu.memory_space<hbm>> -> memref<72x128xi32, #tpu.memory_space<hbm>>
      tpu.wait_dma2 semaphore(%run_scoped3A : memref<!tpu.dma_semaphore, #tpu.memory_space<semaphore_mem>>) src(%dma_wait3A_31 : memref<72x128xi32, #tpu.memory_space<hbm>>) dst(%arg22 : memref<72x128xi32, #tpu.memory_space<vmem>>)
      tpu.yield
    }) : () -> ()
    "tpu.region"() ({
      %run_scoped3A = tpu.sem_alloc : memref<!tpu.dma_semaphore, #tpu.memory_space<semaphore_mem>>
      %dma_start3A = arith.constant 0 : i32
      %dma_start3A_18 = arith.constant 0 : i32
      %dma_start3A_19 = tpu.memref_slice %arg12[%arg1, %dma_start3A, %dma_start3A_18] : memref<16x72x128xi32, #tpu.memory_space<hbm>> -> memref<1x72x128xi32, #tpu.memory_space<hbm>>
      %dma_start3A_20 = tpu.memref_squeeze %dma_start3A_19 : memref<1x72x128xi32, #tpu.memory_space<hbm>> -> memref<72x128xi32, #tpu.memory_space<hbm>>
      %dma_start3A_21 = arith.constant 0 : i32
      %dma_start3A_22 = arith.constant 0 : i32
      %dma_start3A_23 = tpu.memref_slice %arg12[%arg1, %dma_start3A_21, %dma_start3A_22] : memref<16x72x128xi32, #tpu.memory_space<hbm>> -> memref<1x72x128xi32, #tpu.memory_space<hbm>>
      %dma_start3A_24 = tpu.memref_squeeze %dma_start3A_23 : memref<1x72x128xi32, #tpu.memory_space<hbm>> -> memref<72x128xi32, #tpu.memory_space<hbm>>
      tpu.enqueue_dma source(%dma_start3A_24 : memref<72x128xi32, #tpu.memory_space<hbm>>) target(%arg23 : memref<72x128xi32, #tpu.memory_space<vmem>>) target_semaphore(%run_scoped3A : memref<!tpu.dma_semaphore, #tpu.memory_space<semaphore_mem>>)
      %dma_wait3A = arith.constant 0 : i32
      %dma_wait3A_25 = arith.constant 0 : i32
      %dma_wait3A_26 = tpu.memref_slice %arg12[%arg1, %dma_wait3A, %dma_wait3A_25] : memref<16x72x128xi32, #tpu.memory_space<hbm>> -> memref<1x72x128xi32, #tpu.memory_space<hbm>>
      %dma_wait3A_27 = tpu.memref_squeeze %dma_wait3A_26 : memref<1x72x128xi32, #tpu.memory_space<hbm>> -> memref<72x128xi32, #tpu.memory_space<hbm>>
      %dma_wait3A_28 = arith.constant 0 : i32
      %dma_wait3A_29 = arith.constant 0 : i32
      %dma_wait3A_30 = tpu.memref_slice %arg12[%arg1, %dma_wait3A_28, %dma_wait3A_29] : memref<16x72x128xi32, #tpu.memory_space<hbm>> -> memref<1x72x128xi32, #tpu.memory_space<hbm>>
      %dma_wait3A_31 = tpu.memref_squeeze %dma_wait3A_30 : memref<1x72x128xi32, #tpu.memory_space<hbm>> -> memref<72x128xi32, #tpu.memory_space<hbm>>
      tpu.wait_dma2 semaphore(%run_scoped3A : memref<!tpu.dma_semaphore, #tpu.memory_space<semaphore_mem>>) src(%dma_wait3A_31 : memref<72x128xi32, #tpu.memory_space<hbm>>) dst(%arg23 : memref<72x128xi32, #tpu.memory_space<vmem>>)
      tpu.yield
    }) : () -> ()
    %mul3A = arith.constant 16 : i32
    %mul3A_0 = arith.muli %arg0, %mul3A : i32
    %add3A = arith.constant 1 : i32
    %add3A_1 = arith.addi %arg0, %add3A : i32
    %mul3A_2 = arith.constant 16 : i32
    %mul3A_3 = arith.muli %add3A_1, %mul3A_2 : i32
    %sub3A = arith.subi %mul3A_3, %mul3A_0 : i32
    %sub3A_4 = arith.constant 1 : i32
    %sub3A_5 = arith.constant 1 : i32
    %sub3A_6 = arith.subi %sub3A_4, %sub3A_5 : i32
    %add3A_7 = arith.addi %sub3A, %sub3A_6 : i32
    %div3A = arith.constant 1 : i32
    %div3A_8 = arith.divsi %add3A_7, %div3A : i32
    %while3A = arith.constant 1 : i32
    %while3A_9 = arith.constant 0 : i32
    %while3A_10 = arith.subi %div3A_8, %while3A_9 : i32
    %while3A_11 = arith.addi %while3A_9, %while3A_10 : i32
    %while3A_12 = arith.constant 1 : i32
    %while3A_13 = arith.divsi %while3A_10, %while3A_12 : i32
    %while3A_14 = arith.muli %while3A_13, %while3A_12 : i32
    %while3A_15 = arith.addi %while3A_9, %while3A_14 : i32
    %while3A_16 = arith.constant 1 : i32
    scf.for %while3A_18 = %while3A_9 to %while3A_15 step %while3A_16  : i32 {
      %mul3A_19 = arith.muli %while3A_18, %while3A : i32
      %add3A_20 = arith.addi %mul3A_0, %mul3A_19 : i32
      %mul3A_21 = arith.constant 800 : i32
      %mul3A_22 = arith.muli %arg1, %mul3A_21 : i32
      %mul3A_23 = arith.constant 800 : i32
      %mul3A_24 = arith.muli %arg1, %mul3A_23 : i32
      %add3A_25 = arith.constant 12800 : i32
      %add3A_26 = arith.addi %add3A_25, %mul3A_24 : i32
      %dma_start3A = arith.constant 0 : i32
      %dma_start3A_27 = tpu.memref_slice %arg30[%dma_start3A] : memref<2x!tpu.dma_semaphore, #tpu.memory_space<semaphore_mem>> -> memref<1x!tpu.dma_semaphore, #tpu.memory_space<semaphore_mem>>
      %dma_start3A_28 = tpu.memref_squeeze %dma_start3A_27 : memref<1x!tpu.dma_semaphore, #tpu.memory_space<semaphore_mem>> -> memref<!tpu.dma_semaphore, #tpu.memory_space<semaphore_mem>>
      %dma_start3A_29 = arith.constant 0 : i32
      %dma_start3A_30 = tpu.memref_slice %arg16[%add3A_26, %dma_start3A_29] : memref<30848x32xf32, #tpu.memory_space<vmem_shared>> -> memref<800x32xf32, #tpu.memory_space<vmem_shared>>
      %dma_start3A_31 = arith.constant 0 : i32
      %dma_start3A_32 = tpu.memref_slice %arg6[%mul3A_22, %dma_start3A_31] : memref<12800x32xf32, #tpu.memory_space<hbm>> -> memref<800x32xf32, #tpu.memory_space<hbm>>
      tpu.enqueue_dma source(%dma_start3A_32 : memref<800x32xf32, #tpu.memory_space<hbm>>) target(%dma_start3A_30 : memref<800x32xf32, #tpu.memory_space<vmem_shared>>) target_semaphore(%dma_start3A_28 : memref<!tpu.dma_semaphore, #tpu.memory_space<semaphore_mem>>)
      %mul3A_33 = arith.constant 800 : i32
      %mul3A_34 = arith.muli %arg1, %mul3A_33 : i32
      %mul3A_35 = arith.constant 800 : i32
      %mul3A_36 = arith.muli %arg1, %mul3A_35 : i32
      %add3A_37 = arith.constant 0 : i32
      %add3A_38 = arith.addi %add3A_37, %mul3A_36 : i32
      %dma_start3A_39 = arith.constant 1 : i32
      %dma_start3A_40 = tpu.memref_slice %arg30[%dma_start3A_39] : memref<2x!tpu.dma_semaphore, #tpu.memory_space<semaphore_mem>> -> memref<1x!tpu.dma_semaphore, #tpu.memory_space<semaphore_mem>>
      %dma_start3A_41 = tpu.memref_squeeze %dma_start3A_40 : memref<1x!tpu.dma_semaphore, #tpu.memory_space<semaphore_mem>> -> memref<!tpu.dma_semaphore, #tpu.memory_space<semaphore_mem>>
      %dma_start3A_42 = arith.constant 0 : i32
      %dma_start3A_43 = tpu.memref_slice %arg16[%add3A_38, %dma_start3A_42] : memref<30848x32xf32, #tpu.memory_space<vmem_shared>> -> memref<800x32xf32, #tpu.memory_space<vmem_shared>>
      %dma_start3A_44 = arith.constant 0 : i32
      %dma_start3A_45 = tpu.memref_slice %arg10[%mul3A_34, %dma_start3A_44] : memref<12800x32xf32, #tpu.memory_space<hbm>> -> memref<800x32xf32, #tpu.memory_space<hbm>>
      tpu.enqueue_dma source(%dma_start3A_45 : memref<800x32xf32, #tpu.memory_space<hbm>>) target(%dma_start3A_43 : memref<800x32xf32, #tpu.memory_space<vmem_shared>>) target_semaphore(%dma_start3A_41 : memref<!tpu.dma_semaphore, #tpu.memory_space<semaphore_mem>>)
      %mul3A_46 = arith.constant 1600 : i32
      %mul3A_47 = arith.muli %add3A_20, %mul3A_46 : i32
      %mul3A_48 = arith.constant 100 : i32
      %mul3A_49 = arith.muli %arg1, %mul3A_48 : i32
      %add3A_50 = arith.addi %mul3A_47, %mul3A_49 : i32
      %mul3A_51 = arith.constant 100 : i32
      %mul3A_52 = arith.muli %arg1, %mul3A_51 : i32
      "tpu.region"() ({
        %run_scoped3A = tpu.sem_alloc : memref<!tpu.dma_semaphore, #tpu.memory_space<semaphore_mem>>
        %dma_start3A_403 = arith.constant 0 : i32
        %dma_start3A_404 = tpu.memref_slice %arg17[%mul3A_52, %dma_start3A_403] : memref<1600x32xf32, #tpu.memory_space<vmem_shared>> -> memref<100x32xf32, #tpu.memory_space<vmem_shared>>
        %dma_start3A_405 = arith.constant 0 : i32
        %dma_start3A_406 = tpu.memref_slice %arg2[%add3A_50, %dma_start3A_405] : memref<51200x32xf32, #tpu.memory_space<hbm>> -> memref<100x32xf32, #tpu.memory_space<hbm>>
        tpu.enqueue_dma source(%dma_start3A_406 : memref<100x32xf32, #tpu.memory_space<hbm>>) target(%dma_start3A_404 : memref<100x32xf32, #tpu.memory_space<vmem_shared>>) target_semaphore(%run_scoped3A : memref<!tpu.dma_semaphore, #tpu.memory_space<semaphore_mem>>)
        %dma_wait3A_407 = arith.constant 0 : i32
        %dma_wait3A_408 = tpu.memref_slice %arg17[%mul3A_52, %dma_wait3A_407] : memref<1600x32xf32, #tpu.memory_space<vmem_shared>> -> memref<100x32xf32, #tpu.memory_space<vmem_shared>>
        %dma_wait3A_409 = arith.constant 0 : i32
        %dma_wait3A_410 = tpu.memref_slice %arg2[%add3A_50, %dma_wait3A_409] : memref<51200x32xf32, #tpu.memory_space<hbm>> -> memref<100x32xf32, #tpu.memory_space<hbm>>
        tpu.wait_dma2 semaphore(%run_scoped3A : memref<!tpu.dma_semaphore, #tpu.memory_space<semaphore_mem>>) src(%dma_wait3A_410 : memref<100x32xf32, #tpu.memory_space<hbm>>) dst(%dma_wait3A_408 : memref<100x32xf32, #tpu.memory_space<vmem_shared>>)
        tpu.yield
      }) : () -> ()
      %dma_wait3A = arith.constant 0 : i32
      %dma_wait3A_53 = tpu.memref_slice %arg30[%dma_wait3A] : memref<2x!tpu.dma_semaphore, #tpu.memory_space<semaphore_mem>> -> memref<1x!tpu.dma_semaphore, #tpu.memory_space<semaphore_mem>>
      %dma_wait3A_54 = tpu.memref_squeeze %dma_wait3A_53 : memref<1x!tpu.dma_semaphore, #tpu.memory_space<semaphore_mem>> -> memref<!tpu.dma_semaphore, #tpu.memory_space<semaphore_mem>>
      %dma_wait3A_55 = arith.constant 0 : i32
      %dma_wait3A_56 = tpu.memref_slice %arg16[%add3A_26, %dma_wait3A_55] : memref<30848x32xf32, #tpu.memory_space<vmem_shared>> -> memref<800x32xf32, #tpu.memory_space<vmem_shared>>
      %dma_wait3A_57 = arith.constant 0 : i32
      %dma_wait3A_58 = tpu.memref_slice %arg6[%mul3A_22, %dma_wait3A_57] : memref<12800x32xf32, #tpu.memory_space<hbm>> -> memref<800x32xf32, #tpu.memory_space<hbm>>
      tpu.wait_dma2 semaphore(%dma_wait3A_54 : memref<!tpu.dma_semaphore, #tpu.memory_space<semaphore_mem>>) src(%dma_wait3A_58 : memref<800x32xf32, #tpu.memory_space<hbm>>) dst(%dma_wait3A_56 : memref<800x32xf32, #tpu.memory_space<vmem_shared>>)
      %dma_wait3A_59 = arith.constant 1 : i32
      %dma_wait3A_60 = tpu.memref_slice %arg30[%dma_wait3A_59] : memref<2x!tpu.dma_semaphore, #tpu.memory_space<semaphore_mem>> -> memref<1x!tpu.dma_semaphore, #tpu.memory_space<semaphore_mem>>
      %dma_wait3A_61 = tpu.memref_squeeze %dma_wait3A_60 : memref<1x!tpu.dma_semaphore, #tpu.memory_space<semaphore_mem>> -> memref<!tpu.dma_semaphore, #tpu.memory_space<semaphore_mem>>
      %dma_wait3A_62 = arith.constant 0 : i32
      %dma_wait3A_63 = tpu.memref_slice %arg16[%add3A_38, %dma_wait3A_62] : memref<30848x32xf32, #tpu.memory_space<vmem_shared>> -> memref<800x32xf32, #tpu.memory_space<vmem_shared>>
      %dma_wait3A_64 = arith.constant 0 : i32
      %dma_wait3A_65 = tpu.memref_slice %arg10[%mul3A_34, %dma_wait3A_64] : memref<12800x32xf32, #tpu.memory_space<hbm>> -> memref<800x32xf32, #tpu.memory_space<hbm>>
      tpu.wait_dma2 semaphore(%dma_wait3A_61 : memref<!tpu.dma_semaphore, #tpu.memory_space<semaphore_mem>>) src(%dma_wait3A_65 : memref<800x32xf32, #tpu.memory_space<hbm>>) dst(%dma_wait3A_63 : memref<800x32xf32, #tpu.memory_space<vmem_shared>>)
      %barrier3A = arith.constant 0 : index
      tpu.barrier barrier_id(%barrier3A)
      %dma_start3A_66 = arith.constant 0 : i32
      %dma_start3A_67 = arith.constant 0 : i32
      %dma_start3A_68 = arith.constant 0 : i32
      %dma_start3A_69 = arith.constant 0 : i32
      %dma_start3A_70 = arith.constant 0 : i32
      %dma_start3A_71 = tpu.memref_slice %arg24[%dma_start3A_67, %dma_start3A_69, %dma_start3A_70] : memref<2x128x32xf32, #tpu.memory_space<vmem>> -> memref<1x128x32xf32, #tpu.memory_space<vmem>>
      %dma_start3A_72 = tpu.memref_squeeze %dma_start3A_71 : memref<1x128x32xf32, #tpu.memory_space<vmem>> -> memref<128x32xf32, #tpu.memory_space<vmem>>
      %dma_start3A_73 = arith.constant 0 : i32
      %dma_start3A_74 = tpu.memref_slice %arg18[%dma_start3A_66, %dma_start3A_73] : memref<14x128xi32, #tpu.memory_space<vmem>> -> memref<1x128xi32, #tpu.memory_space<vmem>>
      %dma_start3A_75 = tpu.memref_squeeze %dma_start3A_74 : memref<1x128xi32, #tpu.memory_space<vmem>> -> memref<128xi32, #tpu.memory_space<vmem>>
      %dma_start3A_76 = arith.constant 0 : i32
      %dma_start3A_77 = arith.constant 0 : i32
      %dma_start3A_78 = tpu.memref_slice %arg17[%dma_start3A_76, %dma_start3A_77] : memref<1600x32xf32, #tpu.memory_space<vmem_shared>> -> memref<1600x32xf32, #tpu.memory_space<vmem_shared>>
      %dma_start3A_79 = tpu.memref_slice %arg27[%dma_start3A_68] : memref<2x!tpu.dma_semaphore, #tpu.memory_space<semaphore_mem>> -> memref<1x!tpu.dma_semaphore, #tpu.memory_space<semaphore_mem>>
      %dma_start3A_80 = tpu.memref_squeeze %dma_start3A_79 : memref<1x!tpu.dma_semaphore, #tpu.memory_space<semaphore_mem>> -> memref<!tpu.dma_semaphore, #tpu.memory_space<semaphore_mem>>
      tpu.enqueue_indirect_dma source(%dma_start3A_78 : memref<1600x32xf32, #tpu.memory_space<vmem_shared>>) target(%dma_start3A_72 : memref<128x32xf32, #tpu.memory_space<vmem>>) offsets(%dma_start3A_75 : memref<128xi32, #tpu.memory_space<vmem>>) semaphore(%dma_start3A_80 : memref<!tpu.dma_semaphore, #tpu.memory_space<semaphore_mem>>)
      %dma_start3A_81 = arith.constant 0 : i32
      %dma_start3A_82 = arith.constant 0 : i32
      %dma_start3A_83 = arith.constant 0 : i32
      %dma_start3A_84 = arith.constant 0 : i32
      %dma_start3A_85 = arith.constant 0 : i32
      %dma_start3A_86 = tpu.memref_slice %arg26[%dma_start3A_82, %dma_start3A_84, %dma_start3A_85] : memref<2x128x16xf32, #tpu.memory_space<vmem>> -> memref<1x128x16xf32, #tpu.memory_space<vmem>>
      %dma_start3A_87 = tpu.memref_squeeze %dma_start3A_86 : memref<1x128x16xf32, #tpu.memory_space<vmem>> -> memref<128x16xf32, #tpu.memory_space<vmem>>
      %dma_start3A_88 = arith.constant 0 : i32
      %dma_start3A_89 = arith.constant 0 : i32
      %dma_start3A_90 = tpu.memref_slice %arg5[%arg1, %dma_start3A_81, %dma_start3A_88, %dma_start3A_89] : memref<16x14x128x16xf32, #tpu.memory_space<hbm>> -> memref<1x1x128x16xf32, #tpu.memory_space<hbm>>
      %dma_start3A_91 = tpu.memref_squeeze %dma_start3A_90 : memref<1x1x128x16xf32, #tpu.memory_space<hbm>> -> memref<128x16xf32, #tpu.memory_space<hbm>>
      %dma_start3A_92 = tpu.memref_slice %arg28[%dma_start3A_83] : memref<2x!tpu.dma_semaphore, #tpu.memory_space<semaphore_mem>> -> memref<1x!tpu.dma_semaphore, #tpu.memory_space<semaphore_mem>>
      %dma_start3A_93 = tpu.memref_squeeze %dma_start3A_92 : memref<1x!tpu.dma_semaphore, #tpu.memory_space<semaphore_mem>> -> memref<!tpu.dma_semaphore, #tpu.memory_space<semaphore_mem>>
      %dma_start3A_94 = arith.constant 0 : i32
      %dma_start3A_95 = arith.constant 0 : i32
      %dma_start3A_96 = tpu.memref_slice %arg26[%dma_start3A_82, %dma_start3A_94, %dma_start3A_95] : memref<2x128x16xf32, #tpu.memory_space<vmem>> -> memref<1x128x16xf32, #tpu.memory_space<vmem>>
      %dma_start3A_97 = tpu.memref_squeeze %dma_start3A_96 : memref<1x128x16xf32, #tpu.memory_space<vmem>> -> memref<128x16xf32, #tpu.memory_space<vmem>>
      %dma_start3A_98 = arith.constant 0 : i32
      %dma_start3A_99 = arith.constant 0 : i32
      %dma_start3A_100 = tpu.memref_slice %arg5[%arg1, %dma_start3A_81, %dma_start3A_98, %dma_start3A_99] : memref<16x14x128x16xf32, #tpu.memory_space<hbm>> -> memref<1x1x128x16xf32, #tpu.memory_space<hbm>>
      %dma_start3A_101 = tpu.memref_squeeze %dma_start3A_100 : memref<1x1x128x16xf32, #tpu.memory_space<hbm>> -> memref<128x16xf32, #tpu.memory_space<hbm>>
      tpu.enqueue_dma source(%dma_start3A_101 : memref<128x16xf32, #tpu.memory_space<hbm>>) target(%dma_start3A_97 : memref<128x16xf32, #tpu.memory_space<vmem>>) target_semaphore(%dma_start3A_93 : memref<!tpu.dma_semaphore, #tpu.memory_space<semaphore_mem>>)
      %dma_start3A_102 = arith.constant 1 : i32
      %dma_start3A_103 = arith.constant 1 : i32
      %dma_start3A_104 = arith.constant 1 : i32
      %dma_start3A_105 = arith.constant 0 : i32
      %dma_start3A_106 = arith.constant 0 : i32
      %dma_start3A_107 = tpu.memref_slice %arg24[%dma_start3A_103, %dma_start3A_105, %dma_start3A_106] : memref<2x128x32xf32, #tpu.memory_space<vmem>> -> memref<1x128x32xf32, #tpu.memory_space<vmem>>
      %dma_start3A_108 = tpu.memref_squeeze %dma_start3A_107 : memref<1x128x32xf32, #tpu.memory_space<vmem>> -> memref<128x32xf32, #tpu.memory_space<vmem>>
      %dma_start3A_109 = arith.constant 0 : i32
      %dma_start3A_110 = tpu.memref_slice %arg18[%dma_start3A_102, %dma_start3A_109] : memref<14x128xi32, #tpu.memory_space<vmem>> -> memref<1x128xi32, #tpu.memory_space<vmem>>
      %dma_start3A_111 = tpu.memref_squeeze %dma_start3A_110 : memref<1x128xi32, #tpu.memory_space<vmem>> -> memref<128xi32, #tpu.memory_space<vmem>>
      %dma_start3A_112 = arith.constant 0 : i32
      %dma_start3A_113 = arith.constant 0 : i32
      %dma_start3A_114 = tpu.memref_slice %arg17[%dma_start3A_112, %dma_start3A_113] : memref<1600x32xf32, #tpu.memory_space<vmem_shared>> -> memref<1600x32xf32, #tpu.memory_space<vmem_shared>>
      %dma_start3A_115 = tpu.memref_slice %arg27[%dma_start3A_104] : memref<2x!tpu.dma_semaphore, #tpu.memory_space<semaphore_mem>> -> memref<1x!tpu.dma_semaphore, #tpu.memory_space<semaphore_mem>>
      %dma_start3A_116 = tpu.memref_squeeze %dma_start3A_115 : memref<1x!tpu.dma_semaphore, #tpu.memory_space<semaphore_mem>> -> memref<!tpu.dma_semaphore, #tpu.memory_space<semaphore_mem>>
      tpu.enqueue_indirect_dma source(%dma_start3A_114 : memref<1600x32xf32, #tpu.memory_space<vmem_shared>>) target(%dma_start3A_108 : memref<128x32xf32, #tpu.memory_space<vmem>>) offsets(%dma_start3A_111 : memref<128xi32, #tpu.memory_space<vmem>>) semaphore(%dma_start3A_116 : memref<!tpu.dma_semaphore, #tpu.memory_space<semaphore_mem>>)
      %dma_start3A_117 = arith.constant 1 : i32
      %dma_start3A_118 = arith.constant 1 : i32
      %dma_start3A_119 = arith.constant 1 : i32
      %dma_start3A_120 = arith.constant 0 : i32
      %dma_start3A_121 = arith.constant 0 : i32
      %dma_start3A_122 = tpu.memref_slice %arg26[%dma_start3A_118, %dma_start3A_120, %dma_start3A_121] : memref<2x128x16xf32, #tpu.memory_space<vmem>> -> memref<1x128x16xf32, #tpu.memory_space<vmem>>
      %dma_start3A_123 = tpu.memref_squeeze %dma_start3A_122 : memref<1x128x16xf32, #tpu.memory_space<vmem>> -> memref<128x16xf32, #tpu.memory_space<vmem>>
      %dma_start3A_124 = arith.constant 0 : i32
      %dma_start3A_125 = arith.constant 0 : i32
      %dma_start3A_126 = tpu.memref_slice %arg5[%arg1, %dma_start3A_117, %dma_start3A_124, %dma_start3A_125] : memref<16x14x128x16xf32, #tpu.memory_space<hbm>> -> memref<1x1x128x16xf32, #tpu.memory_space<hbm>>
      %dma_start3A_127 = tpu.memref_squeeze %dma_start3A_126 : memref<1x1x128x16xf32, #tpu.memory_space<hbm>> -> memref<128x16xf32, #tpu.memory_space<hbm>>
      %dma_start3A_128 = tpu.memref_slice %arg28[%dma_start3A_119] : memref<2x!tpu.dma_semaphore, #tpu.memory_space<semaphore_mem>> -> memref<1x!tpu.dma_semaphore, #tpu.memory_space<semaphore_mem>>
      %dma_start3A_129 = tpu.memref_squeeze %dma_start3A_128 : memref<1x!tpu.dma_semaphore, #tpu.memory_space<semaphore_mem>> -> memref<!tpu.dma_semaphore, #tpu.memory_space<semaphore_mem>>
      %dma_start3A_130 = arith.constant 0 : i32
      %dma_start3A_131 = arith.constant 0 : i32
      %dma_start3A_132 = tpu.memref_slice %arg26[%dma_start3A_118, %dma_start3A_130, %dma_start3A_131] : memref<2x128x16xf32, #tpu.memory_space<vmem>> -> memref<1x128x16xf32, #tpu.memory_space<vmem>>
      %dma_start3A_133 = tpu.memref_squeeze %dma_start3A_132 : memref<1x128x16xf32, #tpu.memory_space<vmem>> -> memref<128x16xf32, #tpu.memory_space<vmem>>
      %dma_start3A_134 = arith.constant 0 : i32
      %dma_start3A_135 = arith.constant 0 : i32
      %dma_start3A_136 = tpu.memref_slice %arg5[%arg1, %dma_start3A_117, %dma_start3A_134, %dma_start3A_135] : memref<16x14x128x16xf32, #tpu.memory_space<hbm>> -> memref<1x1x128x16xf32, #tpu.memory_space<hbm>>
      %dma_start3A_137 = tpu.memref_squeeze %dma_start3A_136 : memref<1x1x128x16xf32, #tpu.memory_space<hbm>> -> memref<128x16xf32, #tpu.memory_space<hbm>>
      tpu.enqueue_dma source(%dma_start3A_137 : memref<128x16xf32, #tpu.memory_space<hbm>>) target(%dma_start3A_133 : memref<128x16xf32, #tpu.memory_space<vmem>>) target_semaphore(%dma_start3A_129 : memref<!tpu.dma_semaphore, #tpu.memory_space<semaphore_mem>>)
      %scan3A = arith.constant 0 : i32
      %scan3A_138 = arith.constant 7 : i32
      %scan3A_139 = arith.addi %scan3A, %scan3A_138 : i32
      %scan3A_140 = arith.constant 1 : i32
      scf.for %scan3A_403 = %scan3A to %scan3A_139 step %scan3A_140  : i32 {
        %mul3A_404 = arith.constant 1 : i32
        %mul3A_405 = arith.muli %scan3A_403, %mul3A_404 : i32
        %add3A_406 = arith.constant 0 : i32
        %add3A_407 = arith.addi %add3A_406, %mul3A_405 : i32
        %mul3A_408 = arith.constant 2 : i32
        %mul3A_409 = arith.muli %mul3A_408, %add3A_407 : i32
        %add3A_410 = arith.constant 0 : i32
        %add3A_411 = arith.addi %mul3A_409, %add3A_410 : i32
        %dma_wait3A_412 = arith.constant 0 : i32
        %dma_wait3A_413 = arith.constant 0 : i32
        %dma_wait3A_414 = arith.constant 0 : i32
        %dma_wait3A_415 = arith.constant 0 : i32
        %dma_wait3A_416 = tpu.memref_slice %arg24[%dma_wait3A_412, %dma_wait3A_414, %dma_wait3A_415] : memref<2x128x32xf32, #tpu.memory_space<vmem>> -> memref<1x128x32xf32, #tpu.memory_space<vmem>>
        %dma_wait3A_417 = tpu.memref_squeeze %dma_wait3A_416 : memref<1x128x32xf32, #tpu.memory_space<vmem>> -> memref<128x32xf32, #tpu.memory_space<vmem>>
        %dma_wait3A_418 = arith.constant 0 : i32
        %dma_wait3A_419 = tpu.memref_slice %arg18[%add3A_411, %dma_wait3A_418] : memref<14x128xi32, #tpu.memory_space<vmem>> -> memref<1x128xi32, #tpu.memory_space<vmem>>
        %dma_wait3A_420 = tpu.memref_squeeze %dma_wait3A_419 : memref<1x128xi32, #tpu.memory_space<vmem>> -> memref<128xi32, #tpu.memory_space<vmem>>
        %dma_wait3A_421 = arith.constant 0 : i32
        %dma_wait3A_422 = arith.constant 0 : i32
        %dma_wait3A_423 = tpu.memref_slice %arg17[%dma_wait3A_421, %dma_wait3A_422] : memref<1600x32xf32, #tpu.memory_space<vmem_shared>> -> memref<1600x32xf32, #tpu.memory_space<vmem_shared>>
        %dma_wait3A_424 = tpu.memref_slice %arg27[%dma_wait3A_413] : memref<2x!tpu.dma_semaphore, #tpu.memory_space<semaphore_mem>> -> memref<1x!tpu.dma_semaphore, #tpu.memory_space<semaphore_mem>>
        %dma_wait3A_425 = tpu.memref_squeeze %dma_wait3A_424 : memref<1x!tpu.dma_semaphore, #tpu.memory_space<semaphore_mem>> -> memref<!tpu.dma_semaphore, #tpu.memory_space<semaphore_mem>>
        tpu.wait_indirect_dma semaphore(%dma_wait3A_425 : memref<!tpu.dma_semaphore, #tpu.memory_space<semaphore_mem>>) src(%dma_wait3A_423 : memref<1600x32xf32, #tpu.memory_space<vmem_shared>>) dst(%dma_wait3A_417 : memref<128x32xf32, #tpu.memory_space<vmem>>)
        %dma_wait3A_426 = arith.constant 0 : i32
        %dma_wait3A_427 = arith.constant 0 : i32
        %dma_wait3A_428 = arith.constant 0 : i32
        %dma_wait3A_429 = arith.constant 0 : i32
        %dma_wait3A_430 = tpu.memref_slice %arg26[%dma_wait3A_426, %dma_wait3A_428, %dma_wait3A_429] : memref<2x128x16xf32, #tpu.memory_space<vmem>> -> memref<1x128x16xf32, #tpu.memory_space<vmem>>
        %dma_wait3A_431 = tpu.memref_squeeze %dma_wait3A_430 : memref<1x128x16xf32, #tpu.memory_space<vmem>> -> memref<128x16xf32, #tpu.memory_space<vmem>>
        %dma_wait3A_432 = arith.constant 0 : i32
        %dma_wait3A_433 = arith.constant 0 : i32
        %dma_wait3A_434 = tpu.memref_slice %arg5[%arg1, %add3A_411, %dma_wait3A_432, %dma_wait3A_433] : memref<16x14x128x16xf32, #tpu.memory_space<hbm>> -> memref<1x1x128x16xf32, #tpu.memory_space<hbm>>
        %dma_wait3A_435 = tpu.memref_squeeze %dma_wait3A_434 : memref<1x1x128x16xf32, #tpu.memory_space<hbm>> -> memref<128x16xf32, #tpu.memory_space<hbm>>
        %dma_wait3A_436 = tpu.memref_slice %arg28[%dma_wait3A_427] : memref<2x!tpu.dma_semaphore, #tpu.memory_space<semaphore_mem>> -> memref<1x!tpu.dma_semaphore, #tpu.memory_space<semaphore_mem>>
        %dma_wait3A_437 = tpu.memref_squeeze %dma_wait3A_436 : memref<1x!tpu.dma_semaphore, #tpu.memory_space<semaphore_mem>> -> memref<!tpu.dma_semaphore, #tpu.memory_space<semaphore_mem>>
        %dma_wait3A_438 = arith.constant 0 : i32
        %dma_wait3A_439 = arith.constant 0 : i32
        %dma_wait3A_440 = tpu.memref_slice %arg26[%dma_wait3A_426, %dma_wait3A_438, %dma_wait3A_439] : memref<2x128x16xf32, #tpu.memory_space<vmem>> -> memref<1x128x16xf32, #tpu.memory_space<vmem>>
        %dma_wait3A_441 = tpu.memref_squeeze %dma_wait3A_440 : memref<1x128x16xf32, #tpu.memory_space<vmem>> -> memref<128x16xf32, #tpu.memory_space<vmem>>
        %dma_wait3A_442 = arith.constant 0 : i32
        %dma_wait3A_443 = arith.constant 0 : i32
        %dma_wait3A_444 = tpu.memref_slice %arg5[%arg1, %add3A_411, %dma_wait3A_442, %dma_wait3A_443] : memref<16x14x128x16xf32, #tpu.memory_space<hbm>> -> memref<1x1x128x16xf32, #tpu.memory_space<hbm>>
        %dma_wait3A_445 = tpu.memref_squeeze %dma_wait3A_444 : memref<1x1x128x16xf32, #tpu.memory_space<hbm>> -> memref<128x16xf32, #tpu.memory_space<hbm>>
        tpu.wait_dma2 semaphore(%dma_wait3A_437 : memref<!tpu.dma_semaphore, #tpu.memory_space<semaphore_mem>>) src(%dma_wait3A_445 : memref<128x16xf32, #tpu.memory_space<hbm>>) dst(%dma_wait3A_441 : memref<128x16xf32, #tpu.memory_space<vmem>>)
        %add3A_446 = arith.constant 0 : i32
        %add3A_447 = arith.addi %mul3A_409, %add3A_446 : i32
        %ge3A = arith.constant 2 : i32
        %ge3A_448 = arith.cmpi sge, %add3A_447, %ge3A : i32
        %convert_element_type3A = arith.extui %ge3A_448 : i1 to i32
        %cond3A = arith.constant 0 : i32
        %cond3A_449 = arith.cmpi ne, %convert_element_type3A, %cond3A : i32
        scf.if %cond3A_449 {
          %add3A_553 = arith.constant 0 : i32
          %add3A_554 = arith.addi %mul3A_409, %add3A_553 : i32
          %sub3A_555 = arith.constant 2 : i32
          %sub3A_556 = arith.subi %add3A_554, %sub3A_555 : i32
          %dma_wait3A_557 = arith.constant 0 : i32
          %dma_wait3A_558 = arith.constant 0 : i32
          %dma_wait3A_559 = arith.constant 0 : i32
          %dma_wait3A_560 = arith.constant 0 : i32
          %dma_wait3A_561 = tpu.memref_slice %arg25[%dma_wait3A_557, %dma_wait3A_559, %dma_wait3A_560] : memref<2x128x32xf32, #tpu.memory_space<vmem>> -> memref<1x128x32xf32, #tpu.memory_space<vmem>>
          %dma_wait3A_562 = tpu.memref_squeeze %dma_wait3A_561 : memref<1x128x32xf32, #tpu.memory_space<vmem>> -> memref<128x32xf32, #tpu.memory_space<vmem>>
          %dma_wait3A_563 = arith.constant 0 : i32
          %dma_wait3A_564 = tpu.memref_slice %arg19[%sub3A_556, %dma_wait3A_563] : memref<14x128xi32, #tpu.memory_space<vmem>> -> memref<1x128xi32, #tpu.memory_space<vmem>>
          %dma_wait3A_565 = tpu.memref_squeeze %dma_wait3A_564 : memref<1x128xi32, #tpu.memory_space<vmem>> -> memref<128xi32, #tpu.memory_space<vmem>>
          %dma_wait3A_566 = arith.constant 0 : i32
          %dma_wait3A_567 = arith.constant 0 : i32
          %dma_wait3A_568 = tpu.memref_slice %arg16[%dma_wait3A_566, %dma_wait3A_567] : memref<30848x32xf32, #tpu.memory_space<vmem_shared>> -> memref<30848x32xf32, #tpu.memory_space<vmem_shared>>
          %dma_wait3A_569 = tpu.memref_slice %arg29[%dma_wait3A_558] : memref<2x!tpu.dma_semaphore, #tpu.memory_space<semaphore_mem>> -> memref<1x!tpu.dma_semaphore, #tpu.memory_space<semaphore_mem>>
          %dma_wait3A_570 = tpu.memref_squeeze %dma_wait3A_569 : memref<1x!tpu.dma_semaphore, #tpu.memory_space<semaphore_mem>> -> memref<!tpu.dma_semaphore, #tpu.memory_space<semaphore_mem>>
          tpu.wait_indirect_dma semaphore(%dma_wait3A_570 : memref<!tpu.dma_semaphore, #tpu.memory_space<semaphore_mem>>) src(%dma_wait3A_562 : memref<128x32xf32, #tpu.memory_space<vmem>>) dst(%dma_wait3A_568 : memref<30848x32xf32, #tpu.memory_space<vmem_shared>>)
        } else {
        }
        %parallel_loop3A = arith.constant 0 : i32
        %parallel_loop3A_450 = arith.constant 128 : i32
        %parallel_loop3A_451 = arith.constant 1 : i32
        %parallel_loop3A_452 = arith.constant 0 : i32
        %parallel_loop3A_453 = arith.constant 0 : i32
        %parallel_loop3A_454 = arith.constant 0 : i32
        scf.for %parallel_loop3A_553 = %parallel_loop3A to %parallel_loop3A_450 step %parallel_loop3A_451  : i32 {
          %parallel_loop3A_554 = arith.constant 0 : i32
          %parallel_loop3A_555 = arith.constant 0 : i32
          %parallel_loop3A_556 = tpu.memref_slice %arg26[%parallel_loop3A_452, %parallel_loop3A_554, %parallel_loop3A_555] : memref<2x128x16xf32, #tpu.memory_space<vmem>> -> memref<1x128x16xf32, #tpu.memory_space<vmem>>
          %parallel_loop3A_557 = tpu.memref_squeeze %parallel_loop3A_556 : memref<1x128x16xf32, #tpu.memory_space<vmem>> -> memref<128x16xf32, #tpu.memory_space<vmem>>
          %parallel_loop3A_558 = arith.index_cast %parallel_loop3A_553 : i32 to index
          %parallel_loop3A_559 = arith.constant 0 : index
          %parallel_loop3A_560 = tpu.vector_load %parallel_loop3A_557[%parallel_loop3A_558, %parallel_loop3A_559] {strides = array<i32>} : memref<128x16xf32, #tpu.memory_space<vmem>>, vector<1x16xf32>,
          %parallel_loop3A_561 = vector.shape_cast %parallel_loop3A_560 : vector<1x16xf32> to vector<16xf32>
          %parallel_loop3A_562 = arith.constant 0 : i32
          %parallel_loop3A_563 = arith.constant 0 : i32
          %parallel_loop3A_564 = tpu.memref_slice %arg24[%parallel_loop3A_453, %parallel_loop3A_562, %parallel_loop3A_563] : memref<2x128x32xf32, #tpu.memory_space<vmem>> -> memref<1x128x32xf32, #tpu.memory_space<vmem>>
          %parallel_loop3A_565 = tpu.memref_squeeze %parallel_loop3A_564 : memref<1x128x32xf32, #tpu.memory_space<vmem>> -> memref<128x32xf32, #tpu.memory_space<vmem>>
          %parallel_loop3A_566 = arith.index_cast %parallel_loop3A_553 : i32 to index
          %parallel_loop3A_567 = arith.constant 0 : index
          %parallel_loop3A_568 = tpu.vector_load %parallel_loop3A_565[%parallel_loop3A_566, %parallel_loop3A_567] {strides = array<i32>} : memref<128x32xf32, #tpu.memory_space<vmem>>, vector<1x16xf32>,
          %parallel_loop3A_569 = vector.shape_cast %parallel_loop3A_568 : vector<1x16xf32> to vector<16xf32>
          %parallel_loop3A_570 = arith.mulf %parallel_loop3A_569, %parallel_loop3A_561 : vector<16xf32>
          %parallel_loop3A_571 = arith.constant 0 : i32
          %parallel_loop3A_572 = arith.constant 0 : i32
          %parallel_loop3A_573 = tpu.memref_slice %arg25[%parallel_loop3A_454, %parallel_loop3A_571, %parallel_loop3A_572] : memref<2x128x32xf32, #tpu.memory_space<vmem>> -> memref<1x128x32xf32, #tpu.memory_space<vmem>>
          %parallel_loop3A_574 = tpu.memref_squeeze %parallel_loop3A_573 : memref<1x128x32xf32, #tpu.memory_space<vmem>> -> memref<128x32xf32, #tpu.memory_space<vmem>>
          %parallel_loop3A_575 = arith.index_cast %parallel_loop3A_553 : i32 to index
          %parallel_loop3A_576 = arith.constant 0 : index
          %parallel_loop3A_577 = tpu.vector_load %parallel_loop3A_574[%parallel_loop3A_575, %parallel_loop3A_576] {strides = array<i32>} : memref<128x32xf32, #tpu.memory_space<vmem>>, vector<1x16xf32>,
          %parallel_loop3A_578 = vector.shape_cast %parallel_loop3A_577 : vector<1x16xf32> to vector<16xf32>
          %parallel_loop3A_579 = vector.shape_cast %parallel_loop3A_570 : vector<16xf32> to vector<1x16xf32>
          tpu.vector_store %parallel_loop3A_574[%parallel_loop3A_575, %parallel_loop3A_576], %parallel_loop3A_579 {strides = array<i32>} : memref<128x32xf32, #tpu.memory_space<vmem>>, vector<1x16xf32>,
          %parallel_loop3A_580 = arith.constant 0 : i32
          %parallel_loop3A_581 = arith.constant 0 : i32
          %parallel_loop3A_582 = tpu.memref_slice %arg24[%parallel_loop3A_453, %parallel_loop3A_580, %parallel_loop3A_581] : memref<2x128x32xf32, #tpu.memory_space<vmem>> -> memref<1x128x32xf32, #tpu.memory_space<vmem>>
          %parallel_loop3A_583 = tpu.memref_squeeze %parallel_loop3A_582 : memref<1x128x32xf32, #tpu.memory_space<vmem>> -> memref<128x32xf32, #tpu.memory_space<vmem>>
          %parallel_loop3A_584 = arith.index_cast %parallel_loop3A_553 : i32 to index
          %parallel_loop3A_585 = arith.constant 16 : index
          %parallel_loop3A_586 = tpu.vector_load %parallel_loop3A_583[%parallel_loop3A_584, %parallel_loop3A_585] {strides = array<i32>} : memref<128x32xf32, #tpu.memory_space<vmem>>, vector<1x16xf32>,
          %parallel_loop3A_587 = vector.shape_cast %parallel_loop3A_586 : vector<1x16xf32> to vector<16xf32>
          %parallel_loop3A_588 = arith.mulf %parallel_loop3A_587, %parallel_loop3A_561 : vector<16xf32>
          %parallel_loop3A_589 = arith.constant 0 : i32
          %parallel_loop3A_590 = arith.constant 0 : i32
          %parallel_loop3A_591 = tpu.memref_slice %arg25[%parallel_loop3A_454, %parallel_loop3A_589, %parallel_loop3A_590] : memref<2x128x32xf32, #tpu.memory_space<vmem>> -> memref<1x128x32xf32, #tpu.memory_space<vmem>>
          %parallel_loop3A_592 = tpu.memref_squeeze %parallel_loop3A_591 : memref<1x128x32xf32, #tpu.memory_space<vmem>> -> memref<128x32xf32, #tpu.memory_space<vmem>>
          %parallel_loop3A_593 = arith.index_cast %parallel_loop3A_553 : i32 to index
          %parallel_loop3A_594 = arith.constant 16 : index
          %parallel_loop3A_595 = tpu.vector_load %parallel_loop3A_592[%parallel_loop3A_593, %parallel_loop3A_594] {strides = array<i32>} : memref<128x32xf32, #tpu.memory_space<vmem>>, vector<1x16xf32>,
          %parallel_loop3A_596 = vector.shape_cast %parallel_loop3A_595 : vector<1x16xf32> to vector<16xf32>
          %parallel_loop3A_597 = vector.shape_cast %parallel_loop3A_588 : vector<16xf32> to vector<1x16xf32>
          tpu.vector_store %parallel_loop3A_592[%parallel_loop3A_593, %parallel_loop3A_594], %parallel_loop3A_597 {strides = array<i32>} : memref<128x32xf32, #tpu.memory_space<vmem>>, vector<1x16xf32>,
        } {sc.loop_unroll_factor = 4 : i64, sc.parallel_access}
        %add3A_455 = arith.constant 0 : i32
        %add3A_456 = arith.addi %mul3A_409, %add3A_455 : i32
        %dma_start3A_457 = arith.constant 0 : i32
        %dma_start3A_458 = arith.constant 0 : i32
        %dma_start3A_459 = arith.constant 0 : i32
        %dma_start3A_460 = arith.constant 0 : i32
        %dma_start3A_461 = tpu.memref_slice %arg25[%dma_start3A_457, %dma_start3A_459, %dma_start3A_460] : memref<2x128x32xf32, #tpu.memory_space<vmem>> -> memref<1x128x32xf32, #tpu.memory_space<vmem>>
        %dma_start3A_462 = tpu.memref_squeeze %dma_start3A_461 : memref<1x128x32xf32, #tpu.memory_space<vmem>> -> memref<128x32xf32, #tpu.memory_space<vmem>>
        %dma_start3A_463 = arith.constant 0 : i32
        %dma_start3A_464 = tpu.memref_slice %arg19[%add3A_456, %dma_start3A_463] : memref<14x128xi32, #tpu.memory_space<vmem>> -> memref<1x128xi32, #tpu.memory_space<vmem>>
        %dma_start3A_465 = tpu.memref_squeeze %dma_start3A_464 : memref<1x128xi32, #tpu.memory_space<vmem>> -> memref<128xi32, #tpu.memory_space<vmem>>
        %dma_start3A_466 = arith.constant 0 : i32
        %dma_start3A_467 = arith.constant 0 : i32
        %dma_start3A_468 = tpu.memref_slice %arg16[%dma_start3A_466, %dma_start3A_467] : memref<30848x32xf32, #tpu.memory_space<vmem_shared>> -> memref<30848x32xf32, #tpu.memory_space<vmem_shared>>
        %dma_start3A_469 = tpu.memref_slice %arg29[%dma_start3A_458] : memref<2x!tpu.dma_semaphore, #tpu.memory_space<semaphore_mem>> -> memref<1x!tpu.dma_semaphore, #tpu.memory_space<semaphore_mem>>
        %dma_start3A_470 = tpu.memref_squeeze %dma_start3A_469 : memref<1x!tpu.dma_semaphore, #tpu.memory_space<semaphore_mem>> -> memref<!tpu.dma_semaphore, #tpu.memory_space<semaphore_mem>>
        tpu.enqueue_indirect_dma source(%dma_start3A_462 : memref<128x32xf32, #tpu.memory_space<vmem>>) target(%dma_start3A_468 : memref<30848x32xf32, #tpu.memory_space<vmem_shared>>) offsets(%dma_start3A_465 : memref<128xi32, #tpu.memory_space<vmem>>) semaphore(%dma_start3A_470 : memref<!tpu.dma_semaphore, #tpu.memory_space<semaphore_mem>>) {add = true}
        %add3A_471 = arith.constant 0 : i32
        %add3A_472 = arith.addi %mul3A_409, %add3A_471 : i32
        %add3A_473 = arith.constant 2 : i32
        %add3A_474 = arith.addi %add3A_472, %add3A_473 : i32
        %lt3A = arith.constant 14 : i32
        %lt3A_475 = arith.cmpi slt, %add3A_474, %lt3A : i32
        %convert_element_type3A_476 = arith.extui %lt3A_475 : i1 to i32
        %cond3A_477 = arith.constant 0 : i32
        %cond3A_478 = arith.cmpi ne, %convert_element_type3A_476, %cond3A_477 : i32
        scf.if %cond3A_478 {
          %add3A_553 = arith.constant 0 : i32
          %add3A_554 = arith.addi %mul3A_409, %add3A_553 : i32
          %add3A_555 = arith.constant 2 : i32
          %add3A_556 = arith.addi %add3A_554, %add3A_555 : i32
          %dma_start3A_557 = arith.constant 0 : i32
          %dma_start3A_558 = arith.constant 0 : i32
          %dma_start3A_559 = arith.constant 0 : i32
          %dma_start3A_560 = arith.constant 0 : i32
          %dma_start3A_561 = tpu.memref_slice %arg24[%dma_start3A_557, %dma_start3A_559, %dma_start3A_560] : memref<2x128x32xf32, #tpu.memory_space<vmem>> -> memref<1x128x32xf32, #tpu.memory_space<vmem>>
          %dma_start3A_562 = tpu.memref_squeeze %dma_start3A_561 : memref<1x128x32xf32, #tpu.memory_space<vmem>> -> memref<128x32xf32, #tpu.memory_space<vmem>>
          %dma_start3A_563 = arith.constant 0 : i32
          %dma_start3A_564 = tpu.memref_slice %arg18[%add3A_556, %dma_start3A_563] : memref<14x128xi32, #tpu.memory_space<vmem>> -> memref<1x128xi32, #tpu.memory_space<vmem>>
          %dma_start3A_565 = tpu.memref_squeeze %dma_start3A_564 : memref<1x128xi32, #tpu.memory_space<vmem>> -> memref<128xi32, #tpu.memory_space<vmem>>
          %dma_start3A_566 = arith.constant 0 : i32
          %dma_start3A_567 = arith.constant 0 : i32
          %dma_start3A_568 = tpu.memref_slice %arg17[%dma_start3A_566, %dma_start3A_567] : memref<1600x32xf32, #tpu.memory_space<vmem_shared>> -> memref<1600x32xf32, #tpu.memory_space<vmem_shared>>
          %dma_start3A_569 = tpu.memref_slice %arg27[%dma_start3A_558] : memref<2x!tpu.dma_semaphore, #tpu.memory_space<semaphore_mem>> -> memref<1x!tpu.dma_semaphore, #tpu.memory_space<semaphore_mem>>
          %dma_start3A_570 = tpu.memref_squeeze %dma_start3A_569 : memref<1x!tpu.dma_semaphore, #tpu.memory_space<semaphore_mem>> -> memref<!tpu.dma_semaphore, #tpu.memory_space<semaphore_mem>>
          tpu.enqueue_indirect_dma source(%dma_start3A_568 : memref<1600x32xf32, #tpu.memory_space<vmem_shared>>) target(%dma_start3A_562 : memref<128x32xf32, #tpu.memory_space<vmem>>) offsets(%dma_start3A_565 : memref<128xi32, #tpu.memory_space<vmem>>) semaphore(%dma_start3A_570 : memref<!tpu.dma_semaphore, #tpu.memory_space<semaphore_mem>>)
          %dma_start3A_571 = arith.constant 0 : i32
          %dma_start3A_572 = arith.constant 0 : i32
          %dma_start3A_573 = arith.constant 0 : i32
          %dma_start3A_574 = arith.constant 0 : i32
          %dma_start3A_575 = tpu.memref_slice %arg26[%dma_start3A_571, %dma_start3A_573, %dma_start3A_574] : memref<2x128x16xf32, #tpu.memory_space<vmem>> -> memref<1x128x16xf32, #tpu.memory_space<vmem>>
          %dma_start3A_576 = tpu.memref_squeeze %dma_start3A_575 : memref<1x128x16xf32, #tpu.memory_space<vmem>> -> memref<128x16xf32, #tpu.memory_space<vmem>>
          %dma_start3A_577 = arith.constant 0 : i32
          %dma_start3A_578 = arith.constant 0 : i32
          %dma_start3A_579 = tpu.memref_slice %arg5[%arg1, %add3A_556, %dma_start3A_577, %dma_start3A_578] : memref<16x14x128x16xf32, #tpu.memory_space<hbm>> -> memref<1x1x128x16xf32, #tpu.memory_space<hbm>>
          %dma_start3A_580 = tpu.memref_squeeze %dma_start3A_579 : memref<1x1x128x16xf32, #tpu.memory_space<hbm>> -> memref<128x16xf32, #tpu.memory_space<hbm>>
          %dma_start3A_581 = tpu.memref_slice %arg28[%dma_start3A_572] : memref<2x!tpu.dma_semaphore, #tpu.memory_space<semaphore_mem>> -> memref<1x!tpu.dma_semaphore, #tpu.memory_space<semaphore_mem>>
          %dma_start3A_582 = tpu.memref_squeeze %dma_start3A_581 : memref<1x!tpu.dma_semaphore, #tpu.memory_space<semaphore_mem>> -> memref<!tpu.dma_semaphore, #tpu.memory_space<semaphore_mem>>
          %dma_start3A_583 = arith.constant 0 : i32
          %dma_start3A_584 = arith.constant 0 : i32
          %dma_start3A_585 = tpu.memref_slice %arg26[%dma_start3A_571, %dma_start3A_583, %dma_start3A_584] : memref<2x128x16xf32, #tpu.memory_space<vmem>> -> memref<1x128x16xf32, #tpu.memory_space<vmem>>
          %dma_start3A_586 = tpu.memref_squeeze %dma_start3A_585 : memref<1x128x16xf32, #tpu.memory_space<vmem>> -> memref<128x16xf32, #tpu.memory_space<vmem>>
          %dma_start3A_587 = arith.constant 0 : i32
          %dma_start3A_588 = arith.constant 0 : i32
          %dma_start3A_589 = tpu.memref_slice %arg5[%arg1, %add3A_556, %dma_start3A_587, %dma_start3A_588] : memref<16x14x128x16xf32, #tpu.memory_space<hbm>> -> memref<1x1x128x16xf32, #tpu.memory_space<hbm>>
          %dma_start3A_590 = tpu.memref_squeeze %dma_start3A_589 : memref<1x1x128x16xf32, #tpu.memory_space<hbm>> -> memref<128x16xf32, #tpu.memory_space<hbm>>
          tpu.enqueue_dma source(%dma_start3A_590 : memref<128x16xf32, #tpu.memory_space<hbm>>) target(%dma_start3A_586 : memref<128x16xf32, #tpu.memory_space<vmem>>) target_semaphore(%dma_start3A_582 : memref<!tpu.dma_semaphore, #tpu.memory_space<semaphore_mem>>)
        } else {
        }
        %add3A_479 = arith.constant 1 : i32
        %add3A_480 = arith.addi %mul3A_409, %add3A_479 : i32
        %dma_wait3A_481 = arith.constant 1 : i32
        %dma_wait3A_482 = arith.constant 1 : i32
        %dma_wait3A_483 = arith.constant 0 : i32
        %dma_wait3A_484 = arith.constant 0 : i32
        %dma_wait3A_485 = tpu.memref_slice %arg24[%dma_wait3A_481, %dma_wait3A_483, %dma_wait3A_484] : memref<2x128x32xf32, #tpu.memory_space<vmem>> -> memref<1x128x32xf32, #tpu.memory_space<vmem>>
        %dma_wait3A_486 = tpu.memref_squeeze %dma_wait3A_485 : memref<1x128x32xf32, #tpu.memory_space<vmem>> -> memref<128x32xf32, #tpu.memory_space<vmem>>
        %dma_wait3A_487 = arith.constant 0 : i32
        %dma_wait3A_488 = tpu.memref_slice %arg18[%add3A_480, %dma_wait3A_487] : memref<14x128xi32, #tpu.memory_space<vmem>> -> memref<1x128xi32, #tpu.memory_space<vmem>>
        %dma_wait3A_489 = tpu.memref_squeeze %dma_wait3A_488 : memref<1x128xi32, #tpu.memory_space<vmem>> -> memref<128xi32, #tpu.memory_space<vmem>>
        %dma_wait3A_490 = arith.constant 0 : i32
        %dma_wait3A_491 = arith.constant 0 : i32
        %dma_wait3A_492 = tpu.memref_slice %arg17[%dma_wait3A_490, %dma_wait3A_491] : memref<1600x32xf32, #tpu.memory_space<vmem_shared>> -> memref<1600x32xf32, #tpu.memory_space<vmem_shared>>
        %dma_wait3A_493 = tpu.memref_slice %arg27[%dma_wait3A_482] : memref<2x!tpu.dma_semaphore, #tpu.memory_space<semaphore_mem>> -> memref<1x!tpu.dma_semaphore, #tpu.memory_space<semaphore_mem>>
        %dma_wait3A_494 = tpu.memref_squeeze %dma_wait3A_493 : memref<1x!tpu.dma_semaphore, #tpu.memory_space<semaphore_mem>> -> memref<!tpu.dma_semaphore, #tpu.memory_space<semaphore_mem>>
        tpu.wait_indirect_dma semaphore(%dma_wait3A_494 : memref<!tpu.dma_semaphore, #tpu.memory_space<semaphore_mem>>) src(%dma_wait3A_492 : memref<1600x32xf32, #tpu.memory_space<vmem_shared>>) dst(%dma_wait3A_486 : memref<128x32xf32, #tpu.memory_space<vmem>>)
        %dma_wait3A_495 = arith.constant 1 : i32
        %dma_wait3A_496 = arith.constant 1 : i32
        %dma_wait3A_497 = arith.constant 0 : i32
        %dma_wait3A_498 = arith.constant 0 : i32
        %dma_wait3A_499 = tpu.memref_slice %arg26[%dma_wait3A_495, %dma_wait3A_497, %dma_wait3A_498] : memref<2x128x16xf32, #tpu.memory_space<vmem>> -> memref<1x128x16xf32, #tpu.memory_space<vmem>>
        %dma_wait3A_500 = tpu.memref_squeeze %dma_wait3A_499 : memref<1x128x16xf32, #tpu.memory_space<vmem>> -> memref<128x16xf32, #tpu.memory_space<vmem>>
        %dma_wait3A_501 = arith.constant 0 : i32
        %dma_wait3A_502 = arith.constant 0 : i32
        %dma_wait3A_503 = tpu.memref_slice %arg5[%arg1, %add3A_480, %dma_wait3A_501, %dma_wait3A_502] : memref<16x14x128x16xf32, #tpu.memory_space<hbm>> -> memref<1x1x128x16xf32, #tpu.memory_space<hbm>>
        %dma_wait3A_504 = tpu.memref_squeeze %dma_wait3A_503 : memref<1x1x128x16xf32, #tpu.memory_space<hbm>> -> memref<128x16xf32, #tpu.memory_space<hbm>>
        %dma_wait3A_505 = tpu.memref_slice %arg28[%dma_wait3A_496] : memref<2x!tpu.dma_semaphore, #tpu.memory_space<semaphore_mem>> -> memref<1x!tpu.dma_semaphore, #tpu.memory_space<semaphore_mem>>
        %dma_wait3A_506 = tpu.memref_squeeze %dma_wait3A_505 : memref<1x!tpu.dma_semaphore, #tpu.memory_space<semaphore_mem>> -> memref<!tpu.dma_semaphore, #tpu.memory_space<semaphore_mem>>
        %dma_wait3A_507 = arith.constant 0 : i32
        %dma_wait3A_508 = arith.constant 0 : i32
        %dma_wait3A_509 = tpu.memref_slice %arg26[%dma_wait3A_495, %dma_wait3A_507, %dma_wait3A_508] : memref<2x128x16xf32, #tpu.memory_space<vmem>> -> memref<1x128x16xf32, #tpu.memory_space<vmem>>
        %dma_wait3A_510 = tpu.memref_squeeze %dma_wait3A_509 : memref<1x128x16xf32, #tpu.memory_space<vmem>> -> memref<128x16xf32, #tpu.memory_space<vmem>>
        %dma_wait3A_511 = arith.constant 0 : i32
        %dma_wait3A_512 = arith.constant 0 : i32
        %dma_wait3A_513 = tpu.memref_slice %arg5[%arg1, %add3A_480, %dma_wait3A_511, %dma_wait3A_512] : memref<16x14x128x16xf32, #tpu.memory_space<hbm>> -> memref<1x1x128x16xf32, #tpu.memory_space<hbm>>
        %dma_wait3A_514 = tpu.memref_squeeze %dma_wait3A_513 : memref<1x1x128x16xf32, #tpu.memory_space<hbm>> -> memref<128x16xf32, #tpu.memory_space<hbm>>
        tpu.wait_dma2 semaphore(%dma_wait3A_506 : memref<!tpu.dma_semaphore, #tpu.memory_space<semaphore_mem>>) src(%dma_wait3A_514 : memref<128x16xf32, #tpu.memory_space<hbm>>) dst(%dma_wait3A_510 : memref<128x16xf32, #tpu.memory_space<vmem>>)
        %add3A_515 = arith.constant 1 : i32
        %add3A_516 = arith.addi %mul3A_409, %add3A_515 : i32
        %ge3A_517 = arith.constant 2 : i32
        %ge3A_518 = arith.cmpi sge, %add3A_516, %ge3A_517 : i32
        %convert_element_type3A_519 = arith.extui %ge3A_518 : i1 to i32
        %cond3A_520 = arith.constant 0 : i32
        %cond3A_521 = arith.cmpi ne, %convert_element_type3A_519, %cond3A_520 : i32
        scf.if %cond3A_521 {
          %add3A_553 = arith.constant 1 : i32
          %add3A_554 = arith.addi %mul3A_409, %add3A_553 : i32
          %sub3A_555 = arith.constant 2 : i32
          %sub3A_556 = arith.subi %add3A_554, %sub3A_555 : i32
          %dma_wait3A_557 = arith.constant 1 : i32
          %dma_wait3A_558 = arith.constant 1 : i32
          %dma_wait3A_559 = arith.constant 0 : i32
          %dma_wait3A_560 = arith.constant 0 : i32
          %dma_wait3A_561 = tpu.memref_slice %arg25[%dma_wait3A_557, %dma_wait3A_559, %dma_wait3A_560] : memref<2x128x32xf32, #tpu.memory_space<vmem>> -> memref<1x128x32xf32, #tpu.memory_space<vmem>>
          %dma_wait3A_562 = tpu.memref_squeeze %dma_wait3A_561 : memref<1x128x32xf32, #tpu.memory_space<vmem>> -> memref<128x32xf32, #tpu.memory_space<vmem>>
          %dma_wait3A_563 = arith.constant 0 : i32
          %dma_wait3A_564 = tpu.memref_slice %arg19[%sub3A_556, %dma_wait3A_563] : memref<14x128xi32, #tpu.memory_space<vmem>> -> memref<1x128xi32, #tpu.memory_space<vmem>>
          %dma_wait3A_565 = tpu.memref_squeeze %dma_wait3A_564 : memref<1x128xi32, #tpu.memory_space<vmem>> -> memref<128xi32, #tpu.memory_space<vmem>>
          %dma_wait3A_566 = arith.constant 0 : i32
          %dma_wait3A_567 = arith.constant 0 : i32
          %dma_wait3A_568 = tpu.memref_slice %arg16[%dma_wait3A_566, %dma_wait3A_567] : memref<30848x32xf32, #tpu.memory_space<vmem_shared>> -> memref<30848x32xf32, #tpu.memory_space<vmem_shared>>
          %dma_wait3A_569 = tpu.memref_slice %arg29[%dma_wait3A_558] : memref<2x!tpu.dma_semaphore, #tpu.memory_space<semaphore_mem>> -> memref<1x!tpu.dma_semaphore, #tpu.memory_space<semaphore_mem>>
          %dma_wait3A_570 = tpu.memref_squeeze %dma_wait3A_569 : memref<1x!tpu.dma_semaphore, #tpu.memory_space<semaphore_mem>> -> memref<!tpu.dma_semaphore, #tpu.memory_space<semaphore_mem>>
          tpu.wait_indirect_dma semaphore(%dma_wait3A_570 : memref<!tpu.dma_semaphore, #tpu.memory_space<semaphore_mem>>) src(%dma_wait3A_562 : memref<128x32xf32, #tpu.memory_space<vmem>>) dst(%dma_wait3A_568 : memref<30848x32xf32, #tpu.memory_space<vmem_shared>>)
        } else {
        }
        %parallel_loop3A_522 = arith.constant 0 : i32
        %parallel_loop3A_523 = arith.constant 128 : i32
        %parallel_loop3A_524 = arith.constant 1 : i32
        %parallel_loop3A_525 = arith.constant 1 : i32
        %parallel_loop3A_526 = arith.constant 1 : i32
        %parallel_loop3A_527 = arith.constant 1 : i32
        scf.for %parallel_loop3A_553 = %parallel_loop3A_522 to %parallel_loop3A_523 step %parallel_loop3A_524  : i32 {
          %parallel_loop3A_554 = arith.constant 0 : i32
          %parallel_loop3A_555 = arith.constant 0 : i32
          %parallel_loop3A_556 = tpu.memref_slice %arg26[%parallel_loop3A_525, %parallel_loop3A_554, %parallel_loop3A_555] : memref<2x128x16xf32, #tpu.memory_space<vmem>> -> memref<1x128x16xf32, #tpu.memory_space<vmem>>
          %parallel_loop3A_557 = tpu.memref_squeeze %parallel_loop3A_556 : memref<1x128x16xf32, #tpu.memory_space<vmem>> -> memref<128x16xf32, #tpu.memory_space<vmem>>
          %parallel_loop3A_558 = arith.index_cast %parallel_loop3A_553 : i32 to index
          %parallel_loop3A_559 = arith.constant 0 : index
          %parallel_loop3A_560 = tpu.vector_load %parallel_loop3A_557[%parallel_loop3A_558, %parallel_loop3A_559] {strides = array<i32>} : memref<128x16xf32, #tpu.memory_space<vmem>>, vector<1x16xf32>,
          %parallel_loop3A_561 = vector.shape_cast %parallel_loop3A_560 : vector<1x16xf32> to vector<16xf32>
          %parallel_loop3A_562 = arith.constant 0 : i32
          %parallel_loop3A_563 = arith.constant 0 : i32
          %parallel_loop3A_564 = tpu.memref_slice %arg24[%parallel_loop3A_526, %parallel_loop3A_562, %parallel_loop3A_563] : memref<2x128x32xf32, #tpu.memory_space<vmem>> -> memref<1x128x32xf32, #tpu.memory_space<vmem>>
          %parallel_loop3A_565 = tpu.memref_squeeze %parallel_loop3A_564 : memref<1x128x32xf32, #tpu.memory_space<vmem>> -> memref<128x32xf32, #tpu.memory_space<vmem>>
          %parallel_loop3A_566 = arith.index_cast %parallel_loop3A_553 : i32 to index
          %parallel_loop3A_567 = arith.constant 0 : index
          %parallel_loop3A_568 = tpu.vector_load %parallel_loop3A_565[%parallel_loop3A_566, %parallel_loop3A_567] {strides = array<i32>} : memref<128x32xf32, #tpu.memory_space<vmem>>, vector<1x16xf32>,
          %parallel_loop3A_569 = vector.shape_cast %parallel_loop3A_568 : vector<1x16xf32> to vector<16xf32>
          %parallel_loop3A_570 = arith.mulf %parallel_loop3A_569, %parallel_loop3A_561 : vector<16xf32>
          %parallel_loop3A_571 = arith.constant 0 : i32
          %parallel_loop3A_572 = arith.constant 0 : i32
          %parallel_loop3A_573 = tpu.memref_slice %arg25[%parallel_loop3A_527, %parallel_loop3A_571, %parallel_loop3A_572] : memref<2x128x32xf32, #tpu.memory_space<vmem>> -> memref<1x128x32xf32, #tpu.memory_space<vmem>>
          %parallel_loop3A_574 = tpu.memref_squeeze %parallel_loop3A_573 : memref<1x128x32xf32, #tpu.memory_space<vmem>> -> memref<128x32xf32, #tpu.memory_space<vmem>>
          %parallel_loop3A_575 = arith.index_cast %parallel_loop3A_553 : i32 to index
          %parallel_loop3A_576 = arith.constant 0 : index
          %parallel_loop3A_577 = tpu.vector_load %parallel_loop3A_574[%parallel_loop3A_575, %parallel_loop3A_576] {strides = array<i32>} : memref<128x32xf32, #tpu.memory_space<vmem>>, vector<1x16xf32>,
          %parallel_loop3A_578 = vector.shape_cast %parallel_loop3A_577 : vector<1x16xf32> to vector<16xf32>
          %parallel_loop3A_579 = vector.shape_cast %parallel_loop3A_570 : vector<16xf32> to vector<1x16xf32>
          tpu.vector_store %parallel_loop3A_574[%parallel_loop3A_575, %parallel_loop3A_576], %parallel_loop3A_579 {strides = array<i32>} : memref<128x32xf32, #tpu.memory_space<vmem>>, vector<1x16xf32>,
          %parallel_loop3A_580 = arith.constant 0 : i32
          %parallel_loop3A_581 = arith.constant 0 : i32
          %parallel_loop3A_582 = tpu.memref_slice %arg24[%parallel_loop3A_526, %parallel_loop3A_580, %parallel_loop3A_581] : memref<2x128x32xf32, #tpu.memory_space<vmem>> -> memref<1x128x32xf32, #tpu.memory_space<vmem>>
          %parallel_loop3A_583 = tpu.memref_squeeze %parallel_loop3A_582 : memref<1x128x32xf32, #tpu.memory_space<vmem>> -> memref<128x32xf32, #tpu.memory_space<vmem>>
          %parallel_loop3A_584 = arith.index_cast %parallel_loop3A_553 : i32 to index
          %parallel_loop3A_585 = arith.constant 16 : index
          %parallel_loop3A_586 = tpu.vector_load %parallel_loop3A_583[%parallel_loop3A_584, %parallel_loop3A_585] {strides = array<i32>} : memref<128x32xf32, #tpu.memory_space<vmem>>, vector<1x16xf32>,
          %parallel_loop3A_587 = vector.shape_cast %parallel_loop3A_586 : vector<1x16xf32> to vector<16xf32>
          %parallel_loop3A_588 = arith.mulf %parallel_loop3A_587, %parallel_loop3A_561 : vector<16xf32>
          %parallel_loop3A_589 = arith.constant 0 : i32
          %parallel_loop3A_590 = arith.constant 0 : i32
          %parallel_loop3A_591 = tpu.memref_slice %arg25[%parallel_loop3A_527, %parallel_loop3A_589, %parallel_loop3A_590] : memref<2x128x32xf32, #tpu.memory_space<vmem>> -> memref<1x128x32xf32, #tpu.memory_space<vmem>>
          %parallel_loop3A_592 = tpu.memref_squeeze %parallel_loop3A_591 : memref<1x128x32xf32, #tpu.memory_space<vmem>> -> memref<128x32xf32, #tpu.memory_space<vmem>>
          %parallel_loop3A_593 = arith.index_cast %parallel_loop3A_553 : i32 to index
          %parallel_loop3A_594 = arith.constant 16 : index
          %parallel_loop3A_595 = tpu.vector_load %parallel_loop3A_592[%parallel_loop3A_593, %parallel_loop3A_594] {strides = array<i32>} : memref<128x32xf32, #tpu.memory_space<vmem>>, vector<1x16xf32>,
          %parallel_loop3A_596 = vector.shape_cast %parallel_loop3A_595 : vector<1x16xf32> to vector<16xf32>
          %parallel_loop3A_597 = vector.shape_cast %parallel_loop3A_588 : vector<16xf32> to vector<1x16xf32>
          tpu.vector_store %parallel_loop3A_592[%parallel_loop3A_593, %parallel_loop3A_594], %parallel_loop3A_597 {strides = array<i32>} : memref<128x32xf32, #tpu.memory_space<vmem>>, vector<1x16xf32>,
        } {sc.loop_unroll_factor = 4 : i64, sc.parallel_access}
        %add3A_528 = arith.constant 1 : i32
        %add3A_529 = arith.addi %mul3A_409, %add3A_528 : i32
        %dma_start3A_530 = arith.constant 1 : i32
        %dma_start3A_531 = arith.constant 1 : i32
        %dma_start3A_532 = arith.constant 0 : i32
        %dma_start3A_533 = arith.constant 0 : i32
        %dma_start3A_534 = tpu.memref_slice %arg25[%dma_start3A_530, %dma_start3A_532, %dma_start3A_533] : memref<2x128x32xf32, #tpu.memory_space<vmem>> -> memref<1x128x32xf32, #tpu.memory_space<vmem>>
        %dma_start3A_535 = tpu.memref_squeeze %dma_start3A_534 : memref<1x128x32xf32, #tpu.memory_space<vmem>> -> memref<128x32xf32, #tpu.memory_space<vmem>>
        %dma_start3A_536 = arith.constant 0 : i32
        %dma_start3A_537 = tpu.memref_slice %arg19[%add3A_529, %dma_start3A_536] : memref<14x128xi32, #tpu.memory_space<vmem>> -> memref<1x128xi32, #tpu.memory_space<vmem>>
        %dma_start3A_538 = tpu.memref_squeeze %dma_start3A_537 : memref<1x128xi32, #tpu.memory_space<vmem>> -> memref<128xi32, #tpu.memory_space<vmem>>
        %dma_start3A_539 = arith.constant 0 : i32
        %dma_start3A_540 = arith.constant 0 : i32
        %dma_start3A_541 = tpu.memref_slice %arg16[%dma_start3A_539, %dma_start3A_540] : memref<30848x32xf32, #tpu.memory_space<vmem_shared>> -> memref<30848x32xf32, #tpu.memory_space<vmem_shared>>
        %dma_start3A_542 = tpu.memref_slice %arg29[%dma_start3A_531] : memref<2x!tpu.dma_semaphore, #tpu.memory_space<semaphore_mem>> -> memref<1x!tpu.dma_semaphore, #tpu.memory_space<semaphore_mem>>
        %dma_start3A_543 = tpu.memref_squeeze %dma_start3A_542 : memref<1x!tpu.dma_semaphore, #tpu.memory_space<semaphore_mem>> -> memref<!tpu.dma_semaphore, #tpu.memory_space<semaphore_mem>>
        tpu.enqueue_indirect_dma source(%dma_start3A_535 : memref<128x32xf32, #tpu.memory_space<vmem>>) target(%dma_start3A_541 : memref<30848x32xf32, #tpu.memory_space<vmem_shared>>) offsets(%dma_start3A_538 : memref<128xi32, #tpu.memory_space<vmem>>) semaphore(%dma_start3A_543 : memref<!tpu.dma_semaphore, #tpu.memory_space<semaphore_mem>>) {add = true}
        %add3A_544 = arith.constant 1 : i32
        %add3A_545 = arith.addi %mul3A_409, %add3A_544 : i32
        %add3A_546 = arith.constant 2 : i32
        %add3A_547 = arith.addi %add3A_545, %add3A_546 : i32
        %lt3A_548 = arith.constant 14 : i32
        %lt3A_549 = arith.cmpi slt, %add3A_547, %lt3A_548 : i32
        %convert_element_type3A_550 = arith.extui %lt3A_549 : i1 to i32
        %cond3A_551 = arith.constant 0 : i32
        %cond3A_552 = arith.cmpi ne, %convert_element_type3A_550, %cond3A_551 : i32
        scf.if %cond3A_552 {
          %add3A_553 = arith.constant 1 : i32
          %add3A_554 = arith.addi %mul3A_409, %add3A_553 : i32
          %add3A_555 = arith.constant 2 : i32
          %add3A_556 = arith.addi %add3A_554, %add3A_555 : i32
          %dma_start3A_557 = arith.constant 1 : i32
          %dma_start3A_558 = arith.constant 1 : i32
          %dma_start3A_559 = arith.constant 0 : i32
          %dma_start3A_560 = arith.constant 0 : i32
          %dma_start3A_561 = tpu.memref_slice %arg24[%dma_start3A_557, %dma_start3A_559, %dma_start3A_560] : memref<2x128x32xf32, #tpu.memory_space<vmem>> -> memref<1x128x32xf32, #tpu.memory_space<vmem>>
          %dma_start3A_562 = tpu.memref_squeeze %dma_start3A_561 : memref<1x128x32xf32, #tpu.memory_space<vmem>> -> memref<128x32xf32, #tpu.memory_space<vmem>>
          %dma_start3A_563 = arith.constant 0 : i32
          %dma_start3A_564 = tpu.memref_slice %arg18[%add3A_556, %dma_start3A_563] : memref<14x128xi32, #tpu.memory_space<vmem>> -> memref<1x128xi32, #tpu.memory_space<vmem>>
          %dma_start3A_565 = tpu.memref_squeeze %dma_start3A_564 : memref<1x128xi32, #tpu.memory_space<vmem>> -> memref<128xi32, #tpu.memory_space<vmem>>
          %dma_start3A_566 = arith.constant 0 : i32
          %dma_start3A_567 = arith.constant 0 : i32
          %dma_start3A_568 = tpu.memref_slice %arg17[%dma_start3A_566, %dma_start3A_567] : memref<1600x32xf32, #tpu.memory_space<vmem_shared>> -> memref<1600x32xf32, #tpu.memory_space<vmem_shared>>
          %dma_start3A_569 = tpu.memref_slice %arg27[%dma_start3A_558] : memref<2x!tpu.dma_semaphore, #tpu.memory_space<semaphore_mem>> -> memref<1x!tpu.dma_semaphore, #tpu.memory_space<semaphore_mem>>
          %dma_start3A_570 = tpu.memref_squeeze %dma_start3A_569 : memref<1x!tpu.dma_semaphore, #tpu.memory_space<semaphore_mem>> -> memref<!tpu.dma_semaphore, #tpu.memory_space<semaphore_mem>>
          tpu.enqueue_indirect_dma source(%dma_start3A_568 : memref<1600x32xf32, #tpu.memory_space<vmem_shared>>) target(%dma_start3A_562 : memref<128x32xf32, #tpu.memory_space<vmem>>) offsets(%dma_start3A_565 : memref<128xi32, #tpu.memory_space<vmem>>) semaphore(%dma_start3A_570 : memref<!tpu.dma_semaphore, #tpu.memory_space<semaphore_mem>>)
          %dma_start3A_571 = arith.constant 1 : i32
          %dma_start3A_572 = arith.constant 1 : i32
          %dma_start3A_573 = arith.constant 0 : i32
          %dma_start3A_574 = arith.constant 0 : i32
          %dma_start3A_575 = tpu.memref_slice %arg26[%dma_start3A_571, %dma_start3A_573, %dma_start3A_574] : memref<2x128x16xf32, #tpu.memory_space<vmem>> -> memref<1x128x16xf32, #tpu.memory_space<vmem>>
          %dma_start3A_576 = tpu.memref_squeeze %dma_start3A_575 : memref<1x128x16xf32, #tpu.memory_space<vmem>> -> memref<128x16xf32, #tpu.memory_space<vmem>>
          %dma_start3A_577 = arith.constant 0 : i32
          %dma_start3A_578 = arith.constant 0 : i32
          %dma_start3A_579 = tpu.memref_slice %arg5[%arg1, %add3A_556, %dma_start3A_577, %dma_start3A_578] : memref<16x14x128x16xf32, #tpu.memory_space<hbm>> -> memref<1x1x128x16xf32, #tpu.memory_space<hbm>>
          %dma_start3A_580 = tpu.memref_squeeze %dma_start3A_579 : memref<1x1x128x16xf32, #tpu.memory_space<hbm>> -> memref<128x16xf32, #tpu.memory_space<hbm>>
          %dma_start3A_581 = tpu.memref_slice %arg28[%dma_start3A_572] : memref<2x!tpu.dma_semaphore, #tpu.memory_space<semaphore_mem>> -> memref<1x!tpu.dma_semaphore, #tpu.memory_space<semaphore_mem>>
          %dma_start3A_582 = tpu.memref_squeeze %dma_start3A_581 : memref<1x!tpu.dma_semaphore, #tpu.memory_space<semaphore_mem>> -> memref<!tpu.dma_semaphore, #tpu.memory_space<semaphore_mem>>
          %dma_start3A_583 = arith.constant 0 : i32
          %dma_start3A_584 = arith.constant 0 : i32
          %dma_start3A_585 = tpu.memref_slice %arg26[%dma_start3A_571, %dma_start3A_583, %dma_start3A_584] : memref<2x128x16xf32, #tpu.memory_space<vmem>> -> memref<1x128x16xf32, #tpu.memory_space<vmem>>
          %dma_start3A_586 = tpu.memref_squeeze %dma_start3A_585 : memref<1x128x16xf32, #tpu.memory_space<vmem>> -> memref<128x16xf32, #tpu.memory_space<vmem>>
          %dma_start3A_587 = arith.constant 0 : i32
          %dma_start3A_588 = arith.constant 0 : i32
          %dma_start3A_589 = tpu.memref_slice %arg5[%arg1, %add3A_556, %dma_start3A_587, %dma_start3A_588] : memref<16x14x128x16xf32, #tpu.memory_space<hbm>> -> memref<1x1x128x16xf32, #tpu.memory_space<hbm>>
          %dma_start3A_590 = tpu.memref_squeeze %dma_start3A_589 : memref<1x1x128x16xf32, #tpu.memory_space<hbm>> -> memref<128x16xf32, #tpu.memory_space<hbm>>
          tpu.enqueue_dma source(%dma_start3A_590 : memref<128x16xf32, #tpu.memory_space<hbm>>) target(%dma_start3A_586 : memref<128x16xf32, #tpu.memory_space<vmem>>) target_semaphore(%dma_start3A_582 : memref<!tpu.dma_semaphore, #tpu.memory_space<semaphore_mem>>)
        } else {
        }
      }
      %scan3A_141 = arith.constant 7 : i32
      %dma_wait3A_142 = arith.constant 0 : i32
      %dma_wait3A_143 = arith.constant 12 : i32
      %dma_wait3A_144 = arith.constant 0 : i32
      %dma_wait3A_145 = arith.constant 0 : i32
      %dma_wait3A_146 = arith.constant 0 : i32
      %dma_wait3A_147 = tpu.memref_slice %arg25[%dma_wait3A_142, %dma_wait3A_145, %dma_wait3A_146] : memref<2x128x32xf32, #tpu.memory_space<vmem>> -> memref<1x128x32xf32, #tpu.memory_space<vmem>>
      %dma_wait3A_148 = tpu.memref_squeeze %dma_wait3A_147 : memref<1x128x32xf32, #tpu.memory_space<vmem>> -> memref<128x32xf32, #tpu.memory_space<vmem>>
      %dma_wait3A_149 = arith.constant 0 : i32
      %dma_wait3A_150 = tpu.memref_slice %arg19[%dma_wait3A_143, %dma_wait3A_149] : memref<14x128xi32, #tpu.memory_space<vmem>> -> memref<1x128xi32, #tpu.memory_space<vmem>>
      %dma_wait3A_151 = tpu.memref_squeeze %dma_wait3A_150 : memref<1x128xi32, #tpu.memory_space<vmem>> -> memref<128xi32, #tpu.memory_space<vmem>>
      %dma_wait3A_152 = arith.constant 0 : i32
      %dma_wait3A_153 = arith.constant 0 : i32
      %dma_wait3A_154 = tpu.memref_slice %arg16[%dma_wait3A_152, %dma_wait3A_153] : memref<30848x32xf32, #tpu.memory_space<vmem_shared>> -> memref<30848x32xf32, #tpu.memory_space<vmem_shared>>
      %dma_wait3A_155 = tpu.memref_slice %arg29[%dma_wait3A_144] : memref<2x!tpu.dma_semaphore, #tpu.memory_space<semaphore_mem>> -> memref<1x!tpu.dma_semaphore, #tpu.memory_space<semaphore_mem>>
      %dma_wait3A_156 = tpu.memref_squeeze %dma_wait3A_155 : memref<1x!tpu.dma_semaphore, #tpu.memory_space<semaphore_mem>> -> memref<!tpu.dma_semaphore, #tpu.memory_space<semaphore_mem>>
      tpu.wait_indirect_dma semaphore(%dma_wait3A_156 : memref<!tpu.dma_semaphore, #tpu.memory_space<semaphore_mem>>) src(%dma_wait3A_148 : memref<128x32xf32, #tpu.memory_space<vmem>>) dst(%dma_wait3A_154 : memref<30848x32xf32, #tpu.memory_space<vmem_shared>>)
      %dma_wait3A_157 = arith.constant 1 : i32
      %dma_wait3A_158 = arith.constant 13 : i32
      %dma_wait3A_159 = arith.constant 1 : i32
      %dma_wait3A_160 = arith.constant 0 : i32
      %dma_wait3A_161 = arith.constant 0 : i32
      %dma_wait3A_162 = tpu.memref_slice %arg25[%dma_wait3A_157, %dma_wait3A_160, %dma_wait3A_161] : memref<2x128x32xf32, #tpu.memory_space<vmem>> -> memref<1x128x32xf32, #tpu.memory_space<vmem>>
      %dma_wait3A_163 = tpu.memref_squeeze %dma_wait3A_162 : memref<1x128x32xf32, #tpu.memory_space<vmem>> -> memref<128x32xf32, #tpu.memory_space<vmem>>
      %dma_wait3A_164 = arith.constant 0 : i32
      %dma_wait3A_165 = tpu.memref_slice %arg19[%dma_wait3A_158, %dma_wait3A_164] : memref<14x128xi32, #tpu.memory_space<vmem>> -> memref<1x128xi32, #tpu.memory_space<vmem>>
      %dma_wait3A_166 = tpu.memref_squeeze %dma_wait3A_165 : memref<1x128xi32, #tpu.memory_space<vmem>> -> memref<128xi32, #tpu.memory_space<vmem>>
      %dma_wait3A_167 = arith.constant 0 : i32
      %dma_wait3A_168 = arith.constant 0 : i32
      %dma_wait3A_169 = tpu.memref_slice %arg16[%dma_wait3A_167, %dma_wait3A_168] : memref<30848x32xf32, #tpu.memory_space<vmem_shared>> -> memref<30848x32xf32, #tpu.memory_space<vmem_shared>>
      %dma_wait3A_170 = tpu.memref_slice %arg29[%dma_wait3A_159] : memref<2x!tpu.dma_semaphore, #tpu.memory_space<semaphore_mem>> -> memref<1x!tpu.dma_semaphore, #tpu.memory_space<semaphore_mem>>
      %dma_wait3A_171 = tpu.memref_squeeze %dma_wait3A_170 : memref<1x!tpu.dma_semaphore, #tpu.memory_space<semaphore_mem>> -> memref<!tpu.dma_semaphore, #tpu.memory_space<semaphore_mem>>
      tpu.wait_indirect_dma semaphore(%dma_wait3A_171 : memref<!tpu.dma_semaphore, #tpu.memory_space<semaphore_mem>>) src(%dma_wait3A_163 : memref<128x32xf32, #tpu.memory_space<vmem>>) dst(%dma_wait3A_169 : memref<30848x32xf32, #tpu.memory_space<vmem_shared>>)
      %barrier3A_172 = arith.constant 0 : index
      tpu.barrier barrier_id(%barrier3A_172)
      %dma_start3A_173 = arith.constant 0 : i32
      %dma_start3A_174 = arith.constant 0 : i32
      %dma_start3A_175 = arith.constant 0 : i32
      %dma_start3A_176 = arith.constant 0 : i32
      %dma_start3A_177 = arith.constant 0 : i32
      %dma_start3A_178 = tpu.memref_slice %arg24[%dma_start3A_174, %dma_start3A_176, %dma_start3A_177] : memref<2x128x32xf32, #tpu.memory_space<vmem>> -> memref<1x128x32xf32, #tpu.memory_space<vmem>>
      %dma_start3A_179 = tpu.memref_squeeze %dma_start3A_178 : memref<1x128x32xf32, #tpu.memory_space<vmem>> -> memref<128x32xf32, #tpu.memory_space<vmem>>
      %dma_start3A_180 = arith.constant 0 : i32
      %dma_start3A_181 = tpu.memref_slice %arg20[%dma_start3A_173, %dma_start3A_180] : memref<26x128xi32, #tpu.memory_space<vmem>> -> memref<1x128xi32, #tpu.memory_space<vmem>>
      %dma_start3A_182 = tpu.memref_squeeze %dma_start3A_181 : memref<1x128xi32, #tpu.memory_space<vmem>> -> memref<128xi32, #tpu.memory_space<vmem>>
      %dma_start3A_183 = arith.constant 0 : i32
      %dma_start3A_184 = arith.constant 0 : i32
      %dma_start3A_185 = tpu.memref_slice %arg16[%dma_start3A_183, %dma_start3A_184] : memref<30848x32xf32, #tpu.memory_space<vmem_shared>> -> memref<30848x32xf32, #tpu.memory_space<vmem_shared>>
      %dma_start3A_186 = tpu.memref_slice %arg27[%dma_start3A_175] : memref<2x!tpu.dma_semaphore, #tpu.memory_space<semaphore_mem>> -> memref<1x!tpu.dma_semaphore, #tpu.memory_space<semaphore_mem>>
      %dma_start3A_187 = tpu.memref_squeeze %dma_start3A_186 : memref<1x!tpu.dma_semaphore, #tpu.memory_space<semaphore_mem>> -> memref<!tpu.dma_semaphore, #tpu.memory_space<semaphore_mem>>
      tpu.enqueue_indirect_dma source(%dma_start3A_185 : memref<30848x32xf32, #tpu.memory_space<vmem_shared>>) target(%dma_start3A_179 : memref<128x32xf32, #tpu.memory_space<vmem>>) offsets(%dma_start3A_182 : memref<128xi32, #tpu.memory_space<vmem>>) semaphore(%dma_start3A_187 : memref<!tpu.dma_semaphore, #tpu.memory_space<semaphore_mem>>)
      %dma_start3A_188 = arith.constant 0 : i32
      %dma_start3A_189 = arith.constant 0 : i32
      %dma_start3A_190 = arith.constant 0 : i32
      %dma_start3A_191 = arith.constant 0 : i32
      %dma_start3A_192 = arith.constant 0 : i32
      %dma_start3A_193 = tpu.memref_slice %arg26[%dma_start3A_189, %dma_start3A_191, %dma_start3A_192] : memref<2x128x16xf32, #tpu.memory_space<vmem>> -> memref<1x128x16xf32, #tpu.memory_space<vmem>>
      %dma_start3A_194 = tpu.memref_squeeze %dma_start3A_193 : memref<1x128x16xf32, #tpu.memory_space<vmem>> -> memref<128x16xf32, #tpu.memory_space<vmem>>
      %dma_start3A_195 = arith.constant 0 : i32
      %dma_start3A_196 = arith.constant 0 : i32
      %dma_start3A_197 = tpu.memref_slice %arg9[%arg1, %dma_start3A_188, %dma_start3A_195, %dma_start3A_196] : memref<16x26x128x16xf32, #tpu.memory_space<hbm>> -> memref<1x1x128x16xf32, #tpu.memory_space<hbm>>
      %dma_start3A_198 = tpu.memref_squeeze %dma_start3A_197 : memref<1x1x128x16xf32, #tpu.memory_space<hbm>> -> memref<128x16xf32, #tpu.memory_space<hbm>>
      %dma_start3A_199 = tpu.memref_slice %arg28[%dma_start3A_190] : memref<2x!tpu.dma_semaphore, #tpu.memory_space<semaphore_mem>> -> memref<1x!tpu.dma_semaphore, #tpu.memory_space<semaphore_mem>>
      %dma_start3A_200 = tpu.memref_squeeze %dma_start3A_199 : memref<1x!tpu.dma_semaphore, #tpu.memory_space<semaphore_mem>> -> memref<!tpu.dma_semaphore, #tpu.memory_space<semaphore_mem>>
      %dma_start3A_201 = arith.constant 0 : i32
      %dma_start3A_202 = arith.constant 0 : i32
      %dma_start3A_203 = tpu.memref_slice %arg26[%dma_start3A_189, %dma_start3A_201, %dma_start3A_202] : memref<2x128x16xf32, #tpu.memory_space<vmem>> -> memref<1x128x16xf32, #tpu.memory_space<vmem>>
      %dma_start3A_204 = tpu.memref_squeeze %dma_start3A_203 : memref<1x128x16xf32, #tpu.memory_space<vmem>> -> memref<128x16xf32, #tpu.memory_space<vmem>>
      %dma_start3A_205 = arith.constant 0 : i32
      %dma_start3A_206 = arith.constant 0 : i32
      %dma_start3A_207 = tpu.memref_slice %arg9[%arg1, %dma_start3A_188, %dma_start3A_205, %dma_start3A_206] : memref<16x26x128x16xf32, #tpu.memory_space<hbm>> -> memref<1x1x128x16xf32, #tpu.memory_space<hbm>>
      %dma_start3A_208 = tpu.memref_squeeze %dma_start3A_207 : memref<1x1x128x16xf32, #tpu.memory_space<hbm>> -> memref<128x16xf32, #tpu.memory_space<hbm>>
      tpu.enqueue_dma source(%dma_start3A_208 : memref<128x16xf32, #tpu.memory_space<hbm>>) target(%dma_start3A_204 : memref<128x16xf32, #tpu.memory_space<vmem>>) target_semaphore(%dma_start3A_200 : memref<!tpu.dma_semaphore, #tpu.memory_space<semaphore_mem>>)
      %dma_start3A_209 = arith.constant 1 : i32
      %dma_start3A_210 = arith.constant 1 : i32
      %dma_start3A_211 = arith.constant 1 : i32
      %dma_start3A_212 = arith.constant 0 : i32
      %dma_start3A_213 = arith.constant 0 : i32
      %dma_start3A_214 = tpu.memref_slice %arg24[%dma_start3A_210, %dma_start3A_212, %dma_start3A_213] : memref<2x128x32xf32, #tpu.memory_space<vmem>> -> memref<1x128x32xf32, #tpu.memory_space<vmem>>
      %dma_start3A_215 = tpu.memref_squeeze %dma_start3A_214 : memref<1x128x32xf32, #tpu.memory_space<vmem>> -> memref<128x32xf32, #tpu.memory_space<vmem>>
      %dma_start3A_216 = arith.constant 0 : i32
      %dma_start3A_217 = tpu.memref_slice %arg20[%dma_start3A_209, %dma_start3A_216] : memref<26x128xi32, #tpu.memory_space<vmem>> -> memref<1x128xi32, #tpu.memory_space<vmem>>
      %dma_start3A_218 = tpu.memref_squeeze %dma_start3A_217 : memref<1x128xi32, #tpu.memory_space<vmem>> -> memref<128xi32, #tpu.memory_space<vmem>>
      %dma_start3A_219 = arith.constant 0 : i32
      %dma_start3A_220 = arith.constant 0 : i32
      %dma_start3A_221 = tpu.memref_slice %arg16[%dma_start3A_219, %dma_start3A_220] : memref<30848x32xf32, #tpu.memory_space<vmem_shared>> -> memref<30848x32xf32, #tpu.memory_space<vmem_shared>>
      %dma_start3A_222 = tpu.memref_slice %arg27[%dma_start3A_211] : memref<2x!tpu.dma_semaphore, #tpu.memory_space<semaphore_mem>> -> memref<1x!tpu.dma_semaphore, #tpu.memory_space<semaphore_mem>>
      %dma_start3A_223 = tpu.memref_squeeze %dma_start3A_222 : memref<1x!tpu.dma_semaphore, #tpu.memory_space<semaphore_mem>> -> memref<!tpu.dma_semaphore, #tpu.memory_space<semaphore_mem>>
      tpu.enqueue_indirect_dma source(%dma_start3A_221 : memref<30848x32xf32, #tpu.memory_space<vmem_shared>>) target(%dma_start3A_215 : memref<128x32xf32, #tpu.memory_space<vmem>>) offsets(%dma_start3A_218 : memref<128xi32, #tpu.memory_space<vmem>>) semaphore(%dma_start3A_223 : memref<!tpu.dma_semaphore, #tpu.memory_space<semaphore_mem>>)
      %dma_start3A_224 = arith.constant 1 : i32
      %dma_start3A_225 = arith.constant 1 : i32
      %dma_start3A_226 = arith.constant 1 : i32
      %dma_start3A_227 = arith.constant 0 : i32
      %dma_start3A_228 = arith.constant 0 : i32
      %dma_start3A_229 = tpu.memref_slice %arg26[%dma_start3A_225, %dma_start3A_227, %dma_start3A_228] : memref<2x128x16xf32, #tpu.memory_space<vmem>> -> memref<1x128x16xf32, #tpu.memory_space<vmem>>
      %dma_start3A_230 = tpu.memref_squeeze %dma_start3A_229 : memref<1x128x16xf32, #tpu.memory_space<vmem>> -> memref<128x16xf32, #tpu.memory_space<vmem>>
      %dma_start3A_231 = arith.constant 0 : i32
      %dma_start3A_232 = arith.constant 0 : i32
      %dma_start3A_233 = tpu.memref_slice %arg9[%arg1, %dma_start3A_224, %dma_start3A_231, %dma_start3A_232] : memref<16x26x128x16xf32, #tpu.memory_space<hbm>> -> memref<1x1x128x16xf32, #tpu.memory_space<hbm>>
      %dma_start3A_234 = tpu.memref_squeeze %dma_start3A_233 : memref<1x1x128x16xf32, #tpu.memory_space<hbm>> -> memref<128x16xf32, #tpu.memory_space<hbm>>
      %dma_start3A_235 = tpu.memref_slice %arg28[%dma_start3A_226] : memref<2x!tpu.dma_semaphore, #tpu.memory_space<semaphore_mem>> -> memref<1x!tpu.dma_semaphore, #tpu.memory_space<semaphore_mem>>
      %dma_start3A_236 = tpu.memref_squeeze %dma_start3A_235 : memref<1x!tpu.dma_semaphore, #tpu.memory_space<semaphore_mem>> -> memref<!tpu.dma_semaphore, #tpu.memory_space<semaphore_mem>>
      %dma_start3A_237 = arith.constant 0 : i32
      %dma_start3A_238 = arith.constant 0 : i32
      %dma_start3A_239 = tpu.memref_slice %arg26[%dma_start3A_225, %dma_start3A_237, %dma_start3A_238] : memref<2x128x16xf32, #tpu.memory_space<vmem>> -> memref<1x128x16xf32, #tpu.memory_space<vmem>>
      %dma_start3A_240 = tpu.memref_squeeze %dma_start3A_239 : memref<1x128x16xf32, #tpu.memory_space<vmem>> -> memref<128x16xf32, #tpu.memory_space<vmem>>
      %dma_start3A_241 = arith.constant 0 : i32
      %dma_start3A_242 = arith.constant 0 : i32
      %dma_start3A_243 = tpu.memref_slice %arg9[%arg1, %dma_start3A_224, %dma_start3A_241, %dma_start3A_242] : memref<16x26x128x16xf32, #tpu.memory_space<hbm>> -> memref<1x1x128x16xf32, #tpu.memory_space<hbm>>
      %dma_start3A_244 = tpu.memref_squeeze %dma_start3A_243 : memref<1x1x128x16xf32, #tpu.memory_space<hbm>> -> memref<128x16xf32, #tpu.memory_space<hbm>>
      tpu.enqueue_dma source(%dma_start3A_244 : memref<128x16xf32, #tpu.memory_space<hbm>>) target(%dma_start3A_240 : memref<128x16xf32, #tpu.memory_space<vmem>>) target_semaphore(%dma_start3A_236 : memref<!tpu.dma_semaphore, #tpu.memory_space<semaphore_mem>>)
      %scan3A_245 = arith.constant 0 : i32
      %scan3A_246 = arith.constant 13 : i32
      %scan3A_247 = arith.addi %scan3A_245, %scan3A_246 : i32
      %scan3A_248 = arith.constant 1 : i32
      scf.for %scan3A_403 = %scan3A_245 to %scan3A_247 step %scan3A_248  : i32 {
        %mul3A_404 = arith.constant 1 : i32
        %mul3A_405 = arith.muli %scan3A_403, %mul3A_404 : i32
        %add3A_406 = arith.constant 0 : i32
        %add3A_407 = arith.addi %add3A_406, %mul3A_405 : i32
        %mul3A_408 = arith.constant 2 : i32
        %mul3A_409 = arith.muli %mul3A_408, %add3A_407 : i32
        %add3A_410 = arith.constant 0 : i32
        %add3A_411 = arith.addi %mul3A_409, %add3A_410 : i32
        %dma_wait3A_412 = arith.constant 0 : i32
        %dma_wait3A_413 = arith.constant 0 : i32
        %dma_wait3A_414 = arith.constant 0 : i32
        %dma_wait3A_415 = arith.constant 0 : i32
        %dma_wait3A_416 = tpu.memref_slice %arg24[%dma_wait3A_412, %dma_wait3A_414, %dma_wait3A_415] : memref<2x128x32xf32, #tpu.memory_space<vmem>> -> memref<1x128x32xf32, #tpu.memory_space<vmem>>
        %dma_wait3A_417 = tpu.memref_squeeze %dma_wait3A_416 : memref<1x128x32xf32, #tpu.memory_space<vmem>> -> memref<128x32xf32, #tpu.memory_space<vmem>>
        %dma_wait3A_418 = arith.constant 0 : i32
        %dma_wait3A_419 = tpu.memref_slice %arg20[%add3A_411, %dma_wait3A_418] : memref<26x128xi32, #tpu.memory_space<vmem>> -> memref<1x128xi32, #tpu.memory_space<vmem>>
        %dma_wait3A_420 = tpu.memref_squeeze %dma_wait3A_419 : memref<1x128xi32, #tpu.memory_space<vmem>> -> memref<128xi32, #tpu.memory_space<vmem>>
        %dma_wait3A_421 = arith.constant 0 : i32
        %dma_wait3A_422 = arith.constant 0 : i32
        %dma_wait3A_423 = tpu.memref_slice %arg16[%dma_wait3A_421, %dma_wait3A_422] : memref<30848x32xf32, #tpu.memory_space<vmem_shared>> -> memref<30848x32xf32, #tpu.memory_space<vmem_shared>>
        %dma_wait3A_424 = tpu.memref_slice %arg27[%dma_wait3A_413] : memref<2x!tpu.dma_semaphore, #tpu.memory_space<semaphore_mem>> -> memref<1x!tpu.dma_semaphore, #tpu.memory_space<semaphore_mem>>
        %dma_wait3A_425 = tpu.memref_squeeze %dma_wait3A_424 : memref<1x!tpu.dma_semaphore, #tpu.memory_space<semaphore_mem>> -> memref<!tpu.dma_semaphore, #tpu.memory_space<semaphore_mem>>
        tpu.wait_indirect_dma semaphore(%dma_wait3A_425 : memref<!tpu.dma_semaphore, #tpu.memory_space<semaphore_mem>>) src(%dma_wait3A_423 : memref<30848x32xf32, #tpu.memory_space<vmem_shared>>) dst(%dma_wait3A_417 : memref<128x32xf32, #tpu.memory_space<vmem>>)
        %dma_wait3A_426 = arith.constant 0 : i32
        %dma_wait3A_427 = arith.constant 0 : i32
        %dma_wait3A_428 = arith.constant 0 : i32
        %dma_wait3A_429 = arith.constant 0 : i32
        %dma_wait3A_430 = tpu.memref_slice %arg26[%dma_wait3A_426, %dma_wait3A_428, %dma_wait3A_429] : memref<2x128x16xf32, #tpu.memory_space<vmem>> -> memref<1x128x16xf32, #tpu.memory_space<vmem>>
        %dma_wait3A_431 = tpu.memref_squeeze %dma_wait3A_430 : memref<1x128x16xf32, #tpu.memory_space<vmem>> -> memref<128x16xf32, #tpu.memory_space<vmem>>
        %dma_wait3A_432 = arith.constant 0 : i32
        %dma_wait3A_433 = arith.constant 0 : i32
        %dma_wait3A_434 = tpu.memref_slice %arg9[%arg1, %add3A_411, %dma_wait3A_432, %dma_wait3A_433] : memref<16x26x128x16xf32, #tpu.memory_space<hbm>> -> memref<1x1x128x16xf32, #tpu.memory_space<hbm>>
        %dma_wait3A_435 = tpu.memref_squeeze %dma_wait3A_434 : memref<1x1x128x16xf32, #tpu.memory_space<hbm>> -> memref<128x16xf32, #tpu.memory_space<hbm>>
        %dma_wait3A_436 = tpu.memref_slice %arg28[%dma_wait3A_427] : memref<2x!tpu.dma_semaphore, #tpu.memory_space<semaphore_mem>> -> memref<1x!tpu.dma_semaphore, #tpu.memory_space<semaphore_mem>>
        %dma_wait3A_437 = tpu.memref_squeeze %dma_wait3A_436 : memref<1x!tpu.dma_semaphore, #tpu.memory_space<semaphore_mem>> -> memref<!tpu.dma_semaphore, #tpu.memory_space<semaphore_mem>>
        %dma_wait3A_438 = arith.constant 0 : i32
        %dma_wait3A_439 = arith.constant 0 : i32
        %dma_wait3A_440 = tpu.memref_slice %arg26[%dma_wait3A_426, %dma_wait3A_438, %dma_wait3A_439] : memref<2x128x16xf32, #tpu.memory_space<vmem>> -> memref<1x128x16xf32, #tpu.memory_space<vmem>>
        %dma_wait3A_441 = tpu.memref_squeeze %dma_wait3A_440 : memref<1x128x16xf32, #tpu.memory_space<vmem>> -> memref<128x16xf32, #tpu.memory_space<vmem>>
        %dma_wait3A_442 = arith.constant 0 : i32
        %dma_wait3A_443 = arith.constant 0 : i32
        %dma_wait3A_444 = tpu.memref_slice %arg9[%arg1, %add3A_411, %dma_wait3A_442, %dma_wait3A_443] : memref<16x26x128x16xf32, #tpu.memory_space<hbm>> -> memref<1x1x128x16xf32, #tpu.memory_space<hbm>>
        %dma_wait3A_445 = tpu.memref_squeeze %dma_wait3A_444 : memref<1x1x128x16xf32, #tpu.memory_space<hbm>> -> memref<128x16xf32, #tpu.memory_space<hbm>>
        tpu.wait_dma2 semaphore(%dma_wait3A_437 : memref<!tpu.dma_semaphore, #tpu.memory_space<semaphore_mem>>) src(%dma_wait3A_445 : memref<128x16xf32, #tpu.memory_space<hbm>>) dst(%dma_wait3A_441 : memref<128x16xf32, #tpu.memory_space<vmem>>)
        %add3A_446 = arith.constant 0 : i32
        %add3A_447 = arith.addi %mul3A_409, %add3A_446 : i32
        %ge3A = arith.constant 2 : i32
        %ge3A_448 = arith.cmpi sge, %add3A_447, %ge3A : i32
        %convert_element_type3A = arith.extui %ge3A_448 : i1 to i32
        %cond3A = arith.constant 0 : i32
        %cond3A_449 = arith.cmpi ne, %convert_element_type3A, %cond3A : i32
        scf.if %cond3A_449 {
          %add3A_553 = arith.constant 0 : i32
          %add3A_554 = arith.addi %mul3A_409, %add3A_553 : i32
          %sub3A_555 = arith.constant 2 : i32
          %sub3A_556 = arith.subi %add3A_554, %sub3A_555 : i32
          %dma_wait3A_557 = arith.constant 0 : i32
          %dma_wait3A_558 = arith.constant 0 : i32
          %dma_wait3A_559 = arith.constant 0 : i32
          %dma_wait3A_560 = arith.constant 0 : i32
          %dma_wait3A_561 = tpu.memref_slice %arg25[%dma_wait3A_557, %dma_wait3A_559, %dma_wait3A_560] : memref<2x128x32xf32, #tpu.memory_space<vmem>> -> memref<1x128x32xf32, #tpu.memory_space<vmem>>
          %dma_wait3A_562 = tpu.memref_squeeze %dma_wait3A_561 : memref<1x128x32xf32, #tpu.memory_space<vmem>> -> memref<128x32xf32, #tpu.memory_space<vmem>>
          %dma_wait3A_563 = arith.constant 0 : i32
          %dma_wait3A_564 = tpu.memref_slice %arg21[%sub3A_556, %dma_wait3A_563] : memref<26x128xi32, #tpu.memory_space<vmem>> -> memref<1x128xi32, #tpu.memory_space<vmem>>
          %dma_wait3A_565 = tpu.memref_squeeze %dma_wait3A_564 : memref<1x128xi32, #tpu.memory_space<vmem>> -> memref<128xi32, #tpu.memory_space<vmem>>
          %dma_wait3A_566 = arith.constant 0 : i32
          %dma_wait3A_567 = arith.constant 0 : i32
          %dma_wait3A_568 = tpu.memref_slice %arg16[%dma_wait3A_566, %dma_wait3A_567] : memref<30848x32xf32, #tpu.memory_space<vmem_shared>> -> memref<30848x32xf32, #tpu.memory_space<vmem_shared>>
          %dma_wait3A_569 = tpu.memref_slice %arg29[%dma_wait3A_558] : memref<2x!tpu.dma_semaphore, #tpu.memory_space<semaphore_mem>> -> memref<1x!tpu.dma_semaphore, #tpu.memory_space<semaphore_mem>>
          %dma_wait3A_570 = tpu.memref_squeeze %dma_wait3A_569 : memref<1x!tpu.dma_semaphore, #tpu.memory_space<semaphore_mem>> -> memref<!tpu.dma_semaphore, #tpu.memory_space<semaphore_mem>>
          tpu.wait_indirect_dma semaphore(%dma_wait3A_570 : memref<!tpu.dma_semaphore, #tpu.memory_space<semaphore_mem>>) src(%dma_wait3A_562 : memref<128x32xf32, #tpu.memory_space<vmem>>) dst(%dma_wait3A_568 : memref<30848x32xf32, #tpu.memory_space<vmem_shared>>)
        } else {
        }
        %parallel_loop3A = arith.constant 0 : i32
        %parallel_loop3A_450 = arith.constant 128 : i32
        %parallel_loop3A_451 = arith.constant 1 : i32
        %parallel_loop3A_452 = arith.constant 0 : i32
        %parallel_loop3A_453 = arith.constant 0 : i32
        %parallel_loop3A_454 = arith.constant 0 : i32
        scf.for %parallel_loop3A_553 = %parallel_loop3A to %parallel_loop3A_450 step %parallel_loop3A_451  : i32 {
          %parallel_loop3A_554 = arith.constant 0 : i32
          %parallel_loop3A_555 = arith.constant 0 : i32
          %parallel_loop3A_556 = tpu.memref_slice %arg26[%parallel_loop3A_452, %parallel_loop3A_554, %parallel_loop3A_555] : memref<2x128x16xf32, #tpu.memory_space<vmem>> -> memref<1x128x16xf32, #tpu.memory_space<vmem>>
          %parallel_loop3A_557 = tpu.memref_squeeze %parallel_loop3A_556 : memref<1x128x16xf32, #tpu.memory_space<vmem>> -> memref<128x16xf32, #tpu.memory_space<vmem>>
          %parallel_loop3A_558 = arith.index_cast %parallel_loop3A_553 : i32 to index
          %parallel_loop3A_559 = arith.constant 0 : index
          %parallel_loop3A_560 = tpu.vector_load %parallel_loop3A_557[%parallel_loop3A_558, %parallel_loop3A_559] {strides = array<i32>} : memref<128x16xf32, #tpu.memory_space<vmem>>, vector<1x16xf32>,
          %parallel_loop3A_561 = vector.shape_cast %parallel_loop3A_560 : vector<1x16xf32> to vector<16xf32>
          %parallel_loop3A_562 = arith.constant 0 : i32
          %parallel_loop3A_563 = arith.constant 0 : i32
          %parallel_loop3A_564 = tpu.memref_slice %arg24[%parallel_loop3A_453, %parallel_loop3A_562, %parallel_loop3A_563] : memref<2x128x32xf32, #tpu.memory_space<vmem>> -> memref<1x128x32xf32, #tpu.memory_space<vmem>>
          %parallel_loop3A_565 = tpu.memref_squeeze %parallel_loop3A_564 : memref<1x128x32xf32, #tpu.memory_space<vmem>> -> memref<128x32xf32, #tpu.memory_space<vmem>>
          %parallel_loop3A_566 = arith.index_cast %parallel_loop3A_553 : i32 to index
          %parallel_loop3A_567 = arith.constant 0 : index
          %parallel_loop3A_568 = tpu.vector_load %parallel_loop3A_565[%parallel_loop3A_566, %parallel_loop3A_567] {strides = array<i32>} : memref<128x32xf32, #tpu.memory_space<vmem>>, vector<1x16xf32>,
          %parallel_loop3A_569 = vector.shape_cast %parallel_loop3A_568 : vector<1x16xf32> to vector<16xf32>
          %parallel_loop3A_570 = arith.constant 0.00999999977 : f32
          %parallel_loop3A_571 = vector.broadcast %parallel_loop3A_570 : f32 to vector<16xf32>
          %parallel_loop3A_572 = arith.mulf %parallel_loop3A_569, %parallel_loop3A_571 : vector<16xf32>
          %parallel_loop3A_573 = arith.maximumf %parallel_loop3A_569, %parallel_loop3A_572 : vector<16xf32>
          %parallel_loop3A_574 = arith.mulf %parallel_loop3A_573, %parallel_loop3A_561 : vector<16xf32>
          %parallel_loop3A_575 = arith.constant 0 : i32
          %parallel_loop3A_576 = arith.constant 0 : i32
          %parallel_loop3A_577 = tpu.memref_slice %arg25[%parallel_loop3A_454, %parallel_loop3A_575, %parallel_loop3A_576] : memref<2x128x32xf32, #tpu.memory_space<vmem>> -> memref<1x128x32xf32, #tpu.memory_space<vmem>>
          %parallel_loop3A_578 = tpu.memref_squeeze %parallel_loop3A_577 : memref<1x128x32xf32, #tpu.memory_space<vmem>> -> memref<128x32xf32, #tpu.memory_space<vmem>>
          %parallel_loop3A_579 = arith.index_cast %parallel_loop3A_553 : i32 to index
          %parallel_loop3A_580 = arith.constant 0 : index
          %parallel_loop3A_581 = tpu.vector_load %parallel_loop3A_578[%parallel_loop3A_579, %parallel_loop3A_580] {strides = array<i32>} : memref<128x32xf32, #tpu.memory_space<vmem>>, vector<1x16xf32>,
          %parallel_loop3A_582 = vector.shape_cast %parallel_loop3A_581 : vector<1x16xf32> to vector<16xf32>
          %parallel_loop3A_583 = vector.shape_cast %parallel_loop3A_574 : vector<16xf32> to vector<1x16xf32>
          tpu.vector_store %parallel_loop3A_578[%parallel_loop3A_579, %parallel_loop3A_580], %parallel_loop3A_583 {strides = array<i32>} : memref<128x32xf32, #tpu.memory_space<vmem>>, vector<1x16xf32>,
          %parallel_loop3A_584 = arith.constant 0 : i32
          %parallel_loop3A_585 = arith.constant 0 : i32
          %parallel_loop3A_586 = tpu.memref_slice %arg24[%parallel_loop3A_453, %parallel_loop3A_584, %parallel_loop3A_585] : memref<2x128x32xf32, #tpu.memory_space<vmem>> -> memref<1x128x32xf32, #tpu.memory_space<vmem>>
          %parallel_loop3A_587 = tpu.memref_squeeze %parallel_loop3A_586 : memref<1x128x32xf32, #tpu.memory_space<vmem>> -> memref<128x32xf32, #tpu.memory_space<vmem>>
          %parallel_loop3A_588 = arith.index_cast %parallel_loop3A_553 : i32 to index
          %parallel_loop3A_589 = arith.constant 16 : index
          %parallel_loop3A_590 = tpu.vector_load %parallel_loop3A_587[%parallel_loop3A_588, %parallel_loop3A_589] {strides = array<i32>} : memref<128x32xf32, #tpu.memory_space<vmem>>, vector<1x16xf32>,
          %parallel_loop3A_591 = vector.shape_cast %parallel_loop3A_590 : vector<1x16xf32> to vector<16xf32>
          %parallel_loop3A_592 = arith.constant 0.00999999977 : f32
          %parallel_loop3A_593 = vector.broadcast %parallel_loop3A_592 : f32 to vector<16xf32>
          %parallel_loop3A_594 = arith.mulf %parallel_loop3A_591, %parallel_loop3A_593 : vector<16xf32>
          %parallel_loop3A_595 = arith.maximumf %parallel_loop3A_591, %parallel_loop3A_594 : vector<16xf32>
          %parallel_loop3A_596 = arith.mulf %parallel_loop3A_595, %parallel_loop3A_561 : vector<16xf32>
          %parallel_loop3A_597 = arith.constant 0 : i32
          %parallel_loop3A_598 = arith.constant 0 : i32
          %parallel_loop3A_599 = tpu.memref_slice %arg25[%parallel_loop3A_454, %parallel_loop3A_597, %parallel_loop3A_598] : memref<2x128x32xf32, #tpu.memory_space<vmem>> -> memref<1x128x32xf32, #tpu.memory_space<vmem>>
          %parallel_loop3A_600 = tpu.memref_squeeze %parallel_loop3A_599 : memref<1x128x32xf32, #tpu.memory_space<vmem>> -> memref<128x32xf32, #tpu.memory_space<vmem>>
          %parallel_loop3A_601 = arith.index_cast %parallel_loop3A_553 : i32 to index
          %parallel_loop3A_602 = arith.constant 16 : index
          %parallel_loop3A_603 = tpu.vector_load %parallel_loop3A_600[%parallel_loop3A_601, %parallel_loop3A_602] {strides = array<i32>} : memref<128x32xf32, #tpu.memory_space<vmem>>, vector<1x16xf32>,
          %parallel_loop3A_604 = vector.shape_cast %parallel_loop3A_603 : vector<1x16xf32> to vector<16xf32>
          %parallel_loop3A_605 = vector.shape_cast %parallel_loop3A_596 : vector<16xf32> to vector<1x16xf32>
          tpu.vector_store %parallel_loop3A_600[%parallel_loop3A_601, %parallel_loop3A_602], %parallel_loop3A_605 {strides = array<i32>} : memref<128x32xf32, #tpu.memory_space<vmem>>, vector<1x16xf32>,
        } {sc.loop_unroll_factor = 4 : i64, sc.parallel_access}
        %add3A_455 = arith.constant 0 : i32
        %add3A_456 = arith.addi %mul3A_409, %add3A_455 : i32
        %dma_start3A_457 = arith.constant 0 : i32
        %dma_start3A_458 = arith.constant 0 : i32
        %dma_start3A_459 = arith.constant 0 : i32
        %dma_start3A_460 = arith.constant 0 : i32
        %dma_start3A_461 = tpu.memref_slice %arg25[%dma_start3A_457, %dma_start3A_459, %dma_start3A_460] : memref<2x128x32xf32, #tpu.memory_space<vmem>> -> memref<1x128x32xf32, #tpu.memory_space<vmem>>
        %dma_start3A_462 = tpu.memref_squeeze %dma_start3A_461 : memref<1x128x32xf32, #tpu.memory_space<vmem>> -> memref<128x32xf32, #tpu.memory_space<vmem>>
        %dma_start3A_463 = arith.constant 0 : i32
        %dma_start3A_464 = tpu.memref_slice %arg21[%add3A_456, %dma_start3A_463] : memref<26x128xi32, #tpu.memory_space<vmem>> -> memref<1x128xi32, #tpu.memory_space<vmem>>
        %dma_start3A_465 = tpu.memref_squeeze %dma_start3A_464 : memref<1x128xi32, #tpu.memory_space<vmem>> -> memref<128xi32, #tpu.memory_space<vmem>>
        %dma_start3A_466 = arith.constant 0 : i32
        %dma_start3A_467 = arith.constant 0 : i32
        %dma_start3A_468 = tpu.memref_slice %arg16[%dma_start3A_466, %dma_start3A_467] : memref<30848x32xf32, #tpu.memory_space<vmem_shared>> -> memref<30848x32xf32, #tpu.memory_space<vmem_shared>>
        %dma_start3A_469 = tpu.memref_slice %arg29[%dma_start3A_458] : memref<2x!tpu.dma_semaphore, #tpu.memory_space<semaphore_mem>> -> memref<1x!tpu.dma_semaphore, #tpu.memory_space<semaphore_mem>>
        %dma_start3A_470 = tpu.memref_squeeze %dma_start3A_469 : memref<1x!tpu.dma_semaphore, #tpu.memory_space<semaphore_mem>> -> memref<!tpu.dma_semaphore, #tpu.memory_space<semaphore_mem>>
        tpu.enqueue_indirect_dma source(%dma_start3A_462 : memref<128x32xf32, #tpu.memory_space<vmem>>) target(%dma_start3A_468 : memref<30848x32xf32, #tpu.memory_space<vmem_shared>>) offsets(%dma_start3A_465 : memref<128xi32, #tpu.memory_space<vmem>>) semaphore(%dma_start3A_470 : memref<!tpu.dma_semaphore, #tpu.memory_space<semaphore_mem>>) {add = true}
        %add3A_471 = arith.constant 0 : i32
        %add3A_472 = arith.addi %mul3A_409, %add3A_471 : i32
        %add3A_473 = arith.constant 2 : i32
        %add3A_474 = arith.addi %add3A_472, %add3A_473 : i32
        %lt3A = arith.constant 26 : i32
        %lt3A_475 = arith.cmpi slt, %add3A_474, %lt3A : i32
        %convert_element_type3A_476 = arith.extui %lt3A_475 : i1 to i32
        %cond3A_477 = arith.constant 0 : i32
        %cond3A_478 = arith.cmpi ne, %convert_element_type3A_476, %cond3A_477 : i32
        scf.if %cond3A_478 {
          %add3A_553 = arith.constant 0 : i32
          %add3A_554 = arith.addi %mul3A_409, %add3A_553 : i32
          %add3A_555 = arith.constant 2 : i32
          %add3A_556 = arith.addi %add3A_554, %add3A_555 : i32
          %dma_start3A_557 = arith.constant 0 : i32
          %dma_start3A_558 = arith.constant 0 : i32
          %dma_start3A_559 = arith.constant 0 : i32
          %dma_start3A_560 = arith.constant 0 : i32
          %dma_start3A_561 = tpu.memref_slice %arg24[%dma_start3A_557, %dma_start3A_559, %dma_start3A_560] : memref<2x128x32xf32, #tpu.memory_space<vmem>> -> memref<1x128x32xf32, #tpu.memory_space<vmem>>
          %dma_start3A_562 = tpu.memref_squeeze %dma_start3A_561 : memref<1x128x32xf32, #tpu.memory_space<vmem>> -> memref<128x32xf32, #tpu.memory_space<vmem>>
          %dma_start3A_563 = arith.constant 0 : i32
          %dma_start3A_564 = tpu.memref_slice %arg20[%add3A_556, %dma_start3A_563] : memref<26x128xi32, #tpu.memory_space<vmem>> -> memref<1x128xi32, #tpu.memory_space<vmem>>
          %dma_start3A_565 = tpu.memref_squeeze %dma_start3A_564 : memref<1x128xi32, #tpu.memory_space<vmem>> -> memref<128xi32, #tpu.memory_space<vmem>>
          %dma_start3A_566 = arith.constant 0 : i32
          %dma_start3A_567 = arith.constant 0 : i32
          %dma_start3A_568 = tpu.memref_slice %arg16[%dma_start3A_566, %dma_start3A_567] : memref<30848x32xf32, #tpu.memory_space<vmem_shared>> -> memref<30848x32xf32, #tpu.memory_space<vmem_shared>>
          %dma_start3A_569 = tpu.memref_slice %arg27[%dma_start3A_558] : memref<2x!tpu.dma_semaphore, #tpu.memory_space<semaphore_mem>> -> memref<1x!tpu.dma_semaphore, #tpu.memory_space<semaphore_mem>>
          %dma_start3A_570 = tpu.memref_squeeze %dma_start3A_569 : memref<1x!tpu.dma_semaphore, #tpu.memory_space<semaphore_mem>> -> memref<!tpu.dma_semaphore, #tpu.memory_space<semaphore_mem>>
          tpu.enqueue_indirect_dma source(%dma_start3A_568 : memref<30848x32xf32, #tpu.memory_space<vmem_shared>>) target(%dma_start3A_562 : memref<128x32xf32, #tpu.memory_space<vmem>>) offsets(%dma_start3A_565 : memref<128xi32, #tpu.memory_space<vmem>>) semaphore(%dma_start3A_570 : memref<!tpu.dma_semaphore, #tpu.memory_space<semaphore_mem>>)
          %dma_start3A_571 = arith.constant 0 : i32
          %dma_start3A_572 = arith.constant 0 : i32
          %dma_start3A_573 = arith.constant 0 : i32
          %dma_start3A_574 = arith.constant 0 : i32
          %dma_start3A_575 = tpu.memref_slice %arg26[%dma_start3A_571, %dma_start3A_573, %dma_start3A_574] : memref<2x128x16xf32, #tpu.memory_space<vmem>> -> memref<1x128x16xf32, #tpu.memory_space<vmem>>
          %dma_start3A_576 = tpu.memref_squeeze %dma_start3A_575 : memref<1x128x16xf32, #tpu.memory_space<vmem>> -> memref<128x16xf32, #tpu.memory_space<vmem>>
          %dma_start3A_577 = arith.constant 0 : i32
          %dma_start3A_578 = arith.constant 0 : i32
          %dma_start3A_579 = tpu.memref_slice %arg9[%arg1, %add3A_556, %dma_start3A_577, %dma_start3A_578] : memref<16x26x128x16xf32, #tpu.memory_space<hbm>> -> memref<1x1x128x16xf32, #tpu.memory_space<hbm>>
          %dma_start3A_580 = tpu.memref_squeeze %dma_start3A_579 : memref<1x1x128x16xf32, #tpu.memory_space<hbm>> -> memref<128x16xf32, #tpu.memory_space<hbm>>
          %dma_start3A_581 = tpu.memref_slice %arg28[%dma_start3A_572] : memref<2x!tpu.dma_semaphore, #tpu.memory_space<semaphore_mem>> -> memref<1x!tpu.dma_semaphore, #tpu.memory_space<semaphore_mem>>
          %dma_start3A_582 = tpu.memref_squeeze %dma_start3A_581 : memref<1x!tpu.dma_semaphore, #tpu.memory_space<semaphore_mem>> -> memref<!tpu.dma_semaphore, #tpu.memory_space<semaphore_mem>>
          %dma_start3A_583 = arith.constant 0 : i32
          %dma_start3A_584 = arith.constant 0 : i32
          %dma_start3A_585 = tpu.memref_slice %arg26[%dma_start3A_571, %dma_start3A_583, %dma_start3A_584] : memref<2x128x16xf32, #tpu.memory_space<vmem>> -> memref<1x128x16xf32, #tpu.memory_space<vmem>>
          %dma_start3A_586 = tpu.memref_squeeze %dma_start3A_585 : memref<1x128x16xf32, #tpu.memory_space<vmem>> -> memref<128x16xf32, #tpu.memory_space<vmem>>
          %dma_start3A_587 = arith.constant 0 : i32
          %dma_start3A_588 = arith.constant 0 : i32
          %dma_start3A_589 = tpu.memref_slice %arg9[%arg1, %add3A_556, %dma_start3A_587, %dma_start3A_588] : memref<16x26x128x16xf32, #tpu.memory_space<hbm>> -> memref<1x1x128x16xf32, #tpu.memory_space<hbm>>
          %dma_start3A_590 = tpu.memref_squeeze %dma_start3A_589 : memref<1x1x128x16xf32, #tpu.memory_space<hbm>> -> memref<128x16xf32, #tpu.memory_space<hbm>>
          tpu.enqueue_dma source(%dma_start3A_590 : memref<128x16xf32, #tpu.memory_space<hbm>>) target(%dma_start3A_586 : memref<128x16xf32, #tpu.memory_space<vmem>>) target_semaphore(%dma_start3A_582 : memref<!tpu.dma_semaphore, #tpu.memory_space<semaphore_mem>>)
        } else {
        }
        %add3A_479 = arith.constant 1 : i32
        %add3A_480 = arith.addi %mul3A_409, %add3A_479 : i32
        %dma_wait3A_481 = arith.constant 1 : i32
        %dma_wait3A_482 = arith.constant 1 : i32
        %dma_wait3A_483 = arith.constant 0 : i32
        %dma_wait3A_484 = arith.constant 0 : i32
        %dma_wait3A_485 = tpu.memref_slice %arg24[%dma_wait3A_481, %dma_wait3A_483, %dma_wait3A_484] : memref<2x128x32xf32, #tpu.memory_space<vmem>> -> memref<1x128x32xf32, #tpu.memory_space<vmem>>
        %dma_wait3A_486 = tpu.memref_squeeze %dma_wait3A_485 : memref<1x128x32xf32, #tpu.memory_space<vmem>> -> memref<128x32xf32, #tpu.memory_space<vmem>>
        %dma_wait3A_487 = arith.constant 0 : i32
        %dma_wait3A_488 = tpu.memref_slice %arg20[%add3A_480, %dma_wait3A_487] : memref<26x128xi32, #tpu.memory_space<vmem>> -> memref<1x128xi32, #tpu.memory_space<vmem>>
        %dma_wait3A_489 = tpu.memref_squeeze %dma_wait3A_488 : memref<1x128xi32, #tpu.memory_space<vmem>> -> memref<128xi32, #tpu.memory_space<vmem>>
        %dma_wait3A_490 = arith.constant 0 : i32
        %dma_wait3A_491 = arith.constant 0 : i32
        %dma_wait3A_492 = tpu.memref_slice %arg16[%dma_wait3A_490, %dma_wait3A_491] : memref<30848x32xf32, #tpu.memory_space<vmem_shared>> -> memref<30848x32xf32, #tpu.memory_space<vmem_shared>>
        %dma_wait3A_493 = tpu.memref_slice %arg27[%dma_wait3A_482] : memref<2x!tpu.dma_semaphore, #tpu.memory_space<semaphore_mem>> -> memref<1x!tpu.dma_semaphore, #tpu.memory_space<semaphore_mem>>
        %dma_wait3A_494 = tpu.memref_squeeze %dma_wait3A_493 : memref<1x!tpu.dma_semaphore, #tpu.memory_space<semaphore_mem>> -> memref<!tpu.dma_semaphore, #tpu.memory_space<semaphore_mem>>
        tpu.wait_indirect_dma semaphore(%dma_wait3A_494 : memref<!tpu.dma_semaphore, #tpu.memory_space<semaphore_mem>>) src(%dma_wait3A_492 : memref<30848x32xf32, #tpu.memory_space<vmem_shared>>) dst(%dma_wait3A_486 : memref<128x32xf32, #tpu.memory_space<vmem>>)
        %dma_wait3A_495 = arith.constant 1 : i32
        %dma_wait3A_496 = arith.constant 1 : i32
        %dma_wait3A_497 = arith.constant 0 : i32
        %dma_wait3A_498 = arith.constant 0 : i32
        %dma_wait3A_499 = tpu.memref_slice %arg26[%dma_wait3A_495, %dma_wait3A_497, %dma_wait3A_498] : memref<2x128x16xf32, #tpu.memory_space<vmem>> -> memref<1x128x16xf32, #tpu.memory_space<vmem>>
        %dma_wait3A_500 = tpu.memref_squeeze %dma_wait3A_499 : memref<1x128x16xf32, #tpu.memory_space<vmem>> -> memref<128x16xf32, #tpu.memory_space<vmem>>
        %dma_wait3A_501 = arith.constant 0 : i32
        %dma_wait3A_502 = arith.constant 0 : i32
        %dma_wait3A_503 = tpu.memref_slice %arg9[%arg1, %add3A_480, %dma_wait3A_501, %dma_wait3A_502] : memref<16x26x128x16xf32, #tpu.memory_space<hbm>> -> memref<1x1x128x16xf32, #tpu.memory_space<hbm>>
        %dma_wait3A_504 = tpu.memref_squeeze %dma_wait3A_503 : memref<1x1x128x16xf32, #tpu.memory_space<hbm>> -> memref<128x16xf32, #tpu.memory_space<hbm>>
        %dma_wait3A_505 = tpu.memref_slice %arg28[%dma_wait3A_496] : memref<2x!tpu.dma_semaphore, #tpu.memory_space<semaphore_mem>> -> memref<1x!tpu.dma_semaphore, #tpu.memory_space<semaphore_mem>>
        %dma_wait3A_506 = tpu.memref_squeeze %dma_wait3A_505 : memref<1x!tpu.dma_semaphore, #tpu.memory_space<semaphore_mem>> -> memref<!tpu.dma_semaphore, #tpu.memory_space<semaphore_mem>>
        %dma_wait3A_507 = arith.constant 0 : i32
        %dma_wait3A_508 = arith.constant 0 : i32
        %dma_wait3A_509 = tpu.memref_slice %arg26[%dma_wait3A_495, %dma_wait3A_507, %dma_wait3A_508] : memref<2x128x16xf32, #tpu.memory_space<vmem>> -> memref<1x128x16xf32, #tpu.memory_space<vmem>>
        %dma_wait3A_510 = tpu.memref_squeeze %dma_wait3A_509 : memref<1x128x16xf32, #tpu.memory_space<vmem>> -> memref<128x16xf32, #tpu.memory_space<vmem>>
        %dma_wait3A_511 = arith.constant 0 : i32
        %dma_wait3A_512 = arith.constant 0 : i32
        %dma_wait3A_513 = tpu.memref_slice %arg9[%arg1, %add3A_480, %dma_wait3A_511, %dma_wait3A_512] : memref<16x26x128x16xf32, #tpu.memory_space<hbm>> -> memref<1x1x128x16xf32, #tpu.memory_space<hbm>>
        %dma_wait3A_514 = tpu.memref_squeeze %dma_wait3A_513 : memref<1x1x128x16xf32, #tpu.memory_space<hbm>> -> memref<128x16xf32, #tpu.memory_space<hbm>>
        tpu.wait_dma2 semaphore(%dma_wait3A_506 : memref<!tpu.dma_semaphore, #tpu.memory_space<semaphore_mem>>) src(%dma_wait3A_514 : memref<128x16xf32, #tpu.memory_space<hbm>>) dst(%dma_wait3A_510 : memref<128x16xf32, #tpu.memory_space<vmem>>)
        %add3A_515 = arith.constant 1 : i32
        %add3A_516 = arith.addi %mul3A_409, %add3A_515 : i32
        %ge3A_517 = arith.constant 2 : i32
        %ge3A_518 = arith.cmpi sge, %add3A_516, %ge3A_517 : i32
        %convert_element_type3A_519 = arith.extui %ge3A_518 : i1 to i32
        %cond3A_520 = arith.constant 0 : i32
        %cond3A_521 = arith.cmpi ne, %convert_element_type3A_519, %cond3A_520 : i32
        scf.if %cond3A_521 {
          %add3A_553 = arith.constant 1 : i32
          %add3A_554 = arith.addi %mul3A_409, %add3A_553 : i32
          %sub3A_555 = arith.constant 2 : i32
          %sub3A_556 = arith.subi %add3A_554, %sub3A_555 : i32
          %dma_wait3A_557 = arith.constant 1 : i32
          %dma_wait3A_558 = arith.constant 1 : i32
          %dma_wait3A_559 = arith.constant 0 : i32
          %dma_wait3A_560 = arith.constant 0 : i32
          %dma_wait3A_561 = tpu.memref_slice %arg25[%dma_wait3A_557, %dma_wait3A_559, %dma_wait3A_560] : memref<2x128x32xf32, #tpu.memory_space<vmem>> -> memref<1x128x32xf32, #tpu.memory_space<vmem>>
          %dma_wait3A_562 = tpu.memref_squeeze %dma_wait3A_561 : memref<1x128x32xf32, #tpu.memory_space<vmem>> -> memref<128x32xf32, #tpu.memory_space<vmem>>
          %dma_wait3A_563 = arith.constant 0 : i32
          %dma_wait3A_564 = tpu.memref_slice %arg21[%sub3A_556, %dma_wait3A_563] : memref<26x128xi32, #tpu.memory_space<vmem>> -> memref<1x128xi32, #tpu.memory_space<vmem>>
          %dma_wait3A_565 = tpu.memref_squeeze %dma_wait3A_564 : memref<1x128xi32, #tpu.memory_space<vmem>> -> memref<128xi32, #tpu.memory_space<vmem>>
          %dma_wait3A_566 = arith.constant 0 : i32
          %dma_wait3A_567 = arith.constant 0 : i32
          %dma_wait3A_568 = tpu.memref_slice %arg16[%dma_wait3A_566, %dma_wait3A_567] : memref<30848x32xf32, #tpu.memory_space<vmem_shared>> -> memref<30848x32xf32, #tpu.memory_space<vmem_shared>>
          %dma_wait3A_569 = tpu.memref_slice %arg29[%dma_wait3A_558] : memref<2x!tpu.dma_semaphore, #tpu.memory_space<semaphore_mem>> -> memref<1x!tpu.dma_semaphore, #tpu.memory_space<semaphore_mem>>
          %dma_wait3A_570 = tpu.memref_squeeze %dma_wait3A_569 : memref<1x!tpu.dma_semaphore, #tpu.memory_space<semaphore_mem>> -> memref<!tpu.dma_semaphore, #tpu.memory_space<semaphore_mem>>
          tpu.wait_indirect_dma semaphore(%dma_wait3A_570 : memref<!tpu.dma_semaphore, #tpu.memory_space<semaphore_mem>>) src(%dma_wait3A_562 : memref<128x32xf32, #tpu.memory_space<vmem>>) dst(%dma_wait3A_568 : memref<30848x32xf32, #tpu.memory_space<vmem_shared>>)
        } else {
        }
        %parallel_loop3A_522 = arith.constant 0 : i32
        %parallel_loop3A_523 = arith.constant 128 : i32
        %parallel_loop3A_524 = arith.constant 1 : i32
        %parallel_loop3A_525 = arith.constant 1 : i32
        %parallel_loop3A_526 = arith.constant 1 : i32
        %parallel_loop3A_527 = arith.constant 1 : i32
        scf.for %parallel_loop3A_553 = %parallel_loop3A_522 to %parallel_loop3A_523 step %parallel_loop3A_524  : i32 {
          %parallel_loop3A_554 = arith.constant 0 : i32
          %parallel_loop3A_555 = arith.constant 0 : i32
          %parallel_loop3A_556 = tpu.memref_slice %arg26[%parallel_loop3A_525, %parallel_loop3A_554, %parallel_loop3A_555] : memref<2x128x16xf32, #tpu.memory_space<vmem>> -> memref<1x128x16xf32, #tpu.memory_space<vmem>>
          %parallel_loop3A_557 = tpu.memref_squeeze %parallel_loop3A_556 : memref<1x128x16xf32, #tpu.memory_space<vmem>> -> memref<128x16xf32, #tpu.memory_space<vmem>>
          %parallel_loop3A_558 = arith.index_cast %parallel_loop3A_553 : i32 to index
          %parallel_loop3A_559 = arith.constant 0 : index
          %parallel_loop3A_560 = tpu.vector_load %parallel_loop3A_557[%parallel_loop3A_558, %parallel_loop3A_559] {strides = array<i32>} : memref<128x16xf32, #tpu.memory_space<vmem>>, vector<1x16xf32>,
          %parallel_loop3A_561 = vector.shape_cast %parallel_loop3A_560 : vector<1x16xf32> to vector<16xf32>
          %parallel_loop3A_562 = arith.constant 0 : i32
          %parallel_loop3A_563 = arith.constant 0 : i32
          %parallel_loop3A_564 = tpu.memref_slice %arg24[%parallel_loop3A_526, %parallel_loop3A_562, %parallel_loop3A_563] : memref<2x128x32xf32, #tpu.memory_space<vmem>> -> memref<1x128x32xf32, #tpu.memory_space<vmem>>
          %parallel_loop3A_565 = tpu.memref_squeeze %parallel_loop3A_564 : memref<1x128x32xf32, #tpu.memory_space<vmem>> -> memref<128x32xf32, #tpu.memory_space<vmem>>
          %parallel_loop3A_566 = arith.index_cast %parallel_loop3A_553 : i32 to index
          %parallel_loop3A_567 = arith.constant 0 : index
          %parallel_loop3A_568 = tpu.vector_load %parallel_loop3A_565[%parallel_loop3A_566, %parallel_loop3A_567] {strides = array<i32>} : memref<128x32xf32, #tpu.memory_space<vmem>>, vector<1x16xf32>,
          %parallel_loop3A_569 = vector.shape_cast %parallel_loop3A_568 : vector<1x16xf32> to vector<16xf32>
          %parallel_loop3A_570 = arith.constant 0.00999999977 : f32
          %parallel_loop3A_571 = vector.broadcast %parallel_loop3A_570 : f32 to vector<16xf32>
          %parallel_loop3A_572 = arith.mulf %parallel_loop3A_569, %parallel_loop3A_571 : vector<16xf32>
          %parallel_loop3A_573 = arith.maximumf %parallel_loop3A_569, %parallel_loop3A_572 : vector<16xf32>
          %parallel_loop3A_574 = arith.mulf %parallel_loop3A_573, %parallel_loop3A_561 : vector<16xf32>
          %parallel_loop3A_575 = arith.constant 0 : i32
          %parallel_loop3A_576 = arith.constant 0 : i32
          %parallel_loop3A_577 = tpu.memref_slice %arg25[%parallel_loop3A_527, %parallel_loop3A_575, %parallel_loop3A_576] : memref<2x128x32xf32, #tpu.memory_space<vmem>> -> memref<1x128x32xf32, #tpu.memory_space<vmem>>
          %parallel_loop3A_578 = tpu.memref_squeeze %parallel_loop3A_577 : memref<1x128x32xf32, #tpu.memory_space<vmem>> -> memref<128x32xf32, #tpu.memory_space<vmem>>
          %parallel_loop3A_579 = arith.index_cast %parallel_loop3A_553 : i32 to index
          %parallel_loop3A_580 = arith.constant 0 : index
          %parallel_loop3A_581 = tpu.vector_load %parallel_loop3A_578[%parallel_loop3A_579, %parallel_loop3A_580] {strides = array<i32>} : memref<128x32xf32, #tpu.memory_space<vmem>>, vector<1x16xf32>,
          %parallel_loop3A_582 = vector.shape_cast %parallel_loop3A_581 : vector<1x16xf32> to vector<16xf32>
          %parallel_loop3A_583 = vector.shape_cast %parallel_loop3A_574 : vector<16xf32> to vector<1x16xf32>
          tpu.vector_store %parallel_loop3A_578[%parallel_loop3A_579, %parallel_loop3A_580], %parallel_loop3A_583 {strides = array<i32>} : memref<128x32xf32, #tpu.memory_space<vmem>>, vector<1x16xf32>,
          %parallel_loop3A_584 = arith.constant 0 : i32
          %parallel_loop3A_585 = arith.constant 0 : i32
          %parallel_loop3A_586 = tpu.memref_slice %arg24[%parallel_loop3A_526, %parallel_loop3A_584, %parallel_loop3A_585] : memref<2x128x32xf32, #tpu.memory_space<vmem>> -> memref<1x128x32xf32, #tpu.memory_space<vmem>>
          %parallel_loop3A_587 = tpu.memref_squeeze %parallel_loop3A_586 : memref<1x128x32xf32, #tpu.memory_space<vmem>> -> memref<128x32xf32, #tpu.memory_space<vmem>>
          %parallel_loop3A_588 = arith.index_cast %parallel_loop3A_553 : i32 to index
          %parallel_loop3A_589 = arith.constant 16 : index
          %parallel_loop3A_590 = tpu.vector_load %parallel_loop3A_587[%parallel_loop3A_588, %parallel_loop3A_589] {strides = array<i32>} : memref<128x32xf32, #tpu.memory_space<vmem>>, vector<1x16xf32>,
          %parallel_loop3A_591 = vector.shape_cast %parallel_loop3A_590 : vector<1x16xf32> to vector<16xf32>
          %parallel_loop3A_592 = arith.constant 0.00999999977 : f32
          %parallel_loop3A_593 = vector.broadcast %parallel_loop3A_592 : f32 to vector<16xf32>
          %parallel_loop3A_594 = arith.mulf %parallel_loop3A_591, %parallel_loop3A_593 : vector<16xf32>
          %parallel_loop3A_595 = arith.maximumf %parallel_loop3A_591, %parallel_loop3A_594 : vector<16xf32>
          %parallel_loop3A_596 = arith.mulf %parallel_loop3A_595, %parallel_loop3A_561 : vector<16xf32>
          %parallel_loop3A_597 = arith.constant 0 : i32
          %parallel_loop3A_598 = arith.constant 0 : i32
          %parallel_loop3A_599 = tpu.memref_slice %arg25[%parallel_loop3A_527, %parallel_loop3A_597, %parallel_loop3A_598] : memref<2x128x32xf32, #tpu.memory_space<vmem>> -> memref<1x128x32xf32, #tpu.memory_space<vmem>>
          %parallel_loop3A_600 = tpu.memref_squeeze %parallel_loop3A_599 : memref<1x128x32xf32, #tpu.memory_space<vmem>> -> memref<128x32xf32, #tpu.memory_space<vmem>>
          %parallel_loop3A_601 = arith.index_cast %parallel_loop3A_553 : i32 to index
          %parallel_loop3A_602 = arith.constant 16 : index
          %parallel_loop3A_603 = tpu.vector_load %parallel_loop3A_600[%parallel_loop3A_601, %parallel_loop3A_602] {strides = array<i32>} : memref<128x32xf32, #tpu.memory_space<vmem>>, vector<1x16xf32>,
          %parallel_loop3A_604 = vector.shape_cast %parallel_loop3A_603 : vector<1x16xf32> to vector<16xf32>
          %parallel_loop3A_605 = vector.shape_cast %parallel_loop3A_596 : vector<16xf32> to vector<1x16xf32>
          tpu.vector_store %parallel_loop3A_600[%parallel_loop3A_601, %parallel_loop3A_602], %parallel_loop3A_605 {strides = array<i32>} : memref<128x32xf32, #tpu.memory_space<vmem>>, vector<1x16xf32>,
        } {sc.loop_unroll_factor = 4 : i64, sc.parallel_access}
        %add3A_528 = arith.constant 1 : i32
        %add3A_529 = arith.addi %mul3A_409, %add3A_528 : i32
        %dma_start3A_530 = arith.constant 1 : i32
        %dma_start3A_531 = arith.constant 1 : i32
        %dma_start3A_532 = arith.constant 0 : i32
        %dma_start3A_533 = arith.constant 0 : i32
        %dma_start3A_534 = tpu.memref_slice %arg25[%dma_start3A_530, %dma_start3A_532, %dma_start3A_533] : memref<2x128x32xf32, #tpu.memory_space<vmem>> -> memref<1x128x32xf32, #tpu.memory_space<vmem>>
        %dma_start3A_535 = tpu.memref_squeeze %dma_start3A_534 : memref<1x128x32xf32, #tpu.memory_space<vmem>> -> memref<128x32xf32, #tpu.memory_space<vmem>>
        %dma_start3A_536 = arith.constant 0 : i32
        %dma_start3A_537 = tpu.memref_slice %arg21[%add3A_529, %dma_start3A_536] : memref<26x128xi32, #tpu.memory_space<vmem>> -> memref<1x128xi32, #tpu.memory_space<vmem>>
        %dma_start3A_538 = tpu.memref_squeeze %dma_start3A_537 : memref<1x128xi32, #tpu.memory_space<vmem>> -> memref<128xi32, #tpu.memory_space<vmem>>
        %dma_start3A_539 = arith.constant 0 : i32
        %dma_start3A_540 = arith.constant 0 : i32
        %dma_start3A_541 = tpu.memref_slice %arg16[%dma_start3A_539, %dma_start3A_540] : memref<30848x32xf32, #tpu.memory_space<vmem_shared>> -> memref<30848x32xf32, #tpu.memory_space<vmem_shared>>
        %dma_start3A_542 = tpu.memref_slice %arg29[%dma_start3A_531] : memref<2x!tpu.dma_semaphore, #tpu.memory_space<semaphore_mem>> -> memref<1x!tpu.dma_semaphore, #tpu.memory_space<semaphore_mem>>
        %dma_start3A_543 = tpu.memref_squeeze %dma_start3A_542 : memref<1x!tpu.dma_semaphore, #tpu.memory_space<semaphore_mem>> -> memref<!tpu.dma_semaphore, #tpu.memory_space<semaphore_mem>>
        tpu.enqueue_indirect_dma source(%dma_start3A_535 : memref<128x32xf32, #tpu.memory_space<vmem>>) target(%dma_start3A_541 : memref<30848x32xf32, #tpu.memory_space<vmem_shared>>) offsets(%dma_start3A_538 : memref<128xi32, #tpu.memory_space<vmem>>) semaphore(%dma_start3A_543 : memref<!tpu.dma_semaphore, #tpu.memory_space<semaphore_mem>>) {add = true}
        %add3A_544 = arith.constant 1 : i32
        %add3A_545 = arith.addi %mul3A_409, %add3A_544 : i32
        %add3A_546 = arith.constant 2 : i32
        %add3A_547 = arith.addi %add3A_545, %add3A_546 : i32
        %lt3A_548 = arith.constant 26 : i32
        %lt3A_549 = arith.cmpi slt, %add3A_547, %lt3A_548 : i32
        %convert_element_type3A_550 = arith.extui %lt3A_549 : i1 to i32
        %cond3A_551 = arith.constant 0 : i32
        %cond3A_552 = arith.cmpi ne, %convert_element_type3A_550, %cond3A_551 : i32
        scf.if %cond3A_552 {
          %add3A_553 = arith.constant 1 : i32
          %add3A_554 = arith.addi %mul3A_409, %add3A_553 : i32
          %add3A_555 = arith.constant 2 : i32
          %add3A_556 = arith.addi %add3A_554, %add3A_555 : i32
          %dma_start3A_557 = arith.constant 1 : i32
          %dma_start3A_558 = arith.constant 1 : i32
          %dma_start3A_559 = arith.constant 0 : i32
          %dma_start3A_560 = arith.constant 0 : i32
          %dma_start3A_561 = tpu.memref_slice %arg24[%dma_start3A_557, %dma_start3A_559, %dma_start3A_560] : memref<2x128x32xf32, #tpu.memory_space<vmem>> -> memref<1x128x32xf32, #tpu.memory_space<vmem>>
          %dma_start3A_562 = tpu.memref_squeeze %dma_start3A_561 : memref<1x128x32xf32, #tpu.memory_space<vmem>> -> memref<128x32xf32, #tpu.memory_space<vmem>>
          %dma_start3A_563 = arith.constant 0 : i32
          %dma_start3A_564 = tpu.memref_slice %arg20[%add3A_556, %dma_start3A_563] : memref<26x128xi32, #tpu.memory_space<vmem>> -> memref<1x128xi32, #tpu.memory_space<vmem>>
          %dma_start3A_565 = tpu.memref_squeeze %dma_start3A_564 : memref<1x128xi32, #tpu.memory_space<vmem>> -> memref<128xi32, #tpu.memory_space<vmem>>
          %dma_start3A_566 = arith.constant 0 : i32
          %dma_start3A_567 = arith.constant 0 : i32
          %dma_start3A_568 = tpu.memref_slice %arg16[%dma_start3A_566, %dma_start3A_567] : memref<30848x32xf32, #tpu.memory_space<vmem_shared>> -> memref<30848x32xf32, #tpu.memory_space<vmem_shared>>
          %dma_start3A_569 = tpu.memref_slice %arg27[%dma_start3A_558] : memref<2x!tpu.dma_semaphore, #tpu.memory_space<semaphore_mem>> -> memref<1x!tpu.dma_semaphore, #tpu.memory_space<semaphore_mem>>
          %dma_start3A_570 = tpu.memref_squeeze %dma_start3A_569 : memref<1x!tpu.dma_semaphore, #tpu.memory_space<semaphore_mem>> -> memref<!tpu.dma_semaphore, #tpu.memory_space<semaphore_mem>>
          tpu.enqueue_indirect_dma source(%dma_start3A_568 : memref<30848x32xf32, #tpu.memory_space<vmem_shared>>) target(%dma_start3A_562 : memref<128x32xf32, #tpu.memory_space<vmem>>) offsets(%dma_start3A_565 : memref<128xi32, #tpu.memory_space<vmem>>) semaphore(%dma_start3A_570 : memref<!tpu.dma_semaphore, #tpu.memory_space<semaphore_mem>>)
          %dma_start3A_571 = arith.constant 1 : i32
          %dma_start3A_572 = arith.constant 1 : i32
          %dma_start3A_573 = arith.constant 0 : i32
          %dma_start3A_574 = arith.constant 0 : i32
          %dma_start3A_575 = tpu.memref_slice %arg26[%dma_start3A_571, %dma_start3A_573, %dma_start3A_574] : memref<2x128x16xf32, #tpu.memory_space<vmem>> -> memref<1x128x16xf32, #tpu.memory_space<vmem>>
          %dma_start3A_576 = tpu.memref_squeeze %dma_start3A_575 : memref<1x128x16xf32, #tpu.memory_space<vmem>> -> memref<128x16xf32, #tpu.memory_space<vmem>>
          %dma_start3A_577 = arith.constant 0 : i32
          %dma_start3A_578 = arith.constant 0 : i32
          %dma_start3A_579 = tpu.memref_slice %arg9[%arg1, %add3A_556, %dma_start3A_577, %dma_start3A_578] : memref<16x26x128x16xf32, #tpu.memory_space<hbm>> -> memref<1x1x128x16xf32, #tpu.memory_space<hbm>>
          %dma_start3A_580 = tpu.memref_squeeze %dma_start3A_579 : memref<1x1x128x16xf32, #tpu.memory_space<hbm>> -> memref<128x16xf32, #tpu.memory_space<hbm>>
          %dma_start3A_581 = tpu.memref_slice %arg28[%dma_start3A_572] : memref<2x!tpu.dma_semaphore, #tpu.memory_space<semaphore_mem>> -> memref<1x!tpu.dma_semaphore, #tpu.memory_space<semaphore_mem>>
          %dma_start3A_582 = tpu.memref_squeeze %dma_start3A_581 : memref<1x!tpu.dma_semaphore, #tpu.memory_space<semaphore_mem>> -> memref<!tpu.dma_semaphore, #tpu.memory_space<semaphore_mem>>
          %dma_start3A_583 = arith.constant 0 : i32
          %dma_start3A_584 = arith.constant 0 : i32
          %dma_start3A_585 = tpu.memref_slice %arg26[%dma_start3A_571, %dma_start3A_583, %dma_start3A_584] : memref<2x128x16xf32, #tpu.memory_space<vmem>> -> memref<1x128x16xf32, #tpu.memory_space<vmem>>
          %dma_start3A_586 = tpu.memref_squeeze %dma_start3A_585 : memref<1x128x16xf32, #tpu.memory_space<vmem>> -> memref<128x16xf32, #tpu.memory_space<vmem>>
          %dma_start3A_587 = arith.constant 0 : i32
          %dma_start3A_588 = arith.constant 0 : i32
          %dma_start3A_589 = tpu.memref_slice %arg9[%arg1, %add3A_556, %dma_start3A_587, %dma_start3A_588] : memref<16x26x128x16xf32, #tpu.memory_space<hbm>> -> memref<1x1x128x16xf32, #tpu.memory_space<hbm>>
          %dma_start3A_590 = tpu.memref_squeeze %dma_start3A_589 : memref<1x1x128x16xf32, #tpu.memory_space<hbm>> -> memref<128x16xf32, #tpu.memory_space<hbm>>
          tpu.enqueue_dma source(%dma_start3A_590 : memref<128x16xf32, #tpu.memory_space<hbm>>) target(%dma_start3A_586 : memref<128x16xf32, #tpu.memory_space<vmem>>) target_semaphore(%dma_start3A_582 : memref<!tpu.dma_semaphore, #tpu.memory_space<semaphore_mem>>)
        } else {
        }
      }
      %scan3A_249 = arith.constant 13 : i32
      %dma_wait3A_250 = arith.constant 0 : i32
      %dma_wait3A_251 = arith.constant 24 : i32
      %dma_wait3A_252 = arith.constant 0 : i32
      %dma_wait3A_253 = arith.constant 0 : i32
      %dma_wait3A_254 = arith.constant 0 : i32
      %dma_wait3A_255 = tpu.memref_slice %arg25[%dma_wait3A_250, %dma_wait3A_253, %dma_wait3A_254] : memref<2x128x32xf32, #tpu.memory_space<vmem>> -> memref<1x128x32xf32, #tpu.memory_space<vmem>>
      %dma_wait3A_256 = tpu.memref_squeeze %dma_wait3A_255 : memref<1x128x32xf32, #tpu.memory_space<vmem>> -> memref<128x32xf32, #tpu.memory_space<vmem>>
      %dma_wait3A_257 = arith.constant 0 : i32
      %dma_wait3A_258 = tpu.memref_slice %arg21[%dma_wait3A_251, %dma_wait3A_257] : memref<26x128xi32, #tpu.memory_space<vmem>> -> memref<1x128xi32, #tpu.memory_space<vmem>>
      %dma_wait3A_259 = tpu.memref_squeeze %dma_wait3A_258 : memref<1x128xi32, #tpu.memory_space<vmem>> -> memref<128xi32, #tpu.memory_space<vmem>>
      %dma_wait3A_260 = arith.constant 0 : i32
      %dma_wait3A_261 = arith.constant 0 : i32
      %dma_wait3A_262 = tpu.memref_slice %arg16[%dma_wait3A_260, %dma_wait3A_261] : memref<30848x32xf32, #tpu.memory_space<vmem_shared>> -> memref<30848x32xf32, #tpu.memory_space<vmem_shared>>
      %dma_wait3A_263 = tpu.memref_slice %arg29[%dma_wait3A_252] : memref<2x!tpu.dma_semaphore, #tpu.memory_space<semaphore_mem>> -> memref<1x!tpu.dma_semaphore, #tpu.memory_space<semaphore_mem>>
      %dma_wait3A_264 = tpu.memref_squeeze %dma_wait3A_263 : memref<1x!tpu.dma_semaphore, #tpu.memory_space<semaphore_mem>> -> memref<!tpu.dma_semaphore, #tpu.memory_space<semaphore_mem>>
      tpu.wait_indirect_dma semaphore(%dma_wait3A_264 : memref<!tpu.dma_semaphore, #tpu.memory_space<semaphore_mem>>) src(%dma_wait3A_256 : memref<128x32xf32, #tpu.memory_space<vmem>>) dst(%dma_wait3A_262 : memref<30848x32xf32, #tpu.memory_space<vmem_shared>>)
      %dma_wait3A_265 = arith.constant 1 : i32
      %dma_wait3A_266 = arith.constant 25 : i32
      %dma_wait3A_267 = arith.constant 1 : i32
      %dma_wait3A_268 = arith.constant 0 : i32
      %dma_wait3A_269 = arith.constant 0 : i32
      %dma_wait3A_270 = tpu.memref_slice %arg25[%dma_wait3A_265, %dma_wait3A_268, %dma_wait3A_269] : memref<2x128x32xf32, #tpu.memory_space<vmem>> -> memref<1x128x32xf32, #tpu.memory_space<vmem>>
      %dma_wait3A_271 = tpu.memref_squeeze %dma_wait3A_270 : memref<1x128x32xf32, #tpu.memory_space<vmem>> -> memref<128x32xf32, #tpu.memory_space<vmem>>
      %dma_wait3A_272 = arith.constant 0 : i32
      %dma_wait3A_273 = tpu.memref_slice %arg21[%dma_wait3A_266, %dma_wait3A_272] : memref<26x128xi32, #tpu.memory_space<vmem>> -> memref<1x128xi32, #tpu.memory_space<vmem>>
      %dma_wait3A_274 = tpu.memref_squeeze %dma_wait3A_273 : memref<1x128xi32, #tpu.memory_space<vmem>> -> memref<128xi32, #tpu.memory_space<vmem>>
      %dma_wait3A_275 = arith.constant 0 : i32
      %dma_wait3A_276 = arith.constant 0 : i32
      %dma_wait3A_277 = tpu.memref_slice %arg16[%dma_wait3A_275, %dma_wait3A_276] : memref<30848x32xf32, #tpu.memory_space<vmem_shared>> -> memref<30848x32xf32, #tpu.memory_space<vmem_shared>>
      %dma_wait3A_278 = tpu.memref_slice %arg29[%dma_wait3A_267] : memref<2x!tpu.dma_semaphore, #tpu.memory_space<semaphore_mem>> -> memref<1x!tpu.dma_semaphore, #tpu.memory_space<semaphore_mem>>
      %dma_wait3A_279 = tpu.memref_squeeze %dma_wait3A_278 : memref<1x!tpu.dma_semaphore, #tpu.memory_space<semaphore_mem>> -> memref<!tpu.dma_semaphore, #tpu.memory_space<semaphore_mem>>
      tpu.wait_indirect_dma semaphore(%dma_wait3A_279 : memref<!tpu.dma_semaphore, #tpu.memory_space<semaphore_mem>>) src(%dma_wait3A_271 : memref<128x32xf32, #tpu.memory_space<vmem>>) dst(%dma_wait3A_277 : memref<30848x32xf32, #tpu.memory_space<vmem_shared>>)
      %barrier3A_280 = arith.constant 0 : index
      tpu.barrier barrier_id(%barrier3A_280)
      %mul3A_281 = arith.constant 1128 : i32
      %mul3A_282 = arith.muli %arg1, %mul3A_281 : i32
      %mul3A_283 = arith.constant 1128 : i32
      %mul3A_284 = arith.muli %arg1, %mul3A_283 : i32
      %add3A_285 = arith.constant 12800 : i32
      %add3A_286 = arith.addi %add3A_285, %mul3A_284 : i32
      "tpu.region"() ({
        %run_scoped3A = tpu.sem_alloc : memref<!tpu.dma_semaphore, #tpu.memory_space<semaphore_mem>>
        %dma_start3A_403 = arith.constant 0 : i32
        %dma_start3A_404 = tpu.memref_slice %arg16[%add3A_286, %dma_start3A_403] : memref<30848x32xf32, #tpu.memory_space<vmem_shared>> -> memref<1128x32xf32, #tpu.memory_space<vmem_shared>>
        %dma_start3A_405 = arith.constant 0 : i32
        %dma_start3A_406 = tpu.memref_slice %arg14[%mul3A_282, %dma_start3A_405] : memref<18048x32xf32, #tpu.memory_space<hbm>> -> memref<1128x32xf32, #tpu.memory_space<hbm>>
        tpu.enqueue_dma source(%dma_start3A_406 : memref<1128x32xf32, #tpu.memory_space<hbm>>) target(%dma_start3A_404 : memref<1128x32xf32, #tpu.memory_space<vmem_shared>>) target_semaphore(%run_scoped3A : memref<!tpu.dma_semaphore, #tpu.memory_space<semaphore_mem>>)
        %dma_wait3A_407 = arith.constant 0 : i32
        %dma_wait3A_408 = tpu.memref_slice %arg16[%add3A_286, %dma_wait3A_407] : memref<30848x32xf32, #tpu.memory_space<vmem_shared>> -> memref<1128x32xf32, #tpu.memory_space<vmem_shared>>
        %dma_wait3A_409 = arith.constant 0 : i32
        %dma_wait3A_410 = tpu.memref_slice %arg14[%mul3A_282, %dma_wait3A_409] : memref<18048x32xf32, #tpu.memory_space<hbm>> -> memref<1128x32xf32, #tpu.memory_space<hbm>>
        tpu.wait_dma2 semaphore(%run_scoped3A : memref<!tpu.dma_semaphore, #tpu.memory_space<semaphore_mem>>) src(%dma_wait3A_410 : memref<1128x32xf32, #tpu.memory_space<hbm>>) dst(%dma_wait3A_408 : memref<1128x32xf32, #tpu.memory_space<vmem_shared>>)
        tpu.yield
      }) : () -> ()
      %barrier3A_287 = arith.constant 0 : index
      tpu.barrier barrier_id(%barrier3A_287)
      %dma_start3A_288 = arith.constant 0 : i32
      %dma_start3A_289 = arith.constant 0 : i32
      %dma_start3A_290 = arith.constant 0 : i32
      %dma_start3A_291 = arith.constant 0 : i32
      %dma_start3A_292 = arith.constant 0 : i32
      %dma_start3A_293 = tpu.memref_slice %arg24[%dma_start3A_289, %dma_start3A_291, %dma_start3A_292] : memref<2x128x32xf32, #tpu.memory_space<vmem>> -> memref<1x128x32xf32, #tpu.memory_space<vmem>>
      %dma_start3A_294 = tpu.memref_squeeze %dma_start3A_293 : memref<1x128x32xf32, #tpu.memory_space<vmem>> -> memref<128x32xf32, #tpu.memory_space<vmem>>
      %dma_start3A_295 = arith.constant 0 : i32
      %dma_start3A_296 = tpu.memref_slice %arg22[%dma_start3A_288, %dma_start3A_295] : memref<72x128xi32, #tpu.memory_space<vmem>> -> memref<1x128xi32, #tpu.memory_space<vmem>>
      %dma_start3A_297 = tpu.memref_squeeze %dma_start3A_296 : memref<1x128xi32, #tpu.memory_space<vmem>> -> memref<128xi32, #tpu.memory_space<vmem>>
      %dma_start3A_298 = arith.constant 0 : i32
      %dma_start3A_299 = arith.constant 0 : i32
      %dma_start3A_300 = tpu.memref_slice %arg16[%dma_start3A_298, %dma_start3A_299] : memref<30848x32xf32, #tpu.memory_space<vmem_shared>> -> memref<30848x32xf32, #tpu.memory_space<vmem_shared>>
      %dma_start3A_301 = tpu.memref_slice %arg27[%dma_start3A_290] : memref<2x!tpu.dma_semaphore, #tpu.memory_space<semaphore_mem>> -> memref<1x!tpu.dma_semaphore, #tpu.memory_space<semaphore_mem>>
      %dma_start3A_302 = tpu.memref_squeeze %dma_start3A_301 : memref<1x!tpu.dma_semaphore, #tpu.memory_space<semaphore_mem>> -> memref<!tpu.dma_semaphore, #tpu.memory_space<semaphore_mem>>
      tpu.enqueue_indirect_dma source(%dma_start3A_300 : memref<30848x32xf32, #tpu.memory_space<vmem_shared>>) target(%dma_start3A_294 : memref<128x32xf32, #tpu.memory_space<vmem>>) offsets(%dma_start3A_297 : memref<128xi32, #tpu.memory_space<vmem>>) semaphore(%dma_start3A_302 : memref<!tpu.dma_semaphore, #tpu.memory_space<semaphore_mem>>)
      %dma_start3A_303 = arith.constant 0 : i32
      %dma_start3A_304 = arith.constant 0 : i32
      %dma_start3A_305 = arith.constant 0 : i32
      %dma_start3A_306 = arith.constant 0 : i32
      %dma_start3A_307 = arith.constant 0 : i32
      %dma_start3A_308 = tpu.memref_slice %arg26[%dma_start3A_304, %dma_start3A_306, %dma_start3A_307] : memref<2x128x16xf32, #tpu.memory_space<vmem>> -> memref<1x128x16xf32, #tpu.memory_space<vmem>>
      %dma_start3A_309 = tpu.memref_squeeze %dma_start3A_308 : memref<1x128x16xf32, #tpu.memory_space<vmem>> -> memref<128x16xf32, #tpu.memory_space<vmem>>
      %dma_start3A_310 = arith.constant 0 : i32
      %dma_start3A_311 = arith.constant 0 : i32
      %dma_start3A_312 = tpu.memref_slice %arg13[%arg1, %dma_start3A_303, %dma_start3A_310, %dma_start3A_311] : memref<16x72x128x16xf32, #tpu.memory_space<hbm>> -> memref<1x1x128x16xf32, #tpu.memory_space<hbm>>
      %dma_start3A_313 = tpu.memref_squeeze %dma_start3A_312 : memref<1x1x128x16xf32, #tpu.memory_space<hbm>> -> memref<128x16xf32, #tpu.memory_space<hbm>>
      %dma_start3A_314 = tpu.memref_slice %arg28[%dma_start3A_305] : memref<2x!tpu.dma_semaphore, #tpu.memory_space<semaphore_mem>> -> memref<1x!tpu.dma_semaphore, #tpu.memory_space<semaphore_mem>>
      %dma_start3A_315 = tpu.memref_squeeze %dma_start3A_314 : memref<1x!tpu.dma_semaphore, #tpu.memory_space<semaphore_mem>> -> memref<!tpu.dma_semaphore, #tpu.memory_space<semaphore_mem>>
      %dma_start3A_316 = arith.constant 0 : i32
      %dma_start3A_317 = arith.constant 0 : i32
      %dma_start3A_318 = tpu.memref_slice %arg26[%dma_start3A_304, %dma_start3A_316, %dma_start3A_317] : memref<2x128x16xf32, #tpu.memory_space<vmem>> -> memref<1x128x16xf32, #tpu.memory_space<vmem>>
      %dma_start3A_319 = tpu.memref_squeeze %dma_start3A_318 : memref<1x128x16xf32, #tpu.memory_space<vmem>> -> memref<128x16xf32, #tpu.memory_space<vmem>>
      %dma_start3A_320 = arith.constant 0 : i32
      %dma_start3A_321 = arith.constant 0 : i32
      %dma_start3A_322 = tpu.memref_slice %arg13[%arg1, %dma_start3A_303, %dma_start3A_320, %dma_start3A_321] : memref<16x72x128x16xf32, #tpu.memory_space<hbm>> -> memref<1x1x128x16xf32, #tpu.memory_space<hbm>>
      %dma_start3A_323 = tpu.memref_squeeze %dma_start3A_322 : memref<1x1x128x16xf32, #tpu.memory_space<hbm>> -> memref<128x16xf32, #tpu.memory_space<hbm>>
      tpu.enqueue_dma source(%dma_start3A_323 : memref<128x16xf32, #tpu.memory_space<hbm>>) target(%dma_start3A_319 : memref<128x16xf32, #tpu.memory_space<vmem>>) target_semaphore(%dma_start3A_315 : memref<!tpu.dma_semaphore, #tpu.memory_space<semaphore_mem>>)
      %dma_start3A_324 = arith.constant 1 : i32
      %dma_start3A_325 = arith.constant 1 : i32
      %dma_start3A_326 = arith.constant 1 : i32
      %dma_start3A_327 = arith.constant 0 : i32
      %dma_start3A_328 = arith.constant 0 : i32
      %dma_start3A_329 = tpu.memref_slice %arg24[%dma_start3A_325, %dma_start3A_327, %dma_start3A_328] : memref<2x128x32xf32, #tpu.memory_space<vmem>> -> memref<1x128x32xf32, #tpu.memory_space<vmem>>
      %dma_start3A_330 = tpu.memref_squeeze %dma_start3A_329 : memref<1x128x32xf32, #tpu.memory_space<vmem>> -> memref<128x32xf32, #tpu.memory_space<vmem>>
      %dma_start3A_331 = arith.constant 0 : i32
      %dma_start3A_332 = tpu.memref_slice %arg22[%dma_start3A_324, %dma_start3A_331] : memref<72x128xi32, #tpu.memory_space<vmem>> -> memref<1x128xi32, #tpu.memory_space<vmem>>
      %dma_start3A_333 = tpu.memref_squeeze %dma_start3A_332 : memref<1x128xi32, #tpu.memory_space<vmem>> -> memref<128xi32, #tpu.memory_space<vmem>>
      %dma_start3A_334 = arith.constant 0 : i32
      %dma_start3A_335 = arith.constant 0 : i32
      %dma_start3A_336 = tpu.memref_slice %arg16[%dma_start3A_334, %dma_start3A_335] : memref<30848x32xf32, #tpu.memory_space<vmem_shared>> -> memref<30848x32xf32, #tpu.memory_space<vmem_shared>>
      %dma_start3A_337 = tpu.memref_slice %arg27[%dma_start3A_326] : memref<2x!tpu.dma_semaphore, #tpu.memory_space<semaphore_mem>> -> memref<1x!tpu.dma_semaphore, #tpu.memory_space<semaphore_mem>>
      %dma_start3A_338 = tpu.memref_squeeze %dma_start3A_337 : memref<1x!tpu.dma_semaphore, #tpu.memory_space<semaphore_mem>> -> memref<!tpu.dma_semaphore, #tpu.memory_space<semaphore_mem>>
      tpu.enqueue_indirect_dma source(%dma_start3A_336 : memref<30848x32xf32, #tpu.memory_space<vmem_shared>>) target(%dma_start3A_330 : memref<128x32xf32, #tpu.memory_space<vmem>>) offsets(%dma_start3A_333 : memref<128xi32, #tpu.memory_space<vmem>>) semaphore(%dma_start3A_338 : memref<!tpu.dma_semaphore, #tpu.memory_space<semaphore_mem>>)
      %dma_start3A_339 = arith.constant 1 : i32
      %dma_start3A_340 = arith.constant 1 : i32
      %dma_start3A_341 = arith.constant 1 : i32
      %dma_start3A_342 = arith.constant 0 : i32
      %dma_start3A_343 = arith.constant 0 : i32
      %dma_start3A_344 = tpu.memref_slice %arg26[%dma_start3A_340, %dma_start3A_342, %dma_start3A_343] : memref<2x128x16xf32, #tpu.memory_space<vmem>> -> memref<1x128x16xf32, #tpu.memory_space<vmem>>
      %dma_start3A_345 = tpu.memref_squeeze %dma_start3A_344 : memref<1x128x16xf32, #tpu.memory_space<vmem>> -> memref<128x16xf32, #tpu.memory_space<vmem>>
      %dma_start3A_346 = arith.constant 0 : i32
      %dma_start3A_347 = arith.constant 0 : i32
      %dma_start3A_348 = tpu.memref_slice %arg13[%arg1, %dma_start3A_339, %dma_start3A_346, %dma_start3A_347] : memref<16x72x128x16xf32, #tpu.memory_space<hbm>> -> memref<1x1x128x16xf32, #tpu.memory_space<hbm>>
      %dma_start3A_349 = tpu.memref_squeeze %dma_start3A_348 : memref<1x1x128x16xf32, #tpu.memory_space<hbm>> -> memref<128x16xf32, #tpu.memory_space<hbm>>
      %dma_start3A_350 = tpu.memref_slice %arg28[%dma_start3A_341] : memref<2x!tpu.dma_semaphore, #tpu.memory_space<semaphore_mem>> -> memref<1x!tpu.dma_semaphore, #tpu.memory_space<semaphore_mem>>
      %dma_start3A_351 = tpu.memref_squeeze %dma_start3A_350 : memref<1x!tpu.dma_semaphore, #tpu.memory_space<semaphore_mem>> -> memref<!tpu.dma_semaphore, #tpu.memory_space<semaphore_mem>>
      %dma_start3A_352 = arith.constant 0 : i32
      %dma_start3A_353 = arith.constant 0 : i32
      %dma_start3A_354 = tpu.memref_slice %arg26[%dma_start3A_340, %dma_start3A_352, %dma_start3A_353] : memref<2x128x16xf32, #tpu.memory_space<vmem>> -> memref<1x128x16xf32, #tpu.memory_space<vmem>>
      %dma_start3A_355 = tpu.memref_squeeze %dma_start3A_354 : memref<1x128x16xf32, #tpu.memory_space<vmem>> -> memref<128x16xf32, #tpu.memory_space<vmem>>
      %dma_start3A_356 = arith.constant 0 : i32
      %dma_start3A_357 = arith.constant 0 : i32
      %dma_start3A_358 = tpu.memref_slice %arg13[%arg1, %dma_start3A_339, %dma_start3A_356, %dma_start3A_357] : memref<16x72x128x16xf32, #tpu.memory_space<hbm>> -> memref<1x1x128x16xf32, #tpu.memory_space<hbm>>
      %dma_start3A_359 = tpu.memref_squeeze %dma_start3A_358 : memref<1x1x128x16xf32, #tpu.memory_space<hbm>> -> memref<128x16xf32, #tpu.memory_space<hbm>>
      tpu.enqueue_dma source(%dma_start3A_359 : memref<128x16xf32, #tpu.memory_space<hbm>>) target(%dma_start3A_355 : memref<128x16xf32, #tpu.memory_space<vmem>>) target_semaphore(%dma_start3A_351 : memref<!tpu.dma_semaphore, #tpu.memory_space<semaphore_mem>>)
      %scan3A_360 = arith.constant 0 : i32
      %scan3A_361 = arith.constant 36 : i32
      %scan3A_362 = arith.addi %scan3A_360, %scan3A_361 : i32
      %scan3A_363 = arith.constant 1 : i32
      scf.for %scan3A_403 = %scan3A_360 to %scan3A_362 step %scan3A_363  : i32 {
        %mul3A_404 = arith.constant 1 : i32
        %mul3A_405 = arith.muli %scan3A_403, %mul3A_404 : i32
        %add3A_406 = arith.constant 0 : i32
        %add3A_407 = arith.addi %add3A_406, %mul3A_405 : i32
        %mul3A_408 = arith.constant 2 : i32
        %mul3A_409 = arith.muli %mul3A_408, %add3A_407 : i32
        %add3A_410 = arith.constant 0 : i32
        %add3A_411 = arith.addi %mul3A_409, %add3A_410 : i32
        %dma_wait3A_412 = arith.constant 0 : i32
        %dma_wait3A_413 = arith.constant 0 : i32
        %dma_wait3A_414 = arith.constant 0 : i32
        %dma_wait3A_415 = arith.constant 0 : i32
        %dma_wait3A_416 = tpu.memref_slice %arg24[%dma_wait3A_412, %dma_wait3A_414, %dma_wait3A_415] : memref<2x128x32xf32, #tpu.memory_space<vmem>> -> memref<1x128x32xf32, #tpu.memory_space<vmem>>
        %dma_wait3A_417 = tpu.memref_squeeze %dma_wait3A_416 : memref<1x128x32xf32, #tpu.memory_space<vmem>> -> memref<128x32xf32, #tpu.memory_space<vmem>>
        %dma_wait3A_418 = arith.constant 0 : i32
        %dma_wait3A_419 = tpu.memref_slice %arg22[%add3A_411, %dma_wait3A_418] : memref<72x128xi32, #tpu.memory_space<vmem>> -> memref<1x128xi32, #tpu.memory_space<vmem>>
        %dma_wait3A_420 = tpu.memref_squeeze %dma_wait3A_419 : memref<1x128xi32, #tpu.memory_space<vmem>> -> memref<128xi32, #tpu.memory_space<vmem>>
        %dma_wait3A_421 = arith.constant 0 : i32
        %dma_wait3A_422 = arith.constant 0 : i32
        %dma_wait3A_423 = tpu.memref_slice %arg16[%dma_wait3A_421, %dma_wait3A_422] : memref<30848x32xf32, #tpu.memory_space<vmem_shared>> -> memref<30848x32xf32, #tpu.memory_space<vmem_shared>>
        %dma_wait3A_424 = tpu.memref_slice %arg27[%dma_wait3A_413] : memref<2x!tpu.dma_semaphore, #tpu.memory_space<semaphore_mem>> -> memref<1x!tpu.dma_semaphore, #tpu.memory_space<semaphore_mem>>
        %dma_wait3A_425 = tpu.memref_squeeze %dma_wait3A_424 : memref<1x!tpu.dma_semaphore, #tpu.memory_space<semaphore_mem>> -> memref<!tpu.dma_semaphore, #tpu.memory_space<semaphore_mem>>
        tpu.wait_indirect_dma semaphore(%dma_wait3A_425 : memref<!tpu.dma_semaphore, #tpu.memory_space<semaphore_mem>>) src(%dma_wait3A_423 : memref<30848x32xf32, #tpu.memory_space<vmem_shared>>) dst(%dma_wait3A_417 : memref<128x32xf32, #tpu.memory_space<vmem>>)
        %dma_wait3A_426 = arith.constant 0 : i32
        %dma_wait3A_427 = arith.constant 0 : i32
        %dma_wait3A_428 = arith.constant 0 : i32
        %dma_wait3A_429 = arith.constant 0 : i32
        %dma_wait3A_430 = tpu.memref_slice %arg26[%dma_wait3A_426, %dma_wait3A_428, %dma_wait3A_429] : memref<2x128x16xf32, #tpu.memory_space<vmem>> -> memref<1x128x16xf32, #tpu.memory_space<vmem>>
        %dma_wait3A_431 = tpu.memref_squeeze %dma_wait3A_430 : memref<1x128x16xf32, #tpu.memory_space<vmem>> -> memref<128x16xf32, #tpu.memory_space<vmem>>
        %dma_wait3A_432 = arith.constant 0 : i32
        %dma_wait3A_433 = arith.constant 0 : i32
        %dma_wait3A_434 = tpu.memref_slice %arg13[%arg1, %add3A_411, %dma_wait3A_432, %dma_wait3A_433] : memref<16x72x128x16xf32, #tpu.memory_space<hbm>> -> memref<1x1x128x16xf32, #tpu.memory_space<hbm>>
        %dma_wait3A_435 = tpu.memref_squeeze %dma_wait3A_434 : memref<1x1x128x16xf32, #tpu.memory_space<hbm>> -> memref<128x16xf32, #tpu.memory_space<hbm>>
        %dma_wait3A_436 = tpu.memref_slice %arg28[%dma_wait3A_427] : memref<2x!tpu.dma_semaphore, #tpu.memory_space<semaphore_mem>> -> memref<1x!tpu.dma_semaphore, #tpu.memory_space<semaphore_mem>>
        %dma_wait3A_437 = tpu.memref_squeeze %dma_wait3A_436 : memref<1x!tpu.dma_semaphore, #tpu.memory_space<semaphore_mem>> -> memref<!tpu.dma_semaphore, #tpu.memory_space<semaphore_mem>>
        %dma_wait3A_438 = arith.constant 0 : i32
        %dma_wait3A_439 = arith.constant 0 : i32
        %dma_wait3A_440 = tpu.memref_slice %arg26[%dma_wait3A_426, %dma_wait3A_438, %dma_wait3A_439] : memref<2x128x16xf32, #tpu.memory_space<vmem>> -> memref<1x128x16xf32, #tpu.memory_space<vmem>>
        %dma_wait3A_441 = tpu.memref_squeeze %dma_wait3A_440 : memref<1x128x16xf32, #tpu.memory_space<vmem>> -> memref<128x16xf32, #tpu.memory_space<vmem>>
        %dma_wait3A_442 = arith.constant 0 : i32
        %dma_wait3A_443 = arith.constant 0 : i32
        %dma_wait3A_444 = tpu.memref_slice %arg13[%arg1, %add3A_411, %dma_wait3A_442, %dma_wait3A_443] : memref<16x72x128x16xf32, #tpu.memory_space<hbm>> -> memref<1x1x128x16xf32, #tpu.memory_space<hbm>>
        %dma_wait3A_445 = tpu.memref_squeeze %dma_wait3A_444 : memref<1x1x128x16xf32, #tpu.memory_space<hbm>> -> memref<128x16xf32, #tpu.memory_space<hbm>>
        tpu.wait_dma2 semaphore(%dma_wait3A_437 : memref<!tpu.dma_semaphore, #tpu.memory_space<semaphore_mem>>) src(%dma_wait3A_445 : memref<128x16xf32, #tpu.memory_space<hbm>>) dst(%dma_wait3A_441 : memref<128x16xf32, #tpu.memory_space<vmem>>)
        %add3A_446 = arith.constant 0 : i32
        %add3A_447 = arith.addi %mul3A_409, %add3A_446 : i32
        %ge3A = arith.constant 2 : i32
        %ge3A_448 = arith.cmpi sge, %add3A_447, %ge3A : i32
        %convert_element_type3A = arith.extui %ge3A_448 : i1 to i32
        %cond3A = arith.constant 0 : i32
        %cond3A_449 = arith.cmpi ne, %convert_element_type3A, %cond3A : i32
        scf.if %cond3A_449 {
          %add3A_553 = arith.constant 0 : i32
          %add3A_554 = arith.addi %mul3A_409, %add3A_553 : i32
          %sub3A_555 = arith.constant 2 : i32
          %sub3A_556 = arith.subi %add3A_554, %sub3A_555 : i32
          %dma_wait3A_557 = arith.constant 0 : i32
          %dma_wait3A_558 = arith.constant 0 : i32
          %dma_wait3A_559 = arith.constant 0 : i32
          %dma_wait3A_560 = arith.constant 0 : i32
          %dma_wait3A_561 = tpu.memref_slice %arg25[%dma_wait3A_557, %dma_wait3A_559, %dma_wait3A_560] : memref<2x128x32xf32, #tpu.memory_space<vmem>> -> memref<1x128x32xf32, #tpu.memory_space<vmem>>
          %dma_wait3A_562 = tpu.memref_squeeze %dma_wait3A_561 : memref<1x128x32xf32, #tpu.memory_space<vmem>> -> memref<128x32xf32, #tpu.memory_space<vmem>>
          %dma_wait3A_563 = arith.constant 0 : i32
          %dma_wait3A_564 = tpu.memref_slice %arg23[%sub3A_556, %dma_wait3A_563] : memref<72x128xi32, #tpu.memory_space<vmem>> -> memref<1x128xi32, #tpu.memory_space<vmem>>
          %dma_wait3A_565 = tpu.memref_squeeze %dma_wait3A_564 : memref<1x128xi32, #tpu.memory_space<vmem>> -> memref<128xi32, #tpu.memory_space<vmem>>
          %dma_wait3A_566 = arith.constant 0 : i32
          %dma_wait3A_567 = arith.constant 0 : i32
          %dma_wait3A_568 = tpu.memref_slice %arg16[%dma_wait3A_566, %dma_wait3A_567] : memref<30848x32xf32, #tpu.memory_space<vmem_shared>> -> memref<30848x32xf32, #tpu.memory_space<vmem_shared>>
          %dma_wait3A_569 = tpu.memref_slice %arg29[%dma_wait3A_558] : memref<2x!tpu.dma_semaphore, #tpu.memory_space<semaphore_mem>> -> memref<1x!tpu.dma_semaphore, #tpu.memory_space<semaphore_mem>>
          %dma_wait3A_570 = tpu.memref_squeeze %dma_wait3A_569 : memref<1x!tpu.dma_semaphore, #tpu.memory_space<semaphore_mem>> -> memref<!tpu.dma_semaphore, #tpu.memory_space<semaphore_mem>>
          tpu.wait_indirect_dma semaphore(%dma_wait3A_570 : memref<!tpu.dma_semaphore, #tpu.memory_space<semaphore_mem>>) src(%dma_wait3A_562 : memref<128x32xf32, #tpu.memory_space<vmem>>) dst(%dma_wait3A_568 : memref<30848x32xf32, #tpu.memory_space<vmem_shared>>)
        } else {
        }
        %parallel_loop3A = arith.constant 0 : i32
        %parallel_loop3A_450 = arith.constant 128 : i32
        %parallel_loop3A_451 = arith.constant 1 : i32
        %parallel_loop3A_452 = arith.constant 0 : i32
        %parallel_loop3A_453 = arith.constant 0 : i32
        %parallel_loop3A_454 = arith.constant 0 : i32
        scf.for %parallel_loop3A_553 = %parallel_loop3A to %parallel_loop3A_450 step %parallel_loop3A_451  : i32 {
          %parallel_loop3A_554 = arith.constant 0 : i32
          %parallel_loop3A_555 = arith.constant 0 : i32
          %parallel_loop3A_556 = tpu.memref_slice %arg26[%parallel_loop3A_452, %parallel_loop3A_554, %parallel_loop3A_555] : memref<2x128x16xf32, #tpu.memory_space<vmem>> -> memref<1x128x16xf32, #tpu.memory_space<vmem>>
          %parallel_loop3A_557 = tpu.memref_squeeze %parallel_loop3A_556 : memref<1x128x16xf32, #tpu.memory_space<vmem>> -> memref<128x16xf32, #tpu.memory_space<vmem>>
          %parallel_loop3A_558 = arith.index_cast %parallel_loop3A_553 : i32 to index
          %parallel_loop3A_559 = arith.constant 0 : index
          %parallel_loop3A_560 = tpu.vector_load %parallel_loop3A_557[%parallel_loop3A_558, %parallel_loop3A_559] {strides = array<i32>} : memref<128x16xf32, #tpu.memory_space<vmem>>, vector<1x16xf32>,
          %parallel_loop3A_561 = vector.shape_cast %parallel_loop3A_560 : vector<1x16xf32> to vector<16xf32>
          %parallel_loop3A_562 = arith.constant 0 : i32
          %parallel_loop3A_563 = arith.constant 0 : i32
          %parallel_loop3A_564 = tpu.memref_slice %arg24[%parallel_loop3A_453, %parallel_loop3A_562, %parallel_loop3A_563] : memref<2x128x32xf32, #tpu.memory_space<vmem>> -> memref<1x128x32xf32, #tpu.memory_space<vmem>>
          %parallel_loop3A_565 = tpu.memref_squeeze %parallel_loop3A_564 : memref<1x128x32xf32, #tpu.memory_space<vmem>> -> memref<128x32xf32, #tpu.memory_space<vmem>>
          %parallel_loop3A_566 = arith.index_cast %parallel_loop3A_553 : i32 to index
          %parallel_loop3A_567 = arith.constant 0 : index
          %parallel_loop3A_568 = tpu.vector_load %parallel_loop3A_565[%parallel_loop3A_566, %parallel_loop3A_567] {strides = array<i32>} : memref<128x32xf32, #tpu.memory_space<vmem>>, vector<1x16xf32>,
          %parallel_loop3A_569 = vector.shape_cast %parallel_loop3A_568 : vector<1x16xf32> to vector<16xf32>
          %parallel_loop3A_570 = arith.constant 0.00999999977 : f32
          %parallel_loop3A_571 = vector.broadcast %parallel_loop3A_570 : f32 to vector<16xf32>
          %parallel_loop3A_572 = arith.mulf %parallel_loop3A_569, %parallel_loop3A_571 : vector<16xf32>
          %parallel_loop3A_573 = arith.maximumf %parallel_loop3A_569, %parallel_loop3A_572 : vector<16xf32>
          %parallel_loop3A_574 = arith.mulf %parallel_loop3A_573, %parallel_loop3A_561 : vector<16xf32>
          %parallel_loop3A_575 = arith.constant 0 : i32
          %parallel_loop3A_576 = arith.constant 0 : i32
          %parallel_loop3A_577 = tpu.memref_slice %arg25[%parallel_loop3A_454, %parallel_loop3A_575, %parallel_loop3A_576] : memref<2x128x32xf32, #tpu.memory_space<vmem>> -> memref<1x128x32xf32, #tpu.memory_space<vmem>>
          %parallel_loop3A_578 = tpu.memref_squeeze %parallel_loop3A_577 : memref<1x128x32xf32, #tpu.memory_space<vmem>> -> memref<128x32xf32, #tpu.memory_space<vmem>>
          %parallel_loop3A_579 = arith.index_cast %parallel_loop3A_553 : i32 to index
          %parallel_loop3A_580 = arith.constant 0 : index
          %parallel_loop3A_581 = tpu.vector_load %parallel_loop3A_578[%parallel_loop3A_579, %parallel_loop3A_580] {strides = array<i32>} : memref<128x32xf32, #tpu.memory_space<vmem>>, vector<1x16xf32>,
          %parallel_loop3A_582 = vector.shape_cast %parallel_loop3A_581 : vector<1x16xf32> to vector<16xf32>
          %parallel_loop3A_583 = vector.shape_cast %parallel_loop3A_574 : vector<16xf32> to vector<1x16xf32>
          tpu.vector_store %parallel_loop3A_578[%parallel_loop3A_579, %parallel_loop3A_580], %parallel_loop3A_583 {strides = array<i32>} : memref<128x32xf32, #tpu.memory_space<vmem>>, vector<1x16xf32>,
          %parallel_loop3A_584 = arith.constant 0 : i32
          %parallel_loop3A_585 = arith.constant 0 : i32
          %parallel_loop3A_586 = tpu.memref_slice %arg24[%parallel_loop3A_453, %parallel_loop3A_584, %parallel_loop3A_585] : memref<2x128x32xf32, #tpu.memory_space<vmem>> -> memref<1x128x32xf32, #tpu.memory_space<vmem>>
          %parallel_loop3A_587 = tpu.memref_squeeze %parallel_loop3A_586 : memref<1x128x32xf32, #tpu.memory_space<vmem>> -> memref<128x32xf32, #tpu.memory_space<vmem>>
          %parallel_loop3A_588 = arith.index_cast %parallel_loop3A_553 : i32 to index
          %parallel_loop3A_589 = arith.constant 16 : index
          %parallel_loop3A_590 = tpu.vector_load %parallel_loop3A_587[%parallel_loop3A_588, %parallel_loop3A_589] {strides = array<i32>} : memref<128x32xf32, #tpu.memory_space<vmem>>, vector<1x16xf32>,
          %parallel_loop3A_591 = vector.shape_cast %parallel_loop3A_590 : vector<1x16xf32> to vector<16xf32>
          %parallel_loop3A_592 = arith.constant 0.00999999977 : f32
          %parallel_loop3A_593 = vector.broadcast %parallel_loop3A_592 : f32 to vector<16xf32>
          %parallel_loop3A_594 = arith.mulf %parallel_loop3A_591, %parallel_loop3A_593 : vector<16xf32>
          %parallel_loop3A_595 = arith.maximumf %parallel_loop3A_591, %parallel_loop3A_594 : vector<16xf32>
          %parallel_loop3A_596 = arith.mulf %parallel_loop3A_595, %parallel_loop3A_561 : vector<16xf32>
          %parallel_loop3A_597 = arith.constant 0 : i32
          %parallel_loop3A_598 = arith.constant 0 : i32
          %parallel_loop3A_599 = tpu.memref_slice %arg25[%parallel_loop3A_454, %parallel_loop3A_597, %parallel_loop3A_598] : memref<2x128x32xf32, #tpu.memory_space<vmem>> -> memref<1x128x32xf32, #tpu.memory_space<vmem>>
          %parallel_loop3A_600 = tpu.memref_squeeze %parallel_loop3A_599 : memref<1x128x32xf32, #tpu.memory_space<vmem>> -> memref<128x32xf32, #tpu.memory_space<vmem>>
          %parallel_loop3A_601 = arith.index_cast %parallel_loop3A_553 : i32 to index
          %parallel_loop3A_602 = arith.constant 16 : index
          %parallel_loop3A_603 = tpu.vector_load %parallel_loop3A_600[%parallel_loop3A_601, %parallel_loop3A_602] {strides = array<i32>} : memref<128x32xf32, #tpu.memory_space<vmem>>, vector<1x16xf32>,
          %parallel_loop3A_604 = vector.shape_cast %parallel_loop3A_603 : vector<1x16xf32> to vector<16xf32>
          %parallel_loop3A_605 = vector.shape_cast %parallel_loop3A_596 : vector<16xf32> to vector<1x16xf32>
          tpu.vector_store %parallel_loop3A_600[%parallel_loop3A_601, %parallel_loop3A_602], %parallel_loop3A_605 {strides = array<i32>} : memref<128x32xf32, #tpu.memory_space<vmem>>, vector<1x16xf32>,
        } {sc.loop_unroll_factor = 4 : i64, sc.parallel_access}
        %add3A_455 = arith.constant 0 : i32
        %add3A_456 = arith.addi %mul3A_409, %add3A_455 : i32
        %dma_start3A_457 = arith.constant 0 : i32
        %dma_start3A_458 = arith.constant 0 : i32
        %dma_start3A_459 = arith.constant 0 : i32
        %dma_start3A_460 = arith.constant 0 : i32
        %dma_start3A_461 = tpu.memref_slice %arg25[%dma_start3A_457, %dma_start3A_459, %dma_start3A_460] : memref<2x128x32xf32, #tpu.memory_space<vmem>> -> memref<1x128x32xf32, #tpu.memory_space<vmem>>
        %dma_start3A_462 = tpu.memref_squeeze %dma_start3A_461 : memref<1x128x32xf32, #tpu.memory_space<vmem>> -> memref<128x32xf32, #tpu.memory_space<vmem>>
        %dma_start3A_463 = arith.constant 0 : i32
        %dma_start3A_464 = tpu.memref_slice %arg23[%add3A_456, %dma_start3A_463] : memref<72x128xi32, #tpu.memory_space<vmem>> -> memref<1x128xi32, #tpu.memory_space<vmem>>
        %dma_start3A_465 = tpu.memref_squeeze %dma_start3A_464 : memref<1x128xi32, #tpu.memory_space<vmem>> -> memref<128xi32, #tpu.memory_space<vmem>>
        %dma_start3A_466 = arith.constant 0 : i32
        %dma_start3A_467 = arith.constant 0 : i32
        %dma_start3A_468 = tpu.memref_slice %arg16[%dma_start3A_466, %dma_start3A_467] : memref<30848x32xf32, #tpu.memory_space<vmem_shared>> -> memref<30848x32xf32, #tpu.memory_space<vmem_shared>>
        %dma_start3A_469 = tpu.memref_slice %arg29[%dma_start3A_458] : memref<2x!tpu.dma_semaphore, #tpu.memory_space<semaphore_mem>> -> memref<1x!tpu.dma_semaphore, #tpu.memory_space<semaphore_mem>>
        %dma_start3A_470 = tpu.memref_squeeze %dma_start3A_469 : memref<1x!tpu.dma_semaphore, #tpu.memory_space<semaphore_mem>> -> memref<!tpu.dma_semaphore, #tpu.memory_space<semaphore_mem>>
        tpu.enqueue_indirect_dma source(%dma_start3A_462 : memref<128x32xf32, #tpu.memory_space<vmem>>) target(%dma_start3A_468 : memref<30848x32xf32, #tpu.memory_space<vmem_shared>>) offsets(%dma_start3A_465 : memref<128xi32, #tpu.memory_space<vmem>>) semaphore(%dma_start3A_470 : memref<!tpu.dma_semaphore, #tpu.memory_space<semaphore_mem>>) {add = true}
        %add3A_471 = arith.constant 0 : i32
        %add3A_472 = arith.addi %mul3A_409, %add3A_471 : i32
        %add3A_473 = arith.constant 2 : i32
        %add3A_474 = arith.addi %add3A_472, %add3A_473 : i32
        %lt3A = arith.constant 72 : i32
        %lt3A_475 = arith.cmpi slt, %add3A_474, %lt3A : i32
        %convert_element_type3A_476 = arith.extui %lt3A_475 : i1 to i32
        %cond3A_477 = arith.constant 0 : i32
        %cond3A_478 = arith.cmpi ne, %convert_element_type3A_476, %cond3A_477 : i32
        scf.if %cond3A_478 {
          %add3A_553 = arith.constant 0 : i32
          %add3A_554 = arith.addi %mul3A_409, %add3A_553 : i32
          %add3A_555 = arith.constant 2 : i32
          %add3A_556 = arith.addi %add3A_554, %add3A_555 : i32
          %dma_start3A_557 = arith.constant 0 : i32
          %dma_start3A_558 = arith.constant 0 : i32
          %dma_start3A_559 = arith.constant 0 : i32
          %dma_start3A_560 = arith.constant 0 : i32
          %dma_start3A_561 = tpu.memref_slice %arg24[%dma_start3A_557, %dma_start3A_559, %dma_start3A_560] : memref<2x128x32xf32, #tpu.memory_space<vmem>> -> memref<1x128x32xf32, #tpu.memory_space<vmem>>
          %dma_start3A_562 = tpu.memref_squeeze %dma_start3A_561 : memref<1x128x32xf32, #tpu.memory_space<vmem>> -> memref<128x32xf32, #tpu.memory_space<vmem>>
          %dma_start3A_563 = arith.constant 0 : i32
          %dma_start3A_564 = tpu.memref_slice %arg22[%add3A_556, %dma_start3A_563] : memref<72x128xi32, #tpu.memory_space<vmem>> -> memref<1x128xi32, #tpu.memory_space<vmem>>
          %dma_start3A_565 = tpu.memref_squeeze %dma_start3A_564 : memref<1x128xi32, #tpu.memory_space<vmem>> -> memref<128xi32, #tpu.memory_space<vmem>>
          %dma_start3A_566 = arith.constant 0 : i32
          %dma_start3A_567 = arith.constant 0 : i32
          %dma_start3A_568 = tpu.memref_slice %arg16[%dma_start3A_566, %dma_start3A_567] : memref<30848x32xf32, #tpu.memory_space<vmem_shared>> -> memref<30848x32xf32, #tpu.memory_space<vmem_shared>>
          %dma_start3A_569 = tpu.memref_slice %arg27[%dma_start3A_558] : memref<2x!tpu.dma_semaphore, #tpu.memory_space<semaphore_mem>> -> memref<1x!tpu.dma_semaphore, #tpu.memory_space<semaphore_mem>>
          %dma_start3A_570 = tpu.memref_squeeze %dma_start3A_569 : memref<1x!tpu.dma_semaphore, #tpu.memory_space<semaphore_mem>> -> memref<!tpu.dma_semaphore, #tpu.memory_space<semaphore_mem>>
          tpu.enqueue_indirect_dma source(%dma_start3A_568 : memref<30848x32xf32, #tpu.memory_space<vmem_shared>>) target(%dma_start3A_562 : memref<128x32xf32, #tpu.memory_space<vmem>>) offsets(%dma_start3A_565 : memref<128xi32, #tpu.memory_space<vmem>>) semaphore(%dma_start3A_570 : memref<!tpu.dma_semaphore, #tpu.memory_space<semaphore_mem>>)
          %dma_start3A_571 = arith.constant 0 : i32
          %dma_start3A_572 = arith.constant 0 : i32
          %dma_start3A_573 = arith.constant 0 : i32
          %dma_start3A_574 = arith.constant 0 : i32
          %dma_start3A_575 = tpu.memref_slice %arg26[%dma_start3A_571, %dma_start3A_573, %dma_start3A_574] : memref<2x128x16xf32, #tpu.memory_space<vmem>> -> memref<1x128x16xf32, #tpu.memory_space<vmem>>
          %dma_start3A_576 = tpu.memref_squeeze %dma_start3A_575 : memref<1x128x16xf32, #tpu.memory_space<vmem>> -> memref<128x16xf32, #tpu.memory_space<vmem>>
          %dma_start3A_577 = arith.constant 0 : i32
          %dma_start3A_578 = arith.constant 0 : i32
          %dma_start3A_579 = tpu.memref_slice %arg13[%arg1, %add3A_556, %dma_start3A_577, %dma_start3A_578] : memref<16x72x128x16xf32, #tpu.memory_space<hbm>> -> memref<1x1x128x16xf32, #tpu.memory_space<hbm>>
          %dma_start3A_580 = tpu.memref_squeeze %dma_start3A_579 : memref<1x1x128x16xf32, #tpu.memory_space<hbm>> -> memref<128x16xf32, #tpu.memory_space<hbm>>
          %dma_start3A_581 = tpu.memref_slice %arg28[%dma_start3A_572] : memref<2x!tpu.dma_semaphore, #tpu.memory_space<semaphore_mem>> -> memref<1x!tpu.dma_semaphore, #tpu.memory_space<semaphore_mem>>
          %dma_start3A_582 = tpu.memref_squeeze %dma_start3A_581 : memref<1x!tpu.dma_semaphore, #tpu.memory_space<semaphore_mem>> -> memref<!tpu.dma_semaphore, #tpu.memory_space<semaphore_mem>>
          %dma_start3A_583 = arith.constant 0 : i32
          %dma_start3A_584 = arith.constant 0 : i32
          %dma_start3A_585 = tpu.memref_slice %arg26[%dma_start3A_571, %dma_start3A_583, %dma_start3A_584] : memref<2x128x16xf32, #tpu.memory_space<vmem>> -> memref<1x128x16xf32, #tpu.memory_space<vmem>>
          %dma_start3A_586 = tpu.memref_squeeze %dma_start3A_585 : memref<1x128x16xf32, #tpu.memory_space<vmem>> -> memref<128x16xf32, #tpu.memory_space<vmem>>
          %dma_start3A_587 = arith.constant 0 : i32
          %dma_start3A_588 = arith.constant 0 : i32
          %dma_start3A_589 = tpu.memref_slice %arg13[%arg1, %add3A_556, %dma_start3A_587, %dma_start3A_588] : memref<16x72x128x16xf32, #tpu.memory_space<hbm>> -> memref<1x1x128x16xf32, #tpu.memory_space<hbm>>
          %dma_start3A_590 = tpu.memref_squeeze %dma_start3A_589 : memref<1x1x128x16xf32, #tpu.memory_space<hbm>> -> memref<128x16xf32, #tpu.memory_space<hbm>>
          tpu.enqueue_dma source(%dma_start3A_590 : memref<128x16xf32, #tpu.memory_space<hbm>>) target(%dma_start3A_586 : memref<128x16xf32, #tpu.memory_space<vmem>>) target_semaphore(%dma_start3A_582 : memref<!tpu.dma_semaphore, #tpu.memory_space<semaphore_mem>>)
        } else {
        }
        %add3A_479 = arith.constant 1 : i32
        %add3A_480 = arith.addi %mul3A_409, %add3A_479 : i32
        %dma_wait3A_481 = arith.constant 1 : i32
        %dma_wait3A_482 = arith.constant 1 : i32
        %dma_wait3A_483 = arith.constant 0 : i32
        %dma_wait3A_484 = arith.constant 0 : i32
        %dma_wait3A_485 = tpu.memref_slice %arg24[%dma_wait3A_481, %dma_wait3A_483, %dma_wait3A_484] : memref<2x128x32xf32, #tpu.memory_space<vmem>> -> memref<1x128x32xf32, #tpu.memory_space<vmem>>
        %dma_wait3A_486 = tpu.memref_squeeze %dma_wait3A_485 : memref<1x128x32xf32, #tpu.memory_space<vmem>> -> memref<128x32xf32, #tpu.memory_space<vmem>>
        %dma_wait3A_487 = arith.constant 0 : i32
        %dma_wait3A_488 = tpu.memref_slice %arg22[%add3A_480, %dma_wait3A_487] : memref<72x128xi32, #tpu.memory_space<vmem>> -> memref<1x128xi32, #tpu.memory_space<vmem>>
        %dma_wait3A_489 = tpu.memref_squeeze %dma_wait3A_488 : memref<1x128xi32, #tpu.memory_space<vmem>> -> memref<128xi32, #tpu.memory_space<vmem>>
        %dma_wait3A_490 = arith.constant 0 : i32
        %dma_wait3A_491 = arith.constant 0 : i32
        %dma_wait3A_492 = tpu.memref_slice %arg16[%dma_wait3A_490, %dma_wait3A_491] : memref<30848x32xf32, #tpu.memory_space<vmem_shared>> -> memref<30848x32xf32, #tpu.memory_space<vmem_shared>>
        %dma_wait3A_493 = tpu.memref_slice %arg27[%dma_wait3A_482] : memref<2x!tpu.dma_semaphore, #tpu.memory_space<semaphore_mem>> -> memref<1x!tpu.dma_semaphore, #tpu.memory_space<semaphore_mem>>
        %dma_wait3A_494 = tpu.memref_squeeze %dma_wait3A_493 : memref<1x!tpu.dma_semaphore, #tpu.memory_space<semaphore_mem>> -> memref<!tpu.dma_semaphore, #tpu.memory_space<semaphore_mem>>
        tpu.wait_indirect_dma semaphore(%dma_wait3A_494 : memref<!tpu.dma_semaphore, #tpu.memory_space<semaphore_mem>>) src(%dma_wait3A_492 : memref<30848x32xf32, #tpu.memory_space<vmem_shared>>) dst(%dma_wait3A_486 : memref<128x32xf32, #tpu.memory_space<vmem>>)
        %dma_wait3A_495 = arith.constant 1 : i32
        %dma_wait3A_496 = arith.constant 1 : i32
        %dma_wait3A_497 = arith.constant 0 : i32
        %dma_wait3A_498 = arith.constant 0 : i32
        %dma_wait3A_499 = tpu.memref_slice %arg26[%dma_wait3A_495, %dma_wait3A_497, %dma_wait3A_498] : memref<2x128x16xf32, #tpu.memory_space<vmem>> -> memref<1x128x16xf32, #tpu.memory_space<vmem>>
        %dma_wait3A_500 = tpu.memref_squeeze %dma_wait3A_499 : memref<1x128x16xf32, #tpu.memory_space<vmem>> -> memref<128x16xf32, #tpu.memory_space<vmem>>
        %dma_wait3A_501 = arith.constant 0 : i32
        %dma_wait3A_502 = arith.constant 0 : i32
        %dma_wait3A_503 = tpu.memref_slice %arg13[%arg1, %add3A_480, %dma_wait3A_501, %dma_wait3A_502] : memref<16x72x128x16xf32, #tpu.memory_space<hbm>> -> memref<1x1x128x16xf32, #tpu.memory_space<hbm>>
        %dma_wait3A_504 = tpu.memref_squeeze %dma_wait3A_503 : memref<1x1x128x16xf32, #tpu.memory_space<hbm>> -> memref<128x16xf32, #tpu.memory_space<hbm>>
        %dma_wait3A_505 = tpu.memref_slice %arg28[%dma_wait3A_496] : memref<2x!tpu.dma_semaphore, #tpu.memory_space<semaphore_mem>> -> memref<1x!tpu.dma_semaphore, #tpu.memory_space<semaphore_mem>>
        %dma_wait3A_506 = tpu.memref_squeeze %dma_wait3A_505 : memref<1x!tpu.dma_semaphore, #tpu.memory_space<semaphore_mem>> -> memref<!tpu.dma_semaphore, #tpu.memory_space<semaphore_mem>>
        %dma_wait3A_507 = arith.constant 0 : i32
        %dma_wait3A_508 = arith.constant 0 : i32
        %dma_wait3A_509 = tpu.memref_slice %arg26[%dma_wait3A_495, %dma_wait3A_507, %dma_wait3A_508] : memref<2x128x16xf32, #tpu.memory_space<vmem>> -> memref<1x128x16xf32, #tpu.memory_space<vmem>>
        %dma_wait3A_510 = tpu.memref_squeeze %dma_wait3A_509 : memref<1x128x16xf32, #tpu.memory_space<vmem>> -> memref<128x16xf32, #tpu.memory_space<vmem>>
        %dma_wait3A_511 = arith.constant 0 : i32
        %dma_wait3A_512 = arith.constant 0 : i32
        %dma_wait3A_513 = tpu.memref_slice %arg13[%arg1, %add3A_480, %dma_wait3A_511, %dma_wait3A_512] : memref<16x72x128x16xf32, #tpu.memory_space<hbm>> -> memref<1x1x128x16xf32, #tpu.memory_space<hbm>>
        %dma_wait3A_514 = tpu.memref_squeeze %dma_wait3A_513 : memref<1x1x128x16xf32, #tpu.memory_space<hbm>> -> memref<128x16xf32, #tpu.memory_space<hbm>>
        tpu.wait_dma2 semaphore(%dma_wait3A_506 : memref<!tpu.dma_semaphore, #tpu.memory_space<semaphore_mem>>) src(%dma_wait3A_514 : memref<128x16xf32, #tpu.memory_space<hbm>>) dst(%dma_wait3A_510 : memref<128x16xf32, #tpu.memory_space<vmem>>)
        %add3A_515 = arith.constant 1 : i32
        %add3A_516 = arith.addi %mul3A_409, %add3A_515 : i32
        %ge3A_517 = arith.constant 2 : i32
        %ge3A_518 = arith.cmpi sge, %add3A_516, %ge3A_517 : i32
        %convert_element_type3A_519 = arith.extui %ge3A_518 : i1 to i32
        %cond3A_520 = arith.constant 0 : i32
        %cond3A_521 = arith.cmpi ne, %convert_element_type3A_519, %cond3A_520 : i32
        scf.if %cond3A_521 {
          %add3A_553 = arith.constant 1 : i32
          %add3A_554 = arith.addi %mul3A_409, %add3A_553 : i32
          %sub3A_555 = arith.constant 2 : i32
          %sub3A_556 = arith.subi %add3A_554, %sub3A_555 : i32
          %dma_wait3A_557 = arith.constant 1 : i32
          %dma_wait3A_558 = arith.constant 1 : i32
          %dma_wait3A_559 = arith.constant 0 : i32
          %dma_wait3A_560 = arith.constant 0 : i32
          %dma_wait3A_561 = tpu.memref_slice %arg25[%dma_wait3A_557, %dma_wait3A_559, %dma_wait3A_560] : memref<2x128x32xf32, #tpu.memory_space<vmem>> -> memref<1x128x32xf32, #tpu.memory_space<vmem>>
          %dma_wait3A_562 = tpu.memref_squeeze %dma_wait3A_561 : memref<1x128x32xf32, #tpu.memory_space<vmem>> -> memref<128x32xf32, #tpu.memory_space<vmem>>
          %dma_wait3A_563 = arith.constant 0 : i32
          %dma_wait3A_564 = tpu.memref_slice %arg23[%sub3A_556, %dma_wait3A_563] : memref<72x128xi32, #tpu.memory_space<vmem>> -> memref<1x128xi32, #tpu.memory_space<vmem>>
          %dma_wait3A_565 = tpu.memref_squeeze %dma_wait3A_564 : memref<1x128xi32, #tpu.memory_space<vmem>> -> memref<128xi32, #tpu.memory_space<vmem>>
          %dma_wait3A_566 = arith.constant 0 : i32
          %dma_wait3A_567 = arith.constant 0 : i32
          %dma_wait3A_568 = tpu.memref_slice %arg16[%dma_wait3A_566, %dma_wait3A_567] : memref<30848x32xf32, #tpu.memory_space<vmem_shared>> -> memref<30848x32xf32, #tpu.memory_space<vmem_shared>>
          %dma_wait3A_569 = tpu.memref_slice %arg29[%dma_wait3A_558] : memref<2x!tpu.dma_semaphore, #tpu.memory_space<semaphore_mem>> -> memref<1x!tpu.dma_semaphore, #tpu.memory_space<semaphore_mem>>
          %dma_wait3A_570 = tpu.memref_squeeze %dma_wait3A_569 : memref<1x!tpu.dma_semaphore, #tpu.memory_space<semaphore_mem>> -> memref<!tpu.dma_semaphore, #tpu.memory_space<semaphore_mem>>
          tpu.wait_indirect_dma semaphore(%dma_wait3A_570 : memref<!tpu.dma_semaphore, #tpu.memory_space<semaphore_mem>>) src(%dma_wait3A_562 : memref<128x32xf32, #tpu.memory_space<vmem>>) dst(%dma_wait3A_568 : memref<30848x32xf32, #tpu.memory_space<vmem_shared>>)
        } else {
        }
        %parallel_loop3A_522 = arith.constant 0 : i32
        %parallel_loop3A_523 = arith.constant 128 : i32
        %parallel_loop3A_524 = arith.constant 1 : i32
        %parallel_loop3A_525 = arith.constant 1 : i32
        %parallel_loop3A_526 = arith.constant 1 : i32
        %parallel_loop3A_527 = arith.constant 1 : i32
        scf.for %parallel_loop3A_553 = %parallel_loop3A_522 to %parallel_loop3A_523 step %parallel_loop3A_524  : i32 {
          %parallel_loop3A_554 = arith.constant 0 : i32
          %parallel_loop3A_555 = arith.constant 0 : i32
          %parallel_loop3A_556 = tpu.memref_slice %arg26[%parallel_loop3A_525, %parallel_loop3A_554, %parallel_loop3A_555] : memref<2x128x16xf32, #tpu.memory_space<vmem>> -> memref<1x128x16xf32, #tpu.memory_space<vmem>>
          %parallel_loop3A_557 = tpu.memref_squeeze %parallel_loop3A_556 : memref<1x128x16xf32, #tpu.memory_space<vmem>> -> memref<128x16xf32, #tpu.memory_space<vmem>>
          %parallel_loop3A_558 = arith.index_cast %parallel_loop3A_553 : i32 to index
          %parallel_loop3A_559 = arith.constant 0 : index
          %parallel_loop3A_560 = tpu.vector_load %parallel_loop3A_557[%parallel_loop3A_558, %parallel_loop3A_559] {strides = array<i32>} : memref<128x16xf32, #tpu.memory_space<vmem>>, vector<1x16xf32>,
          %parallel_loop3A_561 = vector.shape_cast %parallel_loop3A_560 : vector<1x16xf32> to vector<16xf32>
          %parallel_loop3A_562 = arith.constant 0 : i32
          %parallel_loop3A_563 = arith.constant 0 : i32
          %parallel_loop3A_564 = tpu.memref_slice %arg24[%parallel_loop3A_526, %parallel_loop3A_562, %parallel_loop3A_563] : memref<2x128x32xf32, #tpu.memory_space<vmem>> -> memref<1x128x32xf32, #tpu.memory_space<vmem>>
          %parallel_loop3A_565 = tpu.memref_squeeze %parallel_loop3A_564 : memref<1x128x32xf32, #tpu.memory_space<vmem>> -> memref<128x32xf32, #tpu.memory_space<vmem>>
          %parallel_loop3A_566 = arith.index_cast %parallel_loop3A_553 : i32 to index
          %parallel_loop3A_567 = arith.constant 0 : index
          %parallel_loop3A_568 = tpu.vector_load %parallel_loop3A_565[%parallel_loop3A_566, %parallel_loop3A_567] {strides = array<i32>} : memref<128x32xf32, #tpu.memory_space<vmem>>, vector<1x16xf32>,
          %parallel_loop3A_569 = vector.shape_cast %parallel_loop3A_568 : vector<1x16xf32> to vector<16xf32>
          %parallel_loop3A_570 = arith.constant 0.00999999977 : f32
          %parallel_loop3A_571 = vector.broadcast %parallel_loop3A_570 : f32 to vector<16xf32>
          %parallel_loop3A_572 = arith.mulf %parallel_loop3A_569, %parallel_loop3A_571 : vector<16xf32>
          %parallel_loop3A_573 = arith.maximumf %parallel_loop3A_569, %parallel_loop3A_572 : vector<16xf32>
          %parallel_loop3A_574 = arith.mulf %parallel_loop3A_573, %parallel_loop3A_561 : vector<16xf32>
          %parallel_loop3A_575 = arith.constant 0 : i32
          %parallel_loop3A_576 = arith.constant 0 : i32
          %parallel_loop3A_577 = tpu.memref_slice %arg25[%parallel_loop3A_527, %parallel_loop3A_575, %parallel_loop3A_576] : memref<2x128x32xf32, #tpu.memory_space<vmem>> -> memref<1x128x32xf32, #tpu.memory_space<vmem>>
          %parallel_loop3A_578 = tpu.memref_squeeze %parallel_loop3A_577 : memref<1x128x32xf32, #tpu.memory_space<vmem>> -> memref<128x32xf32, #tpu.memory_space<vmem>>
          %parallel_loop3A_579 = arith.index_cast %parallel_loop3A_553 : i32 to index
          %parallel_loop3A_580 = arith.constant 0 : index
          %parallel_loop3A_581 = tpu.vector_load %parallel_loop3A_578[%parallel_loop3A_579, %parallel_loop3A_580] {strides = array<i32>} : memref<128x32xf32, #tpu.memory_space<vmem>>, vector<1x16xf32>,
          %parallel_loop3A_582 = vector.shape_cast %parallel_loop3A_581 : vector<1x16xf32> to vector<16xf32>
          %parallel_loop3A_583 = vector.shape_cast %parallel_loop3A_574 : vector<16xf32> to vector<1x16xf32>
          tpu.vector_store %parallel_loop3A_578[%parallel_loop3A_579, %parallel_loop3A_580], %parallel_loop3A_583 {strides = array<i32>} : memref<128x32xf32, #tpu.memory_space<vmem>>, vector<1x16xf32>,
          %parallel_loop3A_584 = arith.constant 0 : i32
          %parallel_loop3A_585 = arith.constant 0 : i32
          %parallel_loop3A_586 = tpu.memref_slice %arg24[%parallel_loop3A_526, %parallel_loop3A_584, %parallel_loop3A_585] : memref<2x128x32xf32, #tpu.memory_space<vmem>> -> memref<1x128x32xf32, #tpu.memory_space<vmem>>
          %parallel_loop3A_587 = tpu.memref_squeeze %parallel_loop3A_586 : memref<1x128x32xf32, #tpu.memory_space<vmem>> -> memref<128x32xf32, #tpu.memory_space<vmem>>
          %parallel_loop3A_588 = arith.index_cast %parallel_loop3A_553 : i32 to index
          %parallel_loop3A_589 = arith.constant 16 : index
          %parallel_loop3A_590 = tpu.vector_load %parallel_loop3A_587[%parallel_loop3A_588, %parallel_loop3A_589] {strides = array<i32>} : memref<128x32xf32, #tpu.memory_space<vmem>>, vector<1x16xf32>,
          %parallel_loop3A_591 = vector.shape_cast %parallel_loop3A_590 : vector<1x16xf32> to vector<16xf32>
          %parallel_loop3A_592 = arith.constant 0.00999999977 : f32
          %parallel_loop3A_593 = vector.broadcast %parallel_loop3A_592 : f32 to vector<16xf32>
          %parallel_loop3A_594 = arith.mulf %parallel_loop3A_591, %parallel_loop3A_593 : vector<16xf32>
          %parallel_loop3A_595 = arith.maximumf %parallel_loop3A_591, %parallel_loop3A_594 : vector<16xf32>
          %parallel_loop3A_596 = arith.mulf %parallel_loop3A_595, %parallel_loop3A_561 : vector<16xf32>
          %parallel_loop3A_597 = arith.constant 0 : i32
          %parallel_loop3A_598 = arith.constant 0 : i32
          %parallel_loop3A_599 = tpu.memref_slice %arg25[%parallel_loop3A_527, %parallel_loop3A_597, %parallel_loop3A_598] : memref<2x128x32xf32, #tpu.memory_space<vmem>> -> memref<1x128x32xf32, #tpu.memory_space<vmem>>
          %parallel_loop3A_600 = tpu.memref_squeeze %parallel_loop3A_599 : memref<1x128x32xf32, #tpu.memory_space<vmem>> -> memref<128x32xf32, #tpu.memory_space<vmem>>
          %parallel_loop3A_601 = arith.index_cast %parallel_loop3A_553 : i32 to index
          %parallel_loop3A_602 = arith.constant 16 : index
          %parallel_loop3A_603 = tpu.vector_load %parallel_loop3A_600[%parallel_loop3A_601, %parallel_loop3A_602] {strides = array<i32>} : memref<128x32xf32, #tpu.memory_space<vmem>>, vector<1x16xf32>,
          %parallel_loop3A_604 = vector.shape_cast %parallel_loop3A_603 : vector<1x16xf32> to vector<16xf32>
          %parallel_loop3A_605 = vector.shape_cast %parallel_loop3A_596 : vector<16xf32> to vector<1x16xf32>
          tpu.vector_store %parallel_loop3A_600[%parallel_loop3A_601, %parallel_loop3A_602], %parallel_loop3A_605 {strides = array<i32>} : memref<128x32xf32, #tpu.memory_space<vmem>>, vector<1x16xf32>,
        } {sc.loop_unroll_factor = 4 : i64, sc.parallel_access}
        %add3A_528 = arith.constant 1 : i32
        %add3A_529 = arith.addi %mul3A_409, %add3A_528 : i32
        %dma_start3A_530 = arith.constant 1 : i32
        %dma_start3A_531 = arith.constant 1 : i32
        %dma_start3A_532 = arith.constant 0 : i32
        %dma_start3A_533 = arith.constant 0 : i32
        %dma_start3A_534 = tpu.memref_slice %arg25[%dma_start3A_530, %dma_start3A_532, %dma_start3A_533] : memref<2x128x32xf32, #tpu.memory_space<vmem>> -> memref<1x128x32xf32, #tpu.memory_space<vmem>>
        %dma_start3A_535 = tpu.memref_squeeze %dma_start3A_534 : memref<1x128x32xf32, #tpu.memory_space<vmem>> -> memref<128x32xf32, #tpu.memory_space<vmem>>
        %dma_start3A_536 = arith.constant 0 : i32
        %dma_start3A_537 = tpu.memref_slice %arg23[%add3A_529, %dma_start3A_536] : memref<72x128xi32, #tpu.memory_space<vmem>> -> memref<1x128xi32, #tpu.memory_space<vmem>>
        %dma_start3A_538 = tpu.memref_squeeze %dma_start3A_537 : memref<1x128xi32, #tpu.memory_space<vmem>> -> memref<128xi32, #tpu.memory_space<vmem>>
        %dma_start3A_539 = arith.constant 0 : i32
        %dma_start3A_540 = arith.constant 0 : i32
        %dma_start3A_541 = tpu.memref_slice %arg16[%dma_start3A_539, %dma_start3A_540] : memref<30848x32xf32, #tpu.memory_space<vmem_shared>> -> memref<30848x32xf32, #tpu.memory_space<vmem_shared>>
        %dma_start3A_542 = tpu.memref_slice %arg29[%dma_start3A_531] : memref<2x!tpu.dma_semaphore, #tpu.memory_space<semaphore_mem>> -> memref<1x!tpu.dma_semaphore, #tpu.memory_space<semaphore_mem>>
        %dma_start3A_543 = tpu.memref_squeeze %dma_start3A_542 : memref<1x!tpu.dma_semaphore, #tpu.memory_space<semaphore_mem>> -> memref<!tpu.dma_semaphore, #tpu.memory_space<semaphore_mem>>
        tpu.enqueue_indirect_dma source(%dma_start3A_535 : memref<128x32xf32, #tpu.memory_space<vmem>>) target(%dma_start3A_541 : memref<30848x32xf32, #tpu.memory_space<vmem_shared>>) offsets(%dma_start3A_538 : memref<128xi32, #tpu.memory_space<vmem>>) semaphore(%dma_start3A_543 : memref<!tpu.dma_semaphore, #tpu.memory_space<semaphore_mem>>) {add = true}
        %add3A_544 = arith.constant 1 : i32
        %add3A_545 = arith.addi %mul3A_409, %add3A_544 : i32
        %add3A_546 = arith.constant 2 : i32
        %add3A_547 = arith.addi %add3A_545, %add3A_546 : i32
        %lt3A_548 = arith.constant 72 : i32
        %lt3A_549 = arith.cmpi slt, %add3A_547, %lt3A_548 : i32
        %convert_element_type3A_550 = arith.extui %lt3A_549 : i1 to i32
        %cond3A_551 = arith.constant 0 : i32
        %cond3A_552 = arith.cmpi ne, %convert_element_type3A_550, %cond3A_551 : i32
        scf.if %cond3A_552 {
          %add3A_553 = arith.constant 1 : i32
          %add3A_554 = arith.addi %mul3A_409, %add3A_553 : i32
          %add3A_555 = arith.constant 2 : i32
          %add3A_556 = arith.addi %add3A_554, %add3A_555 : i32
          %dma_start3A_557 = arith.constant 1 : i32
          %dma_start3A_558 = arith.constant 1 : i32
          %dma_start3A_559 = arith.constant 0 : i32
          %dma_start3A_560 = arith.constant 0 : i32
          %dma_start3A_561 = tpu.memref_slice %arg24[%dma_start3A_557, %dma_start3A_559, %dma_start3A_560] : memref<2x128x32xf32, #tpu.memory_space<vmem>> -> memref<1x128x32xf32, #tpu.memory_space<vmem>>
          %dma_start3A_562 = tpu.memref_squeeze %dma_start3A_561 : memref<1x128x32xf32, #tpu.memory_space<vmem>> -> memref<128x32xf32, #tpu.memory_space<vmem>>
          %dma_start3A_563 = arith.constant 0 : i32
          %dma_start3A_564 = tpu.memref_slice %arg22[%add3A_556, %dma_start3A_563] : memref<72x128xi32, #tpu.memory_space<vmem>> -> memref<1x128xi32, #tpu.memory_space<vmem>>
          %dma_start3A_565 = tpu.memref_squeeze %dma_start3A_564 : memref<1x128xi32, #tpu.memory_space<vmem>> -> memref<128xi32, #tpu.memory_space<vmem>>
          %dma_start3A_566 = arith.constant 0 : i32
          %dma_start3A_567 = arith.constant 0 : i32
          %dma_start3A_568 = tpu.memref_slice %arg16[%dma_start3A_566, %dma_start3A_567] : memref<30848x32xf32, #tpu.memory_space<vmem_shared>> -> memref<30848x32xf32, #tpu.memory_space<vmem_shared>>
          %dma_start3A_569 = tpu.memref_slice %arg27[%dma_start3A_558] : memref<2x!tpu.dma_semaphore, #tpu.memory_space<semaphore_mem>> -> memref<1x!tpu.dma_semaphore, #tpu.memory_space<semaphore_mem>>
          %dma_start3A_570 = tpu.memref_squeeze %dma_start3A_569 : memref<1x!tpu.dma_semaphore, #tpu.memory_space<semaphore_mem>> -> memref<!tpu.dma_semaphore, #tpu.memory_space<semaphore_mem>>
          tpu.enqueue_indirect_dma source(%dma_start3A_568 : memref<30848x32xf32, #tpu.memory_space<vmem_shared>>) target(%dma_start3A_562 : memref<128x32xf32, #tpu.memory_space<vmem>>) offsets(%dma_start3A_565 : memref<128xi32, #tpu.memory_space<vmem>>) semaphore(%dma_start3A_570 : memref<!tpu.dma_semaphore, #tpu.memory_space<semaphore_mem>>)
          %dma_start3A_571 = arith.constant 1 : i32
          %dma_start3A_572 = arith.constant 1 : i32
          %dma_start3A_573 = arith.constant 0 : i32
          %dma_start3A_574 = arith.constant 0 : i32
          %dma_start3A_575 = tpu.memref_slice %arg26[%dma_start3A_571, %dma_start3A_573, %dma_start3A_574] : memref<2x128x16xf32, #tpu.memory_space<vmem>> -> memref<1x128x16xf32, #tpu.memory_space<vmem>>
          %dma_start3A_576 = tpu.memref_squeeze %dma_start3A_575 : memref<1x128x16xf32, #tpu.memory_space<vmem>> -> memref<128x16xf32, #tpu.memory_space<vmem>>
          %dma_start3A_577 = arith.constant 0 : i32
          %dma_start3A_578 = arith.constant 0 : i32
          %dma_start3A_579 = tpu.memref_slice %arg13[%arg1, %add3A_556, %dma_start3A_577, %dma_start3A_578] : memref<16x72x128x16xf32, #tpu.memory_space<hbm>> -> memref<1x1x128x16xf32, #tpu.memory_space<hbm>>
          %dma_start3A_580 = tpu.memref_squeeze %dma_start3A_579 : memref<1x1x128x16xf32, #tpu.memory_space<hbm>> -> memref<128x16xf32, #tpu.memory_space<hbm>>
          %dma_start3A_581 = tpu.memref_slice %arg28[%dma_start3A_572] : memref<2x!tpu.dma_semaphore, #tpu.memory_space<semaphore_mem>> -> memref<1x!tpu.dma_semaphore, #tpu.memory_space<semaphore_mem>>
          %dma_start3A_582 = tpu.memref_squeeze %dma_start3A_581 : memref<1x!tpu.dma_semaphore, #tpu.memory_space<semaphore_mem>> -> memref<!tpu.dma_semaphore, #tpu.memory_space<semaphore_mem>>
          %dma_start3A_583 = arith.constant 0 : i32
          %dma_start3A_584 = arith.constant 0 : i32
          %dma_start3A_585 = tpu.memref_slice %arg26[%dma_start3A_571, %dma_start3A_583, %dma_start3A_584] : memref<2x128x16xf32, #tpu.memory_space<vmem>> -> memref<1x128x16xf32, #tpu.memory_space<vmem>>
          %dma_start3A_586 = tpu.memref_squeeze %dma_start3A_585 : memref<1x128x16xf32, #tpu.memory_space<vmem>> -> memref<128x16xf32, #tpu.memory_space<vmem>>
          %dma_start3A_587 = arith.constant 0 : i32
          %dma_start3A_588 = arith.constant 0 : i32
          %dma_start3A_589 = tpu.memref_slice %arg13[%arg1, %add3A_556, %dma_start3A_587, %dma_start3A_588] : memref<16x72x128x16xf32, #tpu.memory_space<hbm>> -> memref<1x1x128x16xf32, #tpu.memory_space<hbm>>
          %dma_start3A_590 = tpu.memref_squeeze %dma_start3A_589 : memref<1x1x128x16xf32, #tpu.memory_space<hbm>> -> memref<128x16xf32, #tpu.memory_space<hbm>>
          tpu.enqueue_dma source(%dma_start3A_590 : memref<128x16xf32, #tpu.memory_space<hbm>>) target(%dma_start3A_586 : memref<128x16xf32, #tpu.memory_space<vmem>>) target_semaphore(%dma_start3A_582 : memref<!tpu.dma_semaphore, #tpu.memory_space<semaphore_mem>>)
        } else {
        }
      }
      %scan3A_364 = arith.constant 36 : i32
      %dma_wait3A_365 = arith.constant 0 : i32
      %dma_wait3A_366 = arith.constant 70 : i32
      %dma_wait3A_367 = arith.constant 0 : i32
      %dma_wait3A_368 = arith.constant 0 : i32
      %dma_wait3A_369 = arith.constant 0 : i32
      %dma_wait3A_370 = tpu.memref_slice %arg25[%dma_wait3A_365, %dma_wait3A_368, %dma_wait3A_369] : memref<2x128x32xf32, #tpu.memory_space<vmem>> -> memref<1x128x32xf32, #tpu.memory_space<vmem>>
      %dma_wait3A_371 = tpu.memref_squeeze %dma_wait3A_370 : memref<1x128x32xf32, #tpu.memory_space<vmem>> -> memref<128x32xf32, #tpu.memory_space<vmem>>
      %dma_wait3A_372 = arith.constant 0 : i32
      %dma_wait3A_373 = tpu.memref_slice %arg23[%dma_wait3A_366, %dma_wait3A_372] : memref<72x128xi32, #tpu.memory_space<vmem>> -> memref<1x128xi32, #tpu.memory_space<vmem>>
      %dma_wait3A_374 = tpu.memref_squeeze %dma_wait3A_373 : memref<1x128xi32, #tpu.memory_space<vmem>> -> memref<128xi32, #tpu.memory_space<vmem>>
      %dma_wait3A_375 = arith.constant 0 : i32
      %dma_wait3A_376 = arith.constant 0 : i32
      %dma_wait3A_377 = tpu.memref_slice %arg16[%dma_wait3A_375, %dma_wait3A_376] : memref<30848x32xf32, #tpu.memory_space<vmem_shared>> -> memref<30848x32xf32, #tpu.memory_space<vmem_shared>>
      %dma_wait3A_378 = tpu.memref_slice %arg29[%dma_wait3A_367] : memref<2x!tpu.dma_semaphore, #tpu.memory_space<semaphore_mem>> -> memref<1x!tpu.dma_semaphore, #tpu.memory_space<semaphore_mem>>
      %dma_wait3A_379 = tpu.memref_squeeze %dma_wait3A_378 : memref<1x!tpu.dma_semaphore, #tpu.memory_space<semaphore_mem>> -> memref<!tpu.dma_semaphore, #tpu.memory_space<semaphore_mem>>
      tpu.wait_indirect_dma semaphore(%dma_wait3A_379 : memref<!tpu.dma_semaphore, #tpu.memory_space<semaphore_mem>>) src(%dma_wait3A_371 : memref<128x32xf32, #tpu.memory_space<vmem>>) dst(%dma_wait3A_377 : memref<30848x32xf32, #tpu.memory_space<vmem_shared>>)
      %dma_wait3A_380 = arith.constant 1 : i32
      %dma_wait3A_381 = arith.constant 71 : i32
      %dma_wait3A_382 = arith.constant 1 : i32
      %dma_wait3A_383 = arith.constant 0 : i32
      %dma_wait3A_384 = arith.constant 0 : i32
      %dma_wait3A_385 = tpu.memref_slice %arg25[%dma_wait3A_380, %dma_wait3A_383, %dma_wait3A_384] : memref<2x128x32xf32, #tpu.memory_space<vmem>> -> memref<1x128x32xf32, #tpu.memory_space<vmem>>
      %dma_wait3A_386 = tpu.memref_squeeze %dma_wait3A_385 : memref<1x128x32xf32, #tpu.memory_space<vmem>> -> memref<128x32xf32, #tpu.memory_space<vmem>>
      %dma_wait3A_387 = arith.constant 0 : i32
      %dma_wait3A_388 = tpu.memref_slice %arg23[%dma_wait3A_381, %dma_wait3A_387] : memref<72x128xi32, #tpu.memory_space<vmem>> -> memref<1x128xi32, #tpu.memory_space<vmem>>
      %dma_wait3A_389 = tpu.memref_squeeze %dma_wait3A_388 : memref<1x128xi32, #tpu.memory_space<vmem>> -> memref<128xi32, #tpu.memory_space<vmem>>
      %dma_wait3A_390 = arith.constant 0 : i32
      %dma_wait3A_391 = arith.constant 0 : i32
      %dma_wait3A_392 = tpu.memref_slice %arg16[%dma_wait3A_390, %dma_wait3A_391] : memref<30848x32xf32, #tpu.memory_space<vmem_shared>> -> memref<30848x32xf32, #tpu.memory_space<vmem_shared>>
      %dma_wait3A_393 = tpu.memref_slice %arg29[%dma_wait3A_382] : memref<2x!tpu.dma_semaphore, #tpu.memory_space<semaphore_mem>> -> memref<1x!tpu.dma_semaphore, #tpu.memory_space<semaphore_mem>>
      %dma_wait3A_394 = tpu.memref_squeeze %dma_wait3A_393 : memref<1x!tpu.dma_semaphore, #tpu.memory_space<semaphore_mem>> -> memref<!tpu.dma_semaphore, #tpu.memory_space<semaphore_mem>>
      tpu.wait_indirect_dma semaphore(%dma_wait3A_394 : memref<!tpu.dma_semaphore, #tpu.memory_space<semaphore_mem>>) src(%dma_wait3A_386 : memref<128x32xf32, #tpu.memory_space<vmem>>) dst(%dma_wait3A_392 : memref<30848x32xf32, #tpu.memory_space<vmem_shared>>)
      %barrier3A_395 = arith.constant 0 : index
      tpu.barrier barrier_id(%barrier3A_395)
      %mul3A_396 = arith.constant 1128 : i32
      %mul3A_397 = arith.muli %arg1, %mul3A_396 : i32
      %add3A_398 = arith.constant 12800 : i32
      %add3A_399 = arith.addi %add3A_398, %mul3A_397 : i32
      %mul3A_400 = arith.constant 1128 : i32
      %mul3A_401 = arith.muli %arg1, %mul3A_400 : i32
      "tpu.region"() ({
        %run_scoped3A = tpu.sem_alloc : memref<!tpu.dma_semaphore, #tpu.memory_space<semaphore_mem>>
        %dma_start3A_403 = arith.constant 0 : i32
        %dma_start3A_404 = tpu.memref_slice %arg15[%add3A_20, %mul3A_401, %dma_start3A_403] : memref<32x18048x32xf32, #tpu.memory_space<hbm>> -> memref<1x1128x32xf32, #tpu.memory_space<hbm>>
        %dma_start3A_405 = tpu.memref_squeeze %dma_start3A_404 : memref<1x1128x32xf32, #tpu.memory_space<hbm>> -> memref<1128x32xf32, #tpu.memory_space<hbm>>
        %dma_start3A_406 = arith.constant 0 : i32
        %dma_start3A_407 = tpu.memref_slice %arg16[%add3A_399, %dma_start3A_406] : memref<30848x32xf32, #tpu.memory_space<vmem_shared>> -> memref<1128x32xf32, #tpu.memory_space<vmem_shared>>
        tpu.enqueue_dma source(%dma_start3A_407 : memref<1128x32xf32, #tpu.memory_space<vmem_shared>>) target(%dma_start3A_405 : memref<1128x32xf32, #tpu.memory_space<hbm>>) target_semaphore(%run_scoped3A : memref<!tpu.dma_semaphore, #tpu.memory_space<semaphore_mem>>)
        %dma_wait3A_408 = arith.constant 0 : i32
        %dma_wait3A_409 = tpu.memref_slice %arg15[%add3A_20, %mul3A_401, %dma_wait3A_408] : memref<32x18048x32xf32, #tpu.memory_space<hbm>> -> memref<1x1128x32xf32, #tpu.memory_space<hbm>>
        %dma_wait3A_410 = tpu.memref_squeeze %dma_wait3A_409 : memref<1x1128x32xf32, #tpu.memory_space<hbm>> -> memref<1128x32xf32, #tpu.memory_space<hbm>>
        %dma_wait3A_411 = arith.constant 0 : i32
        %dma_wait3A_412 = tpu.memref_slice %arg16[%add3A_399, %dma_wait3A_411] : memref<30848x32xf32, #tpu.memory_space<vmem_shared>> -> memref<1128x32xf32, #tpu.memory_space<vmem_shared>>
        tpu.wait_dma2 semaphore(%run_scoped3A : memref<!tpu.dma_semaphore, #tpu.memory_space<semaphore_mem>>) src(%dma_wait3A_412 : memref<1128x32xf32, #tpu.memory_space<vmem_shared>>) dst(%dma_wait3A_410 : memref<1128x32xf32, #tpu.memory_space<hbm>>)
        tpu.yield
      }) : () -> ()
      %barrier3A_402 = arith.constant 0 : index
      tpu.barrier barrier_id(%barrier3A_402)
    }
    %while3A_17 = arith.constant 1 : i32
    scf.for %while3A_18 = %while3A_15 to %while3A_11 step %while3A_17  : i32 {
      %mul3A_19 = arith.muli %while3A_18, %while3A : i32
      %add3A_20 = arith.addi %mul3A_0, %mul3A_19 : i32
      %mul3A_21 = arith.constant 800 : i32
      %mul3A_22 = arith.muli %arg1, %mul3A_21 : i32
      %mul3A_23 = arith.constant 800 : i32
      %mul3A_24 = arith.muli %arg1, %mul3A_23 : i32
      %add3A_25 = arith.constant 12800 : i32
      %add3A_26 = arith.addi %add3A_25, %mul3A_24 : i32
      %dma_start3A = arith.constant 0 : i32
      %dma_start3A_27 = tpu.memref_slice %arg30[%dma_start3A] : memref<2x!tpu.dma_semaphore, #tpu.memory_space<semaphore_mem>> -> memref<1x!tpu.dma_semaphore, #tpu.memory_space<semaphore_mem>>
      %dma_start3A_28 = tpu.memref_squeeze %dma_start3A_27 : memref<1x!tpu.dma_semaphore, #tpu.memory_space<semaphore_mem>> -> memref<!tpu.dma_semaphore, #tpu.memory_space<semaphore_mem>>
      %dma_start3A_29 = arith.constant 0 : i32
      %dma_start3A_30 = tpu.memref_slice %arg16[%add3A_26, %dma_start3A_29] : memref<30848x32xf32, #tpu.memory_space<vmem_shared>> -> memref<800x32xf32, #tpu.memory_space<vmem_shared>>
      %dma_start3A_31 = arith.constant 0 : i32
      %dma_start3A_32 = tpu.memref_slice %arg6[%mul3A_22, %dma_start3A_31] : memref<12800x32xf32, #tpu.memory_space<hbm>> -> memref<800x32xf32, #tpu.memory_space<hbm>>
      tpu.enqueue_dma source(%dma_start3A_32 : memref<800x32xf32, #tpu.memory_space<hbm>>) target(%dma_start3A_30 : memref<800x32xf32, #tpu.memory_space<vmem_shared>>) target_semaphore(%dma_start3A_28 : memref<!tpu.dma_semaphore, #tpu.memory_space<semaphore_mem>>)
      %mul3A_33 = arith.constant 800 : i32
      %mul3A_34 = arith.muli %arg1, %mul3A_33 : i32
      %mul3A_35 = arith.constant 800 : i32
      %mul3A_36 = arith.muli %arg1, %mul3A_35 : i32
      %add3A_37 = arith.constant 0 : i32
      %add3A_38 = arith.addi %add3A_37, %mul3A_36 : i32
      %dma_start3A_39 = arith.constant 1 : i32
      %dma_start3A_40 = tpu.memref_slice %arg30[%dma_start3A_39] : memref<2x!tpu.dma_semaphore, #tpu.memory_space<semaphore_mem>> -> memref<1x!tpu.dma_semaphore, #tpu.memory_space<semaphore_mem>>
      %dma_start3A_41 = tpu.memref_squeeze %dma_start3A_40 : memref<1x!tpu.dma_semaphore, #tpu.memory_space<semaphore_mem>> -> memref<!tpu.dma_semaphore, #tpu.memory_space<semaphore_mem>>
      %dma_start3A_42 = arith.constant 0 : i32
      %dma_start3A_43 = tpu.memref_slice %arg16[%add3A_38, %dma_start3A_42] : memref<30848x32xf32, #tpu.memory_space<vmem_shared>> -> memref<800x32xf32, #tpu.memory_space<vmem_shared>>
      %dma_start3A_44 = arith.constant 0 : i32
      %dma_start3A_45 = tpu.memref_slice %arg10[%mul3A_34, %dma_start3A_44] : memref<12800x32xf32, #tpu.memory_space<hbm>> -> memref<800x32xf32, #tpu.memory_space<hbm>>
      tpu.enqueue_dma source(%dma_start3A_45 : memref<800x32xf32, #tpu.memory_space<hbm>>) target(%dma_start3A_43 : memref<800x32xf32, #tpu.memory_space<vmem_shared>>) target_semaphore(%dma_start3A_41 : memref<!tpu.dma_semaphore, #tpu.memory_space<semaphore_mem>>)
      %mul3A_46 = arith.constant 1600 : i32
      %mul3A_47 = arith.muli %add3A_20, %mul3A_46 : i32
      %mul3A_48 = arith.constant 100 : i32
      %mul3A_49 = arith.muli %arg1, %mul3A_48 : i32
      %add3A_50 = arith.addi %mul3A_47, %mul3A_49 : i32
      %mul3A_51 = arith.constant 100 : i32
      %mul3A_52 = arith.muli %arg1, %mul3A_51 : i32
      "tpu.region"() ({
        %run_scoped3A = tpu.sem_alloc : memref<!tpu.dma_semaphore, #tpu.memory_space<semaphore_mem>>
        %dma_start3A_403 = arith.constant 0 : i32
        %dma_start3A_404 = tpu.memref_slice %arg17[%mul3A_52, %dma_start3A_403] : memref<1600x32xf32, #tpu.memory_space<vmem_shared>> -> memref<100x32xf32, #tpu.memory_space<vmem_shared>>
        %dma_start3A_405 = arith.constant 0 : i32
        %dma_start3A_406 = tpu.memref_slice %arg2[%add3A_50, %dma_start3A_405] : memref<51200x32xf32, #tpu.memory_space<hbm>> -> memref<100x32xf32, #tpu.memory_space<hbm>>
        tpu.enqueue_dma source(%dma_start3A_406 : memref<100x32xf32, #tpu.memory_space<hbm>>) target(%dma_start3A_404 : memref<100x32xf32, #tpu.memory_space<vmem_shared>>) target_semaphore(%run_scoped3A : memref<!tpu.dma_semaphore, #tpu.memory_space<semaphore_mem>>)
        %dma_wait3A_407 = arith.constant 0 : i32
        %dma_wait3A_408 = tpu.memref_slice %arg17[%mul3A_52, %dma_wait3A_407] : memref<1600x32xf32, #tpu.memory_space<vmem_shared>> -> memref<100x32xf32, #tpu.memory_space<vmem_shared>>
        %dma_wait3A_409 = arith.constant 0 : i32
        %dma_wait3A_410 = tpu.memref_slice %arg2[%add3A_50, %dma_wait3A_409] : memref<51200x32xf32, #tpu.memory_space<hbm>> -> memref<100x32xf32, #tpu.memory_space<hbm>>
        tpu.wait_dma2 semaphore(%run_scoped3A : memref<!tpu.dma_semaphore, #tpu.memory_space<semaphore_mem>>) src(%dma_wait3A_410 : memref<100x32xf32, #tpu.memory_space<hbm>>) dst(%dma_wait3A_408 : memref<100x32xf32, #tpu.memory_space<vmem_shared>>)
        tpu.yield
      }) : () -> ()
      %dma_wait3A = arith.constant 0 : i32
      %dma_wait3A_53 = tpu.memref_slice %arg30[%dma_wait3A] : memref<2x!tpu.dma_semaphore, #tpu.memory_space<semaphore_mem>> -> memref<1x!tpu.dma_semaphore, #tpu.memory_space<semaphore_mem>>
      %dma_wait3A_54 = tpu.memref_squeeze %dma_wait3A_53 : memref<1x!tpu.dma_semaphore, #tpu.memory_space<semaphore_mem>> -> memref<!tpu.dma_semaphore, #tpu.memory_space<semaphore_mem>>
      %dma_wait3A_55 = arith.constant 0 : i32
      %dma_wait3A_56 = tpu.memref_slice %arg16[%add3A_26, %dma_wait3A_55] : memref<30848x32xf32, #tpu.memory_space<vmem_shared>> -> memref<800x32xf32, #tpu.memory_space<vmem_shared>>
      %dma_wait3A_57 = arith.constant 0 : i32
      %dma_wait3A_58 = tpu.memref_slice %arg6[%mul3A_22, %dma_wait3A_57] : memref<12800x32xf32, #tpu.memory_space<hbm>> -> memref<800x32xf32, #tpu.memory_space<hbm>>
      tpu.wait_dma2 semaphore(%dma_wait3A_54 : memref<!tpu.dma_semaphore, #tpu.memory_space<semaphore_mem>>) src(%dma_wait3A_58 : memref<800x32xf32, #tpu.memory_space<hbm>>) dst(%dma_wait3A_56 : memref<800x32xf32, #tpu.memory_space<vmem_shared>>)
      %dma_wait3A_59 = arith.constant 1 : i32
      %dma_wait3A_60 = tpu.memref_slice %arg30[%dma_wait3A_59] : memref<2x!tpu.dma_semaphore, #tpu.memory_space<semaphore_mem>> -> memref<1x!tpu.dma_semaphore, #tpu.memory_space<semaphore_mem>>
      %dma_wait3A_61 = tpu.memref_squeeze %dma_wait3A_60 : memref<1x!tpu.dma_semaphore, #tpu.memory_space<semaphore_mem>> -> memref<!tpu.dma_semaphore, #tpu.memory_space<semaphore_mem>>
      %dma_wait3A_62 = arith.constant 0 : i32
      %dma_wait3A_63 = tpu.memref_slice %arg16[%add3A_38, %dma_wait3A_62] : memref<30848x32xf32, #tpu.memory_space<vmem_shared>> -> memref<800x32xf32, #tpu.memory_space<vmem_shared>>
      %dma_wait3A_64 = arith.constant 0 : i32
      %dma_wait3A_65 = tpu.memref_slice %arg10[%mul3A_34, %dma_wait3A_64] : memref<12800x32xf32, #tpu.memory_space<hbm>> -> memref<800x32xf32, #tpu.memory_space<hbm>>
      tpu.wait_dma2 semaphore(%dma_wait3A_61 : memref<!tpu.dma_semaphore, #tpu.memory_space<semaphore_mem>>) src(%dma_wait3A_65 : memref<800x32xf32, #tpu.memory_space<hbm>>) dst(%dma_wait3A_63 : memref<800x32xf32, #tpu.memory_space<vmem_shared>>)
      %barrier3A = arith.constant 0 : index
      tpu.barrier barrier_id(%barrier3A)
      %dma_start3A_66 = arith.constant 0 : i32
      %dma_start3A_67 = arith.constant 0 : i32
      %dma_start3A_68 = arith.constant 0 : i32
      %dma_start3A_69 = arith.constant 0 : i32
      %dma_start3A_70 = arith.constant 0 : i32
      %dma_start3A_71 = tpu.memref_slice %arg24[%dma_start3A_67, %dma_start3A_69, %dma_start3A_70] : memref<2x128x32xf32, #tpu.memory_space<vmem>> -> memref<1x128x32xf32, #tpu.memory_space<vmem>>
      %dma_start3A_72 = tpu.memref_squeeze %dma_start3A_71 : memref<1x128x32xf32, #tpu.memory_space<vmem>> -> memref<128x32xf32, #tpu.memory_space<vmem>>
      %dma_start3A_73 = arith.constant 0 : i32
      %dma_start3A_74 = tpu.memref_slice %arg18[%dma_start3A_66, %dma_start3A_73] : memref<14x128xi32, #tpu.memory_space<vmem>> -> memref<1x128xi32, #tpu.memory_space<vmem>>
      %dma_start3A_75 = tpu.memref_squeeze %dma_start3A_74 : memref<1x128xi32, #tpu.memory_space<vmem>> -> memref<128xi32, #tpu.memory_space<vmem>>
      %dma_start3A_76 = arith.constant 0 : i32
      %dma_start3A_77 = arith.constant 0 : i32
      %dma_start3A_78 = tpu.memref_slice %arg17[%dma_start3A_76, %dma_start3A_77] : memref<1600x32xf32, #tpu.memory_space<vmem_shared>> -> memref<1600x32xf32, #tpu.memory_space<vmem_shared>>
      %dma_start3A_79 = tpu.memref_slice %arg27[%dma_start3A_68] : memref<2x!tpu.dma_semaphore, #tpu.memory_space<semaphore_mem>> -> memref<1x!tpu.dma_semaphore, #tpu.memory_space<semaphore_mem>>
      %dma_start3A_80 = tpu.memref_squeeze %dma_start3A_79 : memref<1x!tpu.dma_semaphore, #tpu.memory_space<semaphore_mem>> -> memref<!tpu.dma_semaphore, #tpu.memory_space<semaphore_mem>>
      tpu.enqueue_indirect_dma source(%dma_start3A_78 : memref<1600x32xf32, #tpu.memory_space<vmem_shared>>) target(%dma_start3A_72 : memref<128x32xf32, #tpu.memory_space<vmem>>) offsets(%dma_start3A_75 : memref<128xi32, #tpu.memory_space<vmem>>) semaphore(%dma_start3A_80 : memref<!tpu.dma_semaphore, #tpu.memory_space<semaphore_mem>>)
      %dma_start3A_81 = arith.constant 0 : i32
      %dma_start3A_82 = arith.constant 0 : i32
      %dma_start3A_83 = arith.constant 0 : i32
      %dma_start3A_84 = arith.constant 0 : i32
      %dma_start3A_85 = arith.constant 0 : i32
      %dma_start3A_86 = tpu.memref_slice %arg26[%dma_start3A_82, %dma_start3A_84, %dma_start3A_85] : memref<2x128x16xf32, #tpu.memory_space<vmem>> -> memref<1x128x16xf32, #tpu.memory_space<vmem>>
      %dma_start3A_87 = tpu.memref_squeeze %dma_start3A_86 : memref<1x128x16xf32, #tpu.memory_space<vmem>> -> memref<128x16xf32, #tpu.memory_space<vmem>>
      %dma_start3A_88 = arith.constant 0 : i32
      %dma_start3A_89 = arith.constant 0 : i32
      %dma_start3A_90 = tpu.memref_slice %arg5[%arg1, %dma_start3A_81, %dma_start3A_88, %dma_start3A_89] : memref<16x14x128x16xf32, #tpu.memory_space<hbm>> -> memref<1x1x128x16xf32, #tpu.memory_space<hbm>>
      %dma_start3A_91 = tpu.memref_squeeze %dma_start3A_90 : memref<1x1x128x16xf32, #tpu.memory_space<hbm>> -> memref<128x16xf32, #tpu.memory_space<hbm>>
      %dma_start3A_92 = tpu.memref_slice %arg28[%dma_start3A_83] : memref<2x!tpu.dma_semaphore, #tpu.memory_space<semaphore_mem>> -> memref<1x!tpu.dma_semaphore, #tpu.memory_space<semaphore_mem>>
      %dma_start3A_93 = tpu.memref_squeeze %dma_start3A_92 : memref<1x!tpu.dma_semaphore, #tpu.memory_space<semaphore_mem>> -> memref<!tpu.dma_semaphore, #tpu.memory_space<semaphore_mem>>
      %dma_start3A_94 = arith.constant 0 : i32
      %dma_start3A_95 = arith.constant 0 : i32
      %dma_start3A_96 = tpu.memref_slice %arg26[%dma_start3A_82, %dma_start3A_94, %dma_start3A_95] : memref<2x128x16xf32, #tpu.memory_space<vmem>> -> memref<1x128x16xf32, #tpu.memory_space<vmem>>
      %dma_start3A_97 = tpu.memref_squeeze %dma_start3A_96 : memref<1x128x16xf32, #tpu.memory_space<vmem>> -> memref<128x16xf32, #tpu.memory_space<vmem>>
      %dma_start3A_98 = arith.constant 0 : i32
      %dma_start3A_99 = arith.constant 0 : i32
      %dma_start3A_100 = tpu.memref_slice %arg5[%arg1, %dma_start3A_81, %dma_start3A_98, %dma_start3A_99] : memref<16x14x128x16xf32, #tpu.memory_space<hbm>> -> memref<1x1x128x16xf32, #tpu.memory_space<hbm>>
      %dma_start3A_101 = tpu.memref_squeeze %dma_start3A_100 : memref<1x1x128x16xf32, #tpu.memory_space<hbm>> -> memref<128x16xf32, #tpu.memory_space<hbm>>
      tpu.enqueue_dma source(%dma_start3A_101 : memref<128x16xf32, #tpu.memory_space<hbm>>) target(%dma_start3A_97 : memref<128x16xf32, #tpu.memory_space<vmem>>) target_semaphore(%dma_start3A_93 : memref<!tpu.dma_semaphore, #tpu.memory_space<semaphore_mem>>)
      %dma_start3A_102 = arith.constant 1 : i32
      %dma_start3A_103 = arith.constant 1 : i32
      %dma_start3A_104 = arith.constant 1 : i32
      %dma_start3A_105 = arith.constant 0 : i32
      %dma_start3A_106 = arith.constant 0 : i32
      %dma_start3A_107 = tpu.memref_slice %arg24[%dma_start3A_103, %dma_start3A_105, %dma_start3A_106] : memref<2x128x32xf32, #tpu.memory_space<vmem>> -> memref<1x128x32xf32, #tpu.memory_space<vmem>>
      %dma_start3A_108 = tpu.memref_squeeze %dma_start3A_107 : memref<1x128x32xf32, #tpu.memory_space<vmem>> -> memref<128x32xf32, #tpu.memory_space<vmem>>
      %dma_start3A_109 = arith.constant 0 : i32
      %dma_start3A_110 = tpu.memref_slice %arg18[%dma_start3A_102, %dma_start3A_109] : memref<14x128xi32, #tpu.memory_space<vmem>> -> memref<1x128xi32, #tpu.memory_space<vmem>>
      %dma_start3A_111 = tpu.memref_squeeze %dma_start3A_110 : memref<1x128xi32, #tpu.memory_space<vmem>> -> memref<128xi32, #tpu.memory_space<vmem>>
      %dma_start3A_112 = arith.constant 0 : i32
      %dma_start3A_113 = arith.constant 0 : i32
      %dma_start3A_114 = tpu.memref_slice %arg17[%dma_start3A_112, %dma_start3A_113] : memref<1600x32xf32, #tpu.memory_space<vmem_shared>> -> memref<1600x32xf32, #tpu.memory_space<vmem_shared>>
      %dma_start3A_115 = tpu.memref_slice %arg27[%dma_start3A_104] : memref<2x!tpu.dma_semaphore, #tpu.memory_space<semaphore_mem>> -> memref<1x!tpu.dma_semaphore, #tpu.memory_space<semaphore_mem>>
      %dma_start3A_116 = tpu.memref_squeeze %dma_start3A_115 : memref<1x!tpu.dma_semaphore, #tpu.memory_space<semaphore_mem>> -> memref<!tpu.dma_semaphore, #tpu.memory_space<semaphore_mem>>
      tpu.enqueue_indirect_dma source(%dma_start3A_114 : memref<1600x32xf32, #tpu.memory_space<vmem_shared>>) target(%dma_start3A_108 : memref<128x32xf32, #tpu.memory_space<vmem>>) offsets(%dma_start3A_111 : memref<128xi32, #tpu.memory_space<vmem>>) semaphore(%dma_start3A_116 : memref<!tpu.dma_semaphore, #tpu.memory_space<semaphore_mem>>)
      %dma_start3A_117 = arith.constant 1 : i32
      %dma_start3A_118 = arith.constant 1 : i32
      %dma_start3A_119 = arith.constant 1 : i32
      %dma_start3A_120 = arith.constant 0 : i32
      %dma_start3A_121 = arith.constant 0 : i32
      %dma_start3A_122 = tpu.memref_slice %arg26[%dma_start3A_118, %dma_start3A_120, %dma_start3A_121] : memref<2x128x16xf32, #tpu.memory_space<vmem>> -> memref<1x128x16xf32, #tpu.memory_space<vmem>>
      %dma_start3A_123 = tpu.memref_squeeze %dma_start3A_122 : memref<1x128x16xf32, #tpu.memory_space<vmem>> -> memref<128x16xf32, #tpu.memory_space<vmem>>
      %dma_start3A_124 = arith.constant 0 : i32
      %dma_start3A_125 = arith.constant 0 : i32
      %dma_start3A_126 = tpu.memref_slice %arg5[%arg1, %dma_start3A_117, %dma_start3A_124, %dma_start3A_125] : memref<16x14x128x16xf32, #tpu.memory_space<hbm>> -> memref<1x1x128x16xf32, #tpu.memory_space<hbm>>
      %dma_start3A_127 = tpu.memref_squeeze %dma_start3A_126 : memref<1x1x128x16xf32, #tpu.memory_space<hbm>> -> memref<128x16xf32, #tpu.memory_space<hbm>>
      %dma_start3A_128 = tpu.memref_slice %arg28[%dma_start3A_119] : memref<2x!tpu.dma_semaphore, #tpu.memory_space<semaphore_mem>> -> memref<1x!tpu.dma_semaphore, #tpu.memory_space<semaphore_mem>>
      %dma_start3A_129 = tpu.memref_squeeze %dma_start3A_128 : memref<1x!tpu.dma_semaphore, #tpu.memory_space<semaphore_mem>> -> memref<!tpu.dma_semaphore, #tpu.memory_space<semaphore_mem>>
      %dma_start3A_130 = arith.constant 0 : i32
      %dma_start3A_131 = arith.constant 0 : i32
      %dma_start3A_132 = tpu.memref_slice %arg26[%dma_start3A_118, %dma_start3A_130, %dma_start3A_131] : memref<2x128x16xf32, #tpu.memory_space<vmem>> -> memref<1x128x16xf32, #tpu.memory_space<vmem>>
      %dma_start3A_133 = tpu.memref_squeeze %dma_start3A_132 : memref<1x128x16xf32, #tpu.memory_space<vmem>> -> memref<128x16xf32, #tpu.memory_space<vmem>>
      %dma_start3A_134 = arith.constant 0 : i32
      %dma_start3A_135 = arith.constant 0 : i32
      %dma_start3A_136 = tpu.memref_slice %arg5[%arg1, %dma_start3A_117, %dma_start3A_134, %dma_start3A_135] : memref<16x14x128x16xf32, #tpu.memory_space<hbm>> -> memref<1x1x128x16xf32, #tpu.memory_space<hbm>>
      %dma_start3A_137 = tpu.memref_squeeze %dma_start3A_136 : memref<1x1x128x16xf32, #tpu.memory_space<hbm>> -> memref<128x16xf32, #tpu.memory_space<hbm>>
      tpu.enqueue_dma source(%dma_start3A_137 : memref<128x16xf32, #tpu.memory_space<hbm>>) target(%dma_start3A_133 : memref<128x16xf32, #tpu.memory_space<vmem>>) target_semaphore(%dma_start3A_129 : memref<!tpu.dma_semaphore, #tpu.memory_space<semaphore_mem>>)
      %scan3A = arith.constant 0 : i32
      %scan3A_138 = arith.constant 7 : i32
      %scan3A_139 = arith.addi %scan3A, %scan3A_138 : i32
      %scan3A_140 = arith.constant 1 : i32
      scf.for %scan3A_403 = %scan3A to %scan3A_139 step %scan3A_140  : i32 {
        %mul3A_404 = arith.constant 1 : i32
        %mul3A_405 = arith.muli %scan3A_403, %mul3A_404 : i32
        %add3A_406 = arith.constant 0 : i32
        %add3A_407 = arith.addi %add3A_406, %mul3A_405 : i32
        %mul3A_408 = arith.constant 2 : i32
        %mul3A_409 = arith.muli %mul3A_408, %add3A_407 : i32
        %add3A_410 = arith.constant 0 : i32
        %add3A_411 = arith.addi %mul3A_409, %add3A_410 : i32
        %dma_wait3A_412 = arith.constant 0 : i32
        %dma_wait3A_413 = arith.constant 0 : i32
        %dma_wait3A_414 = arith.constant 0 : i32
        %dma_wait3A_415 = arith.constant 0 : i32
        %dma_wait3A_416 = tpu.memref_slice %arg24[%dma_wait3A_412, %dma_wait3A_414, %dma_wait3A_415] : memref<2x128x32xf32, #tpu.memory_space<vmem>> -> memref<1x128x32xf32, #tpu.memory_space<vmem>>
        %dma_wait3A_417 = tpu.memref_squeeze %dma_wait3A_416 : memref<1x128x32xf32, #tpu.memory_space<vmem>> -> memref<128x32xf32, #tpu.memory_space<vmem>>
        %dma_wait3A_418 = arith.constant 0 : i32
        %dma_wait3A_419 = tpu.memref_slice %arg18[%add3A_411, %dma_wait3A_418] : memref<14x128xi32, #tpu.memory_space<vmem>> -> memref<1x128xi32, #tpu.memory_space<vmem>>
        %dma_wait3A_420 = tpu.memref_squeeze %dma_wait3A_419 : memref<1x128xi32, #tpu.memory_space<vmem>> -> memref<128xi32, #tpu.memory_space<vmem>>
        %dma_wait3A_421 = arith.constant 0 : i32
        %dma_wait3A_422 = arith.constant 0 : i32
        %dma_wait3A_423 = tpu.memref_slice %arg17[%dma_wait3A_421, %dma_wait3A_422] : memref<1600x32xf32, #tpu.memory_space<vmem_shared>> -> memref<1600x32xf32, #tpu.memory_space<vmem_shared>>
        %dma_wait3A_424 = tpu.memref_slice %arg27[%dma_wait3A_413] : memref<2x!tpu.dma_semaphore, #tpu.memory_space<semaphore_mem>> -> memref<1x!tpu.dma_semaphore, #tpu.memory_space<semaphore_mem>>
        %dma_wait3A_425 = tpu.memref_squeeze %dma_wait3A_424 : memref<1x!tpu.dma_semaphore, #tpu.memory_space<semaphore_mem>> -> memref<!tpu.dma_semaphore, #tpu.memory_space<semaphore_mem>>
        tpu.wait_indirect_dma semaphore(%dma_wait3A_425 : memref<!tpu.dma_semaphore, #tpu.memory_space<semaphore_mem>>) src(%dma_wait3A_423 : memref<1600x32xf32, #tpu.memory_space<vmem_shared>>) dst(%dma_wait3A_417 : memref<128x32xf32, #tpu.memory_space<vmem>>)
        %dma_wait3A_426 = arith.constant 0 : i32
        %dma_wait3A_427 = arith.constant 0 : i32
        %dma_wait3A_428 = arith.constant 0 : i32
        %dma_wait3A_429 = arith.constant 0 : i32
        %dma_wait3A_430 = tpu.memref_slice %arg26[%dma_wait3A_426, %dma_wait3A_428, %dma_wait3A_429] : memref<2x128x16xf32, #tpu.memory_space<vmem>> -> memref<1x128x16xf32, #tpu.memory_space<vmem>>
        %dma_wait3A_431 = tpu.memref_squeeze %dma_wait3A_430 : memref<1x128x16xf32, #tpu.memory_space<vmem>> -> memref<128x16xf32, #tpu.memory_space<vmem>>
        %dma_wait3A_432 = arith.constant 0 : i32
        %dma_wait3A_433 = arith.constant 0 : i32
        %dma_wait3A_434 = tpu.memref_slice %arg5[%arg1, %add3A_411, %dma_wait3A_432, %dma_wait3A_433] : memref<16x14x128x16xf32, #tpu.memory_space<hbm>> -> memref<1x1x128x16xf32, #tpu.memory_space<hbm>>
        %dma_wait3A_435 = tpu.memref_squeeze %dma_wait3A_434 : memref<1x1x128x16xf32, #tpu.memory_space<hbm>> -> memref<128x16xf32, #tpu.memory_space<hbm>>
        %dma_wait3A_436 = tpu.memref_slice %arg28[%dma_wait3A_427] : memref<2x!tpu.dma_semaphore, #tpu.memory_space<semaphore_mem>> -> memref<1x!tpu.dma_semaphore, #tpu.memory_space<semaphore_mem>>
        %dma_wait3A_437 = tpu.memref_squeeze %dma_wait3A_436 : memref<1x!tpu.dma_semaphore, #tpu.memory_space<semaphore_mem>> -> memref<!tpu.dma_semaphore, #tpu.memory_space<semaphore_mem>>
        %dma_wait3A_438 = arith.constant 0 : i32
        %dma_wait3A_439 = arith.constant 0 : i32
        %dma_wait3A_440 = tpu.memref_slice %arg26[%dma_wait3A_426, %dma_wait3A_438, %dma_wait3A_439] : memref<2x128x16xf32, #tpu.memory_space<vmem>> -> memref<1x128x16xf32, #tpu.memory_space<vmem>>
        %dma_wait3A_441 = tpu.memref_squeeze %dma_wait3A_440 : memref<1x128x16xf32, #tpu.memory_space<vmem>> -> memref<128x16xf32, #tpu.memory_space<vmem>>
        %dma_wait3A_442 = arith.constant 0 : i32
        %dma_wait3A_443 = arith.constant 0 : i32
        %dma_wait3A_444 = tpu.memref_slice %arg5[%arg1, %add3A_411, %dma_wait3A_442, %dma_wait3A_443] : memref<16x14x128x16xf32, #tpu.memory_space<hbm>> -> memref<1x1x128x16xf32, #tpu.memory_space<hbm>>
        %dma_wait3A_445 = tpu.memref_squeeze %dma_wait3A_444 : memref<1x1x128x16xf32, #tpu.memory_space<hbm>> -> memref<128x16xf32, #tpu.memory_space<hbm>>
        tpu.wait_dma2 semaphore(%dma_wait3A_437 : memref<!tpu.dma_semaphore, #tpu.memory_space<semaphore_mem>>) src(%dma_wait3A_445 : memref<128x16xf32, #tpu.memory_space<hbm>>) dst(%dma_wait3A_441 : memref<128x16xf32, #tpu.memory_space<vmem>>)
        %add3A_446 = arith.constant 0 : i32
        %add3A_447 = arith.addi %mul3A_409, %add3A_446 : i32
        %ge3A = arith.constant 2 : i32
        %ge3A_448 = arith.cmpi sge, %add3A_447, %ge3A : i32
        %convert_element_type3A = arith.extui %ge3A_448 : i1 to i32
        %cond3A = arith.constant 0 : i32
        %cond3A_449 = arith.cmpi ne, %convert_element_type3A, %cond3A : i32
        scf.if %cond3A_449 {
          %add3A_553 = arith.constant 0 : i32
          %add3A_554 = arith.addi %mul3A_409, %add3A_553 : i32
          %sub3A_555 = arith.constant 2 : i32
          %sub3A_556 = arith.subi %add3A_554, %sub3A_555 : i32
          %dma_wait3A_557 = arith.constant 0 : i32
          %dma_wait3A_558 = arith.constant 0 : i32
          %dma_wait3A_559 = arith.constant 0 : i32
          %dma_wait3A_560 = arith.constant 0 : i32
          %dma_wait3A_561 = tpu.memref_slice %arg25[%dma_wait3A_557, %dma_wait3A_559, %dma_wait3A_560] : memref<2x128x32xf32, #tpu.memory_space<vmem>> -> memref<1x128x32xf32, #tpu.memory_space<vmem>>
          %dma_wait3A_562 = tpu.memref_squeeze %dma_wait3A_561 : memref<1x128x32xf32, #tpu.memory_space<vmem>> -> memref<128x32xf32, #tpu.memory_space<vmem>>
          %dma_wait3A_563 = arith.constant 0 : i32
          %dma_wait3A_564 = tpu.memref_slice %arg19[%sub3A_556, %dma_wait3A_563] : memref<14x128xi32, #tpu.memory_space<vmem>> -> memref<1x128xi32, #tpu.memory_space<vmem>>
          %dma_wait3A_565 = tpu.memref_squeeze %dma_wait3A_564 : memref<1x128xi32, #tpu.memory_space<vmem>> -> memref<128xi32, #tpu.memory_space<vmem>>
          %dma_wait3A_566 = arith.constant 0 : i32
          %dma_wait3A_567 = arith.constant 0 : i32
          %dma_wait3A_568 = tpu.memref_slice %arg16[%dma_wait3A_566, %dma_wait3A_567] : memref<30848x32xf32, #tpu.memory_space<vmem_shared>> -> memref<30848x32xf32, #tpu.memory_space<vmem_shared>>
          %dma_wait3A_569 = tpu.memref_slice %arg29[%dma_wait3A_558] : memref<2x!tpu.dma_semaphore, #tpu.memory_space<semaphore_mem>> -> memref<1x!tpu.dma_semaphore, #tpu.memory_space<semaphore_mem>>
          %dma_wait3A_570 = tpu.memref_squeeze %dma_wait3A_569 : memref<1x!tpu.dma_semaphore, #tpu.memory_space<semaphore_mem>> -> memref<!tpu.dma_semaphore, #tpu.memory_space<semaphore_mem>>
          tpu.wait_indirect_dma semaphore(%dma_wait3A_570 : memref<!tpu.dma_semaphore, #tpu.memory_space<semaphore_mem>>) src(%dma_wait3A_562 : memref<128x32xf32, #tpu.memory_space<vmem>>) dst(%dma_wait3A_568 : memref<30848x32xf32, #tpu.memory_space<vmem_shared>>)
        } else {
        }
        %parallel_loop3A = arith.constant 0 : i32
        %parallel_loop3A_450 = arith.constant 128 : i32
        %parallel_loop3A_451 = arith.constant 1 : i32
        %parallel_loop3A_452 = arith.constant 0 : i32
        %parallel_loop3A_453 = arith.constant 0 : i32
        %parallel_loop3A_454 = arith.constant 0 : i32
        scf.for %parallel_loop3A_553 = %parallel_loop3A to %parallel_loop3A_450 step %parallel_loop3A_451  : i32 {
          %parallel_loop3A_554 = arith.constant 0 : i32
          %parallel_loop3A_555 = arith.constant 0 : i32
          %parallel_loop3A_556 = tpu.memref_slice %arg26[%parallel_loop3A_452, %parallel_loop3A_554, %parallel_loop3A_555] : memref<2x128x16xf32, #tpu.memory_space<vmem>> -> memref<1x128x16xf32, #tpu.memory_space<vmem>>
          %parallel_loop3A_557 = tpu.memref_squeeze %parallel_loop3A_556 : memref<1x128x16xf32, #tpu.memory_space<vmem>> -> memref<128x16xf32, #tpu.memory_space<vmem>>
          %parallel_loop3A_558 = arith.index_cast %parallel_loop3A_553 : i32 to index
          %parallel_loop3A_559 = arith.constant 0 : index
          %parallel_loop3A_560 = tpu.vector_load %parallel_loop3A_557[%parallel_loop3A_558, %parallel_loop3A_559] {strides = array<i32>} : memref<128x16xf32, #tpu.memory_space<vmem>>, vector<1x16xf32>,
          %parallel_loop3A_561 = vector.shape_cast %parallel_loop3A_560 : vector<1x16xf32> to vector<16xf32>
          %parallel_loop3A_562 = arith.constant 0 : i32
          %parallel_loop3A_563 = arith.constant 0 : i32
          %parallel_loop3A_564 = tpu.memref_slice %arg24[%parallel_loop3A_453, %parallel_loop3A_562, %parallel_loop3A_563] : memref<2x128x32xf32, #tpu.memory_space<vmem>> -> memref<1x128x32xf32, #tpu.memory_space<vmem>>
          %parallel_loop3A_565 = tpu.memref_squeeze %parallel_loop3A_564 : memref<1x128x32xf32, #tpu.memory_space<vmem>> -> memref<128x32xf32, #tpu.memory_space<vmem>>
          %parallel_loop3A_566 = arith.index_cast %parallel_loop3A_553 : i32 to index
          %parallel_loop3A_567 = arith.constant 0 : index
          %parallel_loop3A_568 = tpu.vector_load %parallel_loop3A_565[%parallel_loop3A_566, %parallel_loop3A_567] {strides = array<i32>} : memref<128x32xf32, #tpu.memory_space<vmem>>, vector<1x16xf32>,
          %parallel_loop3A_569 = vector.shape_cast %parallel_loop3A_568 : vector<1x16xf32> to vector<16xf32>
          %parallel_loop3A_570 = arith.mulf %parallel_loop3A_569, %parallel_loop3A_561 : vector<16xf32>
          %parallel_loop3A_571 = arith.constant 0 : i32
          %parallel_loop3A_572 = arith.constant 0 : i32
          %parallel_loop3A_573 = tpu.memref_slice %arg25[%parallel_loop3A_454, %parallel_loop3A_571, %parallel_loop3A_572] : memref<2x128x32xf32, #tpu.memory_space<vmem>> -> memref<1x128x32xf32, #tpu.memory_space<vmem>>
          %parallel_loop3A_574 = tpu.memref_squeeze %parallel_loop3A_573 : memref<1x128x32xf32, #tpu.memory_space<vmem>> -> memref<128x32xf32, #tpu.memory_space<vmem>>
          %parallel_loop3A_575 = arith.index_cast %parallel_loop3A_553 : i32 to index
          %parallel_loop3A_576 = arith.constant 0 : index
          %parallel_loop3A_577 = tpu.vector_load %parallel_loop3A_574[%parallel_loop3A_575, %parallel_loop3A_576] {strides = array<i32>} : memref<128x32xf32, #tpu.memory_space<vmem>>, vector<1x16xf32>,
          %parallel_loop3A_578 = vector.shape_cast %parallel_loop3A_577 : vector<1x16xf32> to vector<16xf32>
          %parallel_loop3A_579 = vector.shape_cast %parallel_loop3A_570 : vector<16xf32> to vector<1x16xf32>
          tpu.vector_store %parallel_loop3A_574[%parallel_loop3A_575, %parallel_loop3A_576], %parallel_loop3A_579 {strides = array<i32>} : memref<128x32xf32, #tpu.memory_space<vmem>>, vector<1x16xf32>,
          %parallel_loop3A_580 = arith.constant 0 : i32
          %parallel_loop3A_581 = arith.constant 0 : i32
          %parallel_loop3A_582 = tpu.memref_slice %arg24[%parallel_loop3A_453, %parallel_loop3A_580, %parallel_loop3A_581] : memref<2x128x32xf32, #tpu.memory_space<vmem>> -> memref<1x128x32xf32, #tpu.memory_space<vmem>>
          %parallel_loop3A_583 = tpu.memref_squeeze %parallel_loop3A_582 : memref<1x128x32xf32, #tpu.memory_space<vmem>> -> memref<128x32xf32, #tpu.memory_space<vmem>>
          %parallel_loop3A_584 = arith.index_cast %parallel_loop3A_553 : i32 to index
          %parallel_loop3A_585 = arith.constant 16 : index
          %parallel_loop3A_586 = tpu.vector_load %parallel_loop3A_583[%parallel_loop3A_584, %parallel_loop3A_585] {strides = array<i32>} : memref<128x32xf32, #tpu.memory_space<vmem>>, vector<1x16xf32>,
          %parallel_loop3A_587 = vector.shape_cast %parallel_loop3A_586 : vector<1x16xf32> to vector<16xf32>
          %parallel_loop3A_588 = arith.mulf %parallel_loop3A_587, %parallel_loop3A_561 : vector<16xf32>
          %parallel_loop3A_589 = arith.constant 0 : i32
          %parallel_loop3A_590 = arith.constant 0 : i32
          %parallel_loop3A_591 = tpu.memref_slice %arg25[%parallel_loop3A_454, %parallel_loop3A_589, %parallel_loop3A_590] : memref<2x128x32xf32, #tpu.memory_space<vmem>> -> memref<1x128x32xf32, #tpu.memory_space<vmem>>
          %parallel_loop3A_592 = tpu.memref_squeeze %parallel_loop3A_591 : memref<1x128x32xf32, #tpu.memory_space<vmem>> -> memref<128x32xf32, #tpu.memory_space<vmem>>
          %parallel_loop3A_593 = arith.index_cast %parallel_loop3A_553 : i32 to index
          %parallel_loop3A_594 = arith.constant 16 : index
          %parallel_loop3A_595 = tpu.vector_load %parallel_loop3A_592[%parallel_loop3A_593, %parallel_loop3A_594] {strides = array<i32>} : memref<128x32xf32, #tpu.memory_space<vmem>>, vector<1x16xf32>,
          %parallel_loop3A_596 = vector.shape_cast %parallel_loop3A_595 : vector<1x16xf32> to vector<16xf32>
          %parallel_loop3A_597 = vector.shape_cast %parallel_loop3A_588 : vector<16xf32> to vector<1x16xf32>
          tpu.vector_store %parallel_loop3A_592[%parallel_loop3A_593, %parallel_loop3A_594], %parallel_loop3A_597 {strides = array<i32>} : memref<128x32xf32, #tpu.memory_space<vmem>>, vector<1x16xf32>,
        } {sc.loop_unroll_factor = 4 : i64, sc.parallel_access}
        %add3A_455 = arith.constant 0 : i32
        %add3A_456 = arith.addi %mul3A_409, %add3A_455 : i32
        %dma_start3A_457 = arith.constant 0 : i32
        %dma_start3A_458 = arith.constant 0 : i32
        %dma_start3A_459 = arith.constant 0 : i32
        %dma_start3A_460 = arith.constant 0 : i32
        %dma_start3A_461 = tpu.memref_slice %arg25[%dma_start3A_457, %dma_start3A_459, %dma_start3A_460] : memref<2x128x32xf32, #tpu.memory_space<vmem>> -> memref<1x128x32xf32, #tpu.memory_space<vmem>>
        %dma_start3A_462 = tpu.memref_squeeze %dma_start3A_461 : memref<1x128x32xf32, #tpu.memory_space<vmem>> -> memref<128x32xf32, #tpu.memory_space<vmem>>
        %dma_start3A_463 = arith.constant 0 : i32
        %dma_start3A_464 = tpu.memref_slice %arg19[%add3A_456, %dma_start3A_463] : memref<14x128xi32, #tpu.memory_space<vmem>> -> memref<1x128xi32, #tpu.memory_space<vmem>>
        %dma_start3A_465 = tpu.memref_squeeze %dma_start3A_464 : memref<1x128xi32, #tpu.memory_space<vmem>> -> memref<128xi32, #tpu.memory_space<vmem>>
        %dma_start3A_466 = arith.constant 0 : i32
        %dma_start3A_467 = arith.constant 0 : i32
        %dma_start3A_468 = tpu.memref_slice %arg16[%dma_start3A_466, %dma_start3A_467] : memref<30848x32xf32, #tpu.memory_space<vmem_shared>> -> memref<30848x32xf32, #tpu.memory_space<vmem_shared>>
        %dma_start3A_469 = tpu.memref_slice %arg29[%dma_start3A_458] : memref<2x!tpu.dma_semaphore, #tpu.memory_space<semaphore_mem>> -> memref<1x!tpu.dma_semaphore, #tpu.memory_space<semaphore_mem>>
        %dma_start3A_470 = tpu.memref_squeeze %dma_start3A_469 : memref<1x!tpu.dma_semaphore, #tpu.memory_space<semaphore_mem>> -> memref<!tpu.dma_semaphore, #tpu.memory_space<semaphore_mem>>
        tpu.enqueue_indirect_dma source(%dma_start3A_462 : memref<128x32xf32, #tpu.memory_space<vmem>>) target(%dma_start3A_468 : memref<30848x32xf32, #tpu.memory_space<vmem_shared>>) offsets(%dma_start3A_465 : memref<128xi32, #tpu.memory_space<vmem>>) semaphore(%dma_start3A_470 : memref<!tpu.dma_semaphore, #tpu.memory_space<semaphore_mem>>) {add = true}
        %add3A_471 = arith.constant 0 : i32
        %add3A_472 = arith.addi %mul3A_409, %add3A_471 : i32
        %add3A_473 = arith.constant 2 : i32
        %add3A_474 = arith.addi %add3A_472, %add3A_473 : i32
        %lt3A = arith.constant 14 : i32
        %lt3A_475 = arith.cmpi slt, %add3A_474, %lt3A : i32
        %convert_element_type3A_476 = arith.extui %lt3A_475 : i1 to i32
        %cond3A_477 = arith.constant 0 : i32
        %cond3A_478 = arith.cmpi ne, %convert_element_type3A_476, %cond3A_477 : i32
        scf.if %cond3A_478 {
          %add3A_553 = arith.constant 0 : i32
          %add3A_554 = arith.addi %mul3A_409, %add3A_553 : i32
          %add3A_555 = arith.constant 2 : i32
          %add3A_556 = arith.addi %add3A_554, %add3A_555 : i32
          %dma_start3A_557 = arith.constant 0 : i32
          %dma_start3A_558 = arith.constant 0 : i32
          %dma_start3A_559 = arith.constant 0 : i32
          %dma_start3A_560 = arith.constant 0 : i32
          %dma_start3A_561 = tpu.memref_slice %arg24[%dma_start3A_557, %dma_start3A_559, %dma_start3A_560] : memref<2x128x32xf32, #tpu.memory_space<vmem>> -> memref<1x128x32xf32, #tpu.memory_space<vmem>>
          %dma_start3A_562 = tpu.memref_squeeze %dma_start3A_561 : memref<1x128x32xf32, #tpu.memory_space<vmem>> -> memref<128x32xf32, #tpu.memory_space<vmem>>
          %dma_start3A_563 = arith.constant 0 : i32
          %dma_start3A_564 = tpu.memref_slice %arg18[%add3A_556, %dma_start3A_563] : memref<14x128xi32, #tpu.memory_space<vmem>> -> memref<1x128xi32, #tpu.memory_space<vmem>>
          %dma_start3A_565 = tpu.memref_squeeze %dma_start3A_564 : memref<1x128xi32, #tpu.memory_space<vmem>> -> memref<128xi32, #tpu.memory_space<vmem>>
          %dma_start3A_566 = arith.constant 0 : i32
          %dma_start3A_567 = arith.constant 0 : i32
          %dma_start3A_568 = tpu.memref_slice %arg17[%dma_start3A_566, %dma_start3A_567] : memref<1600x32xf32, #tpu.memory_space<vmem_shared>> -> memref<1600x32xf32, #tpu.memory_space<vmem_shared>>
          %dma_start3A_569 = tpu.memref_slice %arg27[%dma_start3A_558] : memref<2x!tpu.dma_semaphore, #tpu.memory_space<semaphore_mem>> -> memref<1x!tpu.dma_semaphore, #tpu.memory_space<semaphore_mem>>
          %dma_start3A_570 = tpu.memref_squeeze %dma_start3A_569 : memref<1x!tpu.dma_semaphore, #tpu.memory_space<semaphore_mem>> -> memref<!tpu.dma_semaphore, #tpu.memory_space<semaphore_mem>>
          tpu.enqueue_indirect_dma source(%dma_start3A_568 : memref<1600x32xf32, #tpu.memory_space<vmem_shared>>) target(%dma_start3A_562 : memref<128x32xf32, #tpu.memory_space<vmem>>) offsets(%dma_start3A_565 : memref<128xi32, #tpu.memory_space<vmem>>) semaphore(%dma_start3A_570 : memref<!tpu.dma_semaphore, #tpu.memory_space<semaphore_mem>>)
          %dma_start3A_571 = arith.constant 0 : i32
          %dma_start3A_572 = arith.constant 0 : i32
          %dma_start3A_573 = arith.constant 0 : i32
          %dma_start3A_574 = arith.constant 0 : i32
          %dma_start3A_575 = tpu.memref_slice %arg26[%dma_start3A_571, %dma_start3A_573, %dma_start3A_574] : memref<2x128x16xf32, #tpu.memory_space<vmem>> -> memref<1x128x16xf32, #tpu.memory_space<vmem>>
          %dma_start3A_576 = tpu.memref_squeeze %dma_start3A_575 : memref<1x128x16xf32, #tpu.memory_space<vmem>> -> memref<128x16xf32, #tpu.memory_space<vmem>>
          %dma_start3A_577 = arith.constant 0 : i32
          %dma_start3A_578 = arith.constant 0 : i32
          %dma_start3A_579 = tpu.memref_slice %arg5[%arg1, %add3A_556, %dma_start3A_577, %dma_start3A_578] : memref<16x14x128x16xf32, #tpu.memory_space<hbm>> -> memref<1x1x128x16xf32, #tpu.memory_space<hbm>>
          %dma_start3A_580 = tpu.memref_squeeze %dma_start3A_579 : memref<1x1x128x16xf32, #tpu.memory_space<hbm>> -> memref<128x16xf32, #tpu.memory_space<hbm>>
          %dma_start3A_581 = tpu.memref_slice %arg28[%dma_start3A_572] : memref<2x!tpu.dma_semaphore, #tpu.memory_space<semaphore_mem>> -> memref<1x!tpu.dma_semaphore, #tpu.memory_space<semaphore_mem>>
          %dma_start3A_582 = tpu.memref_squeeze %dma_start3A_581 : memref<1x!tpu.dma_semaphore, #tpu.memory_space<semaphore_mem>> -> memref<!tpu.dma_semaphore, #tpu.memory_space<semaphore_mem>>
          %dma_start3A_583 = arith.constant 0 : i32
          %dma_start3A_584 = arith.constant 0 : i32
          %dma_start3A_585 = tpu.memref_slice %arg26[%dma_start3A_571, %dma_start3A_583, %dma_start3A_584] : memref<2x128x16xf32, #tpu.memory_space<vmem>> -> memref<1x128x16xf32, #tpu.memory_space<vmem>>
          %dma_start3A_586 = tpu.memref_squeeze %dma_start3A_585 : memref<1x128x16xf32, #tpu.memory_space<vmem>> -> memref<128x16xf32, #tpu.memory_space<vmem>>
          %dma_start3A_587 = arith.constant 0 : i32
          %dma_start3A_588 = arith.constant 0 : i32
          %dma_start3A_589 = tpu.memref_slice %arg5[%arg1, %add3A_556, %dma_start3A_587, %dma_start3A_588] : memref<16x14x128x16xf32, #tpu.memory_space<hbm>> -> memref<1x1x128x16xf32, #tpu.memory_space<hbm>>
          %dma_start3A_590 = tpu.memref_squeeze %dma_start3A_589 : memref<1x1x128x16xf32, #tpu.memory_space<hbm>> -> memref<128x16xf32, #tpu.memory_space<hbm>>
          tpu.enqueue_dma source(%dma_start3A_590 : memref<128x16xf32, #tpu.memory_space<hbm>>) target(%dma_start3A_586 : memref<128x16xf32, #tpu.memory_space<vmem>>) target_semaphore(%dma_start3A_582 : memref<!tpu.dma_semaphore, #tpu.memory_space<semaphore_mem>>)
        } else {
        }
        %add3A_479 = arith.constant 1 : i32
        %add3A_480 = arith.addi %mul3A_409, %add3A_479 : i32
        %dma_wait3A_481 = arith.constant 1 : i32
        %dma_wait3A_482 = arith.constant 1 : i32
        %dma_wait3A_483 = arith.constant 0 : i32
        %dma_wait3A_484 = arith.constant 0 : i32
        %dma_wait3A_485 = tpu.memref_slice %arg24[%dma_wait3A_481, %dma_wait3A_483, %dma_wait3A_484] : memref<2x128x32xf32, #tpu.memory_space<vmem>> -> memref<1x128x32xf32, #tpu.memory_space<vmem>>
        %dma_wait3A_486 = tpu.memref_squeeze %dma_wait3A_485 : memref<1x128x32xf32, #tpu.memory_space<vmem>> -> memref<128x32xf32, #tpu.memory_space<vmem>>
        %dma_wait3A_487 = arith.constant 0 : i32
        %dma_wait3A_488 = tpu.memref_slice %arg18[%add3A_480, %dma_wait3A_487] : memref<14x128xi32, #tpu.memory_space<vmem>> -> memref<1x128xi32, #tpu.memory_space<vmem>>
        %dma_wait3A_489 = tpu.memref_squeeze %dma_wait3A_488 : memref<1x128xi32, #tpu.memory_space<vmem>> -> memref<128xi32, #tpu.memory_space<vmem>>
        %dma_wait3A_490 = arith.constant 0 : i32
        %dma_wait3A_491 = arith.constant 0 : i32
        %dma_wait3A_492 = tpu.memref_slice %arg17[%dma_wait3A_490, %dma_wait3A_491] : memref<1600x32xf32, #tpu.memory_space<vmem_shared>> -> memref<1600x32xf32, #tpu.memory_space<vmem_shared>>
        %dma_wait3A_493 = tpu.memref_slice %arg27[%dma_wait3A_482] : memref<2x!tpu.dma_semaphore, #tpu.memory_space<semaphore_mem>> -> memref<1x!tpu.dma_semaphore, #tpu.memory_space<semaphore_mem>>
        %dma_wait3A_494 = tpu.memref_squeeze %dma_wait3A_493 : memref<1x!tpu.dma_semaphore, #tpu.memory_space<semaphore_mem>> -> memref<!tpu.dma_semaphore, #tpu.memory_space<semaphore_mem>>
        tpu.wait_indirect_dma semaphore(%dma_wait3A_494 : memref<!tpu.dma_semaphore, #tpu.memory_space<semaphore_mem>>) src(%dma_wait3A_492 : memref<1600x32xf32, #tpu.memory_space<vmem_shared>>) dst(%dma_wait3A_486 : memref<128x32xf32, #tpu.memory_space<vmem>>)
        %dma_wait3A_495 = arith.constant 1 : i32
        %dma_wait3A_496 = arith.constant 1 : i32
        %dma_wait3A_497 = arith.constant 0 : i32
        %dma_wait3A_498 = arith.constant 0 : i32
        %dma_wait3A_499 = tpu.memref_slice %arg26[%dma_wait3A_495, %dma_wait3A_497, %dma_wait3A_498] : memref<2x128x16xf32, #tpu.memory_space<vmem>> -> memref<1x128x16xf32, #tpu.memory_space<vmem>>
        %dma_wait3A_500 = tpu.memref_squeeze %dma_wait3A_499 : memref<1x128x16xf32, #tpu.memory_space<vmem>> -> memref<128x16xf32, #tpu.memory_space<vmem>>
        %dma_wait3A_501 = arith.constant 0 : i32
        %dma_wait3A_502 = arith.constant 0 : i32
        %dma_wait3A_503 = tpu.memref_slice %arg5[%arg1, %add3A_480, %dma_wait3A_501, %dma_wait3A_502] : memref<16x14x128x16xf32, #tpu.memory_space<hbm>> -> memref<1x1x128x16xf32, #tpu.memory_space<hbm>>
        %dma_wait3A_504 = tpu.memref_squeeze %dma_wait3A_503 : memref<1x1x128x16xf32, #tpu.memory_space<hbm>> -> memref<128x16xf32, #tpu.memory_space<hbm>>
        %dma_wait3A_505 = tpu.memref_slice %arg28[%dma_wait3A_496] : memref<2x!tpu.dma_semaphore, #tpu.memory_space<semaphore_mem>> -> memref<1x!tpu.dma_semaphore, #tpu.memory_space<semaphore_mem>>
        %dma_wait3A_506 = tpu.memref_squeeze %dma_wait3A_505 : memref<1x!tpu.dma_semaphore, #tpu.memory_space<semaphore_mem>> -> memref<!tpu.dma_semaphore, #tpu.memory_space<semaphore_mem>>
        %dma_wait3A_507 = arith.constant 0 : i32
        %dma_wait3A_508 = arith.constant 0 : i32
        %dma_wait3A_509 = tpu.memref_slice %arg26[%dma_wait3A_495, %dma_wait3A_507, %dma_wait3A_508] : memref<2x128x16xf32, #tpu.memory_space<vmem>> -> memref<1x128x16xf32, #tpu.memory_space<vmem>>
        %dma_wait3A_510 = tpu.memref_squeeze %dma_wait3A_509 : memref<1x128x16xf32, #tpu.memory_space<vmem>> -> memref<128x16xf32, #tpu.memory_space<vmem>>
        %dma_wait3A_511 = arith.constant 0 : i32
        %dma_wait3A_512 = arith.constant 0 : i32
        %dma_wait3A_513 = tpu.memref_slice %arg5[%arg1, %add3A_480, %dma_wait3A_511, %dma_wait3A_512] : memref<16x14x128x16xf32, #tpu.memory_space<hbm>> -> memref<1x1x128x16xf32, #tpu.memory_space<hbm>>
        %dma_wait3A_514 = tpu.memref_squeeze %dma_wait3A_513 : memref<1x1x128x16xf32, #tpu.memory_space<hbm>> -> memref<128x16xf32, #tpu.memory_space<hbm>>
        tpu.wait_dma2 semaphore(%dma_wait3A_506 : memref<!tpu.dma_semaphore, #tpu.memory_space<semaphore_mem>>) src(%dma_wait3A_514 : memref<128x16xf32, #tpu.memory_space<hbm>>) dst(%dma_wait3A_510 : memref<128x16xf32, #tpu.memory_space<vmem>>)
        %add3A_515 = arith.constant 1 : i32
        %add3A_516 = arith.addi %mul3A_409, %add3A_515 : i32
        %ge3A_517 = arith.constant 2 : i32
        %ge3A_518 = arith.cmpi sge, %add3A_516, %ge3A_517 : i32
        %convert_element_type3A_519 = arith.extui %ge3A_518 : i1 to i32
        %cond3A_520 = arith.constant 0 : i32
        %cond3A_521 = arith.cmpi ne, %convert_element_type3A_519, %cond3A_520 : i32
        scf.if %cond3A_521 {
          %add3A_553 = arith.constant 1 : i32
          %add3A_554 = arith.addi %mul3A_409, %add3A_553 : i32
          %sub3A_555 = arith.constant 2 : i32
          %sub3A_556 = arith.subi %add3A_554, %sub3A_555 : i32
          %dma_wait3A_557 = arith.constant 1 : i32
          %dma_wait3A_558 = arith.constant 1 : i32
          %dma_wait3A_559 = arith.constant 0 : i32
          %dma_wait3A_560 = arith.constant 0 : i32
          %dma_wait3A_561 = tpu.memref_slice %arg25[%dma_wait3A_557, %dma_wait3A_559, %dma_wait3A_560] : memref<2x128x32xf32, #tpu.memory_space<vmem>> -> memref<1x128x32xf32, #tpu.memory_space<vmem>>
          %dma_wait3A_562 = tpu.memref_squeeze %dma_wait3A_561 : memref<1x128x32xf32, #tpu.memory_space<vmem>> -> memref<128x32xf32, #tpu.memory_space<vmem>>
          %dma_wait3A_563 = arith.constant 0 : i32
          %dma_wait3A_564 = tpu.memref_slice %arg19[%sub3A_556, %dma_wait3A_563] : memref<14x128xi32, #tpu.memory_space<vmem>> -> memref<1x128xi32, #tpu.memory_space<vmem>>
          %dma_wait3A_565 = tpu.memref_squeeze %dma_wait3A_564 : memref<1x128xi32, #tpu.memory_space<vmem>> -> memref<128xi32, #tpu.memory_space<vmem>>
          %dma_wait3A_566 = arith.constant 0 : i32
          %dma_wait3A_567 = arith.constant 0 : i32
          %dma_wait3A_568 = tpu.memref_slice %arg16[%dma_wait3A_566, %dma_wait3A_567] : memref<30848x32xf32, #tpu.memory_space<vmem_shared>> -> memref<30848x32xf32, #tpu.memory_space<vmem_shared>>
          %dma_wait3A_569 = tpu.memref_slice %arg29[%dma_wait3A_558] : memref<2x!tpu.dma_semaphore, #tpu.memory_space<semaphore_mem>> -> memref<1x!tpu.dma_semaphore, #tpu.memory_space<semaphore_mem>>
          %dma_wait3A_570 = tpu.memref_squeeze %dma_wait3A_569 : memref<1x!tpu.dma_semaphore, #tpu.memory_space<semaphore_mem>> -> memref<!tpu.dma_semaphore, #tpu.memory_space<semaphore_mem>>
          tpu.wait_indirect_dma semaphore(%dma_wait3A_570 : memref<!tpu.dma_semaphore, #tpu.memory_space<semaphore_mem>>) src(%dma_wait3A_562 : memref<128x32xf32, #tpu.memory_space<vmem>>) dst(%dma_wait3A_568 : memref<30848x32xf32, #tpu.memory_space<vmem_shared>>)
        } else {
        }
        %parallel_loop3A_522 = arith.constant 0 : i32
        %parallel_loop3A_523 = arith.constant 128 : i32
        %parallel_loop3A_524 = arith.constant 1 : i32
        %parallel_loop3A_525 = arith.constant 1 : i32
        %parallel_loop3A_526 = arith.constant 1 : i32
        %parallel_loop3A_527 = arith.constant 1 : i32
        scf.for %parallel_loop3A_553 = %parallel_loop3A_522 to %parallel_loop3A_523 step %parallel_loop3A_524  : i32 {
          %parallel_loop3A_554 = arith.constant 0 : i32
          %parallel_loop3A_555 = arith.constant 0 : i32
          %parallel_loop3A_556 = tpu.memref_slice %arg26[%parallel_loop3A_525, %parallel_loop3A_554, %parallel_loop3A_555] : memref<2x128x16xf32, #tpu.memory_space<vmem>> -> memref<1x128x16xf32, #tpu.memory_space<vmem>>
          %parallel_loop3A_557 = tpu.memref_squeeze %parallel_loop3A_556 : memref<1x128x16xf32, #tpu.memory_space<vmem>> -> memref<128x16xf32, #tpu.memory_space<vmem>>
          %parallel_loop3A_558 = arith.index_cast %parallel_loop3A_553 : i32 to index
          %parallel_loop3A_559 = arith.constant 0 : index
          %parallel_loop3A_560 = tpu.vector_load %parallel_loop3A_557[%parallel_loop3A_558, %parallel_loop3A_559] {strides = array<i32>} : memref<128x16xf32, #tpu.memory_space<vmem>>, vector<1x16xf32>,
          %parallel_loop3A_561 = vector.shape_cast %parallel_loop3A_560 : vector<1x16xf32> to vector<16xf32>
          %parallel_loop3A_562 = arith.constant 0 : i32
          %parallel_loop3A_563 = arith.constant 0 : i32
          %parallel_loop3A_564 = tpu.memref_slice %arg24[%parallel_loop3A_526, %parallel_loop3A_562, %parallel_loop3A_563] : memref<2x128x32xf32, #tpu.memory_space<vmem>> -> memref<1x128x32xf32, #tpu.memory_space<vmem>>
          %parallel_loop3A_565 = tpu.memref_squeeze %parallel_loop3A_564 : memref<1x128x32xf32, #tpu.memory_space<vmem>> -> memref<128x32xf32, #tpu.memory_space<vmem>>
          %parallel_loop3A_566 = arith.index_cast %parallel_loop3A_553 : i32 to index
          %parallel_loop3A_567 = arith.constant 0 : index
          %parallel_loop3A_568 = tpu.vector_load %parallel_loop3A_565[%parallel_loop3A_566, %parallel_loop3A_567] {strides = array<i32>} : memref<128x32xf32, #tpu.memory_space<vmem>>, vector<1x16xf32>,
          %parallel_loop3A_569 = vector.shape_cast %parallel_loop3A_568 : vector<1x16xf32> to vector<16xf32>
          %parallel_loop3A_570 = arith.mulf %parallel_loop3A_569, %parallel_loop3A_561 : vector<16xf32>
          %parallel_loop3A_571 = arith.constant 0 : i32
          %parallel_loop3A_572 = arith.constant 0 : i32
          %parallel_loop3A_573 = tpu.memref_slice %arg25[%parallel_loop3A_527, %parallel_loop3A_571, %parallel_loop3A_572] : memref<2x128x32xf32, #tpu.memory_space<vmem>> -> memref<1x128x32xf32, #tpu.memory_space<vmem>>
          %parallel_loop3A_574 = tpu.memref_squeeze %parallel_loop3A_573 : memref<1x128x32xf32, #tpu.memory_space<vmem>> -> memref<128x32xf32, #tpu.memory_space<vmem>>
          %parallel_loop3A_575 = arith.index_cast %parallel_loop3A_553 : i32 to index
          %parallel_loop3A_576 = arith.constant 0 : index
          %parallel_loop3A_577 = tpu.vector_load %parallel_loop3A_574[%parallel_loop3A_575, %parallel_loop3A_576] {strides = array<i32>} : memref<128x32xf32, #tpu.memory_space<vmem>>, vector<1x16xf32>,
          %parallel_loop3A_578 = vector.shape_cast %parallel_loop3A_577 : vector<1x16xf32> to vector<16xf32>
          %parallel_loop3A_579 = vector.shape_cast %parallel_loop3A_570 : vector<16xf32> to vector<1x16xf32>
          tpu.vector_store %parallel_loop3A_574[%parallel_loop3A_575, %parallel_loop3A_576], %parallel_loop3A_579 {strides = array<i32>} : memref<128x32xf32, #tpu.memory_space<vmem>>, vector<1x16xf32>,
          %parallel_loop3A_580 = arith.constant 0 : i32
          %parallel_loop3A_581 = arith.constant 0 : i32
          %parallel_loop3A_582 = tpu.memref_slice %arg24[%parallel_loop3A_526, %parallel_loop3A_580, %parallel_loop3A_581] : memref<2x128x32xf32, #tpu.memory_space<vmem>> -> memref<1x128x32xf32, #tpu.memory_space<vmem>>
          %parallel_loop3A_583 = tpu.memref_squeeze %parallel_loop3A_582 : memref<1x128x32xf32, #tpu.memory_space<vmem>> -> memref<128x32xf32, #tpu.memory_space<vmem>>
          %parallel_loop3A_584 = arith.index_cast %parallel_loop3A_553 : i32 to index
          %parallel_loop3A_585 = arith.constant 16 : index
          %parallel_loop3A_586 = tpu.vector_load %parallel_loop3A_583[%parallel_loop3A_584, %parallel_loop3A_585] {strides = array<i32>} : memref<128x32xf32, #tpu.memory_space<vmem>>, vector<1x16xf32>,
          %parallel_loop3A_587 = vector.shape_cast %parallel_loop3A_586 : vector<1x16xf32> to vector<16xf32>
          %parallel_loop3A_588 = arith.mulf %parallel_loop3A_587, %parallel_loop3A_561 : vector<16xf32>
          %parallel_loop3A_589 = arith.constant 0 : i32
          %parallel_loop3A_590 = arith.constant 0 : i32
          %parallel_loop3A_591 = tpu.memref_slice %arg25[%parallel_loop3A_527, %parallel_loop3A_589, %parallel_loop3A_590] : memref<2x128x32xf32, #tpu.memory_space<vmem>> -> memref<1x128x32xf32, #tpu.memory_space<vmem>>
          %parallel_loop3A_592 = tpu.memref_squeeze %parallel_loop3A_591 : memref<1x128x32xf32, #tpu.memory_space<vmem>> -> memref<128x32xf32, #tpu.memory_space<vmem>>
          %parallel_loop3A_593 = arith.index_cast %parallel_loop3A_553 : i32 to index
          %parallel_loop3A_594 = arith.constant 16 : index
          %parallel_loop3A_595 = tpu.vector_load %parallel_loop3A_592[%parallel_loop3A_593, %parallel_loop3A_594] {strides = array<i32>} : memref<128x32xf32, #tpu.memory_space<vmem>>, vector<1x16xf32>,
          %parallel_loop3A_596 = vector.shape_cast %parallel_loop3A_595 : vector<1x16xf32> to vector<16xf32>
          %parallel_loop3A_597 = vector.shape_cast %parallel_loop3A_588 : vector<16xf32> to vector<1x16xf32>
          tpu.vector_store %parallel_loop3A_592[%parallel_loop3A_593, %parallel_loop3A_594], %parallel_loop3A_597 {strides = array<i32>} : memref<128x32xf32, #tpu.memory_space<vmem>>, vector<1x16xf32>,
        } {sc.loop_unroll_factor = 4 : i64, sc.parallel_access}
        %add3A_528 = arith.constant 1 : i32
        %add3A_529 = arith.addi %mul3A_409, %add3A_528 : i32
        %dma_start3A_530 = arith.constant 1 : i32
        %dma_start3A_531 = arith.constant 1 : i32
        %dma_start3A_532 = arith.constant 0 : i32
        %dma_start3A_533 = arith.constant 0 : i32
        %dma_start3A_534 = tpu.memref_slice %arg25[%dma_start3A_530, %dma_start3A_532, %dma_start3A_533] : memref<2x128x32xf32, #tpu.memory_space<vmem>> -> memref<1x128x32xf32, #tpu.memory_space<vmem>>
        %dma_start3A_535 = tpu.memref_squeeze %dma_start3A_534 : memref<1x128x32xf32, #tpu.memory_space<vmem>> -> memref<128x32xf32, #tpu.memory_space<vmem>>
        %dma_start3A_536 = arith.constant 0 : i32
        %dma_start3A_537 = tpu.memref_slice %arg19[%add3A_529, %dma_start3A_536] : memref<14x128xi32, #tpu.memory_space<vmem>> -> memref<1x128xi32, #tpu.memory_space<vmem>>
        %dma_start3A_538 = tpu.memref_squeeze %dma_start3A_537 : memref<1x128xi32, #tpu.memory_space<vmem>> -> memref<128xi32, #tpu.memory_space<vmem>>
        %dma_start3A_539 = arith.constant 0 : i32
        %dma_start3A_540 = arith.constant 0 : i32
        %dma_start3A_541 = tpu.memref_slice %arg16[%dma_start3A_539, %dma_start3A_540] : memref<30848x32xf32, #tpu.memory_space<vmem_shared>> -> memref<30848x32xf32, #tpu.memory_space<vmem_shared>>
        %dma_start3A_542 = tpu.memref_slice %arg29[%dma_start3A_531] : memref<2x!tpu.dma_semaphore, #tpu.memory_space<semaphore_mem>> -> memref<1x!tpu.dma_semaphore, #tpu.memory_space<semaphore_mem>>
        %dma_start3A_543 = tpu.memref_squeeze %dma_start3A_542 : memref<1x!tpu.dma_semaphore, #tpu.memory_space<semaphore_mem>> -> memref<!tpu.dma_semaphore, #tpu.memory_space<semaphore_mem>>
        tpu.enqueue_indirect_dma source(%dma_start3A_535 : memref<128x32xf32, #tpu.memory_space<vmem>>) target(%dma_start3A_541 : memref<30848x32xf32, #tpu.memory_space<vmem_shared>>) offsets(%dma_start3A_538 : memref<128xi32, #tpu.memory_space<vmem>>) semaphore(%dma_start3A_543 : memref<!tpu.dma_semaphore, #tpu.memory_space<semaphore_mem>>) {add = true}
        %add3A_544 = arith.constant 1 : i32
        %add3A_545 = arith.addi %mul3A_409, %add3A_544 : i32
        %add3A_546 = arith.constant 2 : i32
        %add3A_547 = arith.addi %add3A_545, %add3A_546 : i32
        %lt3A_548 = arith.constant 14 : i32
        %lt3A_549 = arith.cmpi slt, %add3A_547, %lt3A_548 : i32
        %convert_element_type3A_550 = arith.extui %lt3A_549 : i1 to i32
        %cond3A_551 = arith.constant 0 : i32
        %cond3A_552 = arith.cmpi ne, %convert_element_type3A_550, %cond3A_551 : i32
        scf.if %cond3A_552 {
          %add3A_553 = arith.constant 1 : i32
          %add3A_554 = arith.addi %mul3A_409, %add3A_553 : i32
          %add3A_555 = arith.constant 2 : i32
          %add3A_556 = arith.addi %add3A_554, %add3A_555 : i32
          %dma_start3A_557 = arith.constant 1 : i32
          %dma_start3A_558 = arith.constant 1 : i32
          %dma_start3A_559 = arith.constant 0 : i32
          %dma_start3A_560 = arith.constant 0 : i32
          %dma_start3A_561 = tpu.memref_slice %arg24[%dma_start3A_557, %dma_start3A_559, %dma_start3A_560] : memref<2x128x32xf32, #tpu.memory_space<vmem>> -> memref<1x128x32xf32, #tpu.memory_space<vmem>>
          %dma_start3A_562 = tpu.memref_squeeze %dma_start3A_561 : memref<1x128x32xf32, #tpu.memory_space<vmem>> -> memref<128x32xf32, #tpu.memory_space<vmem>>
          %dma_start3A_563 = arith.constant 0 : i32
          %dma_start3A_564 = tpu.memref_slice %arg18[%add3A_556, %dma_start3A_563] : memref<14x128xi32, #tpu.memory_space<vmem>> -> memref<1x128xi32, #tpu.memory_space<vmem>>
          %dma_start3A_565 = tpu.memref_squeeze %dma_start3A_564 : memref<1x128xi32, #tpu.memory_space<vmem>> -> memref<128xi32, #tpu.memory_space<vmem>>
          %dma_start3A_566 = arith.constant 0 : i32
          %dma_start3A_567 = arith.constant 0 : i32
          %dma_start3A_568 = tpu.memref_slice %arg17[%dma_start3A_566, %dma_start3A_567] : memref<1600x32xf32, #tpu.memory_space<vmem_shared>> -> memref<1600x32xf32, #tpu.memory_space<vmem_shared>>
          %dma_start3A_569 = tpu.memref_slice %arg27[%dma_start3A_558] : memref<2x!tpu.dma_semaphore, #tpu.memory_space<semaphore_mem>> -> memref<1x!tpu.dma_semaphore, #tpu.memory_space<semaphore_mem>>
          %dma_start3A_570 = tpu.memref_squeeze %dma_start3A_569 : memref<1x!tpu.dma_semaphore, #tpu.memory_space<semaphore_mem>> -> memref<!tpu.dma_semaphore, #tpu.memory_space<semaphore_mem>>
          tpu.enqueue_indirect_dma source(%dma_start3A_568 : memref<1600x32xf32, #tpu.memory_space<vmem_shared>>) target(%dma_start3A_562 : memref<128x32xf32, #tpu.memory_space<vmem>>) offsets(%dma_start3A_565 : memref<128xi32, #tpu.memory_space<vmem>>) semaphore(%dma_start3A_570 : memref<!tpu.dma_semaphore, #tpu.memory_space<semaphore_mem>>)
          %dma_start3A_571 = arith.constant 1 : i32
          %dma_start3A_572 = arith.constant 1 : i32
          %dma_start3A_573 = arith.constant 0 : i32
          %dma_start3A_574 = arith.constant 0 : i32
          %dma_start3A_575 = tpu.memref_slice %arg26[%dma_start3A_571, %dma_start3A_573, %dma_start3A_574] : memref<2x128x16xf32, #tpu.memory_space<vmem>> -> memref<1x128x16xf32, #tpu.memory_space<vmem>>
          %dma_start3A_576 = tpu.memref_squeeze %dma_start3A_575 : memref<1x128x16xf32, #tpu.memory_space<vmem>> -> memref<128x16xf32, #tpu.memory_space<vmem>>
          %dma_start3A_577 = arith.constant 0 : i32
          %dma_start3A_578 = arith.constant 0 : i32
          %dma_start3A_579 = tpu.memref_slice %arg5[%arg1, %add3A_556, %dma_start3A_577, %dma_start3A_578] : memref<16x14x128x16xf32, #tpu.memory_space<hbm>> -> memref<1x1x128x16xf32, #tpu.memory_space<hbm>>
          %dma_start3A_580 = tpu.memref_squeeze %dma_start3A_579 : memref<1x1x128x16xf32, #tpu.memory_space<hbm>> -> memref<128x16xf32, #tpu.memory_space<hbm>>
          %dma_start3A_581 = tpu.memref_slice %arg28[%dma_start3A_572] : memref<2x!tpu.dma_semaphore, #tpu.memory_space<semaphore_mem>> -> memref<1x!tpu.dma_semaphore, #tpu.memory_space<semaphore_mem>>
          %dma_start3A_582 = tpu.memref_squeeze %dma_start3A_581 : memref<1x!tpu.dma_semaphore, #tpu.memory_space<semaphore_mem>> -> memref<!tpu.dma_semaphore, #tpu.memory_space<semaphore_mem>>
          %dma_start3A_583 = arith.constant 0 : i32
          %dma_start3A_584 = arith.constant 0 : i32
          %dma_start3A_585 = tpu.memref_slice %arg26[%dma_start3A_571, %dma_start3A_583, %dma_start3A_584] : memref<2x128x16xf32, #tpu.memory_space<vmem>> -> memref<1x128x16xf32, #tpu.memory_space<vmem>>
          %dma_start3A_586 = tpu.memref_squeeze %dma_start3A_585 : memref<1x128x16xf32, #tpu.memory_space<vmem>> -> memref<128x16xf32, #tpu.memory_space<vmem>>
          %dma_start3A_587 = arith.constant 0 : i32
          %dma_start3A_588 = arith.constant 0 : i32
          %dma_start3A_589 = tpu.memref_slice %arg5[%arg1, %add3A_556, %dma_start3A_587, %dma_start3A_588] : memref<16x14x128x16xf32, #tpu.memory_space<hbm>> -> memref<1x1x128x16xf32, #tpu.memory_space<hbm>>
          %dma_start3A_590 = tpu.memref_squeeze %dma_start3A_589 : memref<1x1x128x16xf32, #tpu.memory_space<hbm>> -> memref<128x16xf32, #tpu.memory_space<hbm>>
          tpu.enqueue_dma source(%dma_start3A_590 : memref<128x16xf32, #tpu.memory_space<hbm>>) target(%dma_start3A_586 : memref<128x16xf32, #tpu.memory_space<vmem>>) target_semaphore(%dma_start3A_582 : memref<!tpu.dma_semaphore, #tpu.memory_space<semaphore_mem>>)
        } else {
        }
      }
      %scan3A_141 = arith.constant 7 : i32
      %dma_wait3A_142 = arith.constant 0 : i32
      %dma_wait3A_143 = arith.constant 12 : i32
      %dma_wait3A_144 = arith.constant 0 : i32
      %dma_wait3A_145 = arith.constant 0 : i32
      %dma_wait3A_146 = arith.constant 0 : i32
      %dma_wait3A_147 = tpu.memref_slice %arg25[%dma_wait3A_142, %dma_wait3A_145, %dma_wait3A_146] : memref<2x128x32xf32, #tpu.memory_space<vmem>> -> memref<1x128x32xf32, #tpu.memory_space<vmem>>
      %dma_wait3A_148 = tpu.memref_squeeze %dma_wait3A_147 : memref<1x128x32xf32, #tpu.memory_space<vmem>> -> memref<128x32xf32, #tpu.memory_space<vmem>>
      %dma_wait3A_149 = arith.constant 0 : i32
      %dma_wait3A_150 = tpu.memref_slice %arg19[%dma_wait3A_143, %dma_wait3A_149] : memref<14x128xi32, #tpu.memory_space<vmem>> -> memref<1x128xi32, #tpu.memory_space<vmem>>
      %dma_wait3A_151 = tpu.memref_squeeze %dma_wait3A_150 : memref<1x128xi32, #tpu.memory_space<vmem>> -> memref<128xi32, #tpu.memory_space<vmem>>
      %dma_wait3A_152 = arith.constant 0 : i32
      %dma_wait3A_153 = arith.constant 0 : i32
      %dma_wait3A_154 = tpu.memref_slice %arg16[%dma_wait3A_152, %dma_wait3A_153] : memref<30848x32xf32, #tpu.memory_space<vmem_shared>> -> memref<30848x32xf32, #tpu.memory_space<vmem_shared>>
      %dma_wait3A_155 = tpu.memref_slice %arg29[%dma_wait3A_144] : memref<2x!tpu.dma_semaphore, #tpu.memory_space<semaphore_mem>> -> memref<1x!tpu.dma_semaphore, #tpu.memory_space<semaphore_mem>>
      %dma_wait3A_156 = tpu.memref_squeeze %dma_wait3A_155 : memref<1x!tpu.dma_semaphore, #tpu.memory_space<semaphore_mem>> -> memref<!tpu.dma_semaphore, #tpu.memory_space<semaphore_mem>>
      tpu.wait_indirect_dma semaphore(%dma_wait3A_156 : memref<!tpu.dma_semaphore, #tpu.memory_space<semaphore_mem>>) src(%dma_wait3A_148 : memref<128x32xf32, #tpu.memory_space<vmem>>) dst(%dma_wait3A_154 : memref<30848x32xf32, #tpu.memory_space<vmem_shared>>)
      %dma_wait3A_157 = arith.constant 1 : i32
      %dma_wait3A_158 = arith.constant 13 : i32
      %dma_wait3A_159 = arith.constant 1 : i32
      %dma_wait3A_160 = arith.constant 0 : i32
      %dma_wait3A_161 = arith.constant 0 : i32
      %dma_wait3A_162 = tpu.memref_slice %arg25[%dma_wait3A_157, %dma_wait3A_160, %dma_wait3A_161] : memref<2x128x32xf32, #tpu.memory_space<vmem>> -> memref<1x128x32xf32, #tpu.memory_space<vmem>>
      %dma_wait3A_163 = tpu.memref_squeeze %dma_wait3A_162 : memref<1x128x32xf32, #tpu.memory_space<vmem>> -> memref<128x32xf32, #tpu.memory_space<vmem>>
      %dma_wait3A_164 = arith.constant 0 : i32
      %dma_wait3A_165 = tpu.memref_slice %arg19[%dma_wait3A_158, %dma_wait3A_164] : memref<14x128xi32, #tpu.memory_space<vmem>> -> memref<1x128xi32, #tpu.memory_space<vmem>>
      %dma_wait3A_166 = tpu.memref_squeeze %dma_wait3A_165 : memref<1x128xi32, #tpu.memory_space<vmem>> -> memref<128xi32, #tpu.memory_space<vmem>>
      %dma_wait3A_167 = arith.constant 0 : i32
      %dma_wait3A_168 = arith.constant 0 : i32
      %dma_wait3A_169 = tpu.memref_slice %arg16[%dma_wait3A_167, %dma_wait3A_168] : memref<30848x32xf32, #tpu.memory_space<vmem_shared>> -> memref<30848x32xf32, #tpu.memory_space<vmem_shared>>
      %dma_wait3A_170 = tpu.memref_slice %arg29[%dma_wait3A_159] : memref<2x!tpu.dma_semaphore, #tpu.memory_space<semaphore_mem>> -> memref<1x!tpu.dma_semaphore, #tpu.memory_space<semaphore_mem>>
      %dma_wait3A_171 = tpu.memref_squeeze %dma_wait3A_170 : memref<1x!tpu.dma_semaphore, #tpu.memory_space<semaphore_mem>> -> memref<!tpu.dma_semaphore, #tpu.memory_space<semaphore_mem>>
      tpu.wait_indirect_dma semaphore(%dma_wait3A_171 : memref<!tpu.dma_semaphore, #tpu.memory_space<semaphore_mem>>) src(%dma_wait3A_163 : memref<128x32xf32, #tpu.memory_space<vmem>>) dst(%dma_wait3A_169 : memref<30848x32xf32, #tpu.memory_space<vmem_shared>>)
      %barrier3A_172 = arith.constant 0 : index
      tpu.barrier barrier_id(%barrier3A_172)
      %dma_start3A_173 = arith.constant 0 : i32
      %dma_start3A_174 = arith.constant 0 : i32
      %dma_start3A_175 = arith.constant 0 : i32
      %dma_start3A_176 = arith.constant 0 : i32
      %dma_start3A_177 = arith.constant 0 : i32
      %dma_start3A_178 = tpu.memref_slice %arg24[%dma_start3A_174, %dma_start3A_176, %dma_start3A_177] : memref<2x128x32xf32, #tpu.memory_space<vmem>> -> memref<1x128x32xf32, #tpu.memory_space<vmem>>
      %dma_start3A_179 = tpu.memref_squeeze %dma_start3A_178 : memref<1x128x32xf32, #tpu.memory_space<vmem>> -> memref<128x32xf32, #tpu.memory_space<vmem>>
      %dma_start3A_180 = arith.constant 0 : i32
      %dma_start3A_181 = tpu.memref_slice %arg20[%dma_start3A_173, %dma_start3A_180] : memref<26x128xi32, #tpu.memory_space<vmem>> -> memref<1x128xi32, #tpu.memory_space<vmem>>
      %dma_start3A_182 = tpu.memref_squeeze %dma_start3A_181 : memref<1x128xi32, #tpu.memory_space<vmem>> -> memref<128xi32, #tpu.memory_space<vmem>>
      %dma_start3A_183 = arith.constant 0 : i32
      %dma_start3A_184 = arith.constant 0 : i32
      %dma_start3A_185 = tpu.memref_slice %arg16[%dma_start3A_183, %dma_start3A_184] : memref<30848x32xf32, #tpu.memory_space<vmem_shared>> -> memref<30848x32xf32, #tpu.memory_space<vmem_shared>>
      %dma_start3A_186 = tpu.memref_slice %arg27[%dma_start3A_175] : memref<2x!tpu.dma_semaphore, #tpu.memory_space<semaphore_mem>> -> memref<1x!tpu.dma_semaphore, #tpu.memory_space<semaphore_mem>>
      %dma_start3A_187 = tpu.memref_squeeze %dma_start3A_186 : memref<1x!tpu.dma_semaphore, #tpu.memory_space<semaphore_mem>> -> memref<!tpu.dma_semaphore, #tpu.memory_space<semaphore_mem>>
      tpu.enqueue_indirect_dma source(%dma_start3A_185 : memref<30848x32xf32, #tpu.memory_space<vmem_shared>>) target(%dma_start3A_179 : memref<128x32xf32, #tpu.memory_space<vmem>>) offsets(%dma_start3A_182 : memref<128xi32, #tpu.memory_space<vmem>>) semaphore(%dma_start3A_187 : memref<!tpu.dma_semaphore, #tpu.memory_space<semaphore_mem>>)
      %dma_start3A_188 = arith.constant 0 : i32
      %dma_start3A_189 = arith.constant 0 : i32
      %dma_start3A_190 = arith.constant 0 : i32
      %dma_start3A_191 = arith.constant 0 : i32
      %dma_start3A_192 = arith.constant 0 : i32
      %dma_start3A_193 = tpu.memref_slice %arg26[%dma_start3A_189, %dma_start3A_191, %dma_start3A_192] : memref<2x128x16xf32, #tpu.memory_space<vmem>> -> memref<1x128x16xf32, #tpu.memory_space<vmem>>
      %dma_start3A_194 = tpu.memref_squeeze %dma_start3A_193 : memref<1x128x16xf32, #tpu.memory_space<vmem>> -> memref<128x16xf32, #tpu.memory_space<vmem>>
      %dma_start3A_195 = arith.constant 0 : i32
      %dma_start3A_196 = arith.constant 0 : i32
      %dma_start3A_197 = tpu.memref_slice %arg9[%arg1, %dma_start3A_188, %dma_start3A_195, %dma_start3A_196] : memref<16x26x128x16xf32, #tpu.memory_space<hbm>> -> memref<1x1x128x16xf32, #tpu.memory_space<hbm>>
      %dma_start3A_198 = tpu.memref_squeeze %dma_start3A_197 : memref<1x1x128x16xf32, #tpu.memory_space<hbm>> -> memref<128x16xf32, #tpu.memory_space<hbm>>
      %dma_start3A_199 = tpu.memref_slice %arg28[%dma_start3A_190] : memref<2x!tpu.dma_semaphore, #tpu.memory_space<semaphore_mem>> -> memref<1x!tpu.dma_semaphore, #tpu.memory_space<semaphore_mem>>
      %dma_start3A_200 = tpu.memref_squeeze %dma_start3A_199 : memref<1x!tpu.dma_semaphore, #tpu.memory_space<semaphore_mem>> -> memref<!tpu.dma_semaphore, #tpu.memory_space<semaphore_mem>>
      %dma_start3A_201 = arith.constant 0 : i32
      %dma_start3A_202 = arith.constant 0 : i32
      %dma_start3A_203 = tpu.memref_slice %arg26[%dma_start3A_189, %dma_start3A_201, %dma_start3A_202] : memref<2x128x16xf32, #tpu.memory_space<vmem>> -> memref<1x128x16xf32, #tpu.memory_space<vmem>>
      %dma_start3A_204 = tpu.memref_squeeze %dma_start3A_203 : memref<1x128x16xf32, #tpu.memory_space<vmem>> -> memref<128x16xf32, #tpu.memory_space<vmem>>
      %dma_start3A_205 = arith.constant 0 : i32
      %dma_start3A_206 = arith.constant 0 : i32
      %dma_start3A_207 = tpu.memref_slice %arg9[%arg1, %dma_start3A_188, %dma_start3A_205, %dma_start3A_206] : memref<16x26x128x16xf32, #tpu.memory_space<hbm>> -> memref<1x1x128x16xf32, #tpu.memory_space<hbm>>
      %dma_start3A_208 = tpu.memref_squeeze %dma_start3A_207 : memref<1x1x128x16xf32, #tpu.memory_space<hbm>> -> memref<128x16xf32, #tpu.memory_space<hbm>>
      tpu.enqueue_dma source(%dma_start3A_208 : memref<128x16xf32, #tpu.memory_space<hbm>>) target(%dma_start3A_204 : memref<128x16xf32, #tpu.memory_space<vmem>>) target_semaphore(%dma_start3A_200 : memref<!tpu.dma_semaphore, #tpu.memory_space<semaphore_mem>>)
      %dma_start3A_209 = arith.constant 1 : i32
      %dma_start3A_210 = arith.constant 1 : i32
      %dma_start3A_211 = arith.constant 1 : i32
      %dma_start3A_212 = arith.constant 0 : i32
      %dma_start3A_213 = arith.constant 0 : i32
      %dma_start3A_214 = tpu.memref_slice %arg24[%dma_start3A_210, %dma_start3A_212, %dma_start3A_213] : memref<2x128x32xf32, #tpu.memory_space<vmem>> -> memref<1x128x32xf32, #tpu.memory_space<vmem>>
      %dma_start3A_215 = tpu.memref_squeeze %dma_start3A_214 : memref<1x128x32xf32, #tpu.memory_space<vmem>> -> memref<128x32xf32, #tpu.memory_space<vmem>>
      %dma_start3A_216 = arith.constant 0 : i32
      %dma_start3A_217 = tpu.memref_slice %arg20[%dma_start3A_209, %dma_start3A_216] : memref<26x128xi32, #tpu.memory_space<vmem>> -> memref<1x128xi32, #tpu.memory_space<vmem>>
      %dma_start3A_218 = tpu.memref_squeeze %dma_start3A_217 : memref<1x128xi32, #tpu.memory_space<vmem>> -> memref<128xi32, #tpu.memory_space<vmem>>
      %dma_start3A_219 = arith.constant 0 : i32
      %dma_start3A_220 = arith.constant 0 : i32
      %dma_start3A_221 = tpu.memref_slice %arg16[%dma_start3A_219, %dma_start3A_220] : memref<30848x32xf32, #tpu.memory_space<vmem_shared>> -> memref<30848x32xf32, #tpu.memory_space<vmem_shared>>
      %dma_start3A_222 = tpu.memref_slice %arg27[%dma_start3A_211] : memref<2x!tpu.dma_semaphore, #tpu.memory_space<semaphore_mem>> -> memref<1x!tpu.dma_semaphore, #tpu.memory_space<semaphore_mem>>
      %dma_start3A_223 = tpu.memref_squeeze %dma_start3A_222 : memref<1x!tpu.dma_semaphore, #tpu.memory_space<semaphore_mem>> -> memref<!tpu.dma_semaphore, #tpu.memory_space<semaphore_mem>>
      tpu.enqueue_indirect_dma source(%dma_start3A_221 : memref<30848x32xf32, #tpu.memory_space<vmem_shared>>) target(%dma_start3A_215 : memref<128x32xf32, #tpu.memory_space<vmem>>) offsets(%dma_start3A_218 : memref<128xi32, #tpu.memory_space<vmem>>) semaphore(%dma_start3A_223 : memref<!tpu.dma_semaphore, #tpu.memory_space<semaphore_mem>>)
      %dma_start3A_224 = arith.constant 1 : i32
      %dma_start3A_225 = arith.constant 1 : i32
      %dma_start3A_226 = arith.constant 1 : i32
      %dma_start3A_227 = arith.constant 0 : i32
      %dma_start3A_228 = arith.constant 0 : i32
      %dma_start3A_229 = tpu.memref_slice %arg26[%dma_start3A_225, %dma_start3A_227, %dma_start3A_228] : memref<2x128x16xf32, #tpu.memory_space<vmem>> -> memref<1x128x16xf32, #tpu.memory_space<vmem>>
      %dma_start3A_230 = tpu.memref_squeeze %dma_start3A_229 : memref<1x128x16xf32, #tpu.memory_space<vmem>> -> memref<128x16xf32, #tpu.memory_space<vmem>>
      %dma_start3A_231 = arith.constant 0 : i32
      %dma_start3A_232 = arith.constant 0 : i32
      %dma_start3A_233 = tpu.memref_slice %arg9[%arg1, %dma_start3A_224, %dma_start3A_231, %dma_start3A_232] : memref<16x26x128x16xf32, #tpu.memory_space<hbm>> -> memref<1x1x128x16xf32, #tpu.memory_space<hbm>>
      %dma_start3A_234 = tpu.memref_squeeze %dma_start3A_233 : memref<1x1x128x16xf32, #tpu.memory_space<hbm>> -> memref<128x16xf32, #tpu.memory_space<hbm>>
      %dma_start3A_235 = tpu.memref_slice %arg28[%dma_start3A_226] : memref<2x!tpu.dma_semaphore, #tpu.memory_space<semaphore_mem>> -> memref<1x!tpu.dma_semaphore, #tpu.memory_space<semaphore_mem>>
      %dma_start3A_236 = tpu.memref_squeeze %dma_start3A_235 : memref<1x!tpu.dma_semaphore, #tpu.memory_space<semaphore_mem>> -> memref<!tpu.dma_semaphore, #tpu.memory_space<semaphore_mem>>
      %dma_start3A_237 = arith.constant 0 : i32
      %dma_start3A_238 = arith.constant 0 : i32
      %dma_start3A_239 = tpu.memref_slice %arg26[%dma_start3A_225, %dma_start3A_237, %dma_start3A_238] : memref<2x128x16xf32, #tpu.memory_space<vmem>> -> memref<1x128x16xf32, #tpu.memory_space<vmem>>
      %dma_start3A_240 = tpu.memref_squeeze %dma_start3A_239 : memref<1x128x16xf32, #tpu.memory_space<vmem>> -> memref<128x16xf32, #tpu.memory_space<vmem>>
      %dma_start3A_241 = arith.constant 0 : i32
      %dma_start3A_242 = arith.constant 0 : i32
      %dma_start3A_243 = tpu.memref_slice %arg9[%arg1, %dma_start3A_224, %dma_start3A_241, %dma_start3A_242] : memref<16x26x128x16xf32, #tpu.memory_space<hbm>> -> memref<1x1x128x16xf32, #tpu.memory_space<hbm>>
      %dma_start3A_244 = tpu.memref_squeeze %dma_start3A_243 : memref<1x1x128x16xf32, #tpu.memory_space<hbm>> -> memref<128x16xf32, #tpu.memory_space<hbm>>
      tpu.enqueue_dma source(%dma_start3A_244 : memref<128x16xf32, #tpu.memory_space<hbm>>) target(%dma_start3A_240 : memref<128x16xf32, #tpu.memory_space<vmem>>) target_semaphore(%dma_start3A_236 : memref<!tpu.dma_semaphore, #tpu.memory_space<semaphore_mem>>)
      %scan3A_245 = arith.constant 0 : i32
      %scan3A_246 = arith.constant 13 : i32
      %scan3A_247 = arith.addi %scan3A_245, %scan3A_246 : i32
      %scan3A_248 = arith.constant 1 : i32
      scf.for %scan3A_403 = %scan3A_245 to %scan3A_247 step %scan3A_248  : i32 {
        %mul3A_404 = arith.constant 1 : i32
        %mul3A_405 = arith.muli %scan3A_403, %mul3A_404 : i32
        %add3A_406 = arith.constant 0 : i32
        %add3A_407 = arith.addi %add3A_406, %mul3A_405 : i32
        %mul3A_408 = arith.constant 2 : i32
        %mul3A_409 = arith.muli %mul3A_408, %add3A_407 : i32
        %add3A_410 = arith.constant 0 : i32
        %add3A_411 = arith.addi %mul3A_409, %add3A_410 : i32
        %dma_wait3A_412 = arith.constant 0 : i32
        %dma_wait3A_413 = arith.constant 0 : i32
        %dma_wait3A_414 = arith.constant 0 : i32
        %dma_wait3A_415 = arith.constant 0 : i32
        %dma_wait3A_416 = tpu.memref_slice %arg24[%dma_wait3A_412, %dma_wait3A_414, %dma_wait3A_415] : memref<2x128x32xf32, #tpu.memory_space<vmem>> -> memref<1x128x32xf32, #tpu.memory_space<vmem>>
        %dma_wait3A_417 = tpu.memref_squeeze %dma_wait3A_416 : memref<1x128x32xf32, #tpu.memory_space<vmem>> -> memref<128x32xf32, #tpu.memory_space<vmem>>
        %dma_wait3A_418 = arith.constant 0 : i32
        %dma_wait3A_419 = tpu.memref_slice %arg20[%add3A_411, %dma_wait3A_418] : memref<26x128xi32, #tpu.memory_space<vmem>> -> memref<1x128xi32, #tpu.memory_space<vmem>>
        %dma_wait3A_420 = tpu.memref_squeeze %dma_wait3A_419 : memref<1x128xi32, #tpu.memory_space<vmem>> -> memref<128xi32, #tpu.memory_space<vmem>>
        %dma_wait3A_421 = arith.constant 0 : i32
        %dma_wait3A_422 = arith.constant 0 : i32
        %dma_wait3A_423 = tpu.memref_slice %arg16[%dma_wait3A_421, %dma_wait3A_422] : memref<30848x32xf32, #tpu.memory_space<vmem_shared>> -> memref<30848x32xf32, #tpu.memory_space<vmem_shared>>
        %dma_wait3A_424 = tpu.memref_slice %arg27[%dma_wait3A_413] : memref<2x!tpu.dma_semaphore, #tpu.memory_space<semaphore_mem>> -> memref<1x!tpu.dma_semaphore, #tpu.memory_space<semaphore_mem>>
        %dma_wait3A_425 = tpu.memref_squeeze %dma_wait3A_424 : memref<1x!tpu.dma_semaphore, #tpu.memory_space<semaphore_mem>> -> memref<!tpu.dma_semaphore, #tpu.memory_space<semaphore_mem>>
        tpu.wait_indirect_dma semaphore(%dma_wait3A_425 : memref<!tpu.dma_semaphore, #tpu.memory_space<semaphore_mem>>) src(%dma_wait3A_423 : memref<30848x32xf32, #tpu.memory_space<vmem_shared>>) dst(%dma_wait3A_417 : memref<128x32xf32, #tpu.memory_space<vmem>>)
        %dma_wait3A_426 = arith.constant 0 : i32
        %dma_wait3A_427 = arith.constant 0 : i32
        %dma_wait3A_428 = arith.constant 0 : i32
        %dma_wait3A_429 = arith.constant 0 : i32
        %dma_wait3A_430 = tpu.memref_slice %arg26[%dma_wait3A_426, %dma_wait3A_428, %dma_wait3A_429] : memref<2x128x16xf32, #tpu.memory_space<vmem>> -> memref<1x128x16xf32, #tpu.memory_space<vmem>>
        %dma_wait3A_431 = tpu.memref_squeeze %dma_wait3A_430 : memref<1x128x16xf32, #tpu.memory_space<vmem>> -> memref<128x16xf32, #tpu.memory_space<vmem>>
        %dma_wait3A_432 = arith.constant 0 : i32
        %dma_wait3A_433 = arith.constant 0 : i32
        %dma_wait3A_434 = tpu.memref_slice %arg9[%arg1, %add3A_411, %dma_wait3A_432, %dma_wait3A_433] : memref<16x26x128x16xf32, #tpu.memory_space<hbm>> -> memref<1x1x128x16xf32, #tpu.memory_space<hbm>>
        %dma_wait3A_435 = tpu.memref_squeeze %dma_wait3A_434 : memref<1x1x128x16xf32, #tpu.memory_space<hbm>> -> memref<128x16xf32, #tpu.memory_space<hbm>>
        %dma_wait3A_436 = tpu.memref_slice %arg28[%dma_wait3A_427] : memref<2x!tpu.dma_semaphore, #tpu.memory_space<semaphore_mem>> -> memref<1x!tpu.dma_semaphore, #tpu.memory_space<semaphore_mem>>
        %dma_wait3A_437 = tpu.memref_squeeze %dma_wait3A_436 : memref<1x!tpu.dma_semaphore, #tpu.memory_space<semaphore_mem>> -> memref<!tpu.dma_semaphore, #tpu.memory_space<semaphore_mem>>
        %dma_wait3A_438 = arith.constant 0 : i32
        %dma_wait3A_439 = arith.constant 0 : i32
        %dma_wait3A_440 = tpu.memref_slice %arg26[%dma_wait3A_426, %dma_wait3A_438, %dma_wait3A_439] : memref<2x128x16xf32, #tpu.memory_space<vmem>> -> memref<1x128x16xf32, #tpu.memory_space<vmem>>
        %dma_wait3A_441 = tpu.memref_squeeze %dma_wait3A_440 : memref<1x128x16xf32, #tpu.memory_space<vmem>> -> memref<128x16xf32, #tpu.memory_space<vmem>>
        %dma_wait3A_442 = arith.constant 0 : i32
        %dma_wait3A_443 = arith.constant 0 : i32
        %dma_wait3A_444 = tpu.memref_slice %arg9[%arg1, %add3A_411, %dma_wait3A_442, %dma_wait3A_443] : memref<16x26x128x16xf32, #tpu.memory_space<hbm>> -> memref<1x1x128x16xf32, #tpu.memory_space<hbm>>
        %dma_wait3A_445 = tpu.memref_squeeze %dma_wait3A_444 : memref<1x1x128x16xf32, #tpu.memory_space<hbm>> -> memref<128x16xf32, #tpu.memory_space<hbm>>
        tpu.wait_dma2 semaphore(%dma_wait3A_437 : memref<!tpu.dma_semaphore, #tpu.memory_space<semaphore_mem>>) src(%dma_wait3A_445 : memref<128x16xf32, #tpu.memory_space<hbm>>) dst(%dma_wait3A_441 : memref<128x16xf32, #tpu.memory_space<vmem>>)
        %add3A_446 = arith.constant 0 : i32
        %add3A_447 = arith.addi %mul3A_409, %add3A_446 : i32
        %ge3A = arith.constant 2 : i32
        %ge3A_448 = arith.cmpi sge, %add3A_447, %ge3A : i32
        %convert_element_type3A = arith.extui %ge3A_448 : i1 to i32
        %cond3A = arith.constant 0 : i32
        %cond3A_449 = arith.cmpi ne, %convert_element_type3A, %cond3A : i32
        scf.if %cond3A_449 {
          %add3A_553 = arith.constant 0 : i32
          %add3A_554 = arith.addi %mul3A_409, %add3A_553 : i32
          %sub3A_555 = arith.constant 2 : i32
          %sub3A_556 = arith.subi %add3A_554, %sub3A_555 : i32
          %dma_wait3A_557 = arith.constant 0 : i32
          %dma_wait3A_558 = arith.constant 0 : i32
          %dma_wait3A_559 = arith.constant 0 : i32
          %dma_wait3A_560 = arith.constant 0 : i32
          %dma_wait3A_561 = tpu.memref_slice %arg25[%dma_wait3A_557, %dma_wait3A_559, %dma_wait3A_560] : memref<2x128x32xf32, #tpu.memory_space<vmem>> -> memref<1x128x32xf32, #tpu.memory_space<vmem>>
          %dma_wait3A_562 = tpu.memref_squeeze %dma_wait3A_561 : memref<1x128x32xf32, #tpu.memory_space<vmem>> -> memref<128x32xf32, #tpu.memory_space<vmem>>
          %dma_wait3A_563 = arith.constant 0 : i32
          %dma_wait3A_564 = tpu.memref_slice %arg21[%sub3A_556, %dma_wait3A_563] : memref<26x128xi32, #tpu.memory_space<vmem>> -> memref<1x128xi32, #tpu.memory_space<vmem>>
          %dma_wait3A_565 = tpu.memref_squeeze %dma_wait3A_564 : memref<1x128xi32, #tpu.memory_space<vmem>> -> memref<128xi32, #tpu.memory_space<vmem>>
          %dma_wait3A_566 = arith.constant 0 : i32
          %dma_wait3A_567 = arith.constant 0 : i32
          %dma_wait3A_568 = tpu.memref_slice %arg16[%dma_wait3A_566, %dma_wait3A_567] : memref<30848x32xf32, #tpu.memory_space<vmem_shared>> -> memref<30848x32xf32, #tpu.memory_space<vmem_shared>>
          %dma_wait3A_569 = tpu.memref_slice %arg29[%dma_wait3A_558] : memref<2x!tpu.dma_semaphore, #tpu.memory_space<semaphore_mem>> -> memref<1x!tpu.dma_semaphore, #tpu.memory_space<semaphore_mem>>
          %dma_wait3A_570 = tpu.memref_squeeze %dma_wait3A_569 : memref<1x!tpu.dma_semaphore, #tpu.memory_space<semaphore_mem>> -> memref<!tpu.dma_semaphore, #tpu.memory_space<semaphore_mem>>
          tpu.wait_indirect_dma semaphore(%dma_wait3A_570 : memref<!tpu.dma_semaphore, #tpu.memory_space<semaphore_mem>>) src(%dma_wait3A_562 : memref<128x32xf32, #tpu.memory_space<vmem>>) dst(%dma_wait3A_568 : memref<30848x32xf32, #tpu.memory_space<vmem_shared>>)
        } else {
        }
        %parallel_loop3A = arith.constant 0 : i32
        %parallel_loop3A_450 = arith.constant 128 : i32
        %parallel_loop3A_451 = arith.constant 1 : i32
        %parallel_loop3A_452 = arith.constant 0 : i32
        %parallel_loop3A_453 = arith.constant 0 : i32
        %parallel_loop3A_454 = arith.constant 0 : i32
        scf.for %parallel_loop3A_553 = %parallel_loop3A to %parallel_loop3A_450 step %parallel_loop3A_451  : i32 {
          %parallel_loop3A_554 = arith.constant 0 : i32
          %parallel_loop3A_555 = arith.constant 0 : i32
          %parallel_loop3A_556 = tpu.memref_slice %arg26[%parallel_loop3A_452, %parallel_loop3A_554, %parallel_loop3A_555] : memref<2x128x16xf32, #tpu.memory_space<vmem>> -> memref<1x128x16xf32, #tpu.memory_space<vmem>>
          %parallel_loop3A_557 = tpu.memref_squeeze %parallel_loop3A_556 : memref<1x128x16xf32, #tpu.memory_space<vmem>> -> memref<128x16xf32, #tpu.memory_space<vmem>>
          %parallel_loop3A_558 = arith.index_cast %parallel_loop3A_553 : i32 to index
          %parallel_loop3A_559 = arith.constant 0 : index
          %parallel_loop3A_560 = tpu.vector_load %parallel_loop3A_557[%parallel_loop3A_558, %parallel_loop3A_559] {strides = array<i32>} : memref<128x16xf32, #tpu.memory_space<vmem>>, vector<1x16xf32>,
          %parallel_loop3A_561 = vector.shape_cast %parallel_loop3A_560 : vector<1x16xf32> to vector<16xf32>
          %parallel_loop3A_562 = arith.constant 0 : i32
          %parallel_loop3A_563 = arith.constant 0 : i32
          %parallel_loop3A_564 = tpu.memref_slice %arg24[%parallel_loop3A_453, %parallel_loop3A_562, %parallel_loop3A_563] : memref<2x128x32xf32, #tpu.memory_space<vmem>> -> memref<1x128x32xf32, #tpu.memory_space<vmem>>
          %parallel_loop3A_565 = tpu.memref_squeeze %parallel_loop3A_564 : memref<1x128x32xf32, #tpu.memory_space<vmem>> -> memref<128x32xf32, #tpu.memory_space<vmem>>
          %parallel_loop3A_566 = arith.index_cast %parallel_loop3A_553 : i32 to index
          %parallel_loop3A_567 = arith.constant 0 : index
          %parallel_loop3A_568 = tpu.vector_load %parallel_loop3A_565[%parallel_loop3A_566, %parallel_loop3A_567] {strides = array<i32>} : memref<128x32xf32, #tpu.memory_space<vmem>>, vector<1x16xf32>,
          %parallel_loop3A_569 = vector.shape_cast %parallel_loop3A_568 : vector<1x16xf32> to vector<16xf32>
          %parallel_loop3A_570 = arith.constant 0.00999999977 : f32
          %parallel_loop3A_571 = vector.broadcast %parallel_loop3A_570 : f32 to vector<16xf32>
          %parallel_loop3A_572 = arith.mulf %parallel_loop3A_569, %parallel_loop3A_571 : vector<16xf32>
          %parallel_loop3A_573 = arith.maximumf %parallel_loop3A_569, %parallel_loop3A_572 : vector<16xf32>
          %parallel_loop3A_574 = arith.mulf %parallel_loop3A_573, %parallel_loop3A_561 : vector<16xf32>
          %parallel_loop3A_575 = arith.constant 0 : i32
          %parallel_loop3A_576 = arith.constant 0 : i32
          %parallel_loop3A_577 = tpu.memref_slice %arg25[%parallel_loop3A_454, %parallel_loop3A_575, %parallel_loop3A_576] : memref<2x128x32xf32, #tpu.memory_space<vmem>> -> memref<1x128x32xf32, #tpu.memory_space<vmem>>
          %parallel_loop3A_578 = tpu.memref_squeeze %parallel_loop3A_577 : memref<1x128x32xf32, #tpu.memory_space<vmem>> -> memref<128x32xf32, #tpu.memory_space<vmem>>
          %parallel_loop3A_579 = arith.index_cast %parallel_loop3A_553 : i32 to index
          %parallel_loop3A_580 = arith.constant 0 : index
          %parallel_loop3A_581 = tpu.vector_load %parallel_loop3A_578[%parallel_loop3A_579, %parallel_loop3A_580] {strides = array<i32>} : memref<128x32xf32, #tpu.memory_space<vmem>>, vector<1x16xf32>,
          %parallel_loop3A_582 = vector.shape_cast %parallel_loop3A_581 : vector<1x16xf32> to vector<16xf32>
          %parallel_loop3A_583 = vector.shape_cast %parallel_loop3A_574 : vector<16xf32> to vector<1x16xf32>
          tpu.vector_store %parallel_loop3A_578[%parallel_loop3A_579, %parallel_loop3A_580], %parallel_loop3A_583 {strides = array<i32>} : memref<128x32xf32, #tpu.memory_space<vmem>>, vector<1x16xf32>,
          %parallel_loop3A_584 = arith.constant 0 : i32
          %parallel_loop3A_585 = arith.constant 0 : i32
          %parallel_loop3A_586 = tpu.memref_slice %arg24[%parallel_loop3A_453, %parallel_loop3A_584, %parallel_loop3A_585] : memref<2x128x32xf32, #tpu.memory_space<vmem>> -> memref<1x128x32xf32, #tpu.memory_space<vmem>>
          %parallel_loop3A_587 = tpu.memref_squeeze %parallel_loop3A_586 : memref<1x128x32xf32, #tpu.memory_space<vmem>> -> memref<128x32xf32, #tpu.memory_space<vmem>>
          %parallel_loop3A_588 = arith.index_cast %parallel_loop3A_553 : i32 to index
          %parallel_loop3A_589 = arith.constant 16 : index
          %parallel_loop3A_590 = tpu.vector_load %parallel_loop3A_587[%parallel_loop3A_588, %parallel_loop3A_589] {strides = array<i32>} : memref<128x32xf32, #tpu.memory_space<vmem>>, vector<1x16xf32>,
          %parallel_loop3A_591 = vector.shape_cast %parallel_loop3A_590 : vector<1x16xf32> to vector<16xf32>
          %parallel_loop3A_592 = arith.constant 0.00999999977 : f32
          %parallel_loop3A_593 = vector.broadcast %parallel_loop3A_592 : f32 to vector<16xf32>
          %parallel_loop3A_594 = arith.mulf %parallel_loop3A_591, %parallel_loop3A_593 : vector<16xf32>
          %parallel_loop3A_595 = arith.maximumf %parallel_loop3A_591, %parallel_loop3A_594 : vector<16xf32>
          %parallel_loop3A_596 = arith.mulf %parallel_loop3A_595, %parallel_loop3A_561 : vector<16xf32>
          %parallel_loop3A_597 = arith.constant 0 : i32
          %parallel_loop3A_598 = arith.constant 0 : i32
          %parallel_loop3A_599 = tpu.memref_slice %arg25[%parallel_loop3A_454, %parallel_loop3A_597, %parallel_loop3A_598] : memref<2x128x32xf32, #tpu.memory_space<vmem>> -> memref<1x128x32xf32, #tpu.memory_space<vmem>>
          %parallel_loop3A_600 = tpu.memref_squeeze %parallel_loop3A_599 : memref<1x128x32xf32, #tpu.memory_space<vmem>> -> memref<128x32xf32, #tpu.memory_space<vmem>>
          %parallel_loop3A_601 = arith.index_cast %parallel_loop3A_553 : i32 to index
          %parallel_loop3A_602 = arith.constant 16 : index
          %parallel_loop3A_603 = tpu.vector_load %parallel_loop3A_600[%parallel_loop3A_601, %parallel_loop3A_602] {strides = array<i32>} : memref<128x32xf32, #tpu.memory_space<vmem>>, vector<1x16xf32>,
          %parallel_loop3A_604 = vector.shape_cast %parallel_loop3A_603 : vector<1x16xf32> to vector<16xf32>
          %parallel_loop3A_605 = vector.shape_cast %parallel_loop3A_596 : vector<16xf32> to vector<1x16xf32>
          tpu.vector_store %parallel_loop3A_600[%parallel_loop3A_601, %parallel_loop3A_602], %parallel_loop3A_605 {strides = array<i32>} : memref<128x32xf32, #tpu.memory_space<vmem>>, vector<1x16xf32>,
        } {sc.loop_unroll_factor = 4 : i64, sc.parallel_access}
        %add3A_455 = arith.constant 0 : i32
        %add3A_456 = arith.addi %mul3A_409, %add3A_455 : i32
        %dma_start3A_457 = arith.constant 0 : i32
        %dma_start3A_458 = arith.constant 0 : i32
        %dma_start3A_459 = arith.constant 0 : i32
        %dma_start3A_460 = arith.constant 0 : i32
        %dma_start3A_461 = tpu.memref_slice %arg25[%dma_start3A_457, %dma_start3A_459, %dma_start3A_460] : memref<2x128x32xf32, #tpu.memory_space<vmem>> -> memref<1x128x32xf32, #tpu.memory_space<vmem>>
        %dma_start3A_462 = tpu.memref_squeeze %dma_start3A_461 : memref<1x128x32xf32, #tpu.memory_space<vmem>> -> memref<128x32xf32, #tpu.memory_space<vmem>>
        %dma_start3A_463 = arith.constant 0 : i32
        %dma_start3A_464 = tpu.memref_slice %arg21[%add3A_456, %dma_start3A_463] : memref<26x128xi32, #tpu.memory_space<vmem>> -> memref<1x128xi32, #tpu.memory_space<vmem>>
        %dma_start3A_465 = tpu.memref_squeeze %dma_start3A_464 : memref<1x128xi32, #tpu.memory_space<vmem>> -> memref<128xi32, #tpu.memory_space<vmem>>
        %dma_start3A_466 = arith.constant 0 : i32
        %dma_start3A_467 = arith.constant 0 : i32
        %dma_start3A_468 = tpu.memref_slice %arg16[%dma_start3A_466, %dma_start3A_467] : memref<30848x32xf32, #tpu.memory_space<vmem_shared>> -> memref<30848x32xf32, #tpu.memory_space<vmem_shared>>
        %dma_start3A_469 = tpu.memref_slice %arg29[%dma_start3A_458] : memref<2x!tpu.dma_semaphore, #tpu.memory_space<semaphore_mem>> -> memref<1x!tpu.dma_semaphore, #tpu.memory_space<semaphore_mem>>
        %dma_start3A_470 = tpu.memref_squeeze %dma_start3A_469 : memref<1x!tpu.dma_semaphore, #tpu.memory_space<semaphore_mem>> -> memref<!tpu.dma_semaphore, #tpu.memory_space<semaphore_mem>>
        tpu.enqueue_indirect_dma source(%dma_start3A_462 : memref<128x32xf32, #tpu.memory_space<vmem>>) target(%dma_start3A_468 : memref<30848x32xf32, #tpu.memory_space<vmem_shared>>) offsets(%dma_start3A_465 : memref<128xi32, #tpu.memory_space<vmem>>) semaphore(%dma_start3A_470 : memref<!tpu.dma_semaphore, #tpu.memory_space<semaphore_mem>>) {add = true}
        %add3A_471 = arith.constant 0 : i32
        %add3A_472 = arith.addi %mul3A_409, %add3A_471 : i32
        %add3A_473 = arith.constant 2 : i32
        %add3A_474 = arith.addi %add3A_472, %add3A_473 : i32
        %lt3A = arith.constant 26 : i32
        %lt3A_475 = arith.cmpi slt, %add3A_474, %lt3A : i32
        %convert_element_type3A_476 = arith.extui %lt3A_475 : i1 to i32
        %cond3A_477 = arith.constant 0 : i32
        %cond3A_478 = arith.cmpi ne, %convert_element_type3A_476, %cond3A_477 : i32
        scf.if %cond3A_478 {
          %add3A_553 = arith.constant 0 : i32
          %add3A_554 = arith.addi %mul3A_409, %add3A_553 : i32
          %add3A_555 = arith.constant 2 : i32
          %add3A_556 = arith.addi %add3A_554, %add3A_555 : i32
          %dma_start3A_557 = arith.constant 0 : i32
          %dma_start3A_558 = arith.constant 0 : i32
          %dma_start3A_559 = arith.constant 0 : i32
          %dma_start3A_560 = arith.constant 0 : i32
          %dma_start3A_561 = tpu.memref_slice %arg24[%dma_start3A_557, %dma_start3A_559, %dma_start3A_560] : memref<2x128x32xf32, #tpu.memory_space<vmem>> -> memref<1x128x32xf32, #tpu.memory_space<vmem>>
          %dma_start3A_562 = tpu.memref_squeeze %dma_start3A_561 : memref<1x128x32xf32, #tpu.memory_space<vmem>> -> memref<128x32xf32, #tpu.memory_space<vmem>>
          %dma_start3A_563 = arith.constant 0 : i32
          %dma_start3A_564 = tpu.memref_slice %arg20[%add3A_556, %dma_start3A_563] : memref<26x128xi32, #tpu.memory_space<vmem>> -> memref<1x128xi32, #tpu.memory_space<vmem>>
          %dma_start3A_565 = tpu.memref_squeeze %dma_start3A_564 : memref<1x128xi32, #tpu.memory_space<vmem>> -> memref<128xi32, #tpu.memory_space<vmem>>
          %dma_start3A_566 = arith.constant 0 : i32
          %dma_start3A_567 = arith.constant 0 : i32
          %dma_start3A_568 = tpu.memref_slice %arg16[%dma_start3A_566, %dma_start3A_567] : memref<30848x32xf32, #tpu.memory_space<vmem_shared>> -> memref<30848x32xf32, #tpu.memory_space<vmem_shared>>
          %dma_start3A_569 = tpu.memref_slice %arg27[%dma_start3A_558] : memref<2x!tpu.dma_semaphore, #tpu.memory_space<semaphore_mem>> -> memref<1x!tpu.dma_semaphore, #tpu.memory_space<semaphore_mem>>
          %dma_start3A_570 = tpu.memref_squeeze %dma_start3A_569 : memref<1x!tpu.dma_semaphore, #tpu.memory_space<semaphore_mem>> -> memref<!tpu.dma_semaphore, #tpu.memory_space<semaphore_mem>>
          tpu.enqueue_indirect_dma source(%dma_start3A_568 : memref<30848x32xf32, #tpu.memory_space<vmem_shared>>) target(%dma_start3A_562 : memref<128x32xf32, #tpu.memory_space<vmem>>) offsets(%dma_start3A_565 : memref<128xi32, #tpu.memory_space<vmem>>) semaphore(%dma_start3A_570 : memref<!tpu.dma_semaphore, #tpu.memory_space<semaphore_mem>>)
          %dma_start3A_571 = arith.constant 0 : i32
          %dma_start3A_572 = arith.constant 0 : i32
          %dma_start3A_573 = arith.constant 0 : i32
          %dma_start3A_574 = arith.constant 0 : i32
          %dma_start3A_575 = tpu.memref_slice %arg26[%dma_start3A_571, %dma_start3A_573, %dma_start3A_574] : memref<2x128x16xf32, #tpu.memory_space<vmem>> -> memref<1x128x16xf32, #tpu.memory_space<vmem>>
          %dma_start3A_576 = tpu.memref_squeeze %dma_start3A_575 : memref<1x128x16xf32, #tpu.memory_space<vmem>> -> memref<128x16xf32, #tpu.memory_space<vmem>>
          %dma_start3A_577 = arith.constant 0 : i32
          %dma_start3A_578 = arith.constant 0 : i32
          %dma_start3A_579 = tpu.memref_slice %arg9[%arg1, %add3A_556, %dma_start3A_577, %dma_start3A_578] : memref<16x26x128x16xf32, #tpu.memory_space<hbm>> -> memref<1x1x128x16xf32, #tpu.memory_space<hbm>>
          %dma_start3A_580 = tpu.memref_squeeze %dma_start3A_579 : memref<1x1x128x16xf32, #tpu.memory_space<hbm>> -> memref<128x16xf32, #tpu.memory_space<hbm>>
          %dma_start3A_581 = tpu.memref_slice %arg28[%dma_start3A_572] : memref<2x!tpu.dma_semaphore, #tpu.memory_space<semaphore_mem>> -> memref<1x!tpu.dma_semaphore, #tpu.memory_space<semaphore_mem>>
          %dma_start3A_582 = tpu.memref_squeeze %dma_start3A_581 : memref<1x!tpu.dma_semaphore, #tpu.memory_space<semaphore_mem>> -> memref<!tpu.dma_semaphore, #tpu.memory_space<semaphore_mem>>
          %dma_start3A_583 = arith.constant 0 : i32
          %dma_start3A_584 = arith.constant 0 : i32
          %dma_start3A_585 = tpu.memref_slice %arg26[%dma_start3A_571, %dma_start3A_583, %dma_start3A_584] : memref<2x128x16xf32, #tpu.memory_space<vmem>> -> memref<1x128x16xf32, #tpu.memory_space<vmem>>
          %dma_start3A_586 = tpu.memref_squeeze %dma_start3A_585 : memref<1x128x16xf32, #tpu.memory_space<vmem>> -> memref<128x16xf32, #tpu.memory_space<vmem>>
          %dma_start3A_587 = arith.constant 0 : i32
          %dma_start3A_588 = arith.constant 0 : i32
          %dma_start3A_589 = tpu.memref_slice %arg9[%arg1, %add3A_556, %dma_start3A_587, %dma_start3A_588] : memref<16x26x128x16xf32, #tpu.memory_space<hbm>> -> memref<1x1x128x16xf32, #tpu.memory_space<hbm>>
          %dma_start3A_590 = tpu.memref_squeeze %dma_start3A_589 : memref<1x1x128x16xf32, #tpu.memory_space<hbm>> -> memref<128x16xf32, #tpu.memory_space<hbm>>
          tpu.enqueue_dma source(%dma_start3A_590 : memref<128x16xf32, #tpu.memory_space<hbm>>) target(%dma_start3A_586 : memref<128x16xf32, #tpu.memory_space<vmem>>) target_semaphore(%dma_start3A_582 : memref<!tpu.dma_semaphore, #tpu.memory_space<semaphore_mem>>)
        } else {
        }
        %add3A_479 = arith.constant 1 : i32
        %add3A_480 = arith.addi %mul3A_409, %add3A_479 : i32
        %dma_wait3A_481 = arith.constant 1 : i32
        %dma_wait3A_482 = arith.constant 1 : i32
        %dma_wait3A_483 = arith.constant 0 : i32
        %dma_wait3A_484 = arith.constant 0 : i32
        %dma_wait3A_485 = tpu.memref_slice %arg24[%dma_wait3A_481, %dma_wait3A_483, %dma_wait3A_484] : memref<2x128x32xf32, #tpu.memory_space<vmem>> -> memref<1x128x32xf32, #tpu.memory_space<vmem>>
        %dma_wait3A_486 = tpu.memref_squeeze %dma_wait3A_485 : memref<1x128x32xf32, #tpu.memory_space<vmem>> -> memref<128x32xf32, #tpu.memory_space<vmem>>
        %dma_wait3A_487 = arith.constant 0 : i32
        %dma_wait3A_488 = tpu.memref_slice %arg20[%add3A_480, %dma_wait3A_487] : memref<26x128xi32, #tpu.memory_space<vmem>> -> memref<1x128xi32, #tpu.memory_space<vmem>>
        %dma_wait3A_489 = tpu.memref_squeeze %dma_wait3A_488 : memref<1x128xi32, #tpu.memory_space<vmem>> -> memref<128xi32, #tpu.memory_space<vmem>>
        %dma_wait3A_490 = arith.constant 0 : i32
        %dma_wait3A_491 = arith.constant 0 : i32
        %dma_wait3A_492 = tpu.memref_slice %arg16[%dma_wait3A_490, %dma_wait3A_491] : memref<30848x32xf32, #tpu.memory_space<vmem_shared>> -> memref<30848x32xf32, #tpu.memory_space<vmem_shared>>
        %dma_wait3A_493 = tpu.memref_slice %arg27[%dma_wait3A_482] : memref<2x!tpu.dma_semaphore, #tpu.memory_space<semaphore_mem>> -> memref<1x!tpu.dma_semaphore, #tpu.memory_space<semaphore_mem>>
        %dma_wait3A_494 = tpu.memref_squeeze %dma_wait3A_493 : memref<1x!tpu.dma_semaphore, #tpu.memory_space<semaphore_mem>> -> memref<!tpu.dma_semaphore, #tpu.memory_space<semaphore_mem>>
        tpu.wait_indirect_dma semaphore(%dma_wait3A_494 : memref<!tpu.dma_semaphore, #tpu.memory_space<semaphore_mem>>) src(%dma_wait3A_492 : memref<30848x32xf32, #tpu.memory_space<vmem_shared>>) dst(%dma_wait3A_486 : memref<128x32xf32, #tpu.memory_space<vmem>>)
        %dma_wait3A_495 = arith.constant 1 : i32
        %dma_wait3A_496 = arith.constant 1 : i32
        %dma_wait3A_497 = arith.constant 0 : i32
        %dma_wait3A_498 = arith.constant 0 : i32
        %dma_wait3A_499 = tpu.memref_slice %arg26[%dma_wait3A_495, %dma_wait3A_497, %dma_wait3A_498] : memref<2x128x16xf32, #tpu.memory_space<vmem>> -> memref<1x128x16xf32, #tpu.memory_space<vmem>>
        %dma_wait3A_500 = tpu.memref_squeeze %dma_wait3A_499 : memref<1x128x16xf32, #tpu.memory_space<vmem>> -> memref<128x16xf32, #tpu.memory_space<vmem>>
        %dma_wait3A_501 = arith.constant 0 : i32
        %dma_wait3A_502 = arith.constant 0 : i32
        %dma_wait3A_503 = tpu.memref_slice %arg9[%arg1, %add3A_480, %dma_wait3A_501, %dma_wait3A_502] : memref<16x26x128x16xf32, #tpu.memory_space<hbm>> -> memref<1x1x128x16xf32, #tpu.memory_space<hbm>>
        %dma_wait3A_504 = tpu.memref_squeeze %dma_wait3A_503 : memref<1x1x128x16xf32, #tpu.memory_space<hbm>> -> memref<128x16xf32, #tpu.memory_space<hbm>>
        %dma_wait3A_505 = tpu.memref_slice %arg28[%dma_wait3A_496] : memref<2x!tpu.dma_semaphore, #tpu.memory_space<semaphore_mem>> -> memref<1x!tpu.dma_semaphore, #tpu.memory_space<semaphore_mem>>
        %dma_wait3A_506 = tpu.memref_squeeze %dma_wait3A_505 : memref<1x!tpu.dma_semaphore, #tpu.memory_space<semaphore_mem>> -> memref<!tpu.dma_semaphore, #tpu.memory_space<semaphore_mem>>
        %dma_wait3A_507 = arith.constant 0 : i32
        %dma_wait3A_508 = arith.constant 0 : i32
        %dma_wait3A_509 = tpu.memref_slice %arg26[%dma_wait3A_495, %dma_wait3A_507, %dma_wait3A_508] : memref<2x128x16xf32, #tpu.memory_space<vmem>> -> memref<1x128x16xf32, #tpu.memory_space<vmem>>
        %dma_wait3A_510 = tpu.memref_squeeze %dma_wait3A_509 : memref<1x128x16xf32, #tpu.memory_space<vmem>> -> memref<128x16xf32, #tpu.memory_space<vmem>>
        %dma_wait3A_511 = arith.constant 0 : i32
        %dma_wait3A_512 = arith.constant 0 : i32
        %dma_wait3A_513 = tpu.memref_slice %arg9[%arg1, %add3A_480, %dma_wait3A_511, %dma_wait3A_512] : memref<16x26x128x16xf32, #tpu.memory_space<hbm>> -> memref<1x1x128x16xf32, #tpu.memory_space<hbm>>
        %dma_wait3A_514 = tpu.memref_squeeze %dma_wait3A_513 : memref<1x1x128x16xf32, #tpu.memory_space<hbm>> -> memref<128x16xf32, #tpu.memory_space<hbm>>
        tpu.wait_dma2 semaphore(%dma_wait3A_506 : memref<!tpu.dma_semaphore, #tpu.memory_space<semaphore_mem>>) src(%dma_wait3A_514 : memref<128x16xf32, #tpu.memory_space<hbm>>) dst(%dma_wait3A_510 : memref<128x16xf32, #tpu.memory_space<vmem>>)
        %add3A_515 = arith.constant 1 : i32
        %add3A_516 = arith.addi %mul3A_409, %add3A_515 : i32
        %ge3A_517 = arith.constant 2 : i32
        %ge3A_518 = arith.cmpi sge, %add3A_516, %ge3A_517 : i32
        %convert_element_type3A_519 = arith.extui %ge3A_518 : i1 to i32
        %cond3A_520 = arith.constant 0 : i32
        %cond3A_521 = arith.cmpi ne, %convert_element_type3A_519, %cond3A_520 : i32
        scf.if %cond3A_521 {
          %add3A_553 = arith.constant 1 : i32
          %add3A_554 = arith.addi %mul3A_409, %add3A_553 : i32
          %sub3A_555 = arith.constant 2 : i32
          %sub3A_556 = arith.subi %add3A_554, %sub3A_555 : i32
          %dma_wait3A_557 = arith.constant 1 : i32
          %dma_wait3A_558 = arith.constant 1 : i32
          %dma_wait3A_559 = arith.constant 0 : i32
          %dma_wait3A_560 = arith.constant 0 : i32
          %dma_wait3A_561 = tpu.memref_slice %arg25[%dma_wait3A_557, %dma_wait3A_559, %dma_wait3A_560] : memref<2x128x32xf32, #tpu.memory_space<vmem>> -> memref<1x128x32xf32, #tpu.memory_space<vmem>>
          %dma_wait3A_562 = tpu.memref_squeeze %dma_wait3A_561 : memref<1x128x32xf32, #tpu.memory_space<vmem>> -> memref<128x32xf32, #tpu.memory_space<vmem>>
          %dma_wait3A_563 = arith.constant 0 : i32
          %dma_wait3A_564 = tpu.memref_slice %arg21[%sub3A_556, %dma_wait3A_563] : memref<26x128xi32, #tpu.memory_space<vmem>> -> memref<1x128xi32, #tpu.memory_space<vmem>>
          %dma_wait3A_565 = tpu.memref_squeeze %dma_wait3A_564 : memref<1x128xi32, #tpu.memory_space<vmem>> -> memref<128xi32, #tpu.memory_space<vmem>>
          %dma_wait3A_566 = arith.constant 0 : i32
          %dma_wait3A_567 = arith.constant 0 : i32
          %dma_wait3A_568 = tpu.memref_slice %arg16[%dma_wait3A_566, %dma_wait3A_567] : memref<30848x32xf32, #tpu.memory_space<vmem_shared>> -> memref<30848x32xf32, #tpu.memory_space<vmem_shared>>
          %dma_wait3A_569 = tpu.memref_slice %arg29[%dma_wait3A_558] : memref<2x!tpu.dma_semaphore, #tpu.memory_space<semaphore_mem>> -> memref<1x!tpu.dma_semaphore, #tpu.memory_space<semaphore_mem>>
          %dma_wait3A_570 = tpu.memref_squeeze %dma_wait3A_569 : memref<1x!tpu.dma_semaphore, #tpu.memory_space<semaphore_mem>> -> memref<!tpu.dma_semaphore, #tpu.memory_space<semaphore_mem>>
          tpu.wait_indirect_dma semaphore(%dma_wait3A_570 : memref<!tpu.dma_semaphore, #tpu.memory_space<semaphore_mem>>) src(%dma_wait3A_562 : memref<128x32xf32, #tpu.memory_space<vmem>>) dst(%dma_wait3A_568 : memref<30848x32xf32, #tpu.memory_space<vmem_shared>>)
        } else {
        }
        %parallel_loop3A_522 = arith.constant 0 : i32
        %parallel_loop3A_523 = arith.constant 128 : i32
        %parallel_loop3A_524 = arith.constant 1 : i32
        %parallel_loop3A_525 = arith.constant 1 : i32
        %parallel_loop3A_526 = arith.constant 1 : i32
        %parallel_loop3A_527 = arith.constant 1 : i32
        scf.for %parallel_loop3A_553 = %parallel_loop3A_522 to %parallel_loop3A_523 step %parallel_loop3A_524  : i32 {
          %parallel_loop3A_554 = arith.constant 0 : i32
          %parallel_loop3A_555 = arith.constant 0 : i32
          %parallel_loop3A_556 = tpu.memref_slice %arg26[%parallel_loop3A_525, %parallel_loop3A_554, %parallel_loop3A_555] : memref<2x128x16xf32, #tpu.memory_space<vmem>> -> memref<1x128x16xf32, #tpu.memory_space<vmem>>
          %parallel_loop3A_557 = tpu.memref_squeeze %parallel_loop3A_556 : memref<1x128x16xf32, #tpu.memory_space<vmem>> -> memref<128x16xf32, #tpu.memory_space<vmem>>
          %parallel_loop3A_558 = arith.index_cast %parallel_loop3A_553 : i32 to index
          %parallel_loop3A_559 = arith.constant 0 : index
          %parallel_loop3A_560 = tpu.vector_load %parallel_loop3A_557[%parallel_loop3A_558, %parallel_loop3A_559] {strides = array<i32>} : memref<128x16xf32, #tpu.memory_space<vmem>>, vector<1x16xf32>,
          %parallel_loop3A_561 = vector.shape_cast %parallel_loop3A_560 : vector<1x16xf32> to vector<16xf32>
          %parallel_loop3A_562 = arith.constant 0 : i32
          %parallel_loop3A_563 = arith.constant 0 : i32
          %parallel_loop3A_564 = tpu.memref_slice %arg24[%parallel_loop3A_526, %parallel_loop3A_562, %parallel_loop3A_563] : memref<2x128x32xf32, #tpu.memory_space<vmem>> -> memref<1x128x32xf32, #tpu.memory_space<vmem>>
          %parallel_loop3A_565 = tpu.memref_squeeze %parallel_loop3A_564 : memref<1x128x32xf32, #tpu.memory_space<vmem>> -> memref<128x32xf32, #tpu.memory_space<vmem>>
          %parallel_loop3A_566 = arith.index_cast %parallel_loop3A_553 : i32 to index
          %parallel_loop3A_567 = arith.constant 0 : index
          %parallel_loop3A_568 = tpu.vector_load %parallel_loop3A_565[%parallel_loop3A_566, %parallel_loop3A_567] {strides = array<i32>} : memref<128x32xf32, #tpu.memory_space<vmem>>, vector<1x16xf32>,
          %parallel_loop3A_569 = vector.shape_cast %parallel_loop3A_568 : vector<1x16xf32> to vector<16xf32>
          %parallel_loop3A_570 = arith.constant 0.00999999977 : f32
          %parallel_loop3A_571 = vector.broadcast %parallel_loop3A_570 : f32 to vector<16xf32>
          %parallel_loop3A_572 = arith.mulf %parallel_loop3A_569, %parallel_loop3A_571 : vector<16xf32>
          %parallel_loop3A_573 = arith.maximumf %parallel_loop3A_569, %parallel_loop3A_572 : vector<16xf32>
          %parallel_loop3A_574 = arith.mulf %parallel_loop3A_573, %parallel_loop3A_561 : vector<16xf32>
          %parallel_loop3A_575 = arith.constant 0 : i32
          %parallel_loop3A_576 = arith.constant 0 : i32
          %parallel_loop3A_577 = tpu.memref_slice %arg25[%parallel_loop3A_527, %parallel_loop3A_575, %parallel_loop3A_576] : memref<2x128x32xf32, #tpu.memory_space<vmem>> -> memref<1x128x32xf32, #tpu.memory_space<vmem>>
          %parallel_loop3A_578 = tpu.memref_squeeze %parallel_loop3A_577 : memref<1x128x32xf32, #tpu.memory_space<vmem>> -> memref<128x32xf32, #tpu.memory_space<vmem>>
          %parallel_loop3A_579 = arith.index_cast %parallel_loop3A_553 : i32 to index
          %parallel_loop3A_580 = arith.constant 0 : index
          %parallel_loop3A_581 = tpu.vector_load %parallel_loop3A_578[%parallel_loop3A_579, %parallel_loop3A_580] {strides = array<i32>} : memref<128x32xf32, #tpu.memory_space<vmem>>, vector<1x16xf32>,
          %parallel_loop3A_582 = vector.shape_cast %parallel_loop3A_581 : vector<1x16xf32> to vector<16xf32>
          %parallel_loop3A_583 = vector.shape_cast %parallel_loop3A_574 : vector<16xf32> to vector<1x16xf32>
          tpu.vector_store %parallel_loop3A_578[%parallel_loop3A_579, %parallel_loop3A_580], %parallel_loop3A_583 {strides = array<i32>} : memref<128x32xf32, #tpu.memory_space<vmem>>, vector<1x16xf32>,
          %parallel_loop3A_584 = arith.constant 0 : i32
          %parallel_loop3A_585 = arith.constant 0 : i32
          %parallel_loop3A_586 = tpu.memref_slice %arg24[%parallel_loop3A_526, %parallel_loop3A_584, %parallel_loop3A_585] : memref<2x128x32xf32, #tpu.memory_space<vmem>> -> memref<1x128x32xf32, #tpu.memory_space<vmem>>
          %parallel_loop3A_587 = tpu.memref_squeeze %parallel_loop3A_586 : memref<1x128x32xf32, #tpu.memory_space<vmem>> -> memref<128x32xf32, #tpu.memory_space<vmem>>
          %parallel_loop3A_588 = arith.index_cast %parallel_loop3A_553 : i32 to index
          %parallel_loop3A_589 = arith.constant 16 : index
          %parallel_loop3A_590 = tpu.vector_load %parallel_loop3A_587[%parallel_loop3A_588, %parallel_loop3A_589] {strides = array<i32>} : memref<128x32xf32, #tpu.memory_space<vmem>>, vector<1x16xf32>,
          %parallel_loop3A_591 = vector.shape_cast %parallel_loop3A_590 : vector<1x16xf32> to vector<16xf32>
          %parallel_loop3A_592 = arith.constant 0.00999999977 : f32
          %parallel_loop3A_593 = vector.broadcast %parallel_loop3A_592 : f32 to vector<16xf32>
          %parallel_loop3A_594 = arith.mulf %parallel_loop3A_591, %parallel_loop3A_593 : vector<16xf32>
          %parallel_loop3A_595 = arith.maximumf %parallel_loop3A_591, %parallel_loop3A_594 : vector<16xf32>
          %parallel_loop3A_596 = arith.mulf %parallel_loop3A_595, %parallel_loop3A_561 : vector<16xf32>
          %parallel_loop3A_597 = arith.constant 0 : i32
          %parallel_loop3A_598 = arith.constant 0 : i32
          %parallel_loop3A_599 = tpu.memref_slice %arg25[%parallel_loop3A_527, %parallel_loop3A_597, %parallel_loop3A_598] : memref<2x128x32xf32, #tpu.memory_space<vmem>> -> memref<1x128x32xf32, #tpu.memory_space<vmem>>
          %parallel_loop3A_600 = tpu.memref_squeeze %parallel_loop3A_599 : memref<1x128x32xf32, #tpu.memory_space<vmem>> -> memref<128x32xf32, #tpu.memory_space<vmem>>
          %parallel_loop3A_601 = arith.index_cast %parallel_loop3A_553 : i32 to index
          %parallel_loop3A_602 = arith.constant 16 : index
          %parallel_loop3A_603 = tpu.vector_load %parallel_loop3A_600[%parallel_loop3A_601, %parallel_loop3A_602] {strides = array<i32>} : memref<128x32xf32, #tpu.memory_space<vmem>>, vector<1x16xf32>,
          %parallel_loop3A_604 = vector.shape_cast %parallel_loop3A_603 : vector<1x16xf32> to vector<16xf32>
          %parallel_loop3A_605 = vector.shape_cast %parallel_loop3A_596 : vector<16xf32> to vector<1x16xf32>
          tpu.vector_store %parallel_loop3A_600[%parallel_loop3A_601, %parallel_loop3A_602], %parallel_loop3A_605 {strides = array<i32>} : memref<128x32xf32, #tpu.memory_space<vmem>>, vector<1x16xf32>,
        } {sc.loop_unroll_factor = 4 : i64, sc.parallel_access}
        %add3A_528 = arith.constant 1 : i32
        %add3A_529 = arith.addi %mul3A_409, %add3A_528 : i32
        %dma_start3A_530 = arith.constant 1 : i32
        %dma_start3A_531 = arith.constant 1 : i32
        %dma_start3A_532 = arith.constant 0 : i32
        %dma_start3A_533 = arith.constant 0 : i32
        %dma_start3A_534 = tpu.memref_slice %arg25[%dma_start3A_530, %dma_start3A_532, %dma_start3A_533] : memref<2x128x32xf32, #tpu.memory_space<vmem>> -> memref<1x128x32xf32, #tpu.memory_space<vmem>>
        %dma_start3A_535 = tpu.memref_squeeze %dma_start3A_534 : memref<1x128x32xf32, #tpu.memory_space<vmem>> -> memref<128x32xf32, #tpu.memory_space<vmem>>
        %dma_start3A_536 = arith.constant 0 : i32
        %dma_start3A_537 = tpu.memref_slice %arg21[%add3A_529, %dma_start3A_536] : memref<26x128xi32, #tpu.memory_space<vmem>> -> memref<1x128xi32, #tpu.memory_space<vmem>>
        %dma_start3A_538 = tpu.memref_squeeze %dma_start3A_537 : memref<1x128xi32, #tpu.memory_space<vmem>> -> memref<128xi32, #tpu.memory_space<vmem>>
        %dma_start3A_539 = arith.constant 0 : i32
        %dma_start3A_540 = arith.constant 0 : i32
        %dma_start3A_541 = tpu.memref_slice %arg16[%dma_start3A_539, %dma_start3A_540] : memref<30848x32xf32, #tpu.memory_space<vmem_shared>> -> memref<30848x32xf32, #tpu.memory_space<vmem_shared>>
        %dma_start3A_542 = tpu.memref_slice %arg29[%dma_start3A_531] : memref<2x!tpu.dma_semaphore, #tpu.memory_space<semaphore_mem>> -> memref<1x!tpu.dma_semaphore, #tpu.memory_space<semaphore_mem>>
        %dma_start3A_543 = tpu.memref_squeeze %dma_start3A_542 : memref<1x!tpu.dma_semaphore, #tpu.memory_space<semaphore_mem>> -> memref<!tpu.dma_semaphore, #tpu.memory_space<semaphore_mem>>
        tpu.enqueue_indirect_dma source(%dma_start3A_535 : memref<128x32xf32, #tpu.memory_space<vmem>>) target(%dma_start3A_541 : memref<30848x32xf32, #tpu.memory_space<vmem_shared>>) offsets(%dma_start3A_538 : memref<128xi32, #tpu.memory_space<vmem>>) semaphore(%dma_start3A_543 : memref<!tpu.dma_semaphore, #tpu.memory_space<semaphore_mem>>) {add = true}
        %add3A_544 = arith.constant 1 : i32
        %add3A_545 = arith.addi %mul3A_409, %add3A_544 : i32
        %add3A_546 = arith.constant 2 : i32
        %add3A_547 = arith.addi %add3A_545, %add3A_546 : i32
        %lt3A_548 = arith.constant 26 : i32
        %lt3A_549 = arith.cmpi slt, %add3A_547, %lt3A_548 : i32
        %convert_element_type3A_550 = arith.extui %lt3A_549 : i1 to i32
        %cond3A_551 = arith.constant 0 : i32
        %cond3A_552 = arith.cmpi ne, %convert_element_type3A_550, %cond3A_551 : i32
        scf.if %cond3A_552 {
          %add3A_553 = arith.constant 1 : i32
          %add3A_554 = arith.addi %mul3A_409, %add3A_553 : i32
          %add3A_555 = arith.constant 2 : i32
          %add3A_556 = arith.addi %add3A_554, %add3A_555 : i32
          %dma_start3A_557 = arith.constant 1 : i32
          %dma_start3A_558 = arith.constant 1 : i32
          %dma_start3A_559 = arith.constant 0 : i32
          %dma_start3A_560 = arith.constant 0 : i32
          %dma_start3A_561 = tpu.memref_slice %arg24[%dma_start3A_557, %dma_start3A_559, %dma_start3A_560] : memref<2x128x32xf32, #tpu.memory_space<vmem>> -> memref<1x128x32xf32, #tpu.memory_space<vmem>>
          %dma_start3A_562 = tpu.memref_squeeze %dma_start3A_561 : memref<1x128x32xf32, #tpu.memory_space<vmem>> -> memref<128x32xf32, #tpu.memory_space<vmem>>
          %dma_start3A_563 = arith.constant 0 : i32
          %dma_start3A_564 = tpu.memref_slice %arg20[%add3A_556, %dma_start3A_563] : memref<26x128xi32, #tpu.memory_space<vmem>> -> memref<1x128xi32, #tpu.memory_space<vmem>>
          %dma_start3A_565 = tpu.memref_squeeze %dma_start3A_564 : memref<1x128xi32, #tpu.memory_space<vmem>> -> memref<128xi32, #tpu.memory_space<vmem>>
          %dma_start3A_566 = arith.constant 0 : i32
          %dma_start3A_567 = arith.constant 0 : i32
          %dma_start3A_568 = tpu.memref_slice %arg16[%dma_start3A_566, %dma_start3A_567] : memref<30848x32xf32, #tpu.memory_space<vmem_shared>> -> memref<30848x32xf32, #tpu.memory_space<vmem_shared>>
          %dma_start3A_569 = tpu.memref_slice %arg27[%dma_start3A_558] : memref<2x!tpu.dma_semaphore, #tpu.memory_space<semaphore_mem>> -> memref<1x!tpu.dma_semaphore, #tpu.memory_space<semaphore_mem>>
          %dma_start3A_570 = tpu.memref_squeeze %dma_start3A_569 : memref<1x!tpu.dma_semaphore, #tpu.memory_space<semaphore_mem>> -> memref<!tpu.dma_semaphore, #tpu.memory_space<semaphore_mem>>
          tpu.enqueue_indirect_dma source(%dma_start3A_568 : memref<30848x32xf32, #tpu.memory_space<vmem_shared>>) target(%dma_start3A_562 : memref<128x32xf32, #tpu.memory_space<vmem>>) offsets(%dma_start3A_565 : memref<128xi32, #tpu.memory_space<vmem>>) semaphore(%dma_start3A_570 : memref<!tpu.dma_semaphore, #tpu.memory_space<semaphore_mem>>)
          %dma_start3A_571 = arith.constant 1 : i32
          %dma_start3A_572 = arith.constant 1 : i32
          %dma_start3A_573 = arith.constant 0 : i32
          %dma_start3A_574 = arith.constant 0 : i32
          %dma_start3A_575 = tpu.memref_slice %arg26[%dma_start3A_571, %dma_start3A_573, %dma_start3A_574] : memref<2x128x16xf32, #tpu.memory_space<vmem>> -> memref<1x128x16xf32, #tpu.memory_space<vmem>>
          %dma_start3A_576 = tpu.memref_squeeze %dma_start3A_575 : memref<1x128x16xf32, #tpu.memory_space<vmem>> -> memref<128x16xf32, #tpu.memory_space<vmem>>
          %dma_start3A_577 = arith.constant 0 : i32
          %dma_start3A_578 = arith.constant 0 : i32
          %dma_start3A_579 = tpu.memref_slice %arg9[%arg1, %add3A_556, %dma_start3A_577, %dma_start3A_578] : memref<16x26x128x16xf32, #tpu.memory_space<hbm>> -> memref<1x1x128x16xf32, #tpu.memory_space<hbm>>
          %dma_start3A_580 = tpu.memref_squeeze %dma_start3A_579 : memref<1x1x128x16xf32, #tpu.memory_space<hbm>> -> memref<128x16xf32, #tpu.memory_space<hbm>>
          %dma_start3A_581 = tpu.memref_slice %arg28[%dma_start3A_572] : memref<2x!tpu.dma_semaphore, #tpu.memory_space<semaphore_mem>> -> memref<1x!tpu.dma_semaphore, #tpu.memory_space<semaphore_mem>>
          %dma_start3A_582 = tpu.memref_squeeze %dma_start3A_581 : memref<1x!tpu.dma_semaphore, #tpu.memory_space<semaphore_mem>> -> memref<!tpu.dma_semaphore, #tpu.memory_space<semaphore_mem>>
          %dma_start3A_583 = arith.constant 0 : i32
          %dma_start3A_584 = arith.constant 0 : i32
          %dma_start3A_585 = tpu.memref_slice %arg26[%dma_start3A_571, %dma_start3A_583, %dma_start3A_584] : memref<2x128x16xf32, #tpu.memory_space<vmem>> -> memref<1x128x16xf32, #tpu.memory_space<vmem>>
          %dma_start3A_586 = tpu.memref_squeeze %dma_start3A_585 : memref<1x128x16xf32, #tpu.memory_space<vmem>> -> memref<128x16xf32, #tpu.memory_space<vmem>>
          %dma_start3A_587 = arith.constant 0 : i32
          %dma_start3A_588 = arith.constant 0 : i32
          %dma_start3A_589 = tpu.memref_slice %arg9[%arg1, %add3A_556, %dma_start3A_587, %dma_start3A_588] : memref<16x26x128x16xf32, #tpu.memory_space<hbm>> -> memref<1x1x128x16xf32, #tpu.memory_space<hbm>>
          %dma_start3A_590 = tpu.memref_squeeze %dma_start3A_589 : memref<1x1x128x16xf32, #tpu.memory_space<hbm>> -> memref<128x16xf32, #tpu.memory_space<hbm>>
          tpu.enqueue_dma source(%dma_start3A_590 : memref<128x16xf32, #tpu.memory_space<hbm>>) target(%dma_start3A_586 : memref<128x16xf32, #tpu.memory_space<vmem>>) target_semaphore(%dma_start3A_582 : memref<!tpu.dma_semaphore, #tpu.memory_space<semaphore_mem>>)
        } else {
        }
      }
      %scan3A_249 = arith.constant 13 : i32
      %dma_wait3A_250 = arith.constant 0 : i32
      %dma_wait3A_251 = arith.constant 24 : i32
      %dma_wait3A_252 = arith.constant 0 : i32
      %dma_wait3A_253 = arith.constant 0 : i32
      %dma_wait3A_254 = arith.constant 0 : i32
      %dma_wait3A_255 = tpu.memref_slice %arg25[%dma_wait3A_250, %dma_wait3A_253, %dma_wait3A_254] : memref<2x128x32xf32, #tpu.memory_space<vmem>> -> memref<1x128x32xf32, #tpu.memory_space<vmem>>
      %dma_wait3A_256 = tpu.memref_squeeze %dma_wait3A_255 : memref<1x128x32xf32, #tpu.memory_space<vmem>> -> memref<128x32xf32, #tpu.memory_space<vmem>>
      %dma_wait3A_257 = arith.constant 0 : i32
      %dma_wait3A_258 = tpu.memref_slice %arg21[%dma_wait3A_251, %dma_wait3A_257] : memref<26x128xi32, #tpu.memory_space<vmem>> -> memref<1x128xi32, #tpu.memory_space<vmem>>
      %dma_wait3A_259 = tpu.memref_squeeze %dma_wait3A_258 : memref<1x128xi32, #tpu.memory_space<vmem>> -> memref<128xi32, #tpu.memory_space<vmem>>
      %dma_wait3A_260 = arith.constant 0 : i32
      %dma_wait3A_261 = arith.constant 0 : i32
      %dma_wait3A_262 = tpu.memref_slice %arg16[%dma_wait3A_260, %dma_wait3A_261] : memref<30848x32xf32, #tpu.memory_space<vmem_shared>> -> memref<30848x32xf32, #tpu.memory_space<vmem_shared>>
      %dma_wait3A_263 = tpu.memref_slice %arg29[%dma_wait3A_252] : memref<2x!tpu.dma_semaphore, #tpu.memory_space<semaphore_mem>> -> memref<1x!tpu.dma_semaphore, #tpu.memory_space<semaphore_mem>>
      %dma_wait3A_264 = tpu.memref_squeeze %dma_wait3A_263 : memref<1x!tpu.dma_semaphore, #tpu.memory_space<semaphore_mem>> -> memref<!tpu.dma_semaphore, #tpu.memory_space<semaphore_mem>>
      tpu.wait_indirect_dma semaphore(%dma_wait3A_264 : memref<!tpu.dma_semaphore, #tpu.memory_space<semaphore_mem>>) src(%dma_wait3A_256 : memref<128x32xf32, #tpu.memory_space<vmem>>) dst(%dma_wait3A_262 : memref<30848x32xf32, #tpu.memory_space<vmem_shared>>)
      %dma_wait3A_265 = arith.constant 1 : i32
      %dma_wait3A_266 = arith.constant 25 : i32
      %dma_wait3A_267 = arith.constant 1 : i32
      %dma_wait3A_268 = arith.constant 0 : i32
      %dma_wait3A_269 = arith.constant 0 : i32
      %dma_wait3A_270 = tpu.memref_slice %arg25[%dma_wait3A_265, %dma_wait3A_268, %dma_wait3A_269] : memref<2x128x32xf32, #tpu.memory_space<vmem>> -> memref<1x128x32xf32, #tpu.memory_space<vmem>>
      %dma_wait3A_271 = tpu.memref_squeeze %dma_wait3A_270 : memref<1x128x32xf32, #tpu.memory_space<vmem>> -> memref<128x32xf32, #tpu.memory_space<vmem>>
      %dma_wait3A_272 = arith.constant 0 : i32
      %dma_wait3A_273 = tpu.memref_slice %arg21[%dma_wait3A_266, %dma_wait3A_272] : memref<26x128xi32, #tpu.memory_space<vmem>> -> memref<1x128xi32, #tpu.memory_space<vmem>>
      %dma_wait3A_274 = tpu.memref_squeeze %dma_wait3A_273 : memref<1x128xi32, #tpu.memory_space<vmem>> -> memref<128xi32, #tpu.memory_space<vmem>>
      %dma_wait3A_275 = arith.constant 0 : i32
      %dma_wait3A_276 = arith.constant 0 : i32
      %dma_wait3A_277 = tpu.memref_slice %arg16[%dma_wait3A_275, %dma_wait3A_276] : memref<30848x32xf32, #tpu.memory_space<vmem_shared>> -> memref<30848x32xf32, #tpu.memory_space<vmem_shared>>
      %dma_wait3A_278 = tpu.memref_slice %arg29[%dma_wait3A_267] : memref<2x!tpu.dma_semaphore, #tpu.memory_space<semaphore_mem>> -> memref<1x!tpu.dma_semaphore, #tpu.memory_space<semaphore_mem>>
      %dma_wait3A_279 = tpu.memref_squeeze %dma_wait3A_278 : memref<1x!tpu.dma_semaphore, #tpu.memory_space<semaphore_mem>> -> memref<!tpu.dma_semaphore, #tpu.memory_space<semaphore_mem>>
      tpu.wait_indirect_dma semaphore(%dma_wait3A_279 : memref<!tpu.dma_semaphore, #tpu.memory_space<semaphore_mem>>) src(%dma_wait3A_271 : memref<128x32xf32, #tpu.memory_space<vmem>>) dst(%dma_wait3A_277 : memref<30848x32xf32, #tpu.memory_space<vmem_shared>>)
      %barrier3A_280 = arith.constant 0 : index
      tpu.barrier barrier_id(%barrier3A_280)
      %mul3A_281 = arith.constant 1128 : i32
      %mul3A_282 = arith.muli %arg1, %mul3A_281 : i32
      %mul3A_283 = arith.constant 1128 : i32
      %mul3A_284 = arith.muli %arg1, %mul3A_283 : i32
      %add3A_285 = arith.constant 12800 : i32
      %add3A_286 = arith.addi %add3A_285, %mul3A_284 : i32
      "tpu.region"() ({
        %run_scoped3A = tpu.sem_alloc : memref<!tpu.dma_semaphore, #tpu.memory_space<semaphore_mem>>
        %dma_start3A_403 = arith.constant 0 : i32
        %dma_start3A_404 = tpu.memref_slice %arg16[%add3A_286, %dma_start3A_403] : memref<30848x32xf32, #tpu.memory_space<vmem_shared>> -> memref<1128x32xf32, #tpu.memory_space<vmem_shared>>
        %dma_start3A_405 = arith.constant 0 : i32
        %dma_start3A_406 = tpu.memref_slice %arg14[%mul3A_282, %dma_start3A_405] : memref<18048x32xf32, #tpu.memory_space<hbm>> -> memref<1128x32xf32, #tpu.memory_space<hbm>>
        tpu.enqueue_dma source(%dma_start3A_406 : memref<1128x32xf32, #tpu.memory_space<hbm>>) target(%dma_start3A_404 : memref<1128x32xf32, #tpu.memory_space<vmem_shared>>) target_semaphore(%run_scoped3A : memref<!tpu.dma_semaphore, #tpu.memory_space<semaphore_mem>>)
        %dma_wait3A_407 = arith.constant 0 : i32
        %dma_wait3A_408 = tpu.memref_slice %arg16[%add3A_286, %dma_wait3A_407] : memref<30848x32xf32, #tpu.memory_space<vmem_shared>> -> memref<1128x32xf32, #tpu.memory_space<vmem_shared>>
        %dma_wait3A_409 = arith.constant 0 : i32
        %dma_wait3A_410 = tpu.memref_slice %arg14[%mul3A_282, %dma_wait3A_409] : memref<18048x32xf32, #tpu.memory_space<hbm>> -> memref<1128x32xf32, #tpu.memory_space<hbm>>
        tpu.wait_dma2 semaphore(%run_scoped3A : memref<!tpu.dma_semaphore, #tpu.memory_space<semaphore_mem>>) src(%dma_wait3A_410 : memref<1128x32xf32, #tpu.memory_space<hbm>>) dst(%dma_wait3A_408 : memref<1128x32xf32, #tpu.memory_space<vmem_shared>>)
        tpu.yield
      }) : () -> ()
      %barrier3A_287 = arith.constant 0 : index
      tpu.barrier barrier_id(%barrier3A_287)
      %dma_start3A_288 = arith.constant 0 : i32
      %dma_start3A_289 = arith.constant 0 : i32
      %dma_start3A_290 = arith.constant 0 : i32
      %dma_start3A_291 = arith.constant 0 : i32
      %dma_start3A_292 = arith.constant 0 : i32
      %dma_start3A_293 = tpu.memref_slice %arg24[%dma_start3A_289, %dma_start3A_291, %dma_start3A_292] : memref<2x128x32xf32, #tpu.memory_space<vmem>> -> memref<1x128x32xf32, #tpu.memory_space<vmem>>
      %dma_start3A_294 = tpu.memref_squeeze %dma_start3A_293 : memref<1x128x32xf32, #tpu.memory_space<vmem>> -> memref<128x32xf32, #tpu.memory_space<vmem>>
      %dma_start3A_295 = arith.constant 0 : i32
      %dma_start3A_296 = tpu.memref_slice %arg22[%dma_start3A_288, %dma_start3A_295] : memref<72x128xi32, #tpu.memory_space<vmem>> -> memref<1x128xi32, #tpu.memory_space<vmem>>
      %dma_start3A_297 = tpu.memref_squeeze %dma_start3A_296 : memref<1x128xi32, #tpu.memory_space<vmem>> -> memref<128xi32, #tpu.memory_space<vmem>>
      %dma_start3A_298 = arith.constant 0 : i32
      %dma_start3A_299 = arith.constant 0 : i32
      %dma_start3A_300 = tpu.memref_slice %arg16[%dma_start3A_298, %dma_start3A_299] : memref<30848x32xf32, #tpu.memory_space<vmem_shared>> -> memref<30848x32xf32, #tpu.memory_space<vmem_shared>>
      %dma_start3A_301 = tpu.memref_slice %arg27[%dma_start3A_290] : memref<2x!tpu.dma_semaphore, #tpu.memory_space<semaphore_mem>> -> memref<1x!tpu.dma_semaphore, #tpu.memory_space<semaphore_mem>>
      %dma_start3A_302 = tpu.memref_squeeze %dma_start3A_301 : memref<1x!tpu.dma_semaphore, #tpu.memory_space<semaphore_mem>> -> memref<!tpu.dma_semaphore, #tpu.memory_space<semaphore_mem>>
      tpu.enqueue_indirect_dma source(%dma_start3A_300 : memref<30848x32xf32, #tpu.memory_space<vmem_shared>>) target(%dma_start3A_294 : memref<128x32xf32, #tpu.memory_space<vmem>>) offsets(%dma_start3A_297 : memref<128xi32, #tpu.memory_space<vmem>>) semaphore(%dma_start3A_302 : memref<!tpu.dma_semaphore, #tpu.memory_space<semaphore_mem>>)
      %dma_start3A_303 = arith.constant 0 : i32
      %dma_start3A_304 = arith.constant 0 : i32
      %dma_start3A_305 = arith.constant 0 : i32
      %dma_start3A_306 = arith.constant 0 : i32
      %dma_start3A_307 = arith.constant 0 : i32
      %dma_start3A_308 = tpu.memref_slice %arg26[%dma_start3A_304, %dma_start3A_306, %dma_start3A_307] : memref<2x128x16xf32, #tpu.memory_space<vmem>> -> memref<1x128x16xf32, #tpu.memory_space<vmem>>
      %dma_start3A_309 = tpu.memref_squeeze %dma_start3A_308 : memref<1x128x16xf32, #tpu.memory_space<vmem>> -> memref<128x16xf32, #tpu.memory_space<vmem>>
      %dma_start3A_310 = arith.constant 0 : i32
      %dma_start3A_311 = arith.constant 0 : i32
      %dma_start3A_312 = tpu.memref_slice %arg13[%arg1, %dma_start3A_303, %dma_start3A_310, %dma_start3A_311] : memref<16x72x128x16xf32, #tpu.memory_space<hbm>> -> memref<1x1x128x16xf32, #tpu.memory_space<hbm>>
      %dma_start3A_313 = tpu.memref_squeeze %dma_start3A_312 : memref<1x1x128x16xf32, #tpu.memory_space<hbm>> -> memref<128x16xf32, #tpu.memory_space<hbm>>
      %dma_start3A_314 = tpu.memref_slice %arg28[%dma_start3A_305] : memref<2x!tpu.dma_semaphore, #tpu.memory_space<semaphore_mem>> -> memref<1x!tpu.dma_semaphore, #tpu.memory_space<semaphore_mem>>
      %dma_start3A_315 = tpu.memref_squeeze %dma_start3A_314 : memref<1x!tpu.dma_semaphore, #tpu.memory_space<semaphore_mem>> -> memref<!tpu.dma_semaphore, #tpu.memory_space<semaphore_mem>>
      %dma_start3A_316 = arith.constant 0 : i32
      %dma_start3A_317 = arith.constant 0 : i32
      %dma_start3A_318 = tpu.memref_slice %arg26[%dma_start3A_304, %dma_start3A_316, %dma_start3A_317] : memref<2x128x16xf32, #tpu.memory_space<vmem>> -> memref<1x128x16xf32, #tpu.memory_space<vmem>>
      %dma_start3A_319 = tpu.memref_squeeze %dma_start3A_318 : memref<1x128x16xf32, #tpu.memory_space<vmem>> -> memref<128x16xf32, #tpu.memory_space<vmem>>
      %dma_start3A_320 = arith.constant 0 : i32
      %dma_start3A_321 = arith.constant 0 : i32
      %dma_start3A_322 = tpu.memref_slice %arg13[%arg1, %dma_start3A_303, %dma_start3A_320, %dma_start3A_321] : memref<16x72x128x16xf32, #tpu.memory_space<hbm>> -> memref<1x1x128x16xf32, #tpu.memory_space<hbm>>
      %dma_start3A_323 = tpu.memref_squeeze %dma_start3A_322 : memref<1x1x128x16xf32, #tpu.memory_space<hbm>> -> memref<128x16xf32, #tpu.memory_space<hbm>>
      tpu.enqueue_dma source(%dma_start3A_323 : memref<128x16xf32, #tpu.memory_space<hbm>>) target(%dma_start3A_319 : memref<128x16xf32, #tpu.memory_space<vmem>>) target_semaphore(%dma_start3A_315 : memref<!tpu.dma_semaphore, #tpu.memory_space<semaphore_mem>>)
      %dma_start3A_324 = arith.constant 1 : i32
      %dma_start3A_325 = arith.constant 1 : i32
      %dma_start3A_326 = arith.constant 1 : i32
      %dma_start3A_327 = arith.constant 0 : i32
      %dma_start3A_328 = arith.constant 0 : i32
      %dma_start3A_329 = tpu.memref_slice %arg24[%dma_start3A_325, %dma_start3A_327, %dma_start3A_328] : memref<2x128x32xf32, #tpu.memory_space<vmem>> -> memref<1x128x32xf32, #tpu.memory_space<vmem>>
      %dma_start3A_330 = tpu.memref_squeeze %dma_start3A_329 : memref<1x128x32xf32, #tpu.memory_space<vmem>> -> memref<128x32xf32, #tpu.memory_space<vmem>>
      %dma_start3A_331 = arith.constant 0 : i32
      %dma_start3A_332 = tpu.memref_slice %arg22[%dma_start3A_324, %dma_start3A_331] : memref<72x128xi32, #tpu.memory_space<vmem>> -> memref<1x128xi32, #tpu.memory_space<vmem>>
      %dma_start3A_333 = tpu.memref_squeeze %dma_start3A_332 : memref<1x128xi32, #tpu.memory_space<vmem>> -> memref<128xi32, #tpu.memory_space<vmem>>
      %dma_start3A_334 = arith.constant 0 : i32
      %dma_start3A_335 = arith.constant 0 : i32
      %dma_start3A_336 = tpu.memref_slice %arg16[%dma_start3A_334, %dma_start3A_335] : memref<30848x32xf32, #tpu.memory_space<vmem_shared>> -> memref<30848x32xf32, #tpu.memory_space<vmem_shared>>
      %dma_start3A_337 = tpu.memref_slice %arg27[%dma_start3A_326] : memref<2x!tpu.dma_semaphore, #tpu.memory_space<semaphore_mem>> -> memref<1x!tpu.dma_semaphore, #tpu.memory_space<semaphore_mem>>
      %dma_start3A_338 = tpu.memref_squeeze %dma_start3A_337 : memref<1x!tpu.dma_semaphore, #tpu.memory_space<semaphore_mem>> -> memref<!tpu.dma_semaphore, #tpu.memory_space<semaphore_mem>>
      tpu.enqueue_indirect_dma source(%dma_start3A_336 : memref<30848x32xf32, #tpu.memory_space<vmem_shared>>) target(%dma_start3A_330 : memref<128x32xf32, #tpu.memory_space<vmem>>) offsets(%dma_start3A_333 : memref<128xi32, #tpu.memory_space<vmem>>) semaphore(%dma_start3A_338 : memref<!tpu.dma_semaphore, #tpu.memory_space<semaphore_mem>>)
      %dma_start3A_339 = arith.constant 1 : i32
      %dma_start3A_340 = arith.constant 1 : i32
      %dma_start3A_341 = arith.constant 1 : i32
      %dma_start3A_342 = arith.constant 0 : i32
      %dma_start3A_343 = arith.constant 0 : i32
      %dma_start3A_344 = tpu.memref_slice %arg26[%dma_start3A_340, %dma_start3A_342, %dma_start3A_343] : memref<2x128x16xf32, #tpu.memory_space<vmem>> -> memref<1x128x16xf32, #tpu.memory_space<vmem>>
      %dma_start3A_345 = tpu.memref_squeeze %dma_start3A_344 : memref<1x128x16xf32, #tpu.memory_space<vmem>> -> memref<128x16xf32, #tpu.memory_space<vmem>>
      %dma_start3A_346 = arith.constant 0 : i32
      %dma_start3A_347 = arith.constant 0 : i32
      %dma_start3A_348 = tpu.memref_slice %arg13[%arg1, %dma_start3A_339, %dma_start3A_346, %dma_start3A_347] : memref<16x72x128x16xf32, #tpu.memory_space<hbm>> -> memref<1x1x128x16xf32, #tpu.memory_space<hbm>>
      %dma_start3A_349 = tpu.memref_squeeze %dma_start3A_348 : memref<1x1x128x16xf32, #tpu.memory_space<hbm>> -> memref<128x16xf32, #tpu.memory_space<hbm>>
      %dma_start3A_350 = tpu.memref_slice %arg28[%dma_start3A_341] : memref<2x!tpu.dma_semaphore, #tpu.memory_space<semaphore_mem>> -> memref<1x!tpu.dma_semaphore, #tpu.memory_space<semaphore_mem>>
      %dma_start3A_351 = tpu.memref_squeeze %dma_start3A_350 : memref<1x!tpu.dma_semaphore, #tpu.memory_space<semaphore_mem>> -> memref<!tpu.dma_semaphore, #tpu.memory_space<semaphore_mem>>
      %dma_start3A_352 = arith.constant 0 : i32
      %dma_start3A_353 = arith.constant 0 : i32
      %dma_start3A_354 = tpu.memref_slice %arg26[%dma_start3A_340, %dma_start3A_352, %dma_start3A_353] : memref<2x128x16xf32, #tpu.memory_space<vmem>> -> memref<1x128x16xf32, #tpu.memory_space<vmem>>
      %dma_start3A_355 = tpu.memref_squeeze %dma_start3A_354 : memref<1x128x16xf32, #tpu.memory_space<vmem>> -> memref<128x16xf32, #tpu.memory_space<vmem>>
      %dma_start3A_356 = arith.constant 0 : i32
      %dma_start3A_357 = arith.constant 0 : i32
      %dma_start3A_358 = tpu.memref_slice %arg13[%arg1, %dma_start3A_339, %dma_start3A_356, %dma_start3A_357] : memref<16x72x128x16xf32, #tpu.memory_space<hbm>> -> memref<1x1x128x16xf32, #tpu.memory_space<hbm>>
      %dma_start3A_359 = tpu.memref_squeeze %dma_start3A_358 : memref<1x1x128x16xf32, #tpu.memory_space<hbm>> -> memref<128x16xf32, #tpu.memory_space<hbm>>
      tpu.enqueue_dma source(%dma_start3A_359 : memref<128x16xf32, #tpu.memory_space<hbm>>) target(%dma_start3A_355 : memref<128x16xf32, #tpu.memory_space<vmem>>) target_semaphore(%dma_start3A_351 : memref<!tpu.dma_semaphore, #tpu.memory_space<semaphore_mem>>)
      %scan3A_360 = arith.constant 0 : i32
      %scan3A_361 = arith.constant 36 : i32
      %scan3A_362 = arith.addi %scan3A_360, %scan3A_361 : i32
      %scan3A_363 = arith.constant 1 : i32
      scf.for %scan3A_403 = %scan3A_360 to %scan3A_362 step %scan3A_363  : i32 {
        %mul3A_404 = arith.constant 1 : i32
        %mul3A_405 = arith.muli %scan3A_403, %mul3A_404 : i32
        %add3A_406 = arith.constant 0 : i32
        %add3A_407 = arith.addi %add3A_406, %mul3A_405 : i32
        %mul3A_408 = arith.constant 2 : i32
        %mul3A_409 = arith.muli %mul3A_408, %add3A_407 : i32
        %add3A_410 = arith.constant 0 : i32
        %add3A_411 = arith.addi %mul3A_409, %add3A_410 : i32
        %dma_wait3A_412 = arith.constant 0 : i32
        %dma_wait3A_413 = arith.constant 0 : i32
        %dma_wait3A_414 = arith.constant 0 : i32
        %dma_wait3A_415 = arith.constant 0 : i32
        %dma_wait3A_416 = tpu.memref_slice %arg24[%dma_wait3A_412, %dma_wait3A_414, %dma_wait3A_415] : memref<2x128x32xf32, #tpu.memory_space<vmem>> -> memref<1x128x32xf32, #tpu.memory_space<vmem>>
        %dma_wait3A_417 = tpu.memref_squeeze %dma_wait3A_416 : memref<1x128x32xf32, #tpu.memory_space<vmem>> -> memref<128x32xf32, #tpu.memory_space<vmem>>
        %dma_wait3A_418 = arith.constant 0 : i32
        %dma_wait3A_419 = tpu.memref_slice %arg22[%add3A_411, %dma_wait3A_418] : memref<72x128xi32, #tpu.memory_space<vmem>> -> memref<1x128xi32, #tpu.memory_space<vmem>>
        %dma_wait3A_420 = tpu.memref_squeeze %dma_wait3A_419 : memref<1x128xi32, #tpu.memory_space<vmem>> -> memref<128xi32, #tpu.memory_space<vmem>>
        %dma_wait3A_421 = arith.constant 0 : i32
        %dma_wait3A_422 = arith.constant 0 : i32
        %dma_wait3A_423 = tpu.memref_slice %arg16[%dma_wait3A_421, %dma_wait3A_422] : memref<30848x32xf32, #tpu.memory_space<vmem_shared>> -> memref<30848x32xf32, #tpu.memory_space<vmem_shared>>
        %dma_wait3A_424 = tpu.memref_slice %arg27[%dma_wait3A_413] : memref<2x!tpu.dma_semaphore, #tpu.memory_space<semaphore_mem>> -> memref<1x!tpu.dma_semaphore, #tpu.memory_space<semaphore_mem>>
        %dma_wait3A_425 = tpu.memref_squeeze %dma_wait3A_424 : memref<1x!tpu.dma_semaphore, #tpu.memory_space<semaphore_mem>> -> memref<!tpu.dma_semaphore, #tpu.memory_space<semaphore_mem>>
        tpu.wait_indirect_dma semaphore(%dma_wait3A_425 : memref<!tpu.dma_semaphore, #tpu.memory_space<semaphore_mem>>) src(%dma_wait3A_423 : memref<30848x32xf32, #tpu.memory_space<vmem_shared>>) dst(%dma_wait3A_417 : memref<128x32xf32, #tpu.memory_space<vmem>>)
        %dma_wait3A_426 = arith.constant 0 : i32
        %dma_wait3A_427 = arith.constant 0 : i32
        %dma_wait3A_428 = arith.constant 0 : i32
        %dma_wait3A_429 = arith.constant 0 : i32
        %dma_wait3A_430 = tpu.memref_slice %arg26[%dma_wait3A_426, %dma_wait3A_428, %dma_wait3A_429] : memref<2x128x16xf32, #tpu.memory_space<vmem>> -> memref<1x128x16xf32, #tpu.memory_space<vmem>>
        %dma_wait3A_431 = tpu.memref_squeeze %dma_wait3A_430 : memref<1x128x16xf32, #tpu.memory_space<vmem>> -> memref<128x16xf32, #tpu.memory_space<vmem>>
        %dma_wait3A_432 = arith.constant 0 : i32
        %dma_wait3A_433 = arith.constant 0 : i32
        %dma_wait3A_434 = tpu.memref_slice %arg13[%arg1, %add3A_411, %dma_wait3A_432, %dma_wait3A_433] : memref<16x72x128x16xf32, #tpu.memory_space<hbm>> -> memref<1x1x128x16xf32, #tpu.memory_space<hbm>>
        %dma_wait3A_435 = tpu.memref_squeeze %dma_wait3A_434 : memref<1x1x128x16xf32, #tpu.memory_space<hbm>> -> memref<128x16xf32, #tpu.memory_space<hbm>>
        %dma_wait3A_436 = tpu.memref_slice %arg28[%dma_wait3A_427] : memref<2x!tpu.dma_semaphore, #tpu.memory_space<semaphore_mem>> -> memref<1x!tpu.dma_semaphore, #tpu.memory_space<semaphore_mem>>
        %dma_wait3A_437 = tpu.memref_squeeze %dma_wait3A_436 : memref<1x!tpu.dma_semaphore, #tpu.memory_space<semaphore_mem>> -> memref<!tpu.dma_semaphore, #tpu.memory_space<semaphore_mem>>
        %dma_wait3A_438 = arith.constant 0 : i32
        %dma_wait3A_439 = arith.constant 0 : i32
        %dma_wait3A_440 = tpu.memref_slice %arg26[%dma_wait3A_426, %dma_wait3A_438, %dma_wait3A_439] : memref<2x128x16xf32, #tpu.memory_space<vmem>> -> memref<1x128x16xf32, #tpu.memory_space<vmem>>
        %dma_wait3A_441 = tpu.memref_squeeze %dma_wait3A_440 : memref<1x128x16xf32, #tpu.memory_space<vmem>> -> memref<128x16xf32, #tpu.memory_space<vmem>>
        %dma_wait3A_442 = arith.constant 0 : i32
        %dma_wait3A_443 = arith.constant 0 : i32
        %dma_wait3A_444 = tpu.memref_slice %arg13[%arg1, %add3A_411, %dma_wait3A_442, %dma_wait3A_443] : memref<16x72x128x16xf32, #tpu.memory_space<hbm>> -> memref<1x1x128x16xf32, #tpu.memory_space<hbm>>
        %dma_wait3A_445 = tpu.memref_squeeze %dma_wait3A_444 : memref<1x1x128x16xf32, #tpu.memory_space<hbm>> -> memref<128x16xf32, #tpu.memory_space<hbm>>
        tpu.wait_dma2 semaphore(%dma_wait3A_437 : memref<!tpu.dma_semaphore, #tpu.memory_space<semaphore_mem>>) src(%dma_wait3A_445 : memref<128x16xf32, #tpu.memory_space<hbm>>) dst(%dma_wait3A_441 : memref<128x16xf32, #tpu.memory_space<vmem>>)
        %add3A_446 = arith.constant 0 : i32
        %add3A_447 = arith.addi %mul3A_409, %add3A_446 : i32
        %ge3A = arith.constant 2 : i32
        %ge3A_448 = arith.cmpi sge, %add3A_447, %ge3A : i32
        %convert_element_type3A = arith.extui %ge3A_448 : i1 to i32
        %cond3A = arith.constant 0 : i32
        %cond3A_449 = arith.cmpi ne, %convert_element_type3A, %cond3A : i32
        scf.if %cond3A_449 {
          %add3A_553 = arith.constant 0 : i32
          %add3A_554 = arith.addi %mul3A_409, %add3A_553 : i32
          %sub3A_555 = arith.constant 2 : i32
          %sub3A_556 = arith.subi %add3A_554, %sub3A_555 : i32
          %dma_wait3A_557 = arith.constant 0 : i32
          %dma_wait3A_558 = arith.constant 0 : i32
          %dma_wait3A_559 = arith.constant 0 : i32
          %dma_wait3A_560 = arith.constant 0 : i32
          %dma_wait3A_561 = tpu.memref_slice %arg25[%dma_wait3A_557, %dma_wait3A_559, %dma_wait3A_560] : memref<2x128x32xf32, #tpu.memory_space<vmem>> -> memref<1x128x32xf32, #tpu.memory_space<vmem>>
          %dma_wait3A_562 = tpu.memref_squeeze %dma_wait3A_561 : memref<1x128x32xf32, #tpu.memory_space<vmem>> -> memref<128x32xf32, #tpu.memory_space<vmem>>
          %dma_wait3A_563 = arith.constant 0 : i32
          %dma_wait3A_564 = tpu.memref_slice %arg23[%sub3A_556, %dma_wait3A_563] : memref<72x128xi32, #tpu.memory_space<vmem>> -> memref<1x128xi32, #tpu.memory_space<vmem>>
          %dma_wait3A_565 = tpu.memref_squeeze %dma_wait3A_564 : memref<1x128xi32, #tpu.memory_space<vmem>> -> memref<128xi32, #tpu.memory_space<vmem>>
          %dma_wait3A_566 = arith.constant 0 : i32
          %dma_wait3A_567 = arith.constant 0 : i32
          %dma_wait3A_568 = tpu.memref_slice %arg16[%dma_wait3A_566, %dma_wait3A_567] : memref<30848x32xf32, #tpu.memory_space<vmem_shared>> -> memref<30848x32xf32, #tpu.memory_space<vmem_shared>>
          %dma_wait3A_569 = tpu.memref_slice %arg29[%dma_wait3A_558] : memref<2x!tpu.dma_semaphore, #tpu.memory_space<semaphore_mem>> -> memref<1x!tpu.dma_semaphore, #tpu.memory_space<semaphore_mem>>
          %dma_wait3A_570 = tpu.memref_squeeze %dma_wait3A_569 : memref<1x!tpu.dma_semaphore, #tpu.memory_space<semaphore_mem>> -> memref<!tpu.dma_semaphore, #tpu.memory_space<semaphore_mem>>
          tpu.wait_indirect_dma semaphore(%dma_wait3A_570 : memref<!tpu.dma_semaphore, #tpu.memory_space<semaphore_mem>>) src(%dma_wait3A_562 : memref<128x32xf32, #tpu.memory_space<vmem>>) dst(%dma_wait3A_568 : memref<30848x32xf32, #tpu.memory_space<vmem_shared>>)
        } else {
        }
        %parallel_loop3A = arith.constant 0 : i32
        %parallel_loop3A_450 = arith.constant 128 : i32
        %parallel_loop3A_451 = arith.constant 1 : i32
        %parallel_loop3A_452 = arith.constant 0 : i32
        %parallel_loop3A_453 = arith.constant 0 : i32
        %parallel_loop3A_454 = arith.constant 0 : i32
        scf.for %parallel_loop3A_553 = %parallel_loop3A to %parallel_loop3A_450 step %parallel_loop3A_451  : i32 {
          %parallel_loop3A_554 = arith.constant 0 : i32
          %parallel_loop3A_555 = arith.constant 0 : i32
          %parallel_loop3A_556 = tpu.memref_slice %arg26[%parallel_loop3A_452, %parallel_loop3A_554, %parallel_loop3A_555] : memref<2x128x16xf32, #tpu.memory_space<vmem>> -> memref<1x128x16xf32, #tpu.memory_space<vmem>>
          %parallel_loop3A_557 = tpu.memref_squeeze %parallel_loop3A_556 : memref<1x128x16xf32, #tpu.memory_space<vmem>> -> memref<128x16xf32, #tpu.memory_space<vmem>>
          %parallel_loop3A_558 = arith.index_cast %parallel_loop3A_553 : i32 to index
          %parallel_loop3A_559 = arith.constant 0 : index
          %parallel_loop3A_560 = tpu.vector_load %parallel_loop3A_557[%parallel_loop3A_558, %parallel_loop3A_559] {strides = array<i32>} : memref<128x16xf32, #tpu.memory_space<vmem>>, vector<1x16xf32>,
          %parallel_loop3A_561 = vector.shape_cast %parallel_loop3A_560 : vector<1x16xf32> to vector<16xf32>
          %parallel_loop3A_562 = arith.constant 0 : i32
          %parallel_loop3A_563 = arith.constant 0 : i32
          %parallel_loop3A_564 = tpu.memref_slice %arg24[%parallel_loop3A_453, %parallel_loop3A_562, %parallel_loop3A_563] : memref<2x128x32xf32, #tpu.memory_space<vmem>> -> memref<1x128x32xf32, #tpu.memory_space<vmem>>
          %parallel_loop3A_565 = tpu.memref_squeeze %parallel_loop3A_564 : memref<1x128x32xf32, #tpu.memory_space<vmem>> -> memref<128x32xf32, #tpu.memory_space<vmem>>
          %parallel_loop3A_566 = arith.index_cast %parallel_loop3A_553 : i32 to index
          %parallel_loop3A_567 = arith.constant 0 : index
          %parallel_loop3A_568 = tpu.vector_load %parallel_loop3A_565[%parallel_loop3A_566, %parallel_loop3A_567] {strides = array<i32>} : memref<128x32xf32, #tpu.memory_space<vmem>>, vector<1x16xf32>,
          %parallel_loop3A_569 = vector.shape_cast %parallel_loop3A_568 : vector<1x16xf32> to vector<16xf32>
          %parallel_loop3A_570 = arith.constant 0.00999999977 : f32
          %parallel_loop3A_571 = vector.broadcast %parallel_loop3A_570 : f32 to vector<16xf32>
          %parallel_loop3A_572 = arith.mulf %parallel_loop3A_569, %parallel_loop3A_571 : vector<16xf32>
          %parallel_loop3A_573 = arith.maximumf %parallel_loop3A_569, %parallel_loop3A_572 : vector<16xf32>
          %parallel_loop3A_574 = arith.mulf %parallel_loop3A_573, %parallel_loop3A_561 : vector<16xf32>
          %parallel_loop3A_575 = arith.constant 0 : i32
          %parallel_loop3A_576 = arith.constant 0 : i32
          %parallel_loop3A_577 = tpu.memref_slice %arg25[%parallel_loop3A_454, %parallel_loop3A_575, %parallel_loop3A_576] : memref<2x128x32xf32, #tpu.memory_space<vmem>> -> memref<1x128x32xf32, #tpu.memory_space<vmem>>
          %parallel_loop3A_578 = tpu.memref_squeeze %parallel_loop3A_577 : memref<1x128x32xf32, #tpu.memory_space<vmem>> -> memref<128x32xf32, #tpu.memory_space<vmem>>
          %parallel_loop3A_579 = arith.index_cast %parallel_loop3A_553 : i32 to index
          %parallel_loop3A_580 = arith.constant 0 : index
          %parallel_loop3A_581 = tpu.vector_load %parallel_loop3A_578[%parallel_loop3A_579, %parallel_loop3A_580] {strides = array<i32>} : memref<128x32xf32, #tpu.memory_space<vmem>>, vector<1x16xf32>,
          %parallel_loop3A_582 = vector.shape_cast %parallel_loop3A_581 : vector<1x16xf32> to vector<16xf32>
          %parallel_loop3A_583 = vector.shape_cast %parallel_loop3A_574 : vector<16xf32> to vector<1x16xf32>
          tpu.vector_store %parallel_loop3A_578[%parallel_loop3A_579, %parallel_loop3A_580], %parallel_loop3A_583 {strides = array<i32>} : memref<128x32xf32, #tpu.memory_space<vmem>>, vector<1x16xf32>,
          %parallel_loop3A_584 = arith.constant 0 : i32
          %parallel_loop3A_585 = arith.constant 0 : i32
          %parallel_loop3A_586 = tpu.memref_slice %arg24[%parallel_loop3A_453, %parallel_loop3A_584, %parallel_loop3A_585] : memref<2x128x32xf32, #tpu.memory_space<vmem>> -> memref<1x128x32xf32, #tpu.memory_space<vmem>>
          %parallel_loop3A_587 = tpu.memref_squeeze %parallel_loop3A_586 : memref<1x128x32xf32, #tpu.memory_space<vmem>> -> memref<128x32xf32, #tpu.memory_space<vmem>>
          %parallel_loop3A_588 = arith.index_cast %parallel_loop3A_553 : i32 to index
          %parallel_loop3A_589 = arith.constant 16 : index
          %parallel_loop3A_590 = tpu.vector_load %parallel_loop3A_587[%parallel_loop3A_588, %parallel_loop3A_589] {strides = array<i32>} : memref<128x32xf32, #tpu.memory_space<vmem>>, vector<1x16xf32>,
          %parallel_loop3A_591 = vector.shape_cast %parallel_loop3A_590 : vector<1x16xf32> to vector<16xf32>
          %parallel_loop3A_592 = arith.constant 0.00999999977 : f32
          %parallel_loop3A_593 = vector.broadcast %parallel_loop3A_592 : f32 to vector<16xf32>
          %parallel_loop3A_594 = arith.mulf %parallel_loop3A_591, %parallel_loop3A_593 : vector<16xf32>
          %parallel_loop3A_595 = arith.maximumf %parallel_loop3A_591, %parallel_loop3A_594 : vector<16xf32>
          %parallel_loop3A_596 = arith.mulf %parallel_loop3A_595, %parallel_loop3A_561 : vector<16xf32>
          %parallel_loop3A_597 = arith.constant 0 : i32
          %parallel_loop3A_598 = arith.constant 0 : i32
          %parallel_loop3A_599 = tpu.memref_slice %arg25[%parallel_loop3A_454, %parallel_loop3A_597, %parallel_loop3A_598] : memref<2x128x32xf32, #tpu.memory_space<vmem>> -> memref<1x128x32xf32, #tpu.memory_space<vmem>>
          %parallel_loop3A_600 = tpu.memref_squeeze %parallel_loop3A_599 : memref<1x128x32xf32, #tpu.memory_space<vmem>> -> memref<128x32xf32, #tpu.memory_space<vmem>>
          %parallel_loop3A_601 = arith.index_cast %parallel_loop3A_553 : i32 to index
          %parallel_loop3A_602 = arith.constant 16 : index
          %parallel_loop3A_603 = tpu.vector_load %parallel_loop3A_600[%parallel_loop3A_601, %parallel_loop3A_602] {strides = array<i32>} : memref<128x32xf32, #tpu.memory_space<vmem>>, vector<1x16xf32>,
          %parallel_loop3A_604 = vector.shape_cast %parallel_loop3A_603 : vector<1x16xf32> to vector<16xf32>
          %parallel_loop3A_605 = vector.shape_cast %parallel_loop3A_596 : vector<16xf32> to vector<1x16xf32>
          tpu.vector_store %parallel_loop3A_600[%parallel_loop3A_601, %parallel_loop3A_602], %parallel_loop3A_605 {strides = array<i32>} : memref<128x32xf32, #tpu.memory_space<vmem>>, vector<1x16xf32>,
        } {sc.loop_unroll_factor = 4 : i64, sc.parallel_access}
        %add3A_455 = arith.constant 0 : i32
        %add3A_456 = arith.addi %mul3A_409, %add3A_455 : i32
        %dma_start3A_457 = arith.constant 0 : i32
        %dma_start3A_458 = arith.constant 0 : i32
        %dma_start3A_459 = arith.constant 0 : i32
        %dma_start3A_460 = arith.constant 0 : i32
        %dma_start3A_461 = tpu.memref_slice %arg25[%dma_start3A_457, %dma_start3A_459, %dma_start3A_460] : memref<2x128x32xf32, #tpu.memory_space<vmem>> -> memref<1x128x32xf32, #tpu.memory_space<vmem>>
        %dma_start3A_462 = tpu.memref_squeeze %dma_start3A_461 : memref<1x128x32xf32, #tpu.memory_space<vmem>> -> memref<128x32xf32, #tpu.memory_space<vmem>>
        %dma_start3A_463 = arith.constant 0 : i32
        %dma_start3A_464 = tpu.memref_slice %arg23[%add3A_456, %dma_start3A_463] : memref<72x128xi32, #tpu.memory_space<vmem>> -> memref<1x128xi32, #tpu.memory_space<vmem>>
        %dma_start3A_465 = tpu.memref_squeeze %dma_start3A_464 : memref<1x128xi32, #tpu.memory_space<vmem>> -> memref<128xi32, #tpu.memory_space<vmem>>
        %dma_start3A_466 = arith.constant 0 : i32
        %dma_start3A_467 = arith.constant 0 : i32
        %dma_start3A_468 = tpu.memref_slice %arg16[%dma_start3A_466, %dma_start3A_467] : memref<30848x32xf32, #tpu.memory_space<vmem_shared>> -> memref<30848x32xf32, #tpu.memory_space<vmem_shared>>
        %dma_start3A_469 = tpu.memref_slice %arg29[%dma_start3A_458] : memref<2x!tpu.dma_semaphore, #tpu.memory_space<semaphore_mem>> -> memref<1x!tpu.dma_semaphore, #tpu.memory_space<semaphore_mem>>
        %dma_start3A_470 = tpu.memref_squeeze %dma_start3A_469 : memref<1x!tpu.dma_semaphore, #tpu.memory_space<semaphore_mem>> -> memref<!tpu.dma_semaphore, #tpu.memory_space<semaphore_mem>>
        tpu.enqueue_indirect_dma source(%dma_start3A_462 : memref<128x32xf32, #tpu.memory_space<vmem>>) target(%dma_start3A_468 : memref<30848x32xf32, #tpu.memory_space<vmem_shared>>) offsets(%dma_start3A_465 : memref<128xi32, #tpu.memory_space<vmem>>) semaphore(%dma_start3A_470 : memref<!tpu.dma_semaphore, #tpu.memory_space<semaphore_mem>>) {add = true}
        %add3A_471 = arith.constant 0 : i32
        %add3A_472 = arith.addi %mul3A_409, %add3A_471 : i32
        %add3A_473 = arith.constant 2 : i32
        %add3A_474 = arith.addi %add3A_472, %add3A_473 : i32
        %lt3A = arith.constant 72 : i32
        %lt3A_475 = arith.cmpi slt, %add3A_474, %lt3A : i32
        %convert_element_type3A_476 = arith.extui %lt3A_475 : i1 to i32
        %cond3A_477 = arith.constant 0 : i32
        %cond3A_478 = arith.cmpi ne, %convert_element_type3A_476, %cond3A_477 : i32
        scf.if %cond3A_478 {
          %add3A_553 = arith.constant 0 : i32
          %add3A_554 = arith.addi %mul3A_409, %add3A_553 : i32
          %add3A_555 = arith.constant 2 : i32
          %add3A_556 = arith.addi %add3A_554, %add3A_555 : i32
          %dma_start3A_557 = arith.constant 0 : i32
          %dma_start3A_558 = arith.constant 0 : i32
          %dma_start3A_559 = arith.constant 0 : i32
          %dma_start3A_560 = arith.constant 0 : i32
          %dma_start3A_561 = tpu.memref_slice %arg24[%dma_start3A_557, %dma_start3A_559, %dma_start3A_560] : memref<2x128x32xf32, #tpu.memory_space<vmem>> -> memref<1x128x32xf32, #tpu.memory_space<vmem>>
          %dma_start3A_562 = tpu.memref_squeeze %dma_start3A_561 : memref<1x128x32xf32, #tpu.memory_space<vmem>> -> memref<128x32xf32, #tpu.memory_space<vmem>>
          %dma_start3A_563 = arith.constant 0 : i32
          %dma_start3A_564 = tpu.memref_slice %arg22[%add3A_556, %dma_start3A_563] : memref<72x128xi32, #tpu.memory_space<vmem>> -> memref<1x128xi32, #tpu.memory_space<vmem>>
          %dma_start3A_565 = tpu.memref_squeeze %dma_start3A_564 : memref<1x128xi32, #tpu.memory_space<vmem>> -> memref<128xi32, #tpu.memory_space<vmem>>
          %dma_start3A_566 = arith.constant 0 : i32
          %dma_start3A_567 = arith.constant 0 : i32
          %dma_start3A_568 = tpu.memref_slice %arg16[%dma_start3A_566, %dma_start3A_567] : memref<30848x32xf32, #tpu.memory_space<vmem_shared>> -> memref<30848x32xf32, #tpu.memory_space<vmem_shared>>
          %dma_start3A_569 = tpu.memref_slice %arg27[%dma_start3A_558] : memref<2x!tpu.dma_semaphore, #tpu.memory_space<semaphore_mem>> -> memref<1x!tpu.dma_semaphore, #tpu.memory_space<semaphore_mem>>
          %dma_start3A_570 = tpu.memref_squeeze %dma_start3A_569 : memref<1x!tpu.dma_semaphore, #tpu.memory_space<semaphore_mem>> -> memref<!tpu.dma_semaphore, #tpu.memory_space<semaphore_mem>>
          tpu.enqueue_indirect_dma source(%dma_start3A_568 : memref<30848x32xf32, #tpu.memory_space<vmem_shared>>) target(%dma_start3A_562 : memref<128x32xf32, #tpu.memory_space<vmem>>) offsets(%dma_start3A_565 : memref<128xi32, #tpu.memory_space<vmem>>) semaphore(%dma_start3A_570 : memref<!tpu.dma_semaphore, #tpu.memory_space<semaphore_mem>>)
          %dma_start3A_571 = arith.constant 0 : i32
          %dma_start3A_572 = arith.constant 0 : i32
          %dma_start3A_573 = arith.constant 0 : i32
          %dma_start3A_574 = arith.constant 0 : i32
          %dma_start3A_575 = tpu.memref_slice %arg26[%dma_start3A_571, %dma_start3A_573, %dma_start3A_574] : memref<2x128x16xf32, #tpu.memory_space<vmem>> -> memref<1x128x16xf32, #tpu.memory_space<vmem>>
          %dma_start3A_576 = tpu.memref_squeeze %dma_start3A_575 : memref<1x128x16xf32, #tpu.memory_space<vmem>> -> memref<128x16xf32, #tpu.memory_space<vmem>>
          %dma_start3A_577 = arith.constant 0 : i32
          %dma_start3A_578 = arith.constant 0 : i32
          %dma_start3A_579 = tpu.memref_slice %arg13[%arg1, %add3A_556, %dma_start3A_577, %dma_start3A_578] : memref<16x72x128x16xf32, #tpu.memory_space<hbm>> -> memref<1x1x128x16xf32, #tpu.memory_space<hbm>>
          %dma_start3A_580 = tpu.memref_squeeze %dma_start3A_579 : memref<1x1x128x16xf32, #tpu.memory_space<hbm>> -> memref<128x16xf32, #tpu.memory_space<hbm>>
          %dma_start3A_581 = tpu.memref_slice %arg28[%dma_start3A_572] : memref<2x!tpu.dma_semaphore, #tpu.memory_space<semaphore_mem>> -> memref<1x!tpu.dma_semaphore, #tpu.memory_space<semaphore_mem>>
          %dma_start3A_582 = tpu.memref_squeeze %dma_start3A_581 : memref<1x!tpu.dma_semaphore, #tpu.memory_space<semaphore_mem>> -> memref<!tpu.dma_semaphore, #tpu.memory_space<semaphore_mem>>
          %dma_start3A_583 = arith.constant 0 : i32
          %dma_start3A_584 = arith.constant 0 : i32
          %dma_start3A_585 = tpu.memref_slice %arg26[%dma_start3A_571, %dma_start3A_583, %dma_start3A_584] : memref<2x128x16xf32, #tpu.memory_space<vmem>> -> memref<1x128x16xf32, #tpu.memory_space<vmem>>
          %dma_start3A_586 = tpu.memref_squeeze %dma_start3A_585 : memref<1x128x16xf32, #tpu.memory_space<vmem>> -> memref<128x16xf32, #tpu.memory_space<vmem>>
          %dma_start3A_587 = arith.constant 0 : i32
          %dma_start3A_588 = arith.constant 0 : i32
          %dma_start3A_589 = tpu.memref_slice %arg13[%arg1, %add3A_556, %dma_start3A_587, %dma_start3A_588] : memref<16x72x128x16xf32, #tpu.memory_space<hbm>> -> memref<1x1x128x16xf32, #tpu.memory_space<hbm>>
          %dma_start3A_590 = tpu.memref_squeeze %dma_start3A_589 : memref<1x1x128x16xf32, #tpu.memory_space<hbm>> -> memref<128x16xf32, #tpu.memory_space<hbm>>
          tpu.enqueue_dma source(%dma_start3A_590 : memref<128x16xf32, #tpu.memory_space<hbm>>) target(%dma_start3A_586 : memref<128x16xf32, #tpu.memory_space<vmem>>) target_semaphore(%dma_start3A_582 : memref<!tpu.dma_semaphore, #tpu.memory_space<semaphore_mem>>)
        } else {
        }
        %add3A_479 = arith.constant 1 : i32
        %add3A_480 = arith.addi %mul3A_409, %add3A_479 : i32
        %dma_wait3A_481 = arith.constant 1 : i32
        %dma_wait3A_482 = arith.constant 1 : i32
        %dma_wait3A_483 = arith.constant 0 : i32
        %dma_wait3A_484 = arith.constant 0 : i32
        %dma_wait3A_485 = tpu.memref_slice %arg24[%dma_wait3A_481, %dma_wait3A_483, %dma_wait3A_484] : memref<2x128x32xf32, #tpu.memory_space<vmem>> -> memref<1x128x32xf32, #tpu.memory_space<vmem>>
        %dma_wait3A_486 = tpu.memref_squeeze %dma_wait3A_485 : memref<1x128x32xf32, #tpu.memory_space<vmem>> -> memref<128x32xf32, #tpu.memory_space<vmem>>
        %dma_wait3A_487 = arith.constant 0 : i32
        %dma_wait3A_488 = tpu.memref_slice %arg22[%add3A_480, %dma_wait3A_487] : memref<72x128xi32, #tpu.memory_space<vmem>> -> memref<1x128xi32, #tpu.memory_space<vmem>>
        %dma_wait3A_489 = tpu.memref_squeeze %dma_wait3A_488 : memref<1x128xi32, #tpu.memory_space<vmem>> -> memref<128xi32, #tpu.memory_space<vmem>>
        %dma_wait3A_490 = arith.constant 0 : i32
        %dma_wait3A_491 = arith.constant 0 : i32
        %dma_wait3A_492 = tpu.memref_slice %arg16[%dma_wait3A_490, %dma_wait3A_491] : memref<30848x32xf32, #tpu.memory_space<vmem_shared>> -> memref<30848x32xf32, #tpu.memory_space<vmem_shared>>
        %dma_wait3A_493 = tpu.memref_slice %arg27[%dma_wait3A_482] : memref<2x!tpu.dma_semaphore, #tpu.memory_space<semaphore_mem>> -> memref<1x!tpu.dma_semaphore, #tpu.memory_space<semaphore_mem>>
        %dma_wait3A_494 = tpu.memref_squeeze %dma_wait3A_493 : memref<1x!tpu.dma_semaphore, #tpu.memory_space<semaphore_mem>> -> memref<!tpu.dma_semaphore, #tpu.memory_space<semaphore_mem>>
        tpu.wait_indirect_dma semaphore(%dma_wait3A_494 : memref<!tpu.dma_semaphore, #tpu.memory_space<semaphore_mem>>) src(%dma_wait3A_492 : memref<30848x32xf32, #tpu.memory_space<vmem_shared>>) dst(%dma_wait3A_486 : memref<128x32xf32, #tpu.memory_space<vmem>>)
        %dma_wait3A_495 = arith.constant 1 : i32
        %dma_wait3A_496 = arith.constant 1 : i32
        %dma_wait3A_497 = arith.constant 0 : i32
        %dma_wait3A_498 = arith.constant 0 : i32
        %dma_wait3A_499 = tpu.memref_slice %arg26[%dma_wait3A_495, %dma_wait3A_497, %dma_wait3A_498] : memref<2x128x16xf32, #tpu.memory_space<vmem>> -> memref<1x128x16xf32, #tpu.memory_space<vmem>>
        %dma_wait3A_500 = tpu.memref_squeeze %dma_wait3A_499 : memref<1x128x16xf32, #tpu.memory_space<vmem>> -> memref<128x16xf32, #tpu.memory_space<vmem>>
        %dma_wait3A_501 = arith.constant 0 : i32
        %dma_wait3A_502 = arith.constant 0 : i32
        %dma_wait3A_503 = tpu.memref_slice %arg13[%arg1, %add3A_480, %dma_wait3A_501, %dma_wait3A_502] : memref<16x72x128x16xf32, #tpu.memory_space<hbm>> -> memref<1x1x128x16xf32, #tpu.memory_space<hbm>>
        %dma_wait3A_504 = tpu.memref_squeeze %dma_wait3A_503 : memref<1x1x128x16xf32, #tpu.memory_space<hbm>> -> memref<128x16xf32, #tpu.memory_space<hbm>>
        %dma_wait3A_505 = tpu.memref_slice %arg28[%dma_wait3A_496] : memref<2x!tpu.dma_semaphore, #tpu.memory_space<semaphore_mem>> -> memref<1x!tpu.dma_semaphore, #tpu.memory_space<semaphore_mem>>
        %dma_wait3A_506 = tpu.memref_squeeze %dma_wait3A_505 : memref<1x!tpu.dma_semaphore, #tpu.memory_space<semaphore_mem>> -> memref<!tpu.dma_semaphore, #tpu.memory_space<semaphore_mem>>
        %dma_wait3A_507 = arith.constant 0 : i32
        %dma_wait3A_508 = arith.constant 0 : i32
        %dma_wait3A_509 = tpu.memref_slice %arg26[%dma_wait3A_495, %dma_wait3A_507, %dma_wait3A_508] : memref<2x128x16xf32, #tpu.memory_space<vmem>> -> memref<1x128x16xf32, #tpu.memory_space<vmem>>
        %dma_wait3A_510 = tpu.memref_squeeze %dma_wait3A_509 : memref<1x128x16xf32, #tpu.memory_space<vmem>> -> memref<128x16xf32, #tpu.memory_space<vmem>>
        %dma_wait3A_511 = arith.constant 0 : i32
        %dma_wait3A_512 = arith.constant 0 : i32
        %dma_wait3A_513 = tpu.memref_slice %arg13[%arg1, %add3A_480, %dma_wait3A_511, %dma_wait3A_512] : memref<16x72x128x16xf32, #tpu.memory_space<hbm>> -> memref<1x1x128x16xf32, #tpu.memory_space<hbm>>
        %dma_wait3A_514 = tpu.memref_squeeze %dma_wait3A_513 : memref<1x1x128x16xf32, #tpu.memory_space<hbm>> -> memref<128x16xf32, #tpu.memory_space<hbm>>
        tpu.wait_dma2 semaphore(%dma_wait3A_506 : memref<!tpu.dma_semaphore, #tpu.memory_space<semaphore_mem>>) src(%dma_wait3A_514 : memref<128x16xf32, #tpu.memory_space<hbm>>) dst(%dma_wait3A_510 : memref<128x16xf32, #tpu.memory_space<vmem>>)
        %add3A_515 = arith.constant 1 : i32
        %add3A_516 = arith.addi %mul3A_409, %add3A_515 : i32
        %ge3A_517 = arith.constant 2 : i32
        %ge3A_518 = arith.cmpi sge, %add3A_516, %ge3A_517 : i32
        %convert_element_type3A_519 = arith.extui %ge3A_518 : i1 to i32
        %cond3A_520 = arith.constant 0 : i32
        %cond3A_521 = arith.cmpi ne, %convert_element_type3A_519, %cond3A_520 : i32
        scf.if %cond3A_521 {
          %add3A_553 = arith.constant 1 : i32
          %add3A_554 = arith.addi %mul3A_409, %add3A_553 : i32
          %sub3A_555 = arith.constant 2 : i32
          %sub3A_556 = arith.subi %add3A_554, %sub3A_555 : i32
          %dma_wait3A_557 = arith.constant 1 : i32
          %dma_wait3A_558 = arith.constant 1 : i32
          %dma_wait3A_559 = arith.constant 0 : i32
          %dma_wait3A_560 = arith.constant 0 : i32
          %dma_wait3A_561 = tpu.memref_slice %arg25[%dma_wait3A_557, %dma_wait3A_559, %dma_wait3A_560] : memref<2x128x32xf32, #tpu.memory_space<vmem>> -> memref<1x128x32xf32, #tpu.memory_space<vmem>>
          %dma_wait3A_562 = tpu.memref_squeeze %dma_wait3A_561 : memref<1x128x32xf32, #tpu.memory_space<vmem>> -> memref<128x32xf32, #tpu.memory_space<vmem>>
          %dma_wait3A_563 = arith.constant 0 : i32
          %dma_wait3A_564 = tpu.memref_slice %arg23[%sub3A_556, %dma_wait3A_563] : memref<72x128xi32, #tpu.memory_space<vmem>> -> memref<1x128xi32, #tpu.memory_space<vmem>>
          %dma_wait3A_565 = tpu.memref_squeeze %dma_wait3A_564 : memref<1x128xi32, #tpu.memory_space<vmem>> -> memref<128xi32, #tpu.memory_space<vmem>>
          %dma_wait3A_566 = arith.constant 0 : i32
          %dma_wait3A_567 = arith.constant 0 : i32
          %dma_wait3A_568 = tpu.memref_slice %arg16[%dma_wait3A_566, %dma_wait3A_567] : memref<30848x32xf32, #tpu.memory_space<vmem_shared>> -> memref<30848x32xf32, #tpu.memory_space<vmem_shared>>
          %dma_wait3A_569 = tpu.memref_slice %arg29[%dma_wait3A_558] : memref<2x!tpu.dma_semaphore, #tpu.memory_space<semaphore_mem>> -> memref<1x!tpu.dma_semaphore, #tpu.memory_space<semaphore_mem>>
          %dma_wait3A_570 = tpu.memref_squeeze %dma_wait3A_569 : memref<1x!tpu.dma_semaphore, #tpu.memory_space<semaphore_mem>> -> memref<!tpu.dma_semaphore, #tpu.memory_space<semaphore_mem>>
          tpu.wait_indirect_dma semaphore(%dma_wait3A_570 : memref<!tpu.dma_semaphore, #tpu.memory_space<semaphore_mem>>) src(%dma_wait3A_562 : memref<128x32xf32, #tpu.memory_space<vmem>>) dst(%dma_wait3A_568 : memref<30848x32xf32, #tpu.memory_space<vmem_shared>>)
        } else {
        }
        %parallel_loop3A_522 = arith.constant 0 : i32
        %parallel_loop3A_523 = arith.constant 128 : i32
        %parallel_loop3A_524 = arith.constant 1 : i32
        %parallel_loop3A_525 = arith.constant 1 : i32
        %parallel_loop3A_526 = arith.constant 1 : i32
        %parallel_loop3A_527 = arith.constant 1 : i32
        scf.for %parallel_loop3A_553 = %parallel_loop3A_522 to %parallel_loop3A_523 step %parallel_loop3A_524  : i32 {
          %parallel_loop3A_554 = arith.constant 0 : i32
          %parallel_loop3A_555 = arith.constant 0 : i32
          %parallel_loop3A_556 = tpu.memref_slice %arg26[%parallel_loop3A_525, %parallel_loop3A_554, %parallel_loop3A_555] : memref<2x128x16xf32, #tpu.memory_space<vmem>> -> memref<1x128x16xf32, #tpu.memory_space<vmem>>
          %parallel_loop3A_557 = tpu.memref_squeeze %parallel_loop3A_556 : memref<1x128x16xf32, #tpu.memory_space<vmem>> -> memref<128x16xf32, #tpu.memory_space<vmem>>
          %parallel_loop3A_558 = arith.index_cast %parallel_loop3A_553 : i32 to index
          %parallel_loop3A_559 = arith.constant 0 : index
          %parallel_loop3A_560 = tpu.vector_load %parallel_loop3A_557[%parallel_loop3A_558, %parallel_loop3A_559] {strides = array<i32>} : memref<128x16xf32, #tpu.memory_space<vmem>>, vector<1x16xf32>,
          %parallel_loop3A_561 = vector.shape_cast %parallel_loop3A_560 : vector<1x16xf32> to vector<16xf32>
          %parallel_loop3A_562 = arith.constant 0 : i32
          %parallel_loop3A_563 = arith.constant 0 : i32
          %parallel_loop3A_564 = tpu.memref_slice %arg24[%parallel_loop3A_526, %parallel_loop3A_562, %parallel_loop3A_563] : memref<2x128x32xf32, #tpu.memory_space<vmem>> -> memref<1x128x32xf32, #tpu.memory_space<vmem>>
          %parallel_loop3A_565 = tpu.memref_squeeze %parallel_loop3A_564 : memref<1x128x32xf32, #tpu.memory_space<vmem>> -> memref<128x32xf32, #tpu.memory_space<vmem>>
          %parallel_loop3A_566 = arith.index_cast %parallel_loop3A_553 : i32 to index
          %parallel_loop3A_567 = arith.constant 0 : index
          %parallel_loop3A_568 = tpu.vector_load %parallel_loop3A_565[%parallel_loop3A_566, %parallel_loop3A_567] {strides = array<i32>} : memref<128x32xf32, #tpu.memory_space<vmem>>, vector<1x16xf32>,
          %parallel_loop3A_569 = vector.shape_cast %parallel_loop3A_568 : vector<1x16xf32> to vector<16xf32>
          %parallel_loop3A_570 = arith.constant 0.00999999977 : f32
          %parallel_loop3A_571 = vector.broadcast %parallel_loop3A_570 : f32 to vector<16xf32>
          %parallel_loop3A_572 = arith.mulf %parallel_loop3A_569, %parallel_loop3A_571 : vector<16xf32>
          %parallel_loop3A_573 = arith.maximumf %parallel_loop3A_569, %parallel_loop3A_572 : vector<16xf32>
          %parallel_loop3A_574 = arith.mulf %parallel_loop3A_573, %parallel_loop3A_561 : vector<16xf32>
          %parallel_loop3A_575 = arith.constant 0 : i32
          %parallel_loop3A_576 = arith.constant 0 : i32
          %parallel_loop3A_577 = tpu.memref_slice %arg25[%parallel_loop3A_527, %parallel_loop3A_575, %parallel_loop3A_576] : memref<2x128x32xf32, #tpu.memory_space<vmem>> -> memref<1x128x32xf32, #tpu.memory_space<vmem>>
          %parallel_loop3A_578 = tpu.memref_squeeze %parallel_loop3A_577 : memref<1x128x32xf32, #tpu.memory_space<vmem>> -> memref<128x32xf32, #tpu.memory_space<vmem>>
          %parallel_loop3A_579 = arith.index_cast %parallel_loop3A_553 : i32 to index
          %parallel_loop3A_580 = arith.constant 0 : index
          %parallel_loop3A_581 = tpu.vector_load %parallel_loop3A_578[%parallel_loop3A_579, %parallel_loop3A_580] {strides = array<i32>} : memref<128x32xf32, #tpu.memory_space<vmem>>, vector<1x16xf32>,
          %parallel_loop3A_582 = vector.shape_cast %parallel_loop3A_581 : vector<1x16xf32> to vector<16xf32>
          %parallel_loop3A_583 = vector.shape_cast %parallel_loop3A_574 : vector<16xf32> to vector<1x16xf32>
          tpu.vector_store %parallel_loop3A_578[%parallel_loop3A_579, %parallel_loop3A_580], %parallel_loop3A_583 {strides = array<i32>} : memref<128x32xf32, #tpu.memory_space<vmem>>, vector<1x16xf32>,
          %parallel_loop3A_584 = arith.constant 0 : i32
          %parallel_loop3A_585 = arith.constant 0 : i32
          %parallel_loop3A_586 = tpu.memref_slice %arg24[%parallel_loop3A_526, %parallel_loop3A_584, %parallel_loop3A_585] : memref<2x128x32xf32, #tpu.memory_space<vmem>> -> memref<1x128x32xf32, #tpu.memory_space<vmem>>
          %parallel_loop3A_587 = tpu.memref_squeeze %parallel_loop3A_586 : memref<1x128x32xf32, #tpu.memory_space<vmem>> -> memref<128x32xf32, #tpu.memory_space<vmem>>
          %parallel_loop3A_588 = arith.index_cast %parallel_loop3A_553 : i32 to index
          %parallel_loop3A_589 = arith.constant 16 : index
          %parallel_loop3A_590 = tpu.vector_load %parallel_loop3A_587[%parallel_loop3A_588, %parallel_loop3A_589] {strides = array<i32>} : memref<128x32xf32, #tpu.memory_space<vmem>>, vector<1x16xf32>,
          %parallel_loop3A_591 = vector.shape_cast %parallel_loop3A_590 : vector<1x16xf32> to vector<16xf32>
          %parallel_loop3A_592 = arith.constant 0.00999999977 : f32
          %parallel_loop3A_593 = vector.broadcast %parallel_loop3A_592 : f32 to vector<16xf32>
          %parallel_loop3A_594 = arith.mulf %parallel_loop3A_591, %parallel_loop3A_593 : vector<16xf32>
          %parallel_loop3A_595 = arith.maximumf %parallel_loop3A_591, %parallel_loop3A_594 : vector<16xf32>
          %parallel_loop3A_596 = arith.mulf %parallel_loop3A_595, %parallel_loop3A_561 : vector<16xf32>
          %parallel_loop3A_597 = arith.constant 0 : i32
          %parallel_loop3A_598 = arith.constant 0 : i32
          %parallel_loop3A_599 = tpu.memref_slice %arg25[%parallel_loop3A_527, %parallel_loop3A_597, %parallel_loop3A_598] : memref<2x128x32xf32, #tpu.memory_space<vmem>> -> memref<1x128x32xf32, #tpu.memory_space<vmem>>
          %parallel_loop3A_600 = tpu.memref_squeeze %parallel_loop3A_599 : memref<1x128x32xf32, #tpu.memory_space<vmem>> -> memref<128x32xf32, #tpu.memory_space<vmem>>
          %parallel_loop3A_601 = arith.index_cast %parallel_loop3A_553 : i32 to index
          %parallel_loop3A_602 = arith.constant 16 : index
          %parallel_loop3A_603 = tpu.vector_load %parallel_loop3A_600[%parallel_loop3A_601, %parallel_loop3A_602] {strides = array<i32>} : memref<128x32xf32, #tpu.memory_space<vmem>>, vector<1x16xf32>,
          %parallel_loop3A_604 = vector.shape_cast %parallel_loop3A_603 : vector<1x16xf32> to vector<16xf32>
          %parallel_loop3A_605 = vector.shape_cast %parallel_loop3A_596 : vector<16xf32> to vector<1x16xf32>
          tpu.vector_store %parallel_loop3A_600[%parallel_loop3A_601, %parallel_loop3A_602], %parallel_loop3A_605 {strides = array<i32>} : memref<128x32xf32, #tpu.memory_space<vmem>>, vector<1x16xf32>,
        } {sc.loop_unroll_factor = 4 : i64, sc.parallel_access}
        %add3A_528 = arith.constant 1 : i32
        %add3A_529 = arith.addi %mul3A_409, %add3A_528 : i32
        %dma_start3A_530 = arith.constant 1 : i32
        %dma_start3A_531 = arith.constant 1 : i32
        %dma_start3A_532 = arith.constant 0 : i32
        %dma_start3A_533 = arith.constant 0 : i32
        %dma_start3A_534 = tpu.memref_slice %arg25[%dma_start3A_530, %dma_start3A_532, %dma_start3A_533] : memref<2x128x32xf32, #tpu.memory_space<vmem>> -> memref<1x128x32xf32, #tpu.memory_space<vmem>>
        %dma_start3A_535 = tpu.memref_squeeze %dma_start3A_534 : memref<1x128x32xf32, #tpu.memory_space<vmem>> -> memref<128x32xf32, #tpu.memory_space<vmem>>
        %dma_start3A_536 = arith.constant 0 : i32
        %dma_start3A_537 = tpu.memref_slice %arg23[%add3A_529, %dma_start3A_536] : memref<72x128xi32, #tpu.memory_space<vmem>> -> memref<1x128xi32, #tpu.memory_space<vmem>>
        %dma_start3A_538 = tpu.memref_squeeze %dma_start3A_537 : memref<1x128xi32, #tpu.memory_space<vmem>> -> memref<128xi32, #tpu.memory_space<vmem>>
        %dma_start3A_539 = arith.constant 0 : i32
        %dma_start3A_540 = arith.constant 0 : i32
        %dma_start3A_541 = tpu.memref_slice %arg16[%dma_start3A_539, %dma_start3A_540] : memref<30848x32xf32, #tpu.memory_space<vmem_shared>> -> memref<30848x32xf32, #tpu.memory_space<vmem_shared>>
        %dma_start3A_542 = tpu.memref_slice %arg29[%dma_start3A_531] : memref<2x!tpu.dma_semaphore, #tpu.memory_space<semaphore_mem>> -> memref<1x!tpu.dma_semaphore, #tpu.memory_space<semaphore_mem>>
        %dma_start3A_543 = tpu.memref_squeeze %dma_start3A_542 : memref<1x!tpu.dma_semaphore, #tpu.memory_space<semaphore_mem>> -> memref<!tpu.dma_semaphore, #tpu.memory_space<semaphore_mem>>
        tpu.enqueue_indirect_dma source(%dma_start3A_535 : memref<128x32xf32, #tpu.memory_space<vmem>>) target(%dma_start3A_541 : memref<30848x32xf32, #tpu.memory_space<vmem_shared>>) offsets(%dma_start3A_538 : memref<128xi32, #tpu.memory_space<vmem>>) semaphore(%dma_start3A_543 : memref<!tpu.dma_semaphore, #tpu.memory_space<semaphore_mem>>) {add = true}
        %add3A_544 = arith.constant 1 : i32
        %add3A_545 = arith.addi %mul3A_409, %add3A_544 : i32
        %add3A_546 = arith.constant 2 : i32
        %add3A_547 = arith.addi %add3A_545, %add3A_546 : i32
        %lt3A_548 = arith.constant 72 : i32
        %lt3A_549 = arith.cmpi slt, %add3A_547, %lt3A_548 : i32
        %convert_element_type3A_550 = arith.extui %lt3A_549 : i1 to i32
        %cond3A_551 = arith.constant 0 : i32
        %cond3A_552 = arith.cmpi ne, %convert_element_type3A_550, %cond3A_551 : i32
        scf.if %cond3A_552 {
          %add3A_553 = arith.constant 1 : i32
          %add3A_554 = arith.addi %mul3A_409, %add3A_553 : i32
          %add3A_555 = arith.constant 2 : i32
          %add3A_556 = arith.addi %add3A_554, %add3A_555 : i32
          %dma_start3A_557 = arith.constant 1 : i32
          %dma_start3A_558 = arith.constant 1 : i32
          %dma_start3A_559 = arith.constant 0 : i32
          %dma_start3A_560 = arith.constant 0 : i32
          %dma_start3A_561 = tpu.memref_slice %arg24[%dma_start3A_557, %dma_start3A_559, %dma_start3A_560] : memref<2x128x32xf32, #tpu.memory_space<vmem>> -> memref<1x128x32xf32, #tpu.memory_space<vmem>>
          %dma_start3A_562 = tpu.memref_squeeze %dma_start3A_561 : memref<1x128x32xf32, #tpu.memory_space<vmem>> -> memref<128x32xf32, #tpu.memory_space<vmem>>
          %dma_start3A_563 = arith.constant 0 : i32
          %dma_start3A_564 = tpu.memref_slice %arg22[%add3A_556, %dma_start3A_563] : memref<72x128xi32, #tpu.memory_space<vmem>> -> memref<1x128xi32, #tpu.memory_space<vmem>>
          %dma_start3A_565 = tpu.memref_squeeze %dma_start3A_564 : memref<1x128xi32, #tpu.memory_space<vmem>> -> memref<128xi32, #tpu.memory_space<vmem>>
          %dma_start3A_566 = arith.constant 0 : i32
          %dma_start3A_567 = arith.constant 0 : i32
          %dma_start3A_568 = tpu.memref_slice %arg16[%dma_start3A_566, %dma_start3A_567] : memref<30848x32xf32, #tpu.memory_space<vmem_shared>> -> memref<30848x32xf32, #tpu.memory_space<vmem_shared>>
          %dma_start3A_569 = tpu.memref_slice %arg27[%dma_start3A_558] : memref<2x!tpu.dma_semaphore, #tpu.memory_space<semaphore_mem>> -> memref<1x!tpu.dma_semaphore, #tpu.memory_space<semaphore_mem>>
          %dma_start3A_570 = tpu.memref_squeeze %dma_start3A_569 : memref<1x!tpu.dma_semaphore, #tpu.memory_space<semaphore_mem>> -> memref<!tpu.dma_semaphore, #tpu.memory_space<semaphore_mem>>
          tpu.enqueue_indirect_dma source(%dma_start3A_568 : memref<30848x32xf32, #tpu.memory_space<vmem_shared>>) target(%dma_start3A_562 : memref<128x32xf32, #tpu.memory_space<vmem>>) offsets(%dma_start3A_565 : memref<128xi32, #tpu.memory_space<vmem>>) semaphore(%dma_start3A_570 : memref<!tpu.dma_semaphore, #tpu.memory_space<semaphore_mem>>)
          %dma_start3A_571 = arith.constant 1 : i32
          %dma_start3A_572 = arith.constant 1 : i32
          %dma_start3A_573 = arith.constant 0 : i32
          %dma_start3A_574 = arith.constant 0 : i32
          %dma_start3A_575 = tpu.memref_slice %arg26[%dma_start3A_571, %dma_start3A_573, %dma_start3A_574] : memref<2x128x16xf32, #tpu.memory_space<vmem>> -> memref<1x128x16xf32, #tpu.memory_space<vmem>>
          %dma_start3A_576 = tpu.memref_squeeze %dma_start3A_575 : memref<1x128x16xf32, #tpu.memory_space<vmem>> -> memref<128x16xf32, #tpu.memory_space<vmem>>
          %dma_start3A_577 = arith.constant 0 : i32
          %dma_start3A_578 = arith.constant 0 : i32
          %dma_start3A_579 = tpu.memref_slice %arg13[%arg1, %add3A_556, %dma_start3A_577, %dma_start3A_578] : memref<16x72x128x16xf32, #tpu.memory_space<hbm>> -> memref<1x1x128x16xf32, #tpu.memory_space<hbm>>
          %dma_start3A_580 = tpu.memref_squeeze %dma_start3A_579 : memref<1x1x128x16xf32, #tpu.memory_space<hbm>> -> memref<128x16xf32, #tpu.memory_space<hbm>>
          %dma_start3A_581 = tpu.memref_slice %arg28[%dma_start3A_572] : memref<2x!tpu.dma_semaphore, #tpu.memory_space<semaphore_mem>> -> memref<1x!tpu.dma_semaphore, #tpu.memory_space<semaphore_mem>>
          %dma_start3A_582 = tpu.memref_squeeze %dma_start3A_581 : memref<1x!tpu.dma_semaphore, #tpu.memory_space<semaphore_mem>> -> memref<!tpu.dma_semaphore, #tpu.memory_space<semaphore_mem>>
          %dma_start3A_583 = arith.constant 0 : i32
          %dma_start3A_584 = arith.constant 0 : i32
          %dma_start3A_585 = tpu.memref_slice %arg26[%dma_start3A_571, %dma_start3A_583, %dma_start3A_584] : memref<2x128x16xf32, #tpu.memory_space<vmem>> -> memref<1x128x16xf32, #tpu.memory_space<vmem>>
          %dma_start3A_586 = tpu.memref_squeeze %dma_start3A_585 : memref<1x128x16xf32, #tpu.memory_space<vmem>> -> memref<128x16xf32, #tpu.memory_space<vmem>>
          %dma_start3A_587 = arith.constant 0 : i32
          %dma_start3A_588 = arith.constant 0 : i32
          %dma_start3A_589 = tpu.memref_slice %arg13[%arg1, %add3A_556, %dma_start3A_587, %dma_start3A_588] : memref<16x72x128x16xf32, #tpu.memory_space<hbm>> -> memref<1x1x128x16xf32, #tpu.memory_space<hbm>>
          %dma_start3A_590 = tpu.memref_squeeze %dma_start3A_589 : memref<1x1x128x16xf32, #tpu.memory_space<hbm>> -> memref<128x16xf32, #tpu.memory_space<hbm>>
          tpu.enqueue_dma source(%dma_start3A_590 : memref<128x16xf32, #tpu.memory_space<hbm>>) target(%dma_start3A_586 : memref<128x16xf32, #tpu.memory_space<vmem>>) target_semaphore(%dma_start3A_582 : memref<!tpu.dma_semaphore, #tpu.memory_space<semaphore_mem>>)
        } else {
        }
      }
      %scan3A_364 = arith.constant 36 : i32
      %dma_wait3A_365 = arith.constant 0 : i32
      %dma_wait3A_366 = arith.constant 70 : i32
      %dma_wait3A_367 = arith.constant 0 : i32
      %dma_wait3A_368 = arith.constant 0 : i32
      %dma_wait3A_369 = arith.constant 0 : i32
      %dma_wait3A_370 = tpu.memref_slice %arg25[%dma_wait3A_365, %dma_wait3A_368, %dma_wait3A_369] : memref<2x128x32xf32, #tpu.memory_space<vmem>> -> memref<1x128x32xf32, #tpu.memory_space<vmem>>
      %dma_wait3A_371 = tpu.memref_squeeze %dma_wait3A_370 : memref<1x128x32xf32, #tpu.memory_space<vmem>> -> memref<128x32xf32, #tpu.memory_space<vmem>>
      %dma_wait3A_372 = arith.constant 0 : i32
      %dma_wait3A_373 = tpu.memref_slice %arg23[%dma_wait3A_366, %dma_wait3A_372] : memref<72x128xi32, #tpu.memory_space<vmem>> -> memref<1x128xi32, #tpu.memory_space<vmem>>
      %dma_wait3A_374 = tpu.memref_squeeze %dma_wait3A_373 : memref<1x128xi32, #tpu.memory_space<vmem>> -> memref<128xi32, #tpu.memory_space<vmem>>
      %dma_wait3A_375 = arith.constant 0 : i32
      %dma_wait3A_376 = arith.constant 0 : i32
      %dma_wait3A_377 = tpu.memref_slice %arg16[%dma_wait3A_375, %dma_wait3A_376] : memref<30848x32xf32, #tpu.memory_space<vmem_shared>> -> memref<30848x32xf32, #tpu.memory_space<vmem_shared>>
      %dma_wait3A_378 = tpu.memref_slice %arg29[%dma_wait3A_367] : memref<2x!tpu.dma_semaphore, #tpu.memory_space<semaphore_mem>> -> memref<1x!tpu.dma_semaphore, #tpu.memory_space<semaphore_mem>>
      %dma_wait3A_379 = tpu.memref_squeeze %dma_wait3A_378 : memref<1x!tpu.dma_semaphore, #tpu.memory_space<semaphore_mem>> -> memref<!tpu.dma_semaphore, #tpu.memory_space<semaphore_mem>>
      tpu.wait_indirect_dma semaphore(%dma_wait3A_379 : memref<!tpu.dma_semaphore, #tpu.memory_space<semaphore_mem>>) src(%dma_wait3A_371 : memref<128x32xf32, #tpu.memory_space<vmem>>) dst(%dma_wait3A_377 : memref<30848x32xf32, #tpu.memory_space<vmem_shared>>)
      %dma_wait3A_380 = arith.constant 1 : i32
      %dma_wait3A_381 = arith.constant 71 : i32
      %dma_wait3A_382 = arith.constant 1 : i32
      %dma_wait3A_383 = arith.constant 0 : i32
      %dma_wait3A_384 = arith.constant 0 : i32
      %dma_wait3A_385 = tpu.memref_slice %arg25[%dma_wait3A_380, %dma_wait3A_383, %dma_wait3A_384] : memref<2x128x32xf32, #tpu.memory_space<vmem>> -> memref<1x128x32xf32, #tpu.memory_space<vmem>>
      %dma_wait3A_386 = tpu.memref_squeeze %dma_wait3A_385 : memref<1x128x32xf32, #tpu.memory_space<vmem>> -> memref<128x32xf32, #tpu.memory_space<vmem>>
      %dma_wait3A_387 = arith.constant 0 : i32
      %dma_wait3A_388 = tpu.memref_slice %arg23[%dma_wait3A_381, %dma_wait3A_387] : memref<72x128xi32, #tpu.memory_space<vmem>> -> memref<1x128xi32, #tpu.memory_space<vmem>>
      %dma_wait3A_389 = tpu.memref_squeeze %dma_wait3A_388 : memref<1x128xi32, #tpu.memory_space<vmem>> -> memref<128xi32, #tpu.memory_space<vmem>>
      %dma_wait3A_390 = arith.constant 0 : i32
      %dma_wait3A_391 = arith.constant 0 : i32
      %dma_wait3A_392 = tpu.memref_slice %arg16[%dma_wait3A_390, %dma_wait3A_391] : memref<30848x32xf32, #tpu.memory_space<vmem_shared>> -> memref<30848x32xf32, #tpu.memory_space<vmem_shared>>
      %dma_wait3A_393 = tpu.memref_slice %arg29[%dma_wait3A_382] : memref<2x!tpu.dma_semaphore, #tpu.memory_space<semaphore_mem>> -> memref<1x!tpu.dma_semaphore, #tpu.memory_space<semaphore_mem>>
      %dma_wait3A_394 = tpu.memref_squeeze %dma_wait3A_393 : memref<1x!tpu.dma_semaphore, #tpu.memory_space<semaphore_mem>> -> memref<!tpu.dma_semaphore, #tpu.memory_space<semaphore_mem>>
      tpu.wait_indirect_dma semaphore(%dma_wait3A_394 : memref<!tpu.dma_semaphore, #tpu.memory_space<semaphore_mem>>) src(%dma_wait3A_386 : memref<128x32xf32, #tpu.memory_space<vmem>>) dst(%dma_wait3A_392 : memref<30848x32xf32, #tpu.memory_space<vmem_shared>>)
      %barrier3A_395 = arith.constant 0 : index
      tpu.barrier barrier_id(%barrier3A_395)
      %mul3A_396 = arith.constant 1128 : i32
      %mul3A_397 = arith.muli %arg1, %mul3A_396 : i32
      %add3A_398 = arith.constant 12800 : i32
      %add3A_399 = arith.addi %add3A_398, %mul3A_397 : i32
      %mul3A_400 = arith.constant 1128 : i32
      %mul3A_401 = arith.muli %arg1, %mul3A_400 : i32
      "tpu.region"() ({
        %run_scoped3A = tpu.sem_alloc : memref<!tpu.dma_semaphore, #tpu.memory_space<semaphore_mem>>
        %dma_start3A_403 = arith.constant 0 : i32
        %dma_start3A_404 = tpu.memref_slice %arg15[%add3A_20, %mul3A_401, %dma_start3A_403] : memref<32x18048x32xf32, #tpu.memory_space<hbm>> -> memref<1x1128x32xf32, #tpu.memory_space<hbm>>
        %dma_start3A_405 = tpu.memref_squeeze %dma_start3A_404 : memref<1x1128x32xf32, #tpu.memory_space<hbm>> -> memref<1128x32xf32, #tpu.memory_space<hbm>>
        %dma_start3A_406 = arith.constant 0 : i32
        %dma_start3A_407 = tpu.memref_slice %arg16[%add3A_399, %dma_start3A_406] : memref<30848x32xf32, #tpu.memory_space<vmem_shared>> -> memref<1128x32xf32, #tpu.memory_space<vmem_shared>>
        tpu.enqueue_dma source(%dma_start3A_407 : memref<1128x32xf32, #tpu.memory_space<vmem_shared>>) target(%dma_start3A_405 : memref<1128x32xf32, #tpu.memory_space<hbm>>) target_semaphore(%run_scoped3A : memref<!tpu.dma_semaphore, #tpu.memory_space<semaphore_mem>>)
        %dma_wait3A_408 = arith.constant 0 : i32
        %dma_wait3A_409 = tpu.memref_slice %arg15[%add3A_20, %mul3A_401, %dma_wait3A_408] : memref<32x18048x32xf32, #tpu.memory_space<hbm>> -> memref<1x1128x32xf32, #tpu.memory_space<hbm>>
        %dma_wait3A_410 = tpu.memref_squeeze %dma_wait3A_409 : memref<1x1128x32xf32, #tpu.memory_space<hbm>> -> memref<1128x32xf32, #tpu.memory_space<hbm>>
        %dma_wait3A_411 = arith.constant 0 : i32
        %dma_wait3A_412 = tpu.memref_slice %arg16[%add3A_399, %dma_wait3A_411] : memref<30848x32xf32, #tpu.memory_space<vmem_shared>> -> memref<1128x32xf32, #tpu.memory_space<vmem_shared>>
        tpu.wait_dma2 semaphore(%run_scoped3A : memref<!tpu.dma_semaphore, #tpu.memory_space<semaphore_mem>>) src(%dma_wait3A_412 : memref<1128x32xf32, #tpu.memory_space<vmem_shared>>) dst(%dma_wait3A_410 : memref<1128x32xf32, #tpu.memory_space<hbm>>)
        tpu.yield
      }) : () -> ()
      %barrier3A_402 = arith.constant 0 : index
      tpu.barrier barrier_id(%barrier3A_402)
    }
    return
  }
}

</mosaic_0001>

<sc_bundles>
// kernel: _decoder.3.cloned.1.call-start
scs
__scs_entry_jumppad:
0x0: {  	(pc) =	sbr.rel $0x88, $3  }
0x1: {  	(tag) =	ssettag $0x0;
	lr =	simm.s32 $0x1  }
0x2: {  	[smem:$0x3F94] =	sst lr;
	_ =	strace $0xD0000000  }
0x3: {  	_ = 	snop  }
0x4: {  	_ = 	snop  }
0x5: {  	_ = 	snop  }
0x6: {  	_ = 	snop  }
0x7: {  	_ = 	snop  }
__scs_overlays_trampoline_lowered:
0x8: {  	[smem:$0x3FA3] =	sst s0  }
0x9: {  	[smem:$0x3FA4] =	sst s1  }
0xa: {  	[smem:$0x3FA5] =	sst s2  }
0xb: {  	[smem:$0x3FA6] =	sst s3  }
0xc: {  	[smem:$0x3FA7] =	sst s4  }
0xd: {  	[smem:$0x3FA8] =	sst s5  }
0xe: {  	[smem:$0x3FA9] =	sst s6  }
0xf: {  	[smem:$0x3FAA] =	sst s7  }
0x10: {  	[smem:$0x3FAB] =	sst s8  }
0x11: {  	[smem:$0x3FAC] =	sst s9;
	s0 =	simm.s32 @!p0 $0x0  }
0x12: {  	s1 =	sld [smem:$0x3F92];
	s0 =	simm.s32 @p0 $0x1  }
0x13: {  	[smem:$0x3FAD] =	sst s0;
	s0 =	simm.s32 @!p1 $0x0  }
0x14: {  	s2 =	sld [smem:$0x3F91];
	s0 =	simm.s32 @p1 $0x1  }
0x15: {  	[smem:$0x3FAE] =	sst s0;
	s0 =	simm.s32 @!p2 $0x0  }
0x16: {  	s3 =	sld [smem:$0x3FDB];
	s0 =	simm.s32 @p2 $0x1  }
0x17: {  	s4 =	simm.s32 $0x1BF5;
	[smem:$0x3FB0] =	sst s0  }
0x18: {  	s0 =	sld [smem:$0x3F93];
	_ =	swait.ge [sflag:s4], $0x0  }
0x19: {  	s7 =	sld [smem:$0x3F94]  }
0x1a: {  	s8 =	sadd.s32 $0xFFFFE003, lr  }
0x1b: {  	s9 =	sadd.s32 $0xFFFFFEF7, lr;
	s5 =	simm.s32 $0xFFFFFFFF;
	p2 =	slt.u32 s8, $0xFFFFF086  }
0x1c: {  	p1 =	slt.u32 s9, $0xF7A;
	s5 =	simm.s32 @!p2 $0x0  }
0x1d: {  	s5 =	simm.s32 @p1 $0x1;
	p0 =	seq.s32 s7, s2  }
0x1e: {  	s7 =	smul.u32 @!p0 $0xF7A, s2;
	p2 =	seq.s32 @!p0 s5, $0x0  }
0x1f: {  	s9 =	smul.u32 $0xF7A, s1;
	s8 =	simm.s32 @!p0 $0x1BF5;
	p2 =	por !p2, p0  }
0x20: {  	[sflag:s8] =	ssyncset.s32 @!p0 $0xFFFFF086;
	s6 =	sadd.s32 @!p0 s3, s7;
	s7 =	simm.s32 @!p0 $0x108  }
0x21: {  	s3 =	sadd.s32 s3, s9;
	s6 =	sadd.s32 @!p0 $0x88, s6;
	s7 =	simm.s32 @p2 $0x1082  }
0x22: {  	[simem:s7], [sflag:s8] =	dma.local @!p0 [hbm:s6], $0xF7A  }
0x23: {  	s9 =	sor.u32 $0xD0000000, s2;
	s6 =	simm.s32 $0x108;
	_ =	swait.ge @!p0 [sflag:s8], $0x0  }
0x24: {  	s3 =	sadd.s32 $0x88, s3;
	s6 =	simm.s32 @!p1 $0x1082;
	[sflag:s4] =	ssyncset.s32 $0xFFFFF086  }
0x25: {  	[simem:s6], [sflag:s4] =	dma.local [hbm:s3], $0xF7A  }
0x26: {  	[smem:$0x3F94] =	sst s1;
	(tag) =	ssettag s2;
	_ =	strace s9  }
0x27: {  	s1 =	sld [smem:$0x3FA4]  }
0x28: {  	s2 =	sld [smem:$0x3FA5]  }
0x29: {  	s4 =	sld [smem:$0x3FA7]  }
0x2a: {  	p0 =	seq.s32 s5, $0x0;
	s5 =	sld [smem:$0x3FA8]  }
0x2b: {  	s6 =	sld [smem:$0x3FA9]  }
0x2c: {  	s7 =	sld [smem:$0x3FAA]  }
0x2d: {  	s3 =	simm.s32 $0x108;
	s8 =	sld [smem:$0x3FAB]  }
0x2e: {  	s3 =	simm.s32 @!p0 $0x1082;
	s9 =	sld [smem:$0x3FAC]  }
0x2f: {  	lr =	sadd.s32 s0, s3;
	s0 =	sld [smem:$0x3FA3]  }
0x30: {  	s3 =	sld [smem:$0x3FA6]  }
0x31: {  	[smem:$0x3FAF] =	sst s10  }
0x32: {  	s10 =	sld [smem:$0x3FAD];
	_ =	sdelay $0x3  }
0x33: {  	p0 =	seq.s32 s10, $0x1;
	s10 =	sld [smem:$0x3FAF];
	_ =	sdelay $0x3  }
0x34: {  	[smem:$0x3FAF] =	sst s10  }
0x35: {  	s10 =	sld [smem:$0x3FAE];
	_ =	sdelay $0x3  }
0x36: {  	p1 =	seq.s32 s10, $0x1;
	s10 =	sld [smem:$0x3FAF];
	_ =	sdelay $0x3  }
0x37: {  	[smem:$0x3FAF] =	sst s10  }
0x38: {  	s10 =	sld [smem:$0x3FB0]  }
0x39: {  	_ = 	snop;
	(pc) =	sbr.ind lr, $3  }
0x3a: {  	_ = 	snop  }
0x3b: {  	_ = 	snop  }
0x3c: {  	p2 =	seq.s32 s10, $0x1;
	s10 =	sld [smem:$0x3FAF]  }
0x3d: {  	_ =	shalt  }
0x3e: {  	_ =	shalt  }
0x3f: {  	_ =	shalt  }
0x40: {  	_ =	shalt  }
0x41: {  	_ =	shalt  }
0x42: {  	_ =	shalt  }
0x43: {  	_ =	shalt  }
0x44: {  	_ =	shalt  }
0x45: {  	_ =	shalt  }
0x46: {  	_ =	shalt  }
0x47: {  	_ =	shalt  }
0x48: {  	_ =	shalt  }
0x49: {  	_ =	shalt  }
0x4a: {  	_ =	shalt  }
0x4b: {  	_ =	shalt  }
0x4c: {  	_ =	shalt  }
0x4d: {  	_ =	shalt  }
0x4e: {  	_ =	shalt  }
0x4f: {  	_ =	shalt  }
0x50: {  	_ =	shalt  }
0x51: {  	_ =	shalt  }
0x52: {  	_ =	shalt  }
0x53: {  	_ =	shalt  }
0x54: {  	_ =	shalt  }
0x55: {  	_ =	shalt  }
0x56: {  	_ =	shalt  }
0x57: {  	_ =	shalt  }
0x58: {  	_ =	shalt  }
0x59: {  	_ =	shalt  }
0x5a: {  	_ =	shalt  }
0x5b: {  	_ =	shalt  }
0x5c: {  	_ =	shalt  }
0x5d: {  	_ =	shalt  }
0x5e: {  	_ =	shalt  }
0x5f: {  	_ =	shalt  }
0x60: {  	_ =	shalt  }
0x61: {  	_ =	shalt  }
0x62: {  	_ =	shalt  }
0x63: {  	_ =	shalt  }
0x64: {  	_ =	shalt  }
0x65: {  	_ =	shalt  }
0x66: {  	_ =	shalt  }
0x67: {  	_ =	shalt  }
0x68: {  	_ =	shalt  }
0x69: {  	_ =	shalt  }
0x6a: {  	_ =	shalt  }
0x6b: {  	_ =	shalt  }
0x6c: {  	_ =	shalt  }
0x6d: {  	_ =	shalt  }
0x6e: {  	_ =	shalt  }
0x6f: {  	_ =	shalt  }
0x70: {  	_ =	shalt  }
0x71: {  	_ =	shalt  }
0x72: {  	_ =	shalt  }
0x73: {  	_ =	shalt  }
0x74: {  	_ =	shalt  }
0x75: {  	_ =	shalt  }
0x76: {  	_ =	shalt  }
0x77: {  	_ =	shalt  }
0x78: {  	_ =	shalt  }
0x79: {  	_ =	shalt  }
0x7a: {  	_ =	shalt  }
0x7b: {  	_ =	shalt  }
0x7c: {  	_ =	shalt  }
0x7d: {  	_ =	shalt  }
0x7e: {  	_ =	shalt  }
0x7f: {  	_ =	shalt  }
0x80: {  	_ =	shalt  }
0x81: {  	_ =	shalt  }
0x82: {  	_ =	shalt  }
0x83: {  	_ =	shalt  }
0x84: {  	_ =	shalt  }
0x85: {  	_ =	shalt  }
0x86: {  	_ =	shalt  }
0x87: {  	_ =	shalt  }
.Lfunc_end0:
.L_simem_size_0:
called_computation.2_lowered:
.L_overlay_start_0:
0x88: {  	s2 =	sld [smem:$0x3FD9]  }
0x89: {  	s3 =	sld [smem:$0x3FFE];
	_ =	sdelay $0x1  }
0x8a: {  	s1 =	srdreg.scid  }
0x8b: {  	s0 =	sand.u32 $0x1, s1  }
0x8c: {  	s17 =	sshll.u32 s0, $0xA;
	s2 =	sadd.s32 s3, s2  }
0x8d: {  	s2 =	sadd.s32 s2, s17  }
0x8e: {  	[smem:$0x3FBB] =	sst s2  }
0x8f: {  	_ = 	snop  }
0x90: {  	s2 =	sld [smem:$0x3FD0];
	(tm) =	ssettm $0x1  }
0x91: {  	s18 =	sld [smem:$0x3FFB];
	_ =	sdelay $0x3  }
0x92: {  	_ =	strace s18  }
0x93: {  	s3 =	sld [smem:$0x3FFC];
	_ =	sdelay $0x3  }
0x94: {  	_ =	strace s3  }
0x95: {  	s3 =	sld [smem:$0x3FFD];
	_ =	sdelay $0x3  }
0x96: {  	_ =	strace s3  }
0x97: {  	_ =	strace $0x8FFFFFFF  }
0x98: {  	s19 =	sld [smem:$0x3FDB];
	_ =	sdelay $0x1  }
0x99: {  	s4 =	simm.s32 $_scs_section_size  }
0x9a: {  	s5 =	simm.s32 $_size__tile_overlayer_lowered;
	s6 =	simm.s32 $_tile_overlayer_lowered  }
0x9b: {  	s22 =	simm.s32 $0x1BFF;
	s21 =	sshll.u32 s6, $0x1;
	s3 =	sadd.s32 s4, s19  }
0x9c: {  	s7 =	simm.s32 $0x0;
	s20 =	sshll.u32 s5, $0x1;
	s5 =	sadd.s32 s21, s3  }
0x9d: {  	[timem:s7], [sflag:s22] =	dma.local [hbm:s5], s20  }
0x9e: {  	_ =	swait.ge [sflag:s22], s20  }
0x9f: {  	s4 =	ssub.s32 $0x0, s20;
	[sflag:s22] =	ssyncset.done $0x0  }
0xa0: {  	[sflag:s22] =	ssyncadd.s32 s4;
	_ =	sdelay $0x1  }
0xa1: {  	s23 =	simm.s32 $0x1B8B  }
0xa2: {  	_ =	swait.ge [sflag:s23], $0x1  }
0xa3: {  	[sflag:s23] =	ssyncset.done $0x0  }
0xa4: {  	s25 =	simm.s32 $0x1B8E;
	s24 =	sld [smem:$0x3FFE];
	[sflag:s23] =	ssyncadd.s32 $0xFFFFFFFF  }
0xa5: {  	s26 =	simm.s32 $execute0_lowered;
	[smem:$0x3FD2] =	sst s25  }
0xa6: {  	s5 =	sshll.u32 s26, $0x1;
	_ =	strace $0x80000046;
	[dreg:$0x1] =	wrdreg $0xFFFFFFFF  }
0xa7: {  	s28 =	simm.s32 $_size_execute0_lowered;
	s3 =	sadd.s32 s3, s5;
	[dreg:$0x0] =	wrdreg $0x0  }
0xa8: {  	s5 =	sshll.u32 s28, $0x1;
	[dreg:$0x2] =	wrdreg s3  }
0xa9: {  	[dreg:$0x3] =	wrdreg s5  }
0xaa: {  	[dreg:$0x4] =	wrdreg $0xC0  }
0xab: {  	_ =	task [dreg:s7], $0x5FFFF  }
0xac: {  	[dreg:$0x1] =	wrdreg $0xFFFFFFFF  }
0xad: {  	[dreg:$0x0] =	wrdreg $0x60  }
0xae: {  	[dreg:$0x2] =	wrdreg s24  }
0xaf: {  	[dreg:$0x3] =	wrdreg s2  }
0xb0: {  	[dreg:$0x4] =	wrdreg $0x0  }
0xb1: {  	[dreg:$0x5] =	wrdreg $0xF1000  }
0xb2: {  	[dreg:$0x6] =	wrdreg $0x9  }
0xb3: {  	_ =	task.clear_ibuf [dreg:s7], $0x7FFFF;
	_ =	strace $0x90000046  }
0xb4: {  	s29 =	simm.s32 $0x9;
	_ =	strace $0x80000048  }
0xb5: {  	_ =	swait.ge [sflag:s29], $0x1  }
0xb6: {  	[sflag:s29] =	ssyncadd.s32 $0xFFFFFFFF  }
0xb7: {  	_ =	strace $0x90000048  }
0xb8: {  	_ =	sfence  }
0xb9: {  	s30 =	sld [smem:$0x0];
	_ =	sdelay $0x2  }
0xba: {  	s31 =	sshll.u32 s1, $0xD;
	s1 =	sshrl.u32 s1, $0x2  }
0xbb: {  	s3 =	sand.u32 $0x4000, s31;
	s1 =	sadd.s32 s1, s30  }
0xbc: {  	s0 =	sor.u32 s3, s0;
	s1 =	sshll.u32 s1, $0x11  }
0xbd: {  	s0 =	sor.u32 s1, s0  }
0xbe: {  	s0 =	sadd.s32 $0x8F2B, s0  }
0xbf: {  	[sflag:s0] =	ssyncadd.remote.s32 $0x1  }
0xc0: {  	_ =	sfence.sel $0xFFFF  }
0xc1: {  	[dreg:$0x0] =	wrdreg $0xFFFFFFFF;
	(pc) =	sbr.abs _section_cstart, $3  }
0xc2: {  	[dreg:$0x1] =	wrdreg $0xFFFFFFFF  }
0xc3: {  	_ =	task.clear_ibuf [dreg:s7], $0x2FFFF;
	_ =	strace $0x9FFFFFFF  }
0xc4: {  	(tm) =	ssettm $0x7FFFFFFF  }
0xc5: {  	_ =	shalt  }
tec
execute0_lowered:
.L_overlay_start_1:
0x0: {  	(tag) =	ssettag $0x1  }
0x1: {  	s0 =	rddreg [dreg:$0x0]  }
0x2: {  	s1 =	rddreg [dreg:$0x1];
	s15 =	stileid.u32  }
0x3: {  	s3 =	rddreg [dreg:$0x2];
	s2 =	smul.u32 $0xE0, s15  }
0x4: {  	s4 =	rddreg [dreg:$0x3];
	s6 =	smul.u32 $0x1A0, s15  }
0x5: {  	s5 =	simm.s32 $0x0;
	s12 =	srdreg.scid;
	s8 =	smul.u32 $0x6400, s15  }
0x6: {  	s29 =	simm.s32 $0x80;
	s30 =	simm.s32 $0x6;
	s10 =	smul.u32 $0x480, s15  }
0x7: {  	[smem:$0x7FF] =	sst s5;
	s7 =	sadd.s32 $0x48600, s0;
	s13 =	smul.u32 $0x8D00, s15  }
0x8: {  	s9 =	sadd.s32 $0x7A600, s0;
	s12 =	sand.u32 $0x1, s12;
	s20 =	smul.u32 $0x19000, s15  }
0x9: {  	s28 =	smul.u32 $0x3200, s15;
	_ =	strace $0x80000047;
	[dreg:$0x5] =	wrdreg s7  }
0xa: {  	s7 =	sadd.s32 $0x3A600, s0;
	s26 =	sshll.u32 s12, $0x4;
	s2 =	sadd.s32 s2, s0  }
0xb: {  	s6 =	sadd.s32 s6, s0;
	s11 =	sshrl.u32 s8, $0x3;
	[dreg:$0x6] =	wrdreg s13  }
0xc: {  	s10 =	sadd.s32 s10, s0;
	s13 =	sshrl.u32 s13, $0x3;
	[dreg:$0xe] =	wrdreg s26  }
0xd: {  	s11 =	sadd.s32 s11, s0;
	s13 =	sadd.s32 s13, s0;
	s0 =	sadd.s32 $0x94600, s0  }
0xe: {  	s14 =	ssub.s32 $0x2, s12;
	s19 =	sadd.s32 $0x2A00, s2;
	[dreg:$0x7] =	wrdreg s0  }
0xf: {  	s12 =	smul.u32 $0x23400, s15;
	s2 =	sadd.s32 $0x1A00, s2;
	[dreg:$0x8] =	wrdreg s19  }
0x10: {  	s18 =	sshrl.u32 s14, $0x1;
	s21 =	sadd.s32 $0x5200, s6;
	[dreg:$0x9] =	wrdreg s2  }
0x11: {  	s25 =	sshrl.u32 s20, $0x2;
	s22 =	sadd.s32 $0x3800, s6;
	[dreg:$0xa] =	wrdreg s21  }
0x12: {  	s8 =	sadd.s32 s8, s3;
	s23 =	sadd.s32 $0xB400, s10;
	[dreg:$0xb] =	wrdreg s22  }
0x13: {  	s24 =	sadd.s32 $0x6C00, s10;
	s6 =	sshrl.u32 s28, $0x2;
	[dreg:$0xc] =	wrdreg s23  }
0x14: {  	s10 =	sshrl.u32 s12, $0x2;
	s0 =	ssub.s32 s14, s18;
	[dreg:$0xd] =	wrdreg s24  }
0x15: {  	s2 =	sadd.s32 s25, s3;
	s31 =	sadd.s32 $0xFC00, s11;
	s19 =	smul.u32 $0x7000, s15  }
0x16: {  	s11 =	sadd.s32 $0x1C400, s11;
	s6 =	sadd.s32 s6, s4;
	s21 =	smul.u32 $0xD000, s15  }
0x17: {  	s22 =	smul.u32 $0x24000, s15;
	s10 =	sadd.s32 s10, s3;
	[dreg:$0xf] =	wrdreg s31  }
0x18: {  	s13 =	sadd.s32 $0x28C00, s13;
	s23 =	sshrl.u32 s8, $0x3;
	[dreg:$0x10] =	wrdreg s11  }
0x19: {  	s25 =	smul.u32 $0x64, s15;
	s15 =	simm.s32 $0x9;
	[dreg:$0x14] =	wrdreg s13  }
0x1a: {  	s2 =	sadd.s32 $0x64000, s2;
	s10 =	sadd.s32 $0x64000, s10;
	[dreg:$0x18] =	wrdreg s23  }
0x1b: {  	s0 =	smax.u32 s0, $0x1;
	s24 =	sshrl.u32 s6, $0x3;
	[dreg:$0x13] =	wrdreg s10  }
0x1c: {  	s23 =	simm.s32 $0x18D80;
	s14 =	sshrl.u32 s19, $0x3;
	[dreg:$0x16] =	wrdreg s0  }
0x1d: {  	s17 =	sshrl.u32 s21, $0x3;
	s18 =	sshrl.u32 s22, $0x3;
	[dreg:$0x19] =	wrdreg s24  }
0x1e: {  	s20 =	sshrl.u32 s2, $0x3;
	[dreg:$0x1a] =	wrdreg s25;
	s25 =	simm.s32 $0x2  }
0x1f: {  	s24 =	simm.s32 $0x4;
	s16 =	sadd.s32 s7, s14;
	[dreg:$0x17] =	wrdreg s20  }
0x20: {  	s2 =	simm.s32 $0x0;
	s11 =	sadd.s32 s9, s17;
	[dreg:$0x11] =	wrdreg s16  }
.Ltmp0:
0x21: {  	s10 =	sadd.s32 s1, s18;
	[dreg:$0x12] =	wrdreg s11;
	(pc) =	sbr.rel .LBB2_1-.Ltmp0, $4  }
0x22: {  	s17 =	simm.s32 $0x1B580;
	s26 =	sadd.s32 $0x100, s16;
	[dreg:$0x15] =	wrdreg s10  }
0x23: {  	s18 =	simm.s32 $0x1;
	s28 =	sadd.s32 $0x100, s11;
	[dreg:$0x1b] =	wrdreg s26  }
0x24: {  	s20 =	simm.s32 $0x3;
	s31 =	sadd.s32 $0x100, s10;
	[dreg:$0x1c] =	wrdreg s28  }
0x25: {  	s10 =	simm.s32 $0x17D80;
	[dreg:$0x1d] =	wrdreg s31;
	s26 =	simm.s32 $0x19D80  }
.LBB2_24:
0x26: {  	s2 =	rddreg [dreg:$0x1e]  }
0x27: {  	s0 =	rddreg [dreg:$0x16];
	s2 =	sadd.s32 $0x1, s2  }
0x28: {  	p0 =	sne.s32 s2, s0  }
.Ltmp1:
0x29: {  	_ = 	snop;
	(pc) =	sbr.rel @!p0 .LBB2_25-.Ltmp1, $1  }
0x2a: {  	_ =	sdelay $0x3  }
.LBB2_1:
0x2b: {  	[dreg:$0x1e] =	wrdreg s2  }
0x2c: {  	s0 =	rddreg [dreg:$0x8];
	s16 =	simm.s32 $0xFD80  }
0x2d: {  	[tilespmem:s16], [sflag:$0x9] =	stream.linear.gather [hbm4b:s0+s5], $0x700, $0x38;
	[tilespmem:$0x1BD80] =	vst v63  }
0x2e: {  	_ =	swait.ge [sflag:s15], $0x700  }
0x2f: {  	[sflag:s15] =	ssyncset.done $0x0  }
0x30: {  	s31 =	simm.s32 $0x10480;
	s28 =	rddreg [dreg:$0x9];
	[sflag:s15] =	ssyncadd.s32 $0xFFFFF900  }
0x31: {  	[tilespmem:s31], [sflag:$0x9] =	stream.linear.gather [hbm4b:s28+s5], $0x700, $0x38;
	[tilespmem:$0x1BD80] =	vst v63  }
0x32: {  	_ =	swait.ge [sflag:s15], $0x700  }
0x33: {  	[sflag:s15] =	ssyncset.done $0x0  }
0x34: {  	s8 =	simm.s32 $0x10B80;
	s6 =	rddreg [dreg:$0xa];
	[sflag:s15] =	ssyncadd.s32 $0xFFFFF900  }
0x35: {  	[tilespmem:s8], [sflag:$0x9] =	stream.linear.gather [hbm4b:s6+s5], $0xD00, $0x38;
	[tilespmem:$0x1BD80] =	vst v63  }
0x36: {  	_ =	swait.ge [sflag:s15], $0xD00  }
0x37: {  	[sflag:s15] =	ssyncset.done $0x0  }
0x38: {  	s12 =	simm.s32 $0x11880;
	s11 =	rddreg [dreg:$0xb];
	[sflag:s15] =	ssyncadd.s32 $0xFFFFF300  }
0x39: {  	[tilespmem:s12], [sflag:$0x9] =	stream.linear.gather [hbm4b:s11+s5], $0xD00, $0x38;
	[tilespmem:$0x1BD80] =	vst v63  }
0x3a: {  	_ =	swait.ge [sflag:s15], $0xD00  }
0x3b: {  	[sflag:s15] =	ssyncset.done $0x0  }
0x3c: {  	s14 =	simm.s32 $0x12580;
	s13 =	rddreg [dreg:$0xc];
	[sflag:s15] =	ssyncadd.s32 $0xFFFFF300  }
0x3d: {  	[tilespmem:s14], [sflag:$0x9] =	stream.linear.gather [hbm4b:s13+s5], $0x2400, $0x38;
	[tilespmem:$0x1BD80] =	vst v63  }
0x3e: {  	_ =	swait.ge [sflag:s15], $0x2400  }
0x3f: {  	s28 =	simm.s32 $0x14980;
	s31 =	stileid.u32;
	[sflag:s15] =	ssyncset.done $0x0  }
.Ltmp2:
0x40: {  	s16 =	rddreg [dreg:$0xd];
	[sflag:s15] =	ssyncadd.s32 $0xFFFFDC00;
	(pc) =	sbr.rel .LBB2_2-.Ltmp2, $4  }
0x41: {  	[tilespmem:s28], [sflag:$0x9] =	stream.linear.gather [hbm4b:s16+s5], $0x2400, $0x38;
	[tilespmem:$0x1BD80] =	vst v63  }
0x42: {  	s0 =	sshll.u32 s31, $0x6;
	_ =	swait.ge [sflag:s15], $0x2400  }
0x43: {  	[dreg:$0x1f] =	wrdreg s0;
	s0 =	sor.u32 $0x1C07, s0;
	[sflag:s15] =	ssyncset.done $0x0  }
0x44: {  	s2 =	simm.s32 $0x0;
	[smem:$0x7FD] =	sst s0;
	[sflag:s15] =	ssyncadd.s32 $0xFFFFDC00  }
.LBB2_23:
0x45: {  	s0 =	simm.s32 $0x5  }
0x46: {  	_ =	swait.ge [sflag:s0], $0x1000  }
0x47: {  	[sflag:s0] =	ssyncset.done $0x0  }
0x48: {  	s16 =	sld [smem:$0x7FB];
	[sflag:s0] =	ssyncadd.s32 $0xFFFFF000  }
0x49: {  	_ =	swait.ge [sflag:s30], $0x1000  }
0x4a: {  	[sflag:s30] =	ssyncset.done $0x0  }
0x4b: {  	s0 =	smul.u32 $0x8D000, s16;
	[sflag:s30] =	ssyncadd.s32 $0xFFFFF000  }
0x4c: {  	s6 =	rddreg [dreg:$0x6];
	[bflag:$0x0] =	sbarrier.arrive $0xFFFF  }
0x4d: {  	s0 =	sadd.s32 s6, s0;
	s31 =	sld [smem:$0x7FC]  }
0x4e: {  	s2 =	sadd.s32 $0x1, s2;
	s0 =	sshrl.u32 s0, $0x3;
	s28 =	rddreg [dreg:$0x7]  }
0x4f: {  	p0 =	sne.s32 s2, $0x10;
	s0 =	sadd.s32 s28, s0  }
0x50: {  	[hbm:s0], [sflag:s31] =	dma.local [spmem:s13], $0x11A0  }
.Ltmp3:
0x51: {  	_ =	swait.ge [sflag:s15], $0x11A0;
	(pc) =	sbr.rel @!p0 .LBB2_24-.Ltmp3, $3  }
0x52: {  	[sflag:s15] =	ssyncset.done $0x0  }
0x53: {  	[sflag:s15] =	ssyncadd.s32 $0xFFFFEE60  }
0x54: {  	[bflag:$0x0] =	sbarrier.arrive $0xFFFF;
	_ =	sdelay $0x1  }
.LBB2_2:
0x55: {  	s0 =	rddreg [dreg:$0xe]  }
0x56: {  	s8 =	sld [smem:$0x7FD]  }
0x57: {  	s31 =	rddreg [dreg:$0xf]  }
0x58: {  	s6 =	rddreg [dreg:$0x17];
	s11 =	sadd.s32 s0, s2  }
0x59: {  	[spmem:s6], [sflag:s8] =	dma.local [hbm:s31], $0xC80  }
0x5a: {  	[smem:$0x7FB] =	sst s11  }
0x5b: {  	s12 =	rddreg [dreg:$0x1f]  }
0x5c: {  	s8 =	rddreg [dreg:$0x10]  }
0x5d: {  	s13 =	smul.u32 $0x640, s11;
	s14 =	rddreg [dreg:$0x18];
	s6 =	sor.u32 $0x1C08, s12  }
0x5e: {  	[spmem:s14], [sflag:s6] =	dma.local [hbm:s8], $0xC80  }
0x5f: {  	s28 =	sor.u32 $0x1C09, s12;
	s0 =	rddreg [dreg:$0x1a]  }
0x60: {  	[smem:$0x7FC] =	sst s28;
	s0 =	sadd.s32 s0, s13  }
0x61: {  	s16 =	rddreg [dreg:$0x5];
	s0 =	sshll.u32 s0, $0x2  }
0x62: {  	s31 =	rddreg [dreg:$0x19];
	s0 =	sadd.s32 s16, s0  }
0x63: {  	[spmem:s31], [sflag:s28] =	dma.local [hbm:s0], $0x190  }
0x64: {  	_ =	swait.ge [sflag:s15], $0x190  }
0x65: {  	[sflag:s15] =	ssyncset.done $0x0  }
0x66: {  	s8 =	simm.s32 $0x7;
	[sflag:s15] =	ssyncadd.s32 $0xFFFFFE70  }
0x67: {  	_ =	swait.ge [sflag:s8], $0xC80  }
0x68: {  	[sflag:s8] =	ssyncset.done $0x0  }
0x69: {  	s11 =	simm.s32 $0x8;
	[sflag:s8] =	ssyncadd.s32 $0xFFFFF380  }
0x6a: {  	_ =	swait.ge [sflag:s11], $0xC80  }
0x6b: {  	[sflag:s11] =	ssyncset.done $0x0  }
0x6c: {  	[sflag:s11] =	ssyncadd.s32 $0xFFFFF380  }
0x6d: {  	s12 =	simm.s32 $0xFD80;
	s13 =	simm.s32 $0x16D80;
	[bflag:$0x0] =	sbarrier.arrive $0xFFFF  }
0x6e: {  	[tilespmem:s13], [sflag:$0x1] =	stream.indirect.gather [spmem:s4], $0x20, s12, s29, $0xb8;
	[tilespmem:$0x1BD80] =	vst v63  }
0x6f: {  	s16 =	simm.s32 $0x1AD80;
	s0 =	simm.s32 $0x0;
	s14 =	rddreg [dreg:$0x11]  }
0x70: {  	[tilespmem:s16], [sflag:$0x3] =	stream.linear.gather [hbm4b:s14+s0], $0x800, $0x38;
	[tilespmem:$0x1BD80] =	vst v63  }
0x71: {  	s28 =	simm.s32 $0xFE00  }
0x72: {  	[tilespmem:s10], [sflag:$0x2] =	stream.indirect.gather [spmem:s4], $0x20, s28, s29, $0xb8;
	[tilespmem:$0x1BD80] =	vst v63  }
0x73: {  	s31 =	rddreg [dreg:$0x1b]  }
0x74: {  	[tilespmem:s17], [sflag:$0x4] =	stream.linear.gather [hbm4b:s31+s0], $0x800, $0x38;
	[tilespmem:$0x1BD80] =	vst v63  }
.LBB2_3:
0x75: {  	_ =	swait.ge [sflag:s18], $0x1000  }
0x76: {  	[sflag:s18] =	ssyncset.done $0x0  }
0x77: {  	[sflag:s18] =	ssyncadd.s32 $0xFFFFF000  }
0x78: {  	_ =	swait.ge [sflag:s20], $0x800  }
0x79: {  	p0 =	seq.s32 s0, $0x0;
	[sflag:s20] =	ssyncset.done $0x0  }
0x7a: {  	s6 =	simm.s32 @!p0 $0x5;
	[sflag:s20] =	ssyncadd.s32 $0xFFFFF800  }
0x7b: {  	_ =	swait.ge @!p0 [sflag:s6], $0x1000  }
0x7c: {  	[sflag:s6] =	ssyncset.done @!p0 $0x0  }
0x7d: {  	s8 =	simm.s32 $0x1ADA0;
	[sflag:s6] =	ssyncadd.s32 @!p0 $0xFFFFF000  }
0x7e: {  	s12 =	simm.s32 $0x16DC0;
	v8 =	vld [tilespmem:s8+$0x10]  }
0x7f: {  	v2 =	vld [tilespmem:s12+$0x20]  }
0x80: {  	v4 =	vld [tilespmem:s12+$0xFFFFFFC0]  }
0x81: {  	v0 =	vld [tilespmem:s8+$0xFFFFFFF0]  }
0x82: {  	v7 =	vld [tilespmem:s12+$0xFFFFFFE0]  }
0x83: {  	v1 =	vld [tilespmem:s8+$0x0]  }
0x84: {  	v9 =	vld [tilespmem:s12+$0x0]  }
0x85: {  	s31 =	simm.s32 $0x1ADE0;
	v3 =	vld [tilespmem:s8+$0xFFFFFFE0]  }
0x86: {  	s11 =	simm.s32 $0x16E40;
	v5 =	vld [tilespmem:s31+$0x10]  }
0x87: {  	v11 =	vld [tilespmem:s11+$0x20];
	v2 =	vmul.f32 v2, v8  }
0x88: {  	s6 =	simm.s32 $0x18DC0;
	v6 =	vld [tilespmem:s11+$0xFFFFFFC0]  }
0x89: {  	v12 =	vld [tilespmem:s11+$0xFFFFFFE0];
	[tilespmem:s6+$0x20] =	vst v2  }
0x8a: {  	v10 =	vld [tilespmem:s12+$0x30]  }
0x8b: {  	v7 =	vmul.f32 v7, v0;
	v2 =	vld [tilespmem:s31+$0xFFFFFFF0]  }
0x8c: {  	v14 =	vld [tilespmem:s11+$0x0];
	v13 =	vmul.f32 v4, v3  }
0x8d: {  	v4 =	vld [tilespmem:s31+$0x0];
	v11 =	vmul.f32 v11, v5;
	[tilespmem:s6+$0xFFFFFFE0] =	vst v7  }
0x8e: {  	s8 =	simm.s32 $0x18E40;
	v9 =	vmul.f32 v9, v1;
	[tilespmem:s6+$0xFFFFFFC0] =	vst v13;
	v7 =	vld [tilespmem:s31+$0xFFFFFFE0]  }
0x8f: {  	[tilespmem:s8+$0x20] =	vst v11;
	v11 =	vld [tilespmem:s12+$0xFFFFFFD0];
	v8 =	vmul.f32 v10, v8  }
0x90: {  	[tilespmem:s6+$0x0] =	vst v9;
	v9 =	vld [tilespmem:s11+$0x30];
	v10 =	vmul.f32 v12, v2  }
0x91: {  	s13 =	sshll.u32 s0, $0x1;
	[tilespmem:s6+$0x30] =	vst v8;
	v8 =	vld [tilespmem:s12+$0xFFFFFFF0]  }
0x92: {  	s14 =	simm.s32 $0x4;
	s16 =	simm.s32 $0x1AE20;
	v12 =	vmul.f32 v14, v4;
	[tilespmem:s8+$0xFFFFFFE0] =	vst v10;
	v10 =	vld [tilespmem:s12+$0x10];
	s12 =	simm.s32 $0x16E40  }
.LBB2_4:
0x93: {  	v13 =	vld [tilespmem:s16+$0x10];
	v14 =	vmul.f32 v6, v7;
	s11 =	sadd.s32 $0x80, s11  }
0x94: {  	s14 =	sadd.s32 $0x4, s14;
	v15 =	vld [tilespmem:s11+$0x20];
	[tilespmem:s8+$0x0] =	vst v12;
	v11 =	vmul.f32 v11, v3;
	v3 =	vmov v7  }
0x95: {  	p1 =	slt.u32 s14, $0x7C;
	v6 =	vld [tilespmem:s11+$0xFFFFFFC0];
	[tilespmem:s8+$0xFFFFFFC0] =	vst v14;
	v12 =	vmul.f32 v9, v5  }
0x96: {  	[tilespmem:s6+$0xFFFFFFD0] =	vst v11;
	v7 =	vmul.f32 v8, v0;
	v0 =	vmov v2;
	v2 =	vld [tilespmem:s16+$0xFFFFFFF0]  }
0x97: {  	v8 =	vld [tilespmem:s11+$0xFFFFFFE0];
	[tilespmem:s8+$0x30] =	vst v12;
	v9 =	vmul.f32 v10, v1;
	v1 =	vmov v4  }
0x98: {  	v4 =	vld [tilespmem:s16+$0x0];
	[tilespmem:s6+$0xFFFFFFF0] =	vst v7;
	v5 =	vmov v13  }
0x99: {  	v10 =	vld [tilespmem:s11+$0x0];
	v11 =	vmul.f32 v15, v5;
	[tilespmem:s6+$0x10] =	vst v9;
	s6 =	smov.u32 s8  }
.Ltmp4:
0x9a: {  	s8 =	sadd.s32 $0x80, s8;
	v7 =	vld [tilespmem:s16+$0xFFFFFFE0];
	(pc) =	sbr.rel @p1 .LBB2_4-.Ltmp4, $4  }
0x9b: {  	[tilespmem:s8+$0x20] =	vst v11;
	v11 =	vld [tilespmem:s12+$0xFFFFFFD0]  }
0x9c: {  	v12 =	vmul.f32 v8, v2;
	v9 =	vld [tilespmem:s11+$0x30]  }
0x9d: {  	v8 =	vld [tilespmem:s12+$0xFFFFFFF0]  }
0x9e: {  	s16 =	sadd.s32 $0x40, s16;
	[tilespmem:s8+$0xFFFFFFE0] =	vst v12;
	v12 =	vmul.f32 v10, v4;
	v10 =	vld [tilespmem:s12+$0x10];
	s12 =	smov.u32 s11  }
0x9f: {  	v6 =	vmul.f32 v6, v7;
	_ =	sdelay $0x1  }
0xa0: {  	[tilespmem:s8+$0xFFFFFFC0] =	vst v6  }
0xa1: {  	v6 =	vld [tilespmem:s12+$0xFFFFFFD0]  }
0xa2: {  	[tilespmem:s8+$0x0] =	vst v12;
	v3 =	vmul.f32 v11, v3;
	v11 =	vld [tilespmem:s12+$0xFFFFFFF0]  }
0xa3: {  	v5 =	vmul.f32 v9, v5;
	v9 =	vld [tilespmem:s12+$0x10]  }
0xa4: {  	[tilespmem:s6+$0xFFFFFFD0] =	vst v3;
	v0 =	vmul.f32 v8, v0  }
0xa5: {  	[tilespmem:s8+$0x30] =	vst v5;
	v1 =	vmul.f32 v10, v1  }
0xa6: {  	[tilespmem:s6+$0xFFFFFFF0] =	vst v0;
	v0 =	vmul.f32 v6, v7  }
0xa7: {  	[tilespmem:s6+$0x10] =	vst v1;
	v1 =	vmul.f32 v11, v2  }
0xa8: {  	s14 =	sshll.u32 s0, $0x8;
	[tilespmem:s8+$0xFFFFFFD0] =	vst v0;
	v0 =	vmul.f32 v9, v4  }
0xa9: {  	s14 =	sand.u32 $0x3FFFFF00, s14;
	[tilespmem:s8+$0xFFFFFFF0] =	vst v1  }
0xaa: {  	p1 =	seq.s32 s0, $0x6;
	s6 =	sadd.s32 $0x10480, s14;
	[tilespmem:s8+$0x10] =	vst v0  }
0xab: {  	[spmem:s3] =	stream.indirect.scatter.add.f32 [tilespmem:s23], [sflag:$0x5], $0x20, s6, s29, $0xb8;
	[tilespmem:$0x1BD80] =	vst v63  }
0xac: {  	s6 =	sadd.s32 @!p1 $0x2, s13  }
0xad: {  	s8 =	sshll.u32 @!p1 s6, $0x7;
	s6 =	sshll.u32 @!p1 s6, $0xB  }
0xae: {  	s11 =	simm.s32 @!p1 $0x80;
	s8 =	sand.u32 @!p1 $0x3FFFFF80, s8;
	s6 =	sadd.s32 @!p1 s19, s6  }
0xaf: {  	s12 =	simm.s32 @!p1 $0x16D80;
	s8 =	sadd.s32 @!p1 $0xFD80, s8;
	s6 =	sshrl.u32 @!p1 s6, $0x3  }
0xb0: {  	[tilespmem:s12], [sflag:$0x1] =	stream.indirect.gather @!p1 [spmem:s4], $0x20, s8, s11, $0xb8;
	[tilespmem:$0x1BD80] =	vst v63  }
0xb1: {  	s6 =	sadd.s32 @!p1 s7, s6;
	s8 =	simm.s32 @!p1 $0x0;
	s11 =	simm.s32 @!p1 $0x1AD80  }
0xb2: {  	[tilespmem:s11], [sflag:$0x3] =	stream.linear.gather @!p1 [hbm4b:s6+s8], $0x800, $0x38;
	[tilespmem:$0x1BD80] =	vst v63  }
0xb3: {  	_ =	swait.ge [sflag:s25], $0x1000  }
0xb4: {  	[sflag:s25] =	ssyncset.done $0x0  }
0xb5: {  	[sflag:s25] =	ssyncadd.s32 $0xFFFFF000  }
0xb6: {  	_ =	swait.ge [sflag:s24], $0x800  }
0xb7: {  	[sflag:s24] =	ssyncset.done $0x0  }
0xb8: {  	s6 =	simm.s32 @!p0 $0x6;
	[sflag:s24] =	ssyncadd.s32 $0xFFFFF800  }
0xb9: {  	_ =	swait.ge @!p0 [sflag:s6], $0x1000  }
0xba: {  	[sflag:s6] =	ssyncset.done @!p0 $0x0  }
0xbb: {  	s16 =	simm.s32 $0x1B5B0;
	[sflag:s6] =	ssyncadd.s32 @!p0 $0xFFFFF000  }
0xbc: {  	s12 =	simm.s32 $0x17DF0;
	v8 =	vld [tilespmem:s16+$0x0]  }
0xbd: {  	v2 =	vld [tilespmem:s12+$0xFFFFFFF0]  }
0xbe: {  	v4 =	vld [tilespmem:s12+$0xFFFFFF90]  }
0xbf: {  	v0 =	vld [tilespmem:s16+$0xFFFFFFE0]  }
0xc0: {  	v7 =	vld [tilespmem:s12+$0xFFFFFFB0]  }
0xc1: {  	v1 =	vld [tilespmem:s16+$0xFFFFFFF0]  }
0xc2: {  	v9 =	vld [tilespmem:s12+$0xFFFFFFD0]  }
0xc3: {  	s31 =	simm.s32 $0x1B5F0;
	v3 =	vld [tilespmem:s16+$0xFFFFFFD0]  }
0xc4: {  	s11 =	simm.s32 $0x17E70;
	v5 =	vld [tilespmem:s31+$0x0]  }
0xc5: {  	v11 =	vld [tilespmem:s11+$0xFFFFFFF0];
	v2 =	vmul.f32 v2, v8  }
0xc6: {  	s6 =	simm.s32 $0x19DF0;
	v6 =	vld [tilespmem:s11+$0xFFFFFF90]  }
0xc7: {  	v12 =	vld [tilespmem:s11+$0xFFFFFFB0];
	[tilespmem:s6+$0xFFFFFFF0] =	vst v2  }
0xc8: {  	v10 =	vld [tilespmem:s12+$0x0]  }
0xc9: {  	v7 =	vmul.f32 v7, v0;
	v2 =	vld [tilespmem:s31+$0xFFFFFFE0]  }
0xca: {  	v14 =	vld [tilespmem:s11+$0xFFFFFFD0];
	v13 =	vmul.f32 v4, v3  }
0xcb: {  	v4 =	vld [tilespmem:s31+$0xFFFFFFF0];
	v11 =	vmul.f32 v11, v5;
	[tilespmem:s6+$0xFFFFFFB0] =	vst v7  }
0xcc: {  	s8 =	simm.s32 $0x19E70;
	v9 =	vmul.f32 v9, v1;
	[tilespmem:s6+$0xFFFFFF90] =	vst v13;
	v7 =	vld [tilespmem:s31+$0xFFFFFFD0]  }
0xcd: {  	[tilespmem:s8+$0xFFFFFFF0] =	vst v11;
	v11 =	vld [tilespmem:s12+$0xFFFFFFA0];
	v8 =	vmul.f32 v10, v8  }
0xce: {  	[tilespmem:s6+$0xFFFFFFD0] =	vst v9;
	v9 =	vld [tilespmem:s11+$0x0];
	v10 =	vmul.f32 v12, v2  }
0xcf: {  	[tilespmem:s6+$0x0] =	vst v8;
	v8 =	vld [tilespmem:s12+$0xFFFFFFC0]  }
0xd0: {  	s28 =	simm.s32 $0x1B630;
	s16 =	simm.s32 $0x4;
	v12 =	vmul.f32 v14, v4;
	[tilespmem:s8+$0xFFFFFFB0] =	vst v10;
	v10 =	vld [tilespmem:s12+$0xFFFFFFE0];
	s12 =	simm.s32 $0x17E70  }
.LBB2_6:
0xd1: {  	v13 =	vld [tilespmem:s28+$0x0];
	v14 =	vmul.f32 v6, v7;
	s11 =	sadd.s32 $0x80, s11  }
0xd2: {  	s16 =	sadd.s32 $0x4, s16;
	v15 =	vld [tilespmem:s11+$0xFFFFFFF0];
	[tilespmem:s8+$0xFFFFFFD0] =	vst v12;
	v11 =	vmul.f32 v11, v3;
	v3 =	vmov v7  }
0xd3: {  	p0 =	slt.u32 s16, $0x7C;
	v6 =	vld [tilespmem:s11+$0xFFFFFF90];
	[tilespmem:s8+$0xFFFFFF90] =	vst v14;
	v12 =	vmul.f32 v9, v5  }
0xd4: {  	[tilespmem:s6+$0xFFFFFFA0] =	vst v11;
	v7 =	vmul.f32 v8, v0;
	v0 =	vmov v2;
	v2 =	vld [tilespmem:s28+$0xFFFFFFE0]  }
0xd5: {  	v8 =	vld [tilespmem:s11+$0xFFFFFFB0];
	[tilespmem:s8+$0x0] =	vst v12;
	v9 =	vmul.f32 v10, v1;
	v1 =	vmov v4  }
0xd6: {  	v4 =	vld [tilespmem:s28+$0xFFFFFFF0];
	[tilespmem:s6+$0xFFFFFFC0] =	vst v7;
	v5 =	vmov v13  }
0xd7: {  	v10 =	vld [tilespmem:s11+$0xFFFFFFD0];
	v11 =	vmul.f32 v15, v5;
	[tilespmem:s6+$0xFFFFFFE0] =	vst v9;
	s6 =	smov.u32 s8  }
.Ltmp5:
0xd8: {  	s8 =	sadd.s32 $0x80, s8;
	v7 =	vld [tilespmem:s28+$0xFFFFFFD0];
	(pc) =	sbr.rel @p0 .LBB2_6-.Ltmp5, $4  }
0xd9: {  	[tilespmem:s8+$0xFFFFFFF0] =	vst v11;
	v11 =	vld [tilespmem:s12+$0xFFFFFFA0]  }
0xda: {  	v12 =	vmul.f32 v8, v2;
	v9 =	vld [tilespmem:s11+$0x0]  }
0xdb: {  	v8 =	vld [tilespmem:s12+$0xFFFFFFC0]  }
0xdc: {  	s28 =	sadd.s32 $0x40, s28;
	[tilespmem:s8+$0xFFFFFFB0] =	vst v12;
	v12 =	vmul.f32 v10, v4;
	v10 =	vld [tilespmem:s12+$0xFFFFFFE0];
	s12 =	smov.u32 s11  }
0xdd: {  	v6 =	vmul.f32 v6, v7  }
0xde: {  	v59 =	vld [tilespmem:s12+$0xFFFFFFC0];
	[tilespmem:s8+$0xFFFFFFD0] =	vst v12  }
0xdf: {  	v3 =	vmul.f32 v11, v3;
	[tilespmem:s8+$0xFFFFFF90] =	vst v6;
	v60 =	vld [tilespmem:s12+$0xFFFFFFE0]  }
0xe0: {  	v5 =	vmul.f32 v9, v5;
	v6 =	vld [tilespmem:s12+$0xFFFFFFA0]  }
0xe1: {  	[tilespmem:s6+$0xFFFFFFA0] =	vst v3;
	v0 =	vmul.f32 v8, v0  }
0xe2: {  	[tilespmem:s8+$0x0] =	vst v5;
	v1 =	vmul.f32 v10, v1  }
0xe3: {  	[tilespmem:s6+$0xFFFFFFC0] =	vst v0;
	v62 =	vmul.f32 v59, v2  }
.Ltmp6:
0xe4: {  	[tilespmem:s6+$0xFFFFFFE0] =	vst v1;
	v63 =	vmul.f32 v60, v4;
	(pc) =	sbr.rel @p1 .LBB2_9-.Ltmp6, $4  }
0xe5: {  	[tilespmem:s8+$0xFFFFFFC0] =	vst v62;
	v61 =	vmul.f32 v6, v7  }
0xe6: {  	[tilespmem:s8+$0xFFFFFFE0] =	vst v63  }
0xe7: {  	s31 =	sadd.s32 $0x10500, s14;
	[tilespmem:s8+$0xFFFFFFA0] =	vst v61  }
0xe8: {  	[spmem:s3] =	stream.indirect.scatter.add.f32 [tilespmem:s26], [sflag:$0x6], $0x20, s31, s29, $0xb8;
	[tilespmem:$0x1BD80] =	vst v63  }
0xe9: {  	s6 =	sadd.s32 $0x3, s13  }
0xea: {  	s8 =	sshll.u32 s6, $0x7;
	s6 =	sshll.u32 s6, $0xB  }
.Ltmp7:
0xeb: {  	s8 =	sand.u32 $0x3FFFFF80, s8;
	s6 =	sadd.s32 s19, s6;
	(pc) =	sbr.rel .LBB2_3-.Ltmp7, $4  }
0xec: {  	s8 =	sadd.s32 $0xFD80, s8;
	s6 =	sshrl.u32 s6, $0x3  }
0xed: {  	[tilespmem:s10], [sflag:$0x2] =	stream.indirect.gather [spmem:s4], $0x20, s8, s29, $0xb8;
	[tilespmem:$0x1BD80] =	vst v63  }
0xee: {  	s0 =	sadd.s32 $0x1, s0;
	s6 =	sadd.s32 s7, s6  }
0xef: {  	[tilespmem:s17], [sflag:$0x4] =	stream.linear.gather [hbm4b:s6+s5], $0x800, $0x38;
	[tilespmem:$0x1BD80] =	vst v63  }
.LBB2_9:
0xf0: {  	s0 =	simm.s32 $0x5  }
0xf1: {  	_ =	swait.ge [sflag:s0], $0x1000  }
0xf2: {  	[sflag:s0] =	ssyncset.done $0x0  }
0xf3: {  	[sflag:s0] =	ssyncadd.s32 $0xFFFFF000  }
0xf4: {  	_ =	swait.ge [sflag:s30], $0x1000  }
0xf5: {  	[sflag:s30] =	ssyncset.done $0x0  }
0xf6: {  	[sflag:s30] =	ssyncadd.s32 $0xFFFFF000  }
0xf7: {  	s13 =	simm.s32 $0x10B80;
	s6 =	simm.s32 $0x16D80;
	[bflag:$0x0] =	sbarrier.arrive $0xFFFF  }
0xf8: {  	[tilespmem:s6], [sflag:$0x1] =	stream.indirect.gather [spmem:s3], $0x20, s13, s29, $0xb8;
	[tilespmem:$0x1BD80] =	vst v63  }
0xf9: {  	s16 =	simm.s32 $0x1AD80;
	s13 =	simm.s32 $0x0;
	s14 =	rddreg [dreg:$0x12]  }
0xfa: {  	[tilespmem:s16], [sflag:$0x3] =	stream.linear.gather [hbm4b:s14+s13], $0x800, $0x38;
	[tilespmem:$0x1BD80] =	vst v63  }
0xfb: {  	s28 =	simm.s32 $0x10C00  }
0xfc: {  	[tilespmem:s10], [sflag:$0x2] =	stream.indirect.gather [spmem:s3], $0x20, s28, s29, $0xb8;
	[tilespmem:$0x1BD80] =	vst v63  }
0xfd: {  	s31 =	rddreg [dreg:$0x1c]  }
0xfe: {  	[tilespmem:s17], [sflag:$0x4] =	stream.linear.gather [hbm4b:s31+s13], $0x800, $0x38;
	[tilespmem:$0x1BD80] =	vst v63  }
.LBB2_10:
0xff: {  	_ =	swait.ge [sflag:s18], $0x1000  }
0x100: {  	[sflag:s18] =	ssyncset.done $0x0  }
0x101: {  	[sflag:s18] =	ssyncadd.s32 $0xFFFFF000  }
0x102: {  	_ =	swait.ge [sflag:s20], $0x800  }
0x103: {  	p0 =	seq.s32 s13, $0x0;
	[sflag:s20] =	ssyncset.done $0x0  }
0x104: {  	s0 =	simm.s32 @!p0 $0x5;
	[sflag:s20] =	ssyncadd.s32 $0xFFFFF800  }
0x105: {  	_ =	swait.ge @!p0 [sflag:s0], $0x1000  }
0x106: {  	[sflag:s0] =	ssyncset.done @!p0 $0x0  }
0x107: {  	s31 =	simm.s32 $0x16DC0;
	[sflag:s0] =	ssyncadd.s32 @!p0 $0xFFFFF000  }
0x108: {  	v0 =	vld [tilespmem:s31+$0x20]  }
0x109: {  	s6 =	simm.s32 $0x1ADA0  }
0x10a: {  	v8 =	vld [tilespmem:s6+$0x10]  }
0x10b: {  	v2 =	vld [tilespmem:s31+$0xFFFFFFC0]  }
0x10c: {  	v4 =	vld [tilespmem:s31+$0xFFFFFFE0]  }
0x10d: {  	v6 =	vld [tilespmem:s31+$0x0];
	v1 =	vmul.f32 $9.999999770e-03, v0  }
0x10e: {  	v3 =	vld [tilespmem:s6+$0xFFFFFFE0]  }
0x10f: {  	v0 =	vmax.f32 v0, v1;
	v1 =	vld [tilespmem:s6+$0xFFFFFFF0]  }
0x110: {  	v5 =	vmul.f32 v0, v8;
	v0 =	vld [tilespmem:s6+$0x0];
	s6 =	simm.s32 $0x16E40  }
0x111: {  	s14 =	simm.s32 $0x18DC0;
	v9 =	vld [tilespmem:s6+$0x20]  }
0x112: {  	v10 =	vld [tilespmem:s6+$0xFFFFFFC0];
	[tilespmem:s14+$0x20] =	vst v5  }
0x113: {  	v7 =	vld [tilespmem:s31+$0x30]  }
0x114: {  	s16 =	simm.s32 $0x1ADE0;
	v11 =	vmul.f32 $9.999999770e-03, v2;
	v12 =	vld [tilespmem:s6+$0xFFFFFFE0]  }
0x115: {  	v13 =	vmul.f32 $9.999999770e-03, v4;
	v5 =	vld [tilespmem:s16+$0x10]  }
0x116: {  	v2 =	vmax.f32 v2, v11;
	v11 =	vmul.f32 $9.999999770e-03, v6;
	v14 =	vld [tilespmem:s6+$0x0]  }
0x117: {  	v4 =	vmax.f32 v4, v13;
	v13 =	vmul.f32 v2, v3;
	v2 =	vld [tilespmem:s16+$0xFFFFFFF0];
	v15 =	vmul.f32 $9.999999770e-03, v9  }
0x118: {  	v6 =	vmax.f32 v6, v11;
	v16 =	vmul.f32 v4, v1;
	v4 =	vld [tilespmem:s16+$0x0];
	v11 =	vmul.f32 $9.999999770e-03, v7  }
0x119: {  	[tilespmem:s14+$0xFFFFFFC0] =	vst v13;
	v17 =	vmul.f32 v6, v0;
	v6 =	vld [tilespmem:s16+$0xFFFFFFE0];
	v9 =	vmax.f32 v9, v15;
	v15 =	vmul.f32 $9.999999770e-03, v12  }
0x11a: {  	v13 =	vmul.f32 $9.999999770e-03, v10;
	[tilespmem:s14+$0xFFFFFFE0] =	vst v16;
	v9 =	vmul.f32 v9, v5;
	v11 =	vmax.f32 v7, v11;
	v7 =	vld [tilespmem:s31+$0xFFFFFFD0]  }
0x11b: {  	s8 =	simm.s32 $0x18E40;
	v63 =	vmul.f32 $9.999999770e-03, v14;
	[tilespmem:s14+$0x0] =	vst v17;
	v12 =	vmax.f32 v12, v15;
	v62 =	vmul.f32 v11, v8;
	v8 =	vld [tilespmem:s31+$0xFFFFFFF0]  }
0x11c: {  	[tilespmem:s8+$0x20] =	vst v9;
	v9 =	vld [tilespmem:s31+$0x10];
	v12 =	vmul.f32 v12, v2  }
0x11d: {  	s11 =	simm.s32 $0x4;
	s12 =	simm.s32 $0x16EC0;
	s0 =	sshll.u32 s13, $0x1;
	v11 =	vmax.f32 v10, v13;
	v13 =	vmax.f32 v14, v63;
	v10 =	vld [tilespmem:s6+$0x30];
	[tilespmem:s14+$0x30] =	vst v62  }
.LBB2_11:
0x11e: {  	v14 =	vld [tilespmem:s12+$0x20];
	s11 =	sadd.s32 $0x4, s11;
	v11 =	vmul.f32 v11, v6;
	[tilespmem:s8+$0xFFFFFFE0] =	vst v12;
	v12 =	vmul.f32 v13, v4  }
0x11f: {  	v13 =	vld [tilespmem:s12+$0xFFFFFFC0];
	p1 =	slt.u32 s11, $0x7C;
	v15 =	vmul.f32 $9.999999770e-03, v7  }
0x120: {  	s16 =	sadd.s32 $0x40, s16;
	v16 =	vld [tilespmem:s12+$0xFFFFFFE0];
	[tilespmem:s8+$0xFFFFFFC0] =	vst v11;
	v11 =	vmul.f32 $9.999999770e-03, v8  }
0x121: {  	v17 =	vld [tilespmem:s16+$0x10];
	[tilespmem:s8+$0x0] =	vst v12;
	v7 =	vmax.f32 v7, v15;
	v12 =	vmul.f32 $9.999999770e-03, v9  }
0x122: {  	v15 =	vld [tilespmem:s12+$0x0];
	v18 =	vmul.f32 $9.999999770e-03, v10;
	v7 =	vmul.f32 v7, v3;
	v8 =	vmax.f32 v8, v11;
	v3 =	vmovc v6  }
0x123: {  	v11 =	vmul.f32 $9.999999770e-03, v14;
	v8 =	vmul.f32 v8, v1;
	v6 =	vmax.f32 v9, v12;
	v1 =	vmovc v2;
	v2 =	vld [tilespmem:s16+$0xFFFFFFF0]  }
0x124: {  	v9 =	vmul.f32 $9.999999770e-03, v13;
	v10 =	vmax.f32 v10, v18;
	[tilespmem:s14+$0xFFFFFFD0] =	vst v7;
	v12 =	vmul.f32 v6, v0;
	v0 =	vmovc v4;
	v4 =	vld [tilespmem:s16+$0x0]  }
.Ltmp8:
0x125: {  	v6 =	vld [tilespmem:s16+$0xFFFFFFE0];
	v18 =	vmul.f32 $9.999999770e-03, v16;
	v7 =	vmax.f32 v14, v11;
	v10 =	vmul.f32 v10, v5;
	[tilespmem:s14+$0xFFFFFFF0] =	vst v8;
	(pc) =	sbr.rel @p1 .LBB2_11-.Ltmp8, $4  }
0x126: {  	v11 =	vmax.f32 v13, v9;
	v9 =	vmul.f32 v7, v17;
	v7 =	vld [tilespmem:s6+$0xFFFFFFD0];
	[tilespmem:s14+$0x10] =	vst v12;
	v5 =	vmov v17;
	s14 =	smov.u32 s8  }
0x127: {  	s8 =	sadd.s32 $0x80, s8;
	v12 =	vmax.f32 v16, v18;
	v13 =	vmul.f32 $9.999999770e-03, v15;
	v8 =	vld [tilespmem:s6+$0xFFFFFFF0];
	[tilespmem:s14+$0x30] =	vst v10  }
0x128: {  	v12 =	vmul.f32 v12, v2;
	[tilespmem:s8+$0x20] =	vst v9;
	v9 =	vld [tilespmem:s6+$0x10];
	s6 =	smov.u32 s12  }
0x129: {  	s12 =	sadd.s32 $0x80, s12;
	v13 =	vmax.f32 v15, v13;
	v10 =	vld [tilespmem:s6+$0x30]  }
0x12a: {  	v11 =	vmul.f32 v11, v6;
	_ =	sdelay $0x1  }
0x12b: {  	v13 =	vmul.f32 v13, v4;
	[tilespmem:s8+$0xFFFFFFC0] =	vst v11  }
0x12c: {  	[tilespmem:s8+$0xFFFFFFE0] =	vst v12;
	v11 =	vld [tilespmem:s6+$0xFFFFFFD0]  }
0x12d: {  	v12 =	vmul.f32 $9.999999770e-03, v7;
	[tilespmem:s8+$0x0] =	vst v13;
	v13 =	vld [tilespmem:s6+$0xFFFFFFF0]  }
0x12e: {  	v14 =	vmul.f32 $9.999999770e-03, v8;
	v15 =	vld [tilespmem:s6+$0x10]  }
0x12f: {  	v7 =	vmax.f32 v7, v12;
	v12 =	vmul.f32 $9.999999770e-03, v9  }
0x130: {  	v16 =	vmul.f32 $9.999999770e-03, v10;
	v3 =	vmul.f32 v7, v3;
	v7 =	vmax.f32 v8, v14  }
0x131: {  	v1 =	vmul.f32 v7, v1;
	v7 =	vmax.f32 v9, v12;
	v8 =	vmul.f32 $9.999999770e-03, v11  }
0x132: {  	v9 =	vmax.f32 v10, v16;
	[tilespmem:s14+$0xFFFFFFD0] =	vst v3;
	v0 =	vmul.f32 v7, v0;
	v3 =	vmul.f32 $9.999999770e-03, v13  }
0x133: {  	v5 =	vmul.f32 v9, v5;
	[tilespmem:s14+$0xFFFFFFF0] =	vst v1;
	v7 =	vmul.f32 $9.999999770e-03, v15;
	v1 =	vmax.f32 v11, v8  }
0x134: {  	[tilespmem:s14+$0x10] =	vst v0;
	v0 =	vmul.f32 v1, v6;
	v1 =	vmax.f32 v13, v3  }
0x135: {  	[tilespmem:s8+$0x30] =	vst v5;
	v1 =	vmul.f32 v1, v2;
	v2 =	vmax.f32 v15, v7  }
0x136: {  	s11 =	sshll.u32 s13, $0x8;
	[tilespmem:s8+$0xFFFFFFD0] =	vst v0;
	v0 =	vmul.f32 v2, v4  }
0x137: {  	s14 =	sand.u32 $0x3FFFFF00, s11;
	[tilespmem:s8+$0xFFFFFFF0] =	vst v1  }
0x138: {  	p1 =	seq.s32 s13, $0xC;
	s6 =	sadd.s32 $0x11880, s14;
	[tilespmem:s8+$0x10] =	vst v0  }
0x139: {  	[spmem:s3] =	stream.indirect.scatter.add.f32 [tilespmem:s23], [sflag:$0x5], $0x20, s6, s29, $0xb8;
	[tilespmem:$0x1BD80] =	vst v63  }
0x13a: {  	s6 =	sadd.s32 @!p1 $0x2, s0  }
0x13b: {  	s8 =	sshll.u32 @!p1 s6, $0x7;
	s6 =	sshll.u32 @!p1 s6, $0xB  }
0x13c: {  	s12 =	simm.s32 @!p1 $0x16D80;
	s8 =	sand.u32 @!p1 $0x3FFFFF80, s8;
	s6 =	sadd.s32 @!p1 s21, s6  }
0x13d: {  	s11 =	simm.s32 @!p1 $0x80;
	s8 =	sadd.s32 @!p1 $0x10B80, s8;
	s6 =	sshrl.u32 @!p1 s6, $0x3  }
0x13e: {  	[tilespmem:s12], [sflag:$0x1] =	stream.indirect.gather @!p1 [spmem:s3], $0x20, s8, s11, $0xb8;
	[tilespmem:$0x1BD80] =	vst v63  }
0x13f: {  	s6 =	sadd.s32 @!p1 s9, s6;
	s8 =	simm.s32 @!p1 $0x0;
	s11 =	simm.s32 @!p1 $0x1AD80  }
0x140: {  	[tilespmem:s11], [sflag:$0x3] =	stream.linear.gather @!p1 [hbm4b:s6+s8], $0x800, $0x38;
	[tilespmem:$0x1BD80] =	vst v63  }
0x141: {  	_ =	swait.ge [sflag:s25], $0x1000  }
0x142: {  	[sflag:s25] =	ssyncset.done $0x0  }
0x143: {  	[sflag:s25] =	ssyncadd.s32 $0xFFFFF000  }
0x144: {  	_ =	swait.ge [sflag:s24], $0x800  }
0x145: {  	[sflag:s24] =	ssyncset.done $0x0  }
0x146: {  	s6 =	simm.s32 @!p0 $0x6;
	[sflag:s24] =	ssyncadd.s32 $0xFFFFF800  }
0x147: {  	_ =	swait.ge @!p0 [sflag:s6], $0x1000  }
0x148: {  	[sflag:s6] =	ssyncset.done @!p0 $0x0  }
0x149: {  	s12 =	simm.s32 $0x17DF0;
	[sflag:s6] =	ssyncadd.s32 @!p0 $0xFFFFF000  }
0x14a: {  	v0 =	vld [tilespmem:s12+$0xFFFFFFF0]  }
0x14b: {  	s28 =	simm.s32 $0x1B5B0  }
0x14c: {  	v8 =	vld [tilespmem:s28+$0x0]  }
0x14d: {  	v2 =	vld [tilespmem:s12+$0xFFFFFF90]  }
0x14e: {  	v3 =	vld [tilespmem:s12+$0xFFFFFFB0]  }
0x14f: {  	v6 =	vld [tilespmem:s12+$0xFFFFFFD0];
	v1 =	vmul.f32 $9.999999770e-03, v0  }
0x150: {  	s6 =	simm.s32 $0x17E70;
	v4 =	vld [tilespmem:s28+$0xFFFFFFD0]  }
0x151: {  	v9 =	vld [tilespmem:s6+$0xFFFFFFF0];
	v0 =	vmax.f32 v0, v1  }
0x152: {  	v12 =	vld [tilespmem:s6+$0xFFFFFFB0];
	v5 =	vmul.f32 v0, v8  }
0x153: {  	s16 =	simm.s32 $0x19DF0;
	v14 =	vld [tilespmem:s6+$0xFFFFFFD0]  }
0x154: {  	v1 =	vld [tilespmem:s28+$0xFFFFFFE0];
	[tilespmem:s16+$0xFFFFFFF0] =	vst v5  }
0x155: {  	v7 =	vld [tilespmem:s12+$0x0]  }
0x156: {  	s31 =	simm.s32 $0x1B5F0;
	v11 =	vmul.f32 $9.999999770e-03, v2;
	v0 =	vld [tilespmem:s28+$0xFFFFFFF0]  }
0x157: {  	v13 =	vmul.f32 $9.999999770e-03, v3;
	v5 =	vld [tilespmem:s31+$0x0]  }
0x158: {  	v10 =	vld [tilespmem:s6+$0xFFFFFF90];
	v2 =	vmax.f32 v2, v11;
	v11 =	vmul.f32 $9.999999770e-03, v6  }
0x159: {  	v15 =	vmul.f32 $9.999999770e-03, v9;
	v3 =	vmax.f32 v3, v13;
	v13 =	vmul.f32 v2, v4;
	v2 =	vld [tilespmem:s31+$0xFFFFFFE0]  }
0x15a: {  	v6 =	vmax.f32 v6, v11;
	v61 =	vmul.f32 v3, v1;
	v3 =	vld [tilespmem:s31+$0xFFFFFFF0];
	v11 =	vmul.f32 $9.999999770e-03, v7  }
0x15b: {  	v9 =	vmax.f32 v9, v15;
	v15 =	vmul.f32 $9.999999770e-03, v12;
	[tilespmem:s16+$0xFFFFFF90] =	vst v13;
	v17 =	vmul.f32 v6, v0;
	v6 =	vld [tilespmem:s31+$0xFFFFFFD0]  }
0x15c: {  	v63 =	vmul.f32 $9.999999770e-03, v14;
	[tilespmem:s16+$0xFFFFFFB0] =	vst v61;
	v9 =	vmul.f32 v9, v5;
	v11 =	vmax.f32 v7, v11;
	v7 =	vld [tilespmem:s12+$0xFFFFFFA0]  }
0x15d: {  	s8 =	simm.s32 $0x19E70;
	v12 =	vmax.f32 v12, v15;
	v13 =	vmul.f32 $9.999999770e-03, v10;
	[tilespmem:s16+$0xFFFFFFD0] =	vst v17;
	v62 =	vmul.f32 v11, v8;
	v8 =	vld [tilespmem:s12+$0xFFFFFFC0]  }
0x15e: {  	v12 =	vmul.f32 v12, v2;
	[tilespmem:s8+$0xFFFFFFF0] =	vst v9;
	v9 =	vld [tilespmem:s12+$0xFFFFFFE0]  }
0x15f: {  	s11 =	simm.s32 $0x4;
	v11 =	vmax.f32 v10, v13;
	v13 =	vmax.f32 v14, v63;
	v10 =	vld [tilespmem:s6+$0x0];
	s12 =	simm.s32 $0x17EF0;
	[tilespmem:s16+$0x0] =	vst v62  }
.LBB2_13:
0x160: {  	v14 =	vld [tilespmem:s12+$0xFFFFFFF0];
	s11 =	sadd.s32 $0x4, s11;
	v11 =	vmul.f32 v11, v6;
	[tilespmem:s8+$0xFFFFFFB0] =	vst v12;
	v12 =	vmul.f32 v13, v3  }
0x161: {  	v13 =	vld [tilespmem:s12+$0xFFFFFF90];
	p0 =	slt.u32 s11, $0x7C;
	v15 =	vmul.f32 $9.999999770e-03, v7  }
0x162: {  	s31 =	sadd.s32 $0x40, s31;
	v16 =	vld [tilespmem:s12+$0xFFFFFFB0];
	[tilespmem:s8+$0xFFFFFF90] =	vst v11;
	v11 =	vmul.f32 $9.999999770e-03, v8  }
0x163: {  	v17 =	vld [tilespmem:s31+$0x0];
	[tilespmem:s8+$0xFFFFFFD0] =	vst v12;
	v7 =	vmax.f32 v7, v15;
	v12 =	vmul.f32 $9.999999770e-03, v9  }
0x164: {  	v15 =	vld [tilespmem:s12+$0xFFFFFFD0];
	v18 =	vmul.f32 $9.999999770e-03, v10;
	v7 =	vmul.f32 v7, v4;
	v8 =	vmax.f32 v8, v11;
	v4 =	vmovc v6  }
0x165: {  	v11 =	vmul.f32 $9.999999770e-03, v14;
	v8 =	vmul.f32 v8, v1;
	v6 =	vmax.f32 v9, v12;
	v1 =	vmovc v2;
	v2 =	vld [tilespmem:s31+$0xFFFFFFE0]  }
0x166: {  	v9 =	vmul.f32 $9.999999770e-03, v13;
	v10 =	vmax.f32 v10, v18;
	[tilespmem:s16+$0xFFFFFFA0] =	vst v7;
	v12 =	vmul.f32 v6, v0;
	v0 =	vmovc v3;
	v3 =	vld [tilespmem:s31+$0xFFFFFFF0]  }
.Ltmp9:
0x167: {  	v6 =	vld [tilespmem:s31+$0xFFFFFFD0];
	v18 =	vmul.f32 $9.999999770e-03, v16;
	v7 =	vmax.f32 v14, v11;
	v10 =	vmul.f32 v10, v5;
	[tilespmem:s16+$0xFFFFFFC0] =	vst v8;
	(pc) =	sbr.rel @p0 .LBB2_13-.Ltmp9, $4  }
0x168: {  	v11 =	vmax.f32 v13, v9;
	v9 =	vmul.f32 v7, v17;
	v7 =	vld [tilespmem:s6+$0xFFFFFFA0];
	[tilespmem:s16+$0xFFFFFFE0] =	vst v12;
	v5 =	vmov v17;
	s16 =	smov.u32 s8  }
0x169: {  	s8 =	sadd.s32 $0x80, s8;
	v12 =	vmax.f32 v16, v18;
	v13 =	vmul.f32 $9.999999770e-03, v15;
	v8 =	vld [tilespmem:s6+$0xFFFFFFC0];
	[tilespmem:s16+$0x0] =	vst v10  }
0x16a: {  	v12 =	vmul.f32 v12, v2;
	[tilespmem:s8+$0xFFFFFFF0] =	vst v9;
	v9 =	vld [tilespmem:s6+$0xFFFFFFE0];
	s6 =	smov.u32 s12  }
0x16b: {  	s12 =	sadd.s32 $0x80, s12;
	v13 =	vmax.f32 v15, v13;
	v10 =	vld [tilespmem:s6+$0x0]  }
0x16c: {  	v11 =	vmul.f32 v11, v6  }
0x16d: {  	v13 =	vmul.f32 v13, v3;
	[tilespmem:s8+$0xFFFFFFB0] =	vst v12  }
0x16e: {  	v51 =	vld [tilespmem:s6+$0xFFFFFFC0];
	[tilespmem:s8+$0xFFFFFF90] =	vst v11  }
0x16f: {  	v50 =	vmul.f32 $9.999999770e-03, v7;
	[tilespmem:s8+$0xFFFFFFD0] =	vst v13;
	v11 =	vld [tilespmem:s6+$0xFFFFFFA0]  }
0x170: {  	v14 =	vmul.f32 $9.999999770e-03, v8;
	v15 =	vld [tilespmem:s6+$0xFFFFFFE0]  }
0x171: {  	v7 =	vmax.f32 v7, v50;
	v52 =	vmul.f32 $9.999999770e-03, v9  }
0x172: {  	v4 =	vmul.f32 v7, v4;
	v53 =	vmax.f32 v8, v14;
	v54 =	vmul.f32 $9.999999770e-03, v10  }
0x173: {  	v1 =	vmul.f32 v53, v1;
	v55 =	vmax.f32 v9, v52;
	v57 =	vmul.f32 $9.999999770e-03, v51  }
0x174: {  	v8 =	vmax.f32 v10, v54;
	[tilespmem:s16+$0xFFFFFFA0] =	vst v4;
	v0 =	vmul.f32 v55, v0;
	v56 =	vmul.f32 $9.999999770e-03, v11  }
0x175: {  	v5 =	vmul.f32 v8, v5;
	[tilespmem:s16+$0xFFFFFFC0] =	vst v1;
	v59 =	vmul.f32 $9.999999770e-03, v15;
	v61 =	vmax.f32 v51, v57  }
0x176: {  	[tilespmem:s16+$0xFFFFFFE0] =	vst v0;
	v1 =	vmul.f32 v61, v2;
	v58 =	vmax.f32 v11, v56  }
.Ltmp10:
0x177: {  	[tilespmem:s8+$0x0] =	vst v5;
	v62 =	vmax.f32 v15, v59;
	v60 =	vmul.f32 v58, v6;
	(pc) =	sbr.rel @p1 .LBB2_16-.Ltmp10, $4  }
0x178: {  	v63 =	vmul.f32 v62, v3;
	[tilespmem:s8+$0xFFFFFFC0] =	vst v1  }
0x179: {  	[tilespmem:s8+$0xFFFFFFA0] =	vst v60  }
0x17a: {  	s31 =	sadd.s32 $0x11900, s14;
	[tilespmem:s8+$0xFFFFFFE0] =	vst v63  }
0x17b: {  	[spmem:s3] =	stream.indirect.scatter.add.f32 [tilespmem:s26], [sflag:$0x6], $0x20, s31, s29, $0xb8;
	[tilespmem:$0x1BD80] =	vst v63  }
0x17c: {  	s0 =	sadd.s32 $0x3, s0  }
0x17d: {  	s6 =	sshll.u32 s0, $0x7;
	s0 =	sshll.u32 s0, $0xB  }
.Ltmp11:
0x17e: {  	s6 =	sand.u32 $0x3FFFFF80, s6;
	s0 =	sadd.s32 s21, s0;
	(pc) =	sbr.rel .LBB2_10-.Ltmp11, $4  }
0x17f: {  	s6 =	sadd.s32 $0x10B80, s6;
	s0 =	sshrl.u32 s0, $0x3  }
0x180: {  	[tilespmem:s10], [sflag:$0x2] =	stream.indirect.gather [spmem:s3], $0x20, s6, s29, $0xb8;
	[tilespmem:$0x1BD80] =	vst v63  }
0x181: {  	s13 =	sadd.s32 $0x1, s13;
	s0 =	sadd.s32 s9, s0  }
0x182: {  	[tilespmem:s17], [sflag:$0x4] =	stream.linear.gather [hbm4b:s0+s5], $0x800, $0x38;
	[tilespmem:$0x1BD80] =	vst v63  }
.LBB2_16:
0x183: {  	s0 =	simm.s32 $0x5  }
0x184: {  	_ =	swait.ge [sflag:s0], $0x1000  }
0x185: {  	[sflag:s0] =	ssyncset.done $0x0  }
0x186: {  	[sflag:s0] =	ssyncadd.s32 $0xFFFFF000  }
0x187: {  	_ =	swait.ge [sflag:s30], $0x1000  }
0x188: {  	[sflag:s30] =	ssyncset.done $0x0  }
0x189: {  	[sflag:s30] =	ssyncadd.s32 $0xFFFFF000  }
0x18a: {  	[bflag:$0x0] =	sbarrier.arrive $0xFFFF  }
0x18b: {  	s6 =	sld [smem:$0x7FC]  }
0x18c: {  	s8 =	rddreg [dreg:$0x13]  }
0x18d: {  	s11 =	rddreg [dreg:$0x14];
	s13 =	sshrl.u32 s8, $0x3  }
0x18e: {  	[spmem:s13], [sflag:s6] =	dma.local [hbm:s11], $0x11A0  }
0x18f: {  	_ =	swait.ge [sflag:s15], $0x11A0  }
0x190: {  	[sflag:s15] =	ssyncset.done $0x0  }
0x191: {  	[sflag:s15] =	ssyncadd.s32 $0xFFFFEE60  }
0x192: {  	s12 =	simm.s32 $0x12580;
	s14 =	simm.s32 $0x16D80;
	[bflag:$0x0] =	sbarrier.arrive $0xFFFF  }
0x193: {  	[tilespmem:s14], [sflag:$0x1] =	stream.indirect.gather [spmem:s3], $0x20, s12, s29, $0xb8;
	[tilespmem:$0x1BD80] =	vst v63  }
0x194: {  	s0 =	simm.s32 $0x0;
	s8 =	simm.s32 $0x1AD80;
	s16 =	rddreg [dreg:$0x15]  }
0x195: {  	[tilespmem:s8], [sflag:$0x3] =	stream.linear.gather [hbm4b:s16+s0], $0x800, $0x38;
	[tilespmem:$0x1BD80] =	vst v63  }
0x196: {  	s28 =	simm.s32 $0x12600  }
0x197: {  	[tilespmem:s10], [sflag:$0x2] =	stream.indirect.gather [spmem:s3], $0x20, s28, s29, $0xb8;
	[tilespmem:$0x1BD80] =	vst v63  }
0x198: {  	s31 =	rddreg [dreg:$0x1d]  }
0x199: {  	[tilespmem:s17], [sflag:$0x4] =	stream.linear.gather [hbm4b:s31+s0], $0x800, $0x38;
	[tilespmem:$0x1BD80] =	vst v63  }
.LBB2_17:
0x19a: {  	_ =	swait.ge [sflag:s18], $0x1000  }
0x19b: {  	[sflag:s18] =	ssyncset.done $0x0  }
0x19c: {  	[sflag:s18] =	ssyncadd.s32 $0xFFFFF000  }
0x19d: {  	_ =	swait.ge [sflag:s20], $0x800  }
0x19e: {  	p0 =	seq.s32 s0, $0x0;
	[sflag:s20] =	ssyncset.done $0x0  }
0x19f: {  	s6 =	simm.s32 @!p0 $0x5;
	[sflag:s20] =	ssyncadd.s32 $0xFFFFF800  }
0x1a0: {  	_ =	swait.ge @!p0 [sflag:s6], $0x1000  }
0x1a1: {  	[sflag:s6] =	ssyncset.done @!p0 $0x0  }
0x1a2: {  	s11 =	simm.s32 $0x16DC0;
	[sflag:s6] =	ssyncadd.s32 @!p0 $0xFFFFF000  }
0x1a3: {  	v0 =	vld [tilespmem:s11+$0x20]  }
0x1a4: {  	s28 =	simm.s32 $0x1ADA0  }
0x1a5: {  	v8 =	vld [tilespmem:s28+$0x10]  }
0x1a6: {  	v2 =	vld [tilespmem:s11+$0xFFFFFFC0]  }
0x1a7: {  	v4 =	vld [tilespmem:s11+$0xFFFFFFE0]  }
0x1a8: {  	v6 =	vld [tilespmem:s11+$0x0];
	v1 =	vmul.f32 $9.999999770e-03, v0  }
0x1a9: {  	s6 =	simm.s32 $0x16E40;
	v3 =	vld [tilespmem:s28+$0xFFFFFFE0]  }
0x1aa: {  	v9 =	vld [tilespmem:s6+$0x20];
	v0 =	vmax.f32 v0, v1  }
0x1ab: {  	v12 =	vld [tilespmem:s6+$0xFFFFFFE0];
	v5 =	vmul.f32 v0, v8  }
0x1ac: {  	s16 =	simm.s32 $0x18DC0;
	v14 =	vld [tilespmem:s6+$0x0]  }
0x1ad: {  	v1 =	vld [tilespmem:s28+$0xFFFFFFF0];
	[tilespmem:s16+$0x20] =	vst v5  }
0x1ae: {  	v7 =	vld [tilespmem:s11+$0x30]  }
0x1af: {  	s31 =	simm.s32 $0x1ADE0;
	v11 =	vmul.f32 $9.999999770e-03, v2;
	v0 =	vld [tilespmem:s28+$0x0]  }
0x1b0: {  	v13 =	vmul.f32 $9.999999770e-03, v4;
	v5 =	vld [tilespmem:s31+$0x10]  }
0x1b1: {  	v10 =	vld [tilespmem:s6+$0xFFFFFFC0];
	v2 =	vmax.f32 v2, v11;
	v11 =	vmul.f32 $9.999999770e-03, v6  }
0x1b2: {  	v15 =	vmul.f32 $9.999999770e-03, v9;
	v4 =	vmax.f32 v4, v13;
	v13 =	vmul.f32 v2, v3;
	v2 =	vld [tilespmem:s31+$0xFFFFFFF0]  }
0x1b3: {  	v6 =	vmax.f32 v6, v11;
	v16 =	vmul.f32 v4, v1;
	v4 =	vld [tilespmem:s31+$0x0];
	v11 =	vmul.f32 $9.999999770e-03, v7  }
0x1b4: {  	v9 =	vmax.f32 v9, v15;
	v15 =	vmul.f32 $9.999999770e-03, v12;
	[tilespmem:s16+$0xFFFFFFC0] =	vst v13;
	v17 =	vmul.f32 v6, v0;
	v6 =	vld [tilespmem:s31+$0xFFFFFFE0]  }
0x1b5: {  	v63 =	vmul.f32 $9.999999770e-03, v14;
	[tilespmem:s16+$0xFFFFFFE0] =	vst v16;
	v9 =	vmul.f32 v9, v5;
	v11 =	vmax.f32 v7, v11;
	v7 =	vld [tilespmem:s11+$0xFFFFFFD0]  }
0x1b6: {  	s8 =	simm.s32 $0x18E40;
	v12 =	vmax.f32 v12, v15;
	v13 =	vmul.f32 $9.999999770e-03, v10;
	[tilespmem:s16+$0x0] =	vst v17;
	v62 =	vmul.f32 v11, v8;
	v8 =	vld [tilespmem:s11+$0xFFFFFFF0]  }
0x1b7: {  	v12 =	vmul.f32 v12, v2;
	[tilespmem:s8+$0x20] =	vst v9;
	v9 =	vld [tilespmem:s11+$0x10]  }
0x1b8: {  	s14 =	sshll.u32 s0, $0x1;
	s12 =	simm.s32 $0x16EC0;
	s11 =	simm.s32 $0x4;
	v11 =	vmax.f32 v10, v13;
	v13 =	vmax.f32 v14, v63;
	v10 =	vld [tilespmem:s6+$0x30];
	[tilespmem:s16+$0x30] =	vst v62  }
.LBB2_18:
0x1b9: {  	v14 =	vld [tilespmem:s12+$0x20];
	s11 =	sadd.s32 $0x4, s11;
	v11 =	vmul.f32 v11, v6;
	[tilespmem:s8+$0xFFFFFFE0] =	vst v12;
	v12 =	vmul.f32 v13, v4  }
0x1ba: {  	v13 =	vld [tilespmem:s12+$0xFFFFFFC0];
	p1 =	slt.u32 s11, $0x7C;
	v15 =	vmul.f32 $9.999999770e-03, v7  }
0x1bb: {  	s31 =	sadd.s32 $0x40, s31;
	v16 =	vld [tilespmem:s12+$0xFFFFFFE0];
	[tilespmem:s8+$0xFFFFFFC0] =	vst v11;
	v11 =	vmul.f32 $9.999999770e-03, v8  }
0x1bc: {  	v17 =	vld [tilespmem:s31+$0x10];
	[tilespmem:s8+$0x0] =	vst v12;
	v7 =	vmax.f32 v7, v15;
	v12 =	vmul.f32 $9.999999770e-03, v9  }
0x1bd: {  	v15 =	vld [tilespmem:s12+$0x0];
	v18 =	vmul.f32 $9.999999770e-03, v10;
	v7 =	vmul.f32 v7, v3;
	v8 =	vmax.f32 v8, v11;
	v3 =	vmovc v6  }
0x1be: {  	v11 =	vmul.f32 $9.999999770e-03, v14;
	v8 =	vmul.f32 v8, v1;
	v6 =	vmax.f32 v9, v12;
	v1 =	vmovc v2;
	v2 =	vld [tilespmem:s31+$0xFFFFFFF0]  }
0x1bf: {  	v9 =	vmul.f32 $9.999999770e-03, v13;
	v10 =	vmax.f32 v10, v18;
	[tilespmem:s16+$0xFFFFFFD0] =	vst v7;
	v12 =	vmul.f32 v6, v0;
	v0 =	vmovc v4;
	v4 =	vld [tilespmem:s31+$0x0]  }
.Ltmp12:
0x1c0: {  	v6 =	vld [tilespmem:s31+$0xFFFFFFE0];
	v18 =	vmul.f32 $9.999999770e-03, v16;
	v7 =	vmax.f32 v14, v11;
	v10 =	vmul.f32 v10, v5;
	[tilespmem:s16+$0xFFFFFFF0] =	vst v8;
	(pc) =	sbr.rel @p1 .LBB2_18-.Ltmp12, $4  }
0x1c1: {  	v11 =	vmax.f32 v13, v9;
	v9 =	vmul.f32 v7, v17;
	v7 =	vld [tilespmem:s6+$0xFFFFFFD0];
	[tilespmem:s16+$0x10] =	vst v12;
	v5 =	vmov v17;
	s16 =	smov.u32 s8  }
0x1c2: {  	s8 =	sadd.s32 $0x80, s8;
	v12 =	vmax.f32 v16, v18;
	v13 =	vmul.f32 $9.999999770e-03, v15;
	v8 =	vld [tilespmem:s6+$0xFFFFFFF0];
	[tilespmem:s16+$0x30] =	vst v10  }
0x1c3: {  	v12 =	vmul.f32 v12, v2;
	[tilespmem:s8+$0x20] =	vst v9;
	v9 =	vld [tilespmem:s6+$0x10];
	s6 =	smov.u32 s12  }
0x1c4: {  	s12 =	sadd.s32 $0x80, s12;
	v13 =	vmax.f32 v15, v13;
	v10 =	vld [tilespmem:s6+$0x30]  }
0x1c5: {  	v11 =	vmul.f32 v11, v6;
	_ =	sdelay $0x1  }
0x1c6: {  	v13 =	vmul.f32 v13, v4;
	[tilespmem:s8+$0xFFFFFFC0] =	vst v11  }
0x1c7: {  	[tilespmem:s8+$0xFFFFFFE0] =	vst v12;
	v11 =	vld [tilespmem:s6+$0xFFFFFFD0]  }
0x1c8: {  	v12 =	vmul.f32 $9.999999770e-03, v7;
	[tilespmem:s8+$0x0] =	vst v13;
	v13 =	vld [tilespmem:s6+$0xFFFFFFF0]  }
0x1c9: {  	v14 =	vmul.f32 $9.999999770e-03, v8;
	v15 =	vld [tilespmem:s6+$0x10]  }
0x1ca: {  	v7 =	vmax.f32 v7, v12;
	v12 =	vmul.f32 $9.999999770e-03, v9  }
0x1cb: {  	v16 =	vmul.f32 $9.999999770e-03, v10;
	v3 =	vmul.f32 v7, v3;
	v7 =	vmax.f32 v8, v14  }
0x1cc: {  	v1 =	vmul.f32 v7, v1;
	v7 =	vmax.f32 v9, v12;
	v8 =	vmul.f32 $9.999999770e-03, v11  }
0x1cd: {  	v9 =	vmax.f32 v10, v16;
	[tilespmem:s16+$0xFFFFFFD0] =	vst v3;
	v0 =	vmul.f32 v7, v0;
	v3 =	vmul.f32 $9.999999770e-03, v13  }
0x1ce: {  	v5 =	vmul.f32 v9, v5;
	[tilespmem:s16+$0xFFFFFFF0] =	vst v1;
	v7 =	vmul.f32 $9.999999770e-03, v15;
	v1 =	vmax.f32 v11, v8  }
0x1cf: {  	[tilespmem:s16+$0x10] =	vst v0;
	v0 =	vmul.f32 v1, v6;
	v1 =	vmax.f32 v13, v3  }
0x1d0: {  	[tilespmem:s8+$0x30] =	vst v5;
	v1 =	vmul.f32 v1, v2;
	v2 =	vmax.f32 v15, v7  }
0x1d1: {  	s16 =	sshll.u32 s0, $0x8;
	[tilespmem:s8+$0xFFFFFFD0] =	vst v0;
	v0 =	vmul.f32 v2, v4  }
0x1d2: {  	s16 =	sand.u32 $0x3FFFFF00, s16;
	[tilespmem:s8+$0xFFFFFFF0] =	vst v1  }
0x1d3: {  	p1 =	seq.s32 s0, $0x23;
	s6 =	sadd.s32 $0x14980, s16;
	[tilespmem:s8+$0x10] =	vst v0  }
0x1d4: {  	[spmem:s3] =	stream.indirect.scatter.add.f32 [tilespmem:s23], [sflag:$0x5], $0x20, s6, s29, $0xb8;
	[tilespmem:$0x1BD80] =	vst v63  }
0x1d5: {  	s6 =	sadd.s32 @!p1 $0x2, s14  }
0x1d6: {  	s8 =	sshll.u32 @!p1 s6, $0x7;
	s6 =	sshll.u32 @!p1 s6, $0xB  }
0x1d7: {  	s11 =	simm.s32 @!p1 $0x80;
	s8 =	sand.u32 @!p1 $0x3FFFFF80, s8;
	s6 =	sadd.s32 @!p1 s22, s6  }
0x1d8: {  	s12 =	simm.s32 @!p1 $0x16D80;
	s8 =	sadd.s32 @!p1 $0x12580, s8;
	s6 =	sshrl.u32 @!p1 s6, $0x3  }
0x1d9: {  	[tilespmem:s12], [sflag:$0x1] =	stream.indirect.gather @!p1 [spmem:s3], $0x20, s8, s11, $0xb8;
	[tilespmem:$0x1BD80] =	vst v63  }
0x1da: {  	s6 =	sadd.s32 @!p1 s1, s6;
	s8 =	simm.s32 @!p1 $0x0;
	s11 =	simm.s32 @!p1 $0x1AD80  }
0x1db: {  	[tilespmem:s11], [sflag:$0x3] =	stream.linear.gather @!p1 [hbm4b:s6+s8], $0x800, $0x38;
	[tilespmem:$0x1BD80] =	vst v63  }
0x1dc: {  	_ =	swait.ge [sflag:s25], $0x1000  }
0x1dd: {  	[sflag:s25] =	ssyncset.done $0x0  }
0x1de: {  	[sflag:s25] =	ssyncadd.s32 $0xFFFFF000  }
0x1df: {  	_ =	swait.ge [sflag:s24], $0x800  }
0x1e0: {  	[sflag:s24] =	ssyncset.done $0x0  }
0x1e1: {  	s6 =	simm.s32 @!p0 $0x6;
	[sflag:s24] =	ssyncadd.s32 $0xFFFFF800  }
0x1e2: {  	_ =	swait.ge @!p0 [sflag:s6], $0x1000  }
0x1e3: {  	[sflag:s6] =	ssyncset.done @!p0 $0x0  }
0x1e4: {  	s12 =	simm.s32 $0x17DF0;
	[sflag:s6] =	ssyncadd.s32 @!p0 $0xFFFFF000  }
0x1e5: {  	v0 =	vld [tilespmem:s12+$0xFFFFFFF0]  }
0x1e6: {  	s11 =	simm.s32 $0x1B5B0  }
0x1e7: {  	v8 =	vld [tilespmem:s11+$0x0]  }
0x1e8: {  	v2 =	vld [tilespmem:s12+$0xFFFFFF90]  }
0x1e9: {  	v3 =	vld [tilespmem:s12+$0xFFFFFFB0]  }
0x1ea: {  	v6 =	vld [tilespmem:s12+$0xFFFFFFD0];
	v1 =	vmul.f32 $9.999999770e-03, v0  }
0x1eb: {  	s8 =	simm.s32 $0x17E70;
	v4 =	vld [tilespmem:s11+$0xFFFFFFD0]  }
0x1ec: {  	v9 =	vld [tilespmem:s8+$0xFFFFFFF0];
	v0 =	vmax.f32 v0, v1  }
0x1ed: {  	v12 =	vld [tilespmem:s8+$0xFFFFFFB0];
	v5 =	vmul.f32 v0, v8  }
0x1ee: {  	s6 =	simm.s32 $0x19DF0;
	v14 =	vld [tilespmem:s8+$0xFFFFFFD0]  }
0x1ef: {  	v1 =	vld [tilespmem:s11+$0xFFFFFFE0];
	[tilespmem:s6+$0xFFFFFFF0] =	vst v5  }
0x1f0: {  	v7 =	vld [tilespmem:s12+$0x0]  }
0x1f1: {  	v11 =	vmul.f32 $9.999999770e-03, v2;
	v0 =	vld [tilespmem:s11+$0xFFFFFFF0];
	s11 =	simm.s32 $0x1B5F0  }
0x1f2: {  	v13 =	vmul.f32 $9.999999770e-03, v3;
	v5 =	vld [tilespmem:s11+$0x0]  }
0x1f3: {  	v10 =	vld [tilespmem:s8+$0xFFFFFF90];
	v2 =	vmax.f32 v2, v11;
	v11 =	vmul.f32 $9.999999770e-03, v6  }
0x1f4: {  	v15 =	vmul.f32 $9.999999770e-03, v9;
	v3 =	vmax.f32 v3, v13;
	v13 =	vmul.f32 v2, v4;
	v2 =	vld [tilespmem:s11+$0xFFFFFFE0]  }
0x1f5: {  	v6 =	vmax.f32 v6, v11;
	v61 =	vmul.f32 v3, v1;
	v3 =	vld [tilespmem:s11+$0xFFFFFFF0];
	v11 =	vmul.f32 $9.999999770e-03, v7  }
0x1f6: {  	v9 =	vmax.f32 v9, v15;
	v15 =	vmul.f32 $9.999999770e-03, v12;
	[tilespmem:s6+$0xFFFFFF90] =	vst v13;
	v17 =	vmul.f32 v6, v0;
	v6 =	vld [tilespmem:s11+$0xFFFFFFD0]  }
0x1f7: {  	v63 =	vmul.f32 $9.999999770e-03, v14;
	[tilespmem:s6+$0xFFFFFFB0] =	vst v61;
	v9 =	vmul.f32 v9, v5;
	v11 =	vmax.f32 v7, v11;
	v7 =	vld [tilespmem:s12+$0xFFFFFFA0]  }
0x1f8: {  	s31 =	simm.s32 $0x19E70;
	v12 =	vmax.f32 v12, v15;
	v13 =	vmul.f32 $9.999999770e-03, v10;
	[tilespmem:s6+$0xFFFFFFD0] =	vst v17;
	v62 =	vmul.f32 v11, v8;
	v8 =	vld [tilespmem:s12+$0xFFFFFFC0]  }
0x1f9: {  	v12 =	vmul.f32 v12, v2;
	[tilespmem:s31+$0xFFFFFFF0] =	vst v9;
	v9 =	vld [tilespmem:s12+$0xFFFFFFE0]  }
0x1fa: {  	s28 =	simm.s32 $0x17EF0;
	s12 =	simm.s32 $0x4;
	v11 =	vmax.f32 v10, v13;
	v13 =	vmax.f32 v14, v63;
	v10 =	vld [tilespmem:s8+$0x0];
	[tilespmem:s6+$0x0] =	vst v62  }
.LBB2_20:
0x1fb: {  	v14 =	vld [tilespmem:s28+$0xFFFFFFF0];
	s12 =	sadd.s32 $0x4, s12;
	v11 =	vmul.f32 v11, v6;
	[tilespmem:s31+$0xFFFFFFB0] =	vst v12;
	v12 =	vmul.f32 v13, v3  }
0x1fc: {  	v13 =	vld [tilespmem:s28+$0xFFFFFF90];
	p0 =	slt.u32 s12, $0x7C;
	v15 =	vmul.f32 $9.999999770e-03, v7  }
0x1fd: {  	s11 =	sadd.s32 $0x40, s11;
	v16 =	vld [tilespmem:s28+$0xFFFFFFB0];
	[tilespmem:s31+$0xFFFFFF90] =	vst v11;
	v11 =	vmul.f32 $9.999999770e-03, v8  }
0x1fe: {  	v17 =	vld [tilespmem:s11+$0x0];
	[tilespmem:s31+$0xFFFFFFD0] =	vst v12;
	v7 =	vmax.f32 v7, v15;
	v12 =	vmul.f32 $9.999999770e-03, v9  }
0x1ff: {  	v15 =	vld [tilespmem:s28+$0xFFFFFFD0];
	v18 =	vmul.f32 $9.999999770e-03, v10;
	v7 =	vmul.f32 v7, v4;
	v8 =	vmax.f32 v8, v11;
	v4 =	vmovc v6  }
0x200: {  	v11 =	vmul.f32 $9.999999770e-03, v14;
	v8 =	vmul.f32 v8, v1;
	v6 =	vmax.f32 v9, v12;
	v1 =	vmovc v2;
	v2 =	vld [tilespmem:s11+$0xFFFFFFE0]  }
0x201: {  	v9 =	vmul.f32 $9.999999770e-03, v13;
	v10 =	vmax.f32 v10, v18;
	[tilespmem:s6+$0xFFFFFFA0] =	vst v7;
	v12 =	vmul.f32 v6, v0;
	v0 =	vmovc v3;
	v3 =	vld [tilespmem:s11+$0xFFFFFFF0]  }
.Ltmp13:
0x202: {  	v6 =	vld [tilespmem:s11+$0xFFFFFFD0];
	v18 =	vmul.f32 $9.999999770e-03, v16;
	v7 =	vmax.f32 v14, v11;
	v10 =	vmul.f32 v10, v5;
	[tilespmem:s6+$0xFFFFFFC0] =	vst v8;
	(pc) =	sbr.rel @p0 .LBB2_20-.Ltmp13, $4  }
0x203: {  	v11 =	vmax.f32 v13, v9;
	v9 =	vmul.f32 v7, v17;
	v7 =	vld [tilespmem:s8+$0xFFFFFFA0];
	[tilespmem:s6+$0xFFFFFFE0] =	vst v12;
	v5 =	vmov v17;
	s6 =	smov.u32 s31  }
0x204: {  	s31 =	sadd.s32 $0x80, s31;
	v12 =	vmax.f32 v16, v18;
	v13 =	vmul.f32 $9.999999770e-03, v15;
	v8 =	vld [tilespmem:s8+$0xFFFFFFC0];
	[tilespmem:s6+$0x0] =	vst v10  }
0x205: {  	v12 =	vmul.f32 v12, v2;
	[tilespmem:s31+$0xFFFFFFF0] =	vst v9;
	v9 =	vld [tilespmem:s8+$0xFFFFFFE0];
	s8 =	smov.u32 s28  }
0x206: {  	s28 =	sadd.s32 $0x80, s28;
	v13 =	vmax.f32 v15, v13;
	v10 =	vld [tilespmem:s8+$0x0]  }
0x207: {  	v11 =	vmul.f32 v11, v6  }
0x208: {  	v13 =	vmul.f32 v13, v3;
	[tilespmem:s31+$0xFFFFFFB0] =	vst v12  }
0x209: {  	v51 =	vld [tilespmem:s8+$0xFFFFFFC0];
	[tilespmem:s31+$0xFFFFFF90] =	vst v11  }
0x20a: {  	v50 =	vmul.f32 $9.999999770e-03, v7;
	[tilespmem:s31+$0xFFFFFFD0] =	vst v13;
	v11 =	vld [tilespmem:s8+$0xFFFFFFA0]  }
0x20b: {  	v14 =	vmul.f32 $9.999999770e-03, v8;
	v15 =	vld [tilespmem:s8+$0xFFFFFFE0]  }
0x20c: {  	v7 =	vmax.f32 v7, v50;
	v52 =	vmul.f32 $9.999999770e-03, v9  }
0x20d: {  	v4 =	vmul.f32 v7, v4;
	v53 =	vmax.f32 v8, v14;
	v54 =	vmul.f32 $9.999999770e-03, v10  }
0x20e: {  	v1 =	vmul.f32 v53, v1;
	v55 =	vmax.f32 v9, v52;
	v57 =	vmul.f32 $9.999999770e-03, v51  }
0x20f: {  	v8 =	vmax.f32 v10, v54;
	[tilespmem:s6+$0xFFFFFFA0] =	vst v4;
	v0 =	vmul.f32 v55, v0;
	v56 =	vmul.f32 $9.999999770e-03, v11  }
0x210: {  	v5 =	vmul.f32 v8, v5;
	[tilespmem:s6+$0xFFFFFFC0] =	vst v1;
	v59 =	vmul.f32 $9.999999770e-03, v15;
	v61 =	vmax.f32 v51, v57  }
0x211: {  	[tilespmem:s6+$0xFFFFFFE0] =	vst v0;
	v1 =	vmul.f32 v61, v2;
	v58 =	vmax.f32 v11, v56  }
.Ltmp14:
0x212: {  	[tilespmem:s31+$0x0] =	vst v5;
	v62 =	vmax.f32 v15, v59;
	v60 =	vmul.f32 v58, v6;
	(pc) =	sbr.rel @p1 .LBB2_23-.Ltmp14, $4  }
0x213: {  	v63 =	vmul.f32 v62, v3;
	[tilespmem:s31+$0xFFFFFFC0] =	vst v1  }
0x214: {  	[tilespmem:s31+$0xFFFFFFA0] =	vst v60  }
0x215: {  	[tilespmem:s31+$0xFFFFFFE0] =	vst v63;
	s31 =	sadd.s32 $0x14A00, s16  }
0x216: {  	[spmem:s3] =	stream.indirect.scatter.add.f32 [tilespmem:s26], [sflag:$0x6], $0x20, s31, s29, $0xb8;
	[tilespmem:$0x1BD80] =	vst v63  }
0x217: {  	s6 =	sadd.s32 $0x3, s14  }
0x218: {  	s8 =	sshll.u32 s6, $0x7;
	s6 =	sshll.u32 s6, $0xB  }
.Ltmp15:
0x219: {  	s8 =	sand.u32 $0x3FFFFF80, s8;
	s6 =	sadd.s32 s22, s6;
	(pc) =	sbr.rel .LBB2_17-.Ltmp15, $4  }
0x21a: {  	s8 =	sadd.s32 $0x12580, s8;
	s6 =	sshrl.u32 s6, $0x3  }
0x21b: {  	[tilespmem:s10], [sflag:$0x2] =	stream.indirect.gather [spmem:s3], $0x20, s8, s29, $0xb8;
	[tilespmem:$0x1BD80] =	vst v63  }
0x21c: {  	s0 =	sadd.s32 $0x1, s0;
	s6 =	sadd.s32 s1, s6  }
0x21d: {  	[tilespmem:s17], [sflag:$0x4] =	stream.linear.gather [hbm4b:s6+s5], $0x800, $0x38;
	[tilespmem:$0x1BD80] =	vst v63  }
.LBB2_25:
0x21e: {  	_ =	sfence.sel $0x180000  }
0x21f: {  	[bflag:$0x0] =	sbarrier.arrive $0xFFFF  }
0x220: {  	_ =	strace $0x90000047  }
0x221: {  	s0 =	stileid.u32;
	[bflag:$0x2] =	sbarrier.arrive $0xFFFF  }
0x222: {  	p0 =	sne.s32 s0, $0x0;
	s0 =	rddreg [dreg:$0x4]  }
0x223: {  	s0 =	sadd.s32 @!p0 $0x100000, s0  }
0x224: {  	[sflag:s0] =	ssyncadd.tile.s32 @!p0 $0x1;
	_ =	shalt  }
.Lfunc_end2:
_tile_overlayer_lowered:
.L_overlay_start_2:
0x225: {  	(tag) =	ssettag $0x2  }
0x226: {  	s0 =	rddreg [dreg:$0x0];
	s2 =	stileid.u32  }
0x227: {  	s1 =	rddreg [dreg:$0x1];
	p0 =	sne.s32 s2, $0x0  }
0x228: {  	s3 =	rddreg [dreg:$0x2];
	[bflag:$0x3] =	sbarrier.arrive $0xFFFF;
	s2 =	simm.s32 @!p0 $0x1C09  }
0x229: {  	[timem:s3], [sflag:s2] =	dma.local @!p0 [hbm:s0], s1  }
0x22a: {  	s0 =	simm.s32 @!p0 $0x9  }
0x22b: {  	_ =	swait.ge @!p0 [sflag:s0], s1  }
0x22c: {  	s1 =	ssub.s32 @!p0 $0x0, s1;
	[sflag:s0] =	ssyncset.done @!p0 $0x0  }
0x22d: {  	[sflag:s0] =	ssyncadd.s32 @!p0 s1  }
0x22e: {  	[bflag:$0x3] =	sbarrier.arrive $0xFFFF  }
0x22f: {  	_ =	shalt  }

// kernel: sparse-core-data-format-call.1.cloned.1.call-start
scs
called_computation.1_lowered:
.L_overlay_start_0:
0x0: {  	s1 =	sld [smem:$0x3FD9]  }
0x1: {  	s2 =	sld [smem:$0x3FFE];
	_ =	sdelay $0x1  }
0x2: {  	s3 =	srdreg.scid  }
0x3: {  	s0 =	sand.u32 $0x1, s3  }
0x4: {  	s17 =	sshll.u32 s0, $0xA;
	s1 =	sadd.s32 s2, s1  }
0x5: {  	s1 =	sadd.s32 s1, s17  }
0x6: {  	[smem:$0x3FBB] =	sst s1  }
0x7: {  	_ = 	snop  }
0x8: {  	(tm) =	ssettm $0x1  }
0x9: {  	s18 =	sld [smem:$0x3FFB];
	_ =	sdelay $0x3  }
0xa: {  	_ =	strace s18  }
0xb: {  	s1 =	sld [smem:$0x3FFC];
	_ =	sdelay $0x3  }
0xc: {  	_ =	strace s1  }
0xd: {  	s1 =	sld [smem:$0x3FFD];
	_ =	sdelay $0x3  }
0xe: {  	_ =	strace s1  }
0xf: {  	_ =	strace $0x8FFFFFFF  }
0x10: {  	s19 =	sld [smem:$0x3FDB];
	_ =	sdelay $0x1  }
0x11: {  	s20 =	simm.s32 $_scs_section_size  }
0x12: {  	s4 =	simm.s32 $_size__tile_overlayer_lowered;
	s5 =	simm.s32 $_tile_overlayer_lowered  }
0x13: {  	s23 =	simm.s32 $0x1BFF;
	s22 =	sshll.u32 s5, $0x1;
	s1 =	sadd.s32 s20, s19  }
0x14: {  	s6 =	simm.s32 $0x0;
	s21 =	sshll.u32 s4, $0x1;
	s4 =	sadd.s32 s22, s1  }
0x15: {  	[timem:s6], [sflag:s23] =	dma.local [hbm:s4], s21  }
0x16: {  	_ =	swait.ge [sflag:s23], s21  }
0x17: {  	s2 =	ssub.s32 $0x0, s21;
	[sflag:s23] =	ssyncset.done $0x0  }
0x18: {  	[sflag:s23] =	ssyncadd.s32 s2;
	_ =	sdelay $0x1  }
0x19: {  	s24 =	simm.s32 $0x1B8B  }
0x1a: {  	_ =	swait.ge [sflag:s24], $0x1  }
0x1b: {  	[sflag:s24] =	ssyncset.done $0x0  }
0x1c: {  	s26 =	simm.s32 $0x1B8E;
	s25 =	sld [smem:$0x3FFE];
	[sflag:s24] =	ssyncadd.s32 $0xFFFFFFFF  }
0x1d: {  	s27 =	simm.s32 $execute0_lowered;
	[smem:$0x3FD2] =	sst s26  }
0x1e: {  	s4 =	sshll.u32 s27, $0x1;
	_ =	strace $0x80000049;
	[dreg:$0x1] =	wrdreg $0xFFFFFFFF  }
0x1f: {  	s28 =	simm.s32 $_size_execute0_lowered;
	s1 =	sadd.s32 s1, s4;
	[dreg:$0x0] =	wrdreg $0x0  }
0x20: {  	s4 =	sshll.u32 s28, $0x1;
	[dreg:$0x2] =	wrdreg s1  }
0x21: {  	[dreg:$0x3] =	wrdreg s4  }
0x22: {  	[dreg:$0x4] =	wrdreg $0xC0  }
0x23: {  	_ =	task [dreg:s6], $0x5FFFF  }
0x24: {  	[dreg:$0x1] =	wrdreg $0xFFFFFFFF  }
0x25: {  	[dreg:$0x0] =	wrdreg $0x60  }
0x26: {  	[dreg:$0x2] =	wrdreg s25  }
0x27: {  	[dreg:$0x3] =	wrdreg $0x9  }
0x28: {  	_ =	task.clear_ibuf [dreg:s6], $0x4FFFF;
	_ =	strace $0x90000049  }
0x29: {  	s29 =	simm.s32 $0x9;
	_ =	strace $0x8000004B  }
0x2a: {  	_ =	swait.ge [sflag:s29], $0x1  }
0x2b: {  	[sflag:s29] =	ssyncadd.s32 $0xFFFFFFFF  }
0x2c: {  	_ =	strace $0x9000004B  }
0x2d: {  	_ =	sfence  }
0x2e: {  	s30 =	sld [smem:$0x0];
	_ =	sdelay $0x2  }
0x2f: {  	s31 =	sshll.u32 s3, $0xD;
	s3 =	sshrl.u32 s3, $0x2  }
0x30: {  	s2 =	sand.u32 $0x4000, s31;
	s1 =	sadd.s32 s3, s30  }
0x31: {  	s0 =	sor.u32 s2, s0;
	s1 =	sshll.u32 s1, $0x11  }
0x32: {  	s0 =	sor.u32 s1, s0  }
0x33: {  	s0 =	sadd.s32 $0x8F2B, s0  }
0x34: {  	[sflag:s0] =	ssyncadd.remote.s32 $0x1  }
0x35: {  	_ =	sfence.sel $0xFFFF  }
0x36: {  	[dreg:$0x0] =	wrdreg $0xFFFFFFFF;
	(pc) =	sbr.abs _section_cstart, $3  }
0x37: {  	[dreg:$0x1] =	wrdreg $0xFFFFFFFF  }
0x38: {  	_ =	task.clear_ibuf [dreg:s6], $0x2FFFF;
	_ =	strace $0x9FFFFFFF  }
0x39: {  	(tm) =	ssettm $0x7FFFFFFF  }
tec
execute0_lowered:
.L_overlay_start_1:
0x0: {  	(tag) =	ssettag $0x1  }
0x1: {  	s10 =	rddreg [dreg:$0x0]  }
0x2: {  	s0 =	rddreg [dreg:$0x1]  }
0x3: {  	_ =	strace $0x8000004A;
	s1 =	stileid.u32;
	s2 =	srdreg.scid  }
0x4: {  	s6 =	simm.s32 $0x1;
	s31 =	simm.s32 $0x2;
	s17 =	simm.s32 $0x0  }
0x5: {  	s12 =	simm.s32 $0x23400;
	s16 =	simm.s32 $0x0;
	s15 =	simm.s32 $0x0  }
0x6: {  	s3 =	sshll.u32 s1, $0x2;
	s4 =	sshll.u32 s1, $0x4;
	s5 =	sshll.u32 s2, $0x8  }
0x7: {  	s2 =	sadd.s32 $0x2C8600, s10;
	s3 =	sand.u32 $0x1C, s3;
	s5 =	sor.u32 s4, s5  }
0x8: {  	[sflag:s6] =	ssyncpa.u1 $0x0;
	s5 =	sand.u32 $0x180, s5;
	s7 =	ssub.s32 $0x20, s3  }
0x9: {  	s8 =	sand.u32 $0x1C, s7;
	s9 =	ssub.s32 $0x4680, s5;
	s7 =	sshrl.u32 s7, $0x5  }
0xa: {  	p0 =	sne.s32 s8, $0x0;
	s8 =	simm.s32 $0x1;
	s11 =	sand.u32 $0x180, s9  }
0xb: {  	s8 =	simm.s32 @!p0 $0x0;
	p0 =	sne.s32 s11, $0x0;
	s11 =	simm.s32 $0x1  }
.Ltmp0:
0xc: {  	s9 =	sshrl.u32 s9, $0x9;
	s11 =	simm.s32 @!p0 $0x0;
	(pc) =	sbr.rel .LBB1_1-.Ltmp0, $4  }
0xd: {  	s4 =	sadd.s32 $0x2A00, s10;
	s7 =	sadd.s32 s8, s7;
	s30 =	sadd.s32 s11, s9  }
0xe: {  	[sflag:s31] =	ssyncpa.u1 $0x0;
	s14 =	smov.u32 s3;
	s7 =	smul.u32 s7, s30  }
0xf: {  	s13 =	smov.u32 s5;
	s8 =	sadd.s32 $0x30EE00, s10;
	p0 =	por $0x0, $0x0  }
0x10: {  	s9 =	sadd.s32 $0x355600, s10;
	s10 =	sadd.s32 $0x39BE00, s10;
	s11 =	sadd.s32 $0x1, s7  }
.LBB1_7:
0x11: {  	s18 =	sadd.s32 $0x200, s13  }
0x12: {  	s16 =	sadd.s32 $0x20, s14;
	s20 =	smov.u32 s14;
	p2 =	sgt.s32 s18, $0x467F  }
0x13: {  	s20 =	smov.u32 @p2 s16  }
0x14: {  	s18 =	smov.u32 @p2 s5;
	p2 =	sgt.s32 s20, $0x1F  }
0x15: {  	s20 =	smov.u32 @p2 s3;
	p2 =	sne.s32 s15, s11  }
.Ltmp1:
0x16: {  	p1 =	slt.u32 s15, $0x2;
	(pc) =	sbr.rel @!p2 .LBB1_8-.Ltmp1, $4  }
0x17: {  	s19 =	simm.s32 @!p1 $0x2  }
0x18: {  	s17 =	smov.u32 s13;
	p0 =	por !p0, !p0;
	_ =	swait.ge @!p1 [sflag:s19], $0x4000  }
0x19: {  	s16 =	smov.u32 s14;
	[sflag:s19] =	ssyncset.done @!p1 $0x0;
	s13 =	smov.u32 s18  }
0x1a: {  	s15 =	sadd.s32 $0x1, s15;
	[sflag:s19] =	ssyncadd.s32 @!p1 $0xFFFFC000;
	s14 =	smov.u32 s20  }
.LBB1_1:
0x1b: {  	p1 =	sge.u32 s15, s7  }
0x1c: {  	s18 =	sand.u32 @!p1 $0x1FFFFFF, s13  }
0x1d: {  	s19 =	smulhi.u32 @!p1 $0x1D0CB59, s18;
	_ =	sdelay $0x1  }
0x1e: {  	s19 =	sshrl.u32 @!p1 s19, $0x7  }
0x1f: {  	s19 =	smul.u32 @!p1 $0x4680, s19  }
0x20: {  	s20 =	sxor.u32 @!p1 $0xFFFFFFFF, s15;
	s21 =	smul.u32 @!p1 $0x46800, s14  }
0x21: {  	s20 =	sshll.u32 @!p1 s20, $0xE;
	s18 =	ssub.s32 @!p1 s18, s19  }
0x22: {  	s19 =	sand.u32 @!p1 $0x4000, s20;
	s20 =	sadd.s32 @!p1 s2, s21;
	s18 =	sshll.u32 @!p1 s18, $0x4  }
0x23: {  	s22 =	simm.s32 @!p1 $0x20;
	s23 =	simm.s32 @!p1 $0x80;
	s20 =	sadd.s32 @!p1 s18, s20  }
0x24: {  	[tilespmem:s19], [sflag:$0x1] =	stream.strided.gather @!p1 [hbm4b:s20+s22], $0x1000, s23, s22, $0x38;
	[tilespmem:$0x10100] =	vst v63  }
0x25: {  	s20 =	sadd.s32 @!p1 s21, s8  }
0x26: {  	s24 =	sor.u32 @!p1 $0x1000, s19;
	s20 =	sadd.s32 @!p1 s18, s20  }
0x27: {  	[tilespmem:s24], [sflag:$0x1] =	stream.strided.gather @!p1 [hbm4b:s20+s22], $0x1000, s23, s22, $0x38;
	[tilespmem:$0x10100] =	vst v63  }
0x28: {  	s20 =	sadd.s32 @!p1 s21, s9  }
0x29: {  	s24 =	sor.u32 @!p1 $0x2000, s19;
	s20 =	sadd.s32 @!p1 s18, s20  }
0x2a: {  	[tilespmem:s24], [sflag:$0x1] =	stream.strided.gather @!p1 [hbm4b:s20+s22], $0x1000, s23, s22, $0x38;
	[tilespmem:$0x10100] =	vst v63  }
0x2b: {  	s20 =	sadd.s32 @!p1 s21, s10  }
0x2c: {  	s31 =	sadd.s32 $0xFFFFFFFF, s15;
	s19 =	sor.u32 @!p1 $0x3000, s19;
	s18 =	sadd.s32 @!p1 s18, s20  }
0x2d: {  	[tilespmem:s19], [sflag:$0x1] =	stream.strided.gather @!p1 [hbm4b:s18+s22], $0x1000, s23, s22, $0x38;
	[tilespmem:$0x10100] =	vst v63  }
0x2e: {  	p1 =	sge.u32 s31, s7  }
.Ltmp2:
0x2f: {  	_ = 	snop;
	(pc) =	sbr.rel @p1 .LBB1_7-.Ltmp2, $1  }
0x30: {  	_ =	sdelay $0x3  }
0x31: {  	s18 =	simm.s32 $0x1;
	s20 =	sand.u32 $0x1, s15  }
0x32: {  	_ =	swait.ge [sflag:s6], $0x4000;
	s18 =	simm.s32 @!p0 $0x0;
	s21 =	smul.u32 $0x10200, s20  }
0x33: {  	[sflag:s6] =	ssyncset.done $0x0;
	s19 =	smul.u32 $0x10200, s18  }
0x34: {  	s18 =	sshll.u32 s18, $0xE;
	[sflag:s6] =	ssyncadd.s32 $0xFFFFC000  }
0x35: {  	s20 =	sor.u32 $0x10, s18;
	s31 =	sshrl.u32 s21, $0x2;
	s19 =	sshrl.u32 s19, $0x2  }
0x36: {  	s21 =	simm.s32 $0x0;
	s18 =	sor.u32 $0x8000, s31;
	s19 =	sor.u32 $0x8000, s19  }
.LBB1_3:
0x37: {  	v1 =	vld [tilespmem:s20+$0x0]  }
0x38: {  	v0 =	vld [tilespmem:s20+$0xFFFFFFF0];
	_ =	sdelay $0x2  }
0x39: {  	s24 =	sadd.s32 $0x0, s19  }
0x3a: {  	s22 =	simm.s32 $0x4;
	s23 =	sadd.s32 $0x20, s20;
	[tilespmem:s24+$0x810 ss:$0x81] =	vst.msk $0xffff, v1  }
.LBB1_4:
0x3b: {  	v1 =	vld [tilespmem:s23+$0x0];
	p1 =	sne.s32 s22, $0x1FC;
	[tilespmem:s24+$0x0 ss:$0x81] =	vst.msk $0xffff, v0;
	s24 =	smov.u32 s22;
	s22 =	sadd.s32 $0x4, s22  }
.Ltmp3:
0x3c: {  	v0 =	vld [tilespmem:s23+$0xFFFFFFF0];
	(pc) =	sbr.rel @p1 .LBB1_4-.Ltmp3, $4  }
0x3d: {  	_ = 	snop  }
0x3e: {  	s24 =	sshra.s32 s24, $0x2  }
0x3f: {  	s24 =	sadd.s32 s24, s19  }
0x40: {  	s23 =	sadd.s32 $0x20, s23;
	[tilespmem:s24+$0x810 ss:$0x81] =	vst.msk $0xffff, v1  }
0x41: {  	s21 =	sadd.s32 $0x1, s21  }
0x42: {  	p1 =	sne.s32 s21, $0x4  }
.Ltmp4:
0x43: {  	_ = 	snop;
	(pc) =	sbr.rel @p1 .LBB1_3-.Ltmp4, $2  }
0x44: {  	_ =	sdelay $0x2  }
0x45: {  	[tilespmem:s24+$0x0 ss:$0x81] =	vst.msk $0xffff, v0;
	s19 =	sadd.s32 $0x1020, s19;
	s20 =	sadd.s32 $0x1000, s20  }
0x46: {  	s19 =	sshll.u32 s17, $0x3  }
0x47: {  	s29 =	sand.u32 $0x7F, s17;
	s19 =	sand.u32 $0xFFFFFC00, s19  }
0x48: {  	s17 =	sor.u32 s29, s19;
	s19 =	smulhi.u32 $0x3A196B1F, s19  }
0x49: {  	s20 =	smulhi.u32 $0x3A196B1F, s17;
	_ =	sdelay $0x1  }
0x4a: {  	s16 =	smul.u32 $0x11A00, s16;
	s19 =	sshrl.u32 s19, $0xC;
	s20 =	sshrl.u32 s20, $0xC  }
0x4b: {  	s19 =	sand.u32 $0x1F, s19;
	s20 =	smul.u32 $0x4680, s20  }
0x4c: {  	s19 =	smul.u32 $0x8D0, s19  }
.Ltmp5:
0x4d: {  	s17 =	ssub.s32 s17, s20;
	(pc) =	sbr.rel .LBB1_7-.Ltmp5, $4  }
0x4e: {  	s16 =	sadd.s32 s4, s16;
	s20 =	sand.u32 $0x7, s17  }
0x4f: {  	s16 =	sadd.s32 s19, s16;
	s17 =	sshrl.u32 s17, $0x3;
	s30 =	sshll.u32 s20, $0x12  }
0x50: {  	s16 =	sadd.s32 s17, s16;
	s31 =	sor.u32 $0x400, s30  }
0x51: {  	[hbm4b:s16+s31] =	stream.strided.scatter [tilespmem:s18], [sflag:$0x2], $0x4000, s12, s31, $0x20;
	[tilespmem:$0x10100] =	vst v63  }
.LBB1_8:
0x52: {  	_ =	sfence.sel $0x180000  }
0x53: {  	s2 =	simm.s32 $0x1;
	[bflag:$0x0] =	sbarrier.arrive $0xFFFF  }
0x54: {  	s31 =	simm.s32 $0x2;
	[sflag:s2] =	ssyncpa.u1 $0x1  }
0x55: {  	[sflag:s31] =	ssyncpa.u1 $0x1  }
0x56: {  	p0 =	sne.s32 s1, $0x0;
	_ =	strace $0x9000004A  }
0x57: {  	s0 =	sadd.s32 @!p0 $0x100000, s0;
	[bflag:$0x2] =	sbarrier.arrive $0xFFFF  }
0x58: {  	[sflag:s0] =	ssyncadd.tile.s32 @!p0 $0x1;
	_ =	shalt  }
.Lfunc_end1:
_tile_overlayer_lowered:
.L_overlay_start_2:
0x59: {  	(tag) =	ssettag $0x2  }
0x5a: {  	s0 =	rddreg [dreg:$0x0];
	s2 =	stileid.u32  }
0x5b: {  	s1 =	rddreg [dreg:$0x1];
	p0 =	sne.s32 s2, $0x0  }
0x5c: {  	s3 =	rddreg [dreg:$0x2];
	[bflag:$0x3] =	sbarrier.arrive $0xFFFF;
	s2 =	simm.s32 @!p0 $0x1C01  }
0x5d: {  	[timem:s3], [sflag:s2] =	dma.local @!p0 [hbm:s0], s1  }
0x5e: {  	s0 =	simm.s32 @!p0 $0x1  }
0x5f: {  	_ =	swait.ge @!p0 [sflag:s0], s1  }
0x60: {  	s1 =	ssub.s32 @!p0 $0x0, s1;
	[sflag:s0] =	ssyncset.done @!p0 $0x0  }
0x61: {  	[sflag:s0] =	ssyncadd.s32 @!p0 s1  }
0x62: {  	[bflag:$0x3] =	sbarrier.arrive $0xFFFF  }
0x63: {  	_ =	shalt  }

// kernel: sparse-core-data-format-call.cloned.1.call-start
scs
called_computation_lowered:
.L_overlay_start_0:
0x0: {  	s2 =	sld [smem:$0x3FD9]  }
0x1: {  	s3 =	sld [smem:$0x3FFE];
	_ =	sdelay $0x1  }
0x2: {  	s1 =	srdreg.scid  }
0x3: {  	s0 =	sand.u32 $0x1, s1  }
0x4: {  	s18 =	sshll.u32 s0, $0xA;
	s2 =	sadd.s32 s3, s2  }
0x5: {  	s2 =	sadd.s32 s2, s18  }
0x6: {  	[smem:$0x3FBB] =	sst s2  }
0x7: {  	_ = 	snop  }
0x8: {  	s2 =	sld [smem:$0x3FD0];
	(tm) =	ssettm $0x1  }
0x9: {  	s19 =	sld [smem:$0x3FFB];
	_ =	sdelay $0x3  }
0xa: {  	_ =	strace s19  }
0xb: {  	s3 =	sld [smem:$0x3FFC];
	_ =	sdelay $0x3  }
0xc: {  	_ =	strace s3  }
0xd: {  	s3 =	sld [smem:$0x3FFD];
	_ =	sdelay $0x3  }
0xe: {  	_ =	strace s3  }
0xf: {  	_ =	strace $0x8FFFFFFF  }
0x10: {  	s20 =	sld [smem:$0x3FDB];
	_ =	sdelay $0x1  }
0x11: {  	s4 =	simm.s32 $_scs_section_size  }
0x12: {  	s5 =	simm.s32 $_size__tile_overlayer_lowered;
	s6 =	simm.s32 $_tile_overlayer_lowered  }
0x13: {  	s23 =	simm.s32 $0x1BFF;
	s22 =	sshll.u32 s6, $0x1;
	s3 =	sadd.s32 s4, s20  }
0x14: {  	s7 =	simm.s32 $0x0;
	s21 =	sshll.u32 s5, $0x1;
	s5 =	sadd.s32 s22, s3  }
0x15: {  	[timem:s7], [sflag:s23] =	dma.local [hbm:s5], s21  }
0x16: {  	_ =	swait.ge [sflag:s23], s21  }
0x17: {  	s4 =	ssub.s32 $0x0, s21;
	[sflag:s23] =	ssyncset.done $0x0  }
0x18: {  	[sflag:s23] =	ssyncadd.s32 s4;
	_ =	sdelay $0x1  }
0x19: {  	s24 =	simm.s32 $0x1B8B  }
0x1a: {  	_ =	swait.ge [sflag:s24], $0x1  }
0x1b: {  	[sflag:s24] =	ssyncset.done $0x0  }
0x1c: {  	s26 =	simm.s32 $0x1B8E;
	s25 =	sld [smem:$0x3FFE];
	[sflag:s24] =	ssyncadd.s32 $0xFFFFFFFF  }
0x1d: {  	s27 =	simm.s32 $execute0_lowered;
	[smem:$0x3FD2] =	sst s26  }
0x1e: {  	s5 =	sshll.u32 s27, $0x1;
	_ =	strace $0x8000004C;
	[dreg:$0x1] =	wrdreg $0xFFFFFFFF  }
0x1f: {  	s28 =	simm.s32 $_size_execute0_lowered;
	s3 =	sadd.s32 s3, s5;
	[dreg:$0x0] =	wrdreg $0x0  }
0x20: {  	s5 =	sshll.u32 s28, $0x1;
	[dreg:$0x2] =	wrdreg s3  }
0x21: {  	[dreg:$0x3] =	wrdreg s5  }
0x22: {  	[dreg:$0x4] =	wrdreg $0xC0  }
0x23: {  	_ =	task [dreg:s7], $0x5FFFF  }
0x24: {  	[dreg:$0x1] =	wrdreg $0xFFFFFFFF  }
0x25: {  	[dreg:$0x0] =	wrdreg $0x60  }
0x26: {  	[dreg:$0x2] =	wrdreg s25  }
0x27: {  	[dreg:$0x3] =	wrdreg s2  }
0x28: {  	[dreg:$0x4] =	wrdreg $0x9  }
0x29: {  	_ =	task.clear_ibuf [dreg:s7], $0x5FFFF;
	_ =	strace $0x9000004C  }
0x2a: {  	s29 =	simm.s32 $0x9;
	_ =	strace $0x8000004E  }
0x2b: {  	_ =	swait.ge [sflag:s29], $0x1  }
0x2c: {  	[sflag:s29] =	ssyncadd.s32 $0xFFFFFFFF  }
0x2d: {  	_ =	strace $0x9000004E  }
0x2e: {  	_ =	sfence  }
0x2f: {  	s30 =	sld [smem:$0x0];
	_ =	sdelay $0x2  }
0x30: {  	s31 =	sshll.u32 s1, $0xD;
	s1 =	sshrl.u32 s1, $0x2  }
0x31: {  	s3 =	sand.u32 $0x4000, s31;
	s1 =	sadd.s32 s1, s30  }
0x32: {  	s0 =	sor.u32 s3, s0;
	s1 =	sshll.u32 s1, $0x11  }
0x33: {  	s0 =	sor.u32 s1, s0  }
0x34: {  	s0 =	sadd.s32 $0x8F2B, s0  }
0x35: {  	[sflag:s0] =	ssyncadd.remote.s32 $0x1  }
0x36: {  	_ =	sfence.sel $0xFFFF  }
0x37: {  	[dreg:$0x0] =	wrdreg $0xFFFFFFFF;
	(pc) =	sbr.abs _section_cstart, $3  }
0x38: {  	[dreg:$0x1] =	wrdreg $0xFFFFFFFF  }
0x39: {  	_ =	task.clear_ibuf [dreg:s7], $0x2FFFF;
	_ =	strace $0x9FFFFFFF  }
0x3a: {  	(tm) =	ssettm $0x7FFFFFFF  }
0x3b: {  	_ =	shalt  }
tec
execute0_lowered:
.L_overlay_start_1:
0x0: {  	(tag) =	ssettag $0x1  }
0x1: {  	s0 =	stileid.u32  }
0x2: {  	s2 =	srdreg.scid;
	s7 =	rddreg [dreg:$0x0]  }
0x3: {  	s6 =	simm.s32 $0x1;
	s31 =	simm.s32 $0x2;
	s16 =	simm.s32 $0x0  }
0x4: {  	s9 =	simm.s32 $0x2000;
	s15 =	simm.s32 $0x0;
	s10 =	simm.s32 $0x0  }
0x5: {  	s11 =	simm.s32 $0x0;
	s14 =	simm.s32 $0x0;
	s1 =	sshll.u32 s0, $0x7  }
0x6: {  	s3 =	sshll.u32 s0, $0x4;
	s2 =	sshll.u32 s2, $0x8;
	s1 =	sand.u32 $0x380, s1  }
0x7: {  	s7 =	sadd.s32 $0x2A00, s7;
	s2 =	sor.u32 s3, s2;
	s5 =	ssub.s32 $0x400, s1  }
0x8: {  	s3 =	rddreg [dreg:$0x1];
	s4 =	sand.u32 $0x180, s2;
	s29 =	sand.u32 $0x380, s5  }
0x9: {  	s30 =	ssub.s32 $0x4600, s4;
	s5 =	sshrl.u32 s5, $0xA;
	p0 =	sne.s32 s29, $0x0  }
.Ltmp0:
0xa: {  	s8 =	sshrl.u32 s30, $0x9;
	s6 =	simm.s32 @!p0 $0x0;
	(pc) =	sbr.rel .LBB1_1-.Ltmp0, $4  }
0xb: {  	s2 =	rddreg [dreg:$0x2];
	s8 =	sadd.s32 $0x1, s8;
	s6 =	sadd.s32 s6, s5  }
0xc: {  	_ =	strace $0x8000004D;
	s5 =	simm.s32 $0x1;
	s6 =	smul.u32 s6, s8  }
0xd: {  	s13 =	smov.u32 s1;
	s12 =	smov.u32 s4;
	[sflag:s5] =	ssyncpa.u1 $0x0  }
0xe: {  	p0 =	por $0x0, $0x0;
	[sflag:s31] =	ssyncpa.u1 $0x0;
	s8 =	sadd.s32 $0x1, s6  }
.LBB1_4:
0xf: {  	s21 =	sshra.s32 s21, $0x2;
	s27 =	sshll.u32 s10, $0xA;
	s22 =	sshll.u32 s11, $0x3  }
0x10: {  	s23 =	sshll.u32 s10, $0x7;
	s24 =	sand.u32 $0x78, s11;
	p1 =	sgt.s32 s10, $0x45D0  }
0x11: {  	s25 =	sshra.s32 s10, $0x1F;
	s26 =	sshra.s32 s11, $0x1F;
	s20 =	sadd.s32 s21, s20  }
0x12: {  	v5 =	vld [tilespmem:s18+$0xFFFFFFD0];
	[tilespmem:s19+$0x2040 ss:$0x81] =	vst.msk $0xffff, v4;
	s21 =	sand.u32 $0xFFFFE000, s27;
	s22 =	sand.u32 $0xFFFFFC00, s22;
	s28 =	sand.u32 $0x380, s23  }
0x13: {  	v58 =	vld [tilespmem:s18+$0xFFFFFFE0];
	[tilespmem:s19+$0x2850 ss:$0x81] =	vst.msk $0xffff, v3;
	s23 =	smov.u32 s10;
	s30 =	sand.u32 s25, s10;
	s25 =	smov.u32 s11  }
0x14: {  	v59 =	vld [tilespmem:s18+$0xFFFFFFF0];
	[tilespmem:s19+$0x3060 ss:$0x81] =	vst.msk $0xffff, v2;
	s31 =	sand.u32 s26, s11;
	s21 =	sadd.s32 s22, s21;
	s22 =	sor.u32 s24, s28  }
0x15: {  	v60 =	vld [tilespmem:s18+$0x0];
	[tilespmem:s19+$0x0 ss:$0x81] =	vst.msk $0xffff, v1;
	s23 =	simm.s32 @!p1 $0x45D0;
	p1 =	sgt.s32 s11, $0x380;
	s21 =	sshrl.u32 s21, $0xA  }
0x16: {  	v61 =	vld [tilespmem:s18+$0x10];
	[tilespmem:s20+$0x3870 ss:$0x81] =	vst.msk $0xffff, v0;
	s19 =	ssub.s32 s23, s30;
	s25 =	simm.s32 @!p1 $0x380;
	s29 =	smulhi.u32 $0x3A4115, s21  }
0x17: {  	v62 =	vld [tilespmem:s18+$0x20];
	s23 =	ssub.s32 s25, s31;
	s26 =	sadd.s32 $0xFFFFBA30, s19;
	s19 =	ssub.s32 $0x4650, s19;
	[tilespmem:s20+$0x810 ss:$0x81] =	vst.msk $0xffff, v5  }
0x18: {  	v63 =	vld [tilespmem:s18+$0xFFFFFFC0];
	[tilespmem:s20+$0x1020 ss:$0x81] =	vst.msk $0xffff, v58;
	p1 =	sgt.s32 s26, $0x7F;
	s28 =	sadd.s32 $0xFFFFFC80, s23;
	s24 =	sshrl.u32 s29, $0x4  }
0x19: {  	[tilespmem:s20+$0x1830 ss:$0x81] =	vst.msk $0xffff, v59;
	s23 =	ssub.s32 $0x400, s23;
	p2 =	sgt.s32 s28, $0x7F;
	s27 =	smul.u32 $0x4650, s24  }
0x1a: {  	s30 =	sand.u32 $0x7, s11;
	[tilespmem:s20+$0x2040 ss:$0x81] =	vst.msk $0xffff, v60;
	s19 =	simm.s32 @p1 $0x0;
	s23 =	simm.s32 @p2 $0x0  }
0x1b: {  	[tilespmem:s20+$0x2850 ss:$0x81] =	vst.msk $0xffff, v61;
	s29 =	sshrl.u32 s22, $0x3;
	s19 =	smul.u32 s23, s19;
	s18 =	ssub.s32 s21, s27  }
0x1c: {  	[tilespmem:s20+$0x3060 ss:$0x81] =	vst.msk $0xffff, v62;
	s22 =	sshll.u32 s30, $0x12;
	s21 =	sadd.s32 s3, s29;
	s18 =	sshll.u32 s18, $0x7  }
0x1d: {  	[tilespmem:s20+$0x0 ss:$0x81] =	vst.msk $0xffff, v63;
	s31 =	sor.u32 $0x400, s22;
	s19 =	sand.u32 $0x3FFFFFFF, s19;
	s18 =	sadd.s32 s18, s21  }
0x1e: {  	[hbm4b:s18+s31] =	stream.strided.scatter [tilespmem:s17], [sflag:$0x2], s19, s9, s31, $0x20;
	[tilespmem:$0x10100] =	vst v63  }
.LBB1_5:
0x1f: {  	p1 =	slt.u32 s14, $0x2  }
0x20: {  	s18 =	smov.u32 s16;
	p2 =	sgt.s32 @!p1 s16, $0x45D0;
	s17 =	sshra.s32 @!p1 s16, $0x1F  }
0x21: {  	p3 =	sgt.s32 @!p1 s15, $0x380;
	s19 =	sshra.s32 @!p1 s15, $0x1F;
	p2 =	por !p2, p1  }
0x22: {  	s16 =	sand.u32 @!p1 s17, s16;
	p3 =	por !p3, p1;
	s17 =	smov.u32 s15  }
0x23: {  	s15 =	sand.u32 @!p1 s19, s15;
	s18 =	simm.s32 @p2 $0x45D0;
	s17 =	simm.s32 @p3 $0x380  }
0x24: {  	s16 =	ssub.s32 @!p1 s18, s16;
	s15 =	ssub.s32 @!p1 s17, s15  }
0x25: {  	s19 =	smov.u32 s13;
	s17 =	sadd.s32 @!p1 $0xFFFFBA30, s16;
	s18 =	sadd.s32 @!p1 $0xFFFFFC80, s15  }
0x26: {  	s16 =	ssub.s32 @!p1 $0x4650, s16;
	p2 =	sgt.s32 @!p1 s17, $0x7F;
	p3 =	sgt.s32 @!p1 s18, $0x7F  }
0x27: {  	s15 =	ssub.s32 @!p1 $0x400, s15;
	p2 =	por !p2, p1;
	p3 =	por !p3, p1  }
0x28: {  	s17 =	sadd.s32 $0x200, s12;
	s16 =	simm.s32 @!p2 $0x0;
	s15 =	simm.s32 @!p3 $0x0  }
0x29: {  	p2 =	sgt.s32 s17, $0x464F;
	s15 =	smul.u32 @!p1 s15, s16;
	s16 =	sadd.s32 $0x400, s13  }
0x2a: {  	s19 =	smov.u32 @p2 s16  }
0x2b: {  	s17 =	smov.u32 @p2 s4;
	p2 =	sgt.s32 s19, $0x3FF  }
0x2c: {  	s19 =	smov.u32 @p2 s1;
	p2 =	sne.s32 s14, s8  }
.Ltmp1:
0x2d: {  	p0 =	por !p0, !p0;
	s18 =	simm.s32 @!p1 $0x2;
	(pc) =	sbr.rel @!p2 .LBB1_6-.Ltmp1, $4  }
0x2e: {  	s16 =	smov.u32 s10;
	s10 =	smov.u32 s12;
	s15 =	sand.u32 @!p1 $0x3FFFFFFF, s15  }
0x2f: {  	s12 =	smov.u32 s17;
	_ =	swait.ge @!p1 [sflag:s18], s15;
	s20 =	ssub.s32 @!p1 $0x0, s15  }
0x30: {  	s15 =	smov.u32 s11;
	s14 =	sadd.s32 $0x1, s14;
	[sflag:s18] =	ssyncset.done @!p1 $0x0  }
0x31: {  	s11 =	smov.u32 s13;
	s13 =	smov.u32 s19;
	[sflag:s18] =	ssyncadd.s32 @!p1 s20  }
.LBB1_1:
0x32: {  	p1 =	sge.u32 s14, s6  }
0x33: {  	s17 =	sshrl.u32 @!p1 s13, $0x3  }
0x34: {  	s18 =	sshll.u32 @!p1 s12, $0x3;
	s17 =	smul.u32 @!p1 $0x23400, s17  }
0x35: {  	s19 =	sshll.u32 @!p1 s13, $0x7;
	s18 =	sand.u32 @!p1 $0xFFFFFC00, s18  }
0x36: {  	s17 =	sadd.s32 @!p1 s17, s18;
	s18 =	sand.u32 @!p1 $0x380, s19  }
0x37: {  	s19 =	sand.u32 @!p1 $0x7F, s12;
	s17 =	sor.u32 @!p1 s18, s17  }
0x38: {  	s18 =	sor.u32 @!p1 s19, s17  }
0x39: {  	s19 =	smulhi.u32 @!p1 $0x3A196B1F, s18;
	_ =	sdelay $0x1  }
0x3a: {  	s17 =	smulhi.u32 @!p1 $0x3A196B1F, s17;
	s19 =	sshrl.u32 @!p1 s19, $0xC  }
0x3b: {  	s19 =	smul.u32 @!p1 $0x4680, s19  }
0x3c: {  	s31 =	sadd.s32 $0xFFFFFFFF, s14;
	s20 =	sxor.u32 @!p1 $0xFFFFFFFF, s14;
	s17 =	sshrl.u32 @!p1 s17, $0xC  }
0x3d: {  	s20 =	sshll.u32 @!p1 s20, $0xE;
	s17 =	sand.u32 @!p1 $0x3FF, s17;
	s18 =	ssub.s32 @!p1 s18, s19  }
0x3e: {  	s17 =	smul.u32 @!p1 $0x8D0, s17;
	s19 =	sshrl.u32 @!p1 s18, $0x3;
	s18 =	sand.u32 @!p1 $0x7, s18  }
0x3f: {  	s20 =	sand.u32 @!p1 $0x4000, s20;
	s19 =	sadd.s32 @!p1 s7, s19;
	s18 =	sshll.u32 @!p1 s18, $0x12  }
0x40: {  	s17 =	sadd.s32 @!p1 s17, s19;
	s18 =	sor.u32 @!p1 $0x400, s18;
	s19 =	simm.s32 @!p1 $0x23400  }
0x41: {  	[tilespmem:s20], [sflag:$0x1] =	stream.strided.gather @!p1 [hbm4b:s17+s18], $0x4000, s19, s18, $0x38;
	[tilespmem:$0x10100] =	vst v63  }
0x42: {  	p1 =	sge.u32 s31, s6  }
.Ltmp2:
0x43: {  	_ = 	snop;
	(pc) =	sbr.rel @p1 .LBB1_5-.Ltmp2, $1  }
0x44: {  	_ =	sdelay $0x3  }
0x45: {  	s17 =	simm.s32 $0x1  }
0x46: {  	_ =	swait.ge [sflag:s5], $0x4000;
	s17 =	simm.s32 @!p0 $0x0  }
0x47: {  	[sflag:s5] =	ssyncset.done $0x0;
	s18 =	sshll.u32 s17, $0xE  }
0x48: {  	[sflag:s5] =	ssyncadd.s32 $0xFFFFC000;
	s18 =	sor.u32 $0x40, s18  }
0x49: {  	s17 =	smul.u32 $0x10200, s17;
	v0 =	vld [tilespmem:s18+$0x30]  }
0x4a: {  	v1 =	vld [tilespmem:s18+$0xFFFFFFD0]  }
0x4b: {  	s17 =	sshrl.u32 s17, $0x2;
	v5 =	vld [tilespmem:s18+$0xFFFFFFE0]  }
0x4c: {  	v6 =	vld [tilespmem:s18+$0xFFFFFFF0];
	s20 =	sor.u32 $0x8000, s17  }
0x4d: {  	s31 =	sand.u32 $0x1, s14;
	v4 =	vld [tilespmem:s18+$0x0];
	s19 =	sadd.s32 $0x0, s20  }
0x4e: {  	v3 =	vld [tilespmem:s18+$0x10];
	s17 =	smul.u32 $0x10200, s31;
	[tilespmem:s19+$0x3870 ss:$0x81] =	vst.msk $0xffff, v0  }
0x4f: {  	v2 =	vld [tilespmem:s18+$0x20];
	[tilespmem:s19+$0x810 ss:$0x81] =	vst.msk $0xffff, v1  }
0x50: {  	s17 =	sshrl.u32 s17, $0x2;
	v1 =	vld [tilespmem:s18+$0xFFFFFFC0];
	[tilespmem:s19+$0x1020 ss:$0x81] =	vst.msk $0xffff, v5;
	s18 =	sadd.s32 $0x80, s18  }
0x51: {  	s21 =	simm.s32 $0x4;
	s22 =	simm.s32 $0x8;
	s17 =	sor.u32 $0x8000, s17;
	[tilespmem:s19+$0x1830 ss:$0x81] =	vst.msk $0xffff, v6;
	v0 =	vld [tilespmem:s18+$0x30]  }
.LBB1_3:
0x52: {  	p1 =	sne.s32 s22, $0x1FC;
	v5 =	vld [tilespmem:s18+$0xFFFFFFD0];
	[tilespmem:s19+$0x2040 ss:$0x81] =	vst.msk $0xffff, v4  }
0x53: {  	v6 =	vld [tilespmem:s18+$0xFFFFFFE0];
	[tilespmem:s19+$0x2850 ss:$0x81] =	vst.msk $0xffff, v3  }
0x54: {  	s23 =	sshra.s32 s21, $0x2;
	s21 =	smov.u32 s22;
	v7 =	vld [tilespmem:s18+$0xFFFFFFF0];
	[tilespmem:s19+$0x3060 ss:$0x81] =	vst.msk $0xffff, v2  }
.Ltmp3:
0x55: {  	v4 =	vld [tilespmem:s18+$0x0];
	[tilespmem:s19+$0x0 ss:$0x81] =	vst.msk $0xffff, v1;
	s19 =	sadd.s32 s23, s20;
	(pc) =	sbr.rel @p1 .LBB1_3-.Ltmp3, $4  }
0x56: {  	v3 =	vld [tilespmem:s18+$0x10];
	[tilespmem:s19+$0x3870 ss:$0x81] =	vst.msk $0xffff, v0  }
0x57: {  	[tilespmem:s19+$0x810 ss:$0x81] =	vst.msk $0xffff, v5;
	v2 =	vld [tilespmem:s18+$0x20]  }
0x58: {  	v1 =	vld [tilespmem:s18+$0xFFFFFFC0];
	[tilespmem:s19+$0x1020 ss:$0x81] =	vst.msk $0xffff, v6;
	s18 =	sadd.s32 $0x80, s18  }
0x59: {  	s22 =	sadd.s32 $0x4, s22;
	v0 =	vld [tilespmem:s18+$0x30];
	[tilespmem:s19+$0x1830 ss:$0x81] =	vst.msk $0xffff, v7  }
.Ltmp4:
0x5a: {  	_ = 	snop;
	(pc) =	sbr.rel .LBB1_4-.Ltmp4, $1  }
0x5b: {  	_ =	sdelay $0x3  }
.LBB1_6:
0x5c: {  	_ =	sfence.sel $0x180000  }
0x5d: {  	s1 =	simm.s32 $0x1;
	[bflag:$0x0] =	sbarrier.arrive $0xFFFF  }
0x5e: {  	s31 =	simm.s32 $0x2;
	[sflag:s1] =	ssyncpa.u1 $0x1  }
0x5f: {  	[sflag:s31] =	ssyncpa.u1 $0x1  }
0x60: {  	p0 =	sne.s32 s0, $0x0;
	_ =	strace $0x9000004D  }
0x61: {  	s0 =	sadd.s32 @!p0 $0x100000, s2;
	[bflag:$0x2] =	sbarrier.arrive $0xFFFF  }
0x62: {  	[sflag:s0] =	ssyncadd.tile.s32 @!p0 $0x1;
	_ =	shalt  }
.Lfunc_end1:
_tile_overlayer_lowered:
.L_overlay_start_2:
0x63: {  	(tag) =	ssettag $0x2  }
0x64: {  	s0 =	rddreg [dreg:$0x0];
	s2 =	stileid.u32  }
0x65: {  	s1 =	rddreg [dreg:$0x1];
	p0 =	sne.s32 s2, $0x0  }
0x66: {  	s3 =	rddreg [dreg:$0x2];
	[bflag:$0x3] =	sbarrier.arrive $0xFFFF;
	s2 =	simm.s32 @!p0 $0x1C01  }
0x67: {  	[timem:s3], [sflag:s2] =	dma.local @!p0 [hbm:s0], s1  }
0x68: {  	s0 =	simm.s32 @!p0 $0x1  }
0x69: {  	_ =	swait.ge @!p0 [sflag:s0], s1  }
0x6a: {  	s1 =	ssub.s32 @!p0 $0x0, s1;
	[sflag:s0] =	ssyncset.done @!p0 $0x0  }
0x6b: {  	[sflag:s0] =	ssyncadd.s32 @!p0 s1  }
0x6c: {  	[bflag:$0x3] =	sbarrier.arrive $0xFFFF  }
0x6d: {  	_ =	shalt  }

</sc_bundles>
